<compile_context>
chip_gen: v7x
topology: tpu7x:2x2x1
jax: 0.10.2.dev20260603
libtpu: 0.0.44.dev20260713+nightly
codegen_flags: <defaults>
</compile_context>

<pallas_src>
import functools

import jax
import jax.numpy as jnp
from jax import lax
from jax.experimental import pallas as pl
from jax.experimental.pallas import tpu as pltpu
from jax.experimental.pallas import tpu_sc as plsc

B, C, H, W = 16, 80, 128, 128
HW = H * W
NR = C * H
TOPK = 100
KPAD = 128
BIG = 2**30


def _dense_kernel(cls_ref, scores_ref, rmax_ref, cmax_ref):
    x = cls_ref[0]
    fmap = 1.0 / (1.0 + jnp.exp(-x))
    ninf = jnp.full((C, H, 1), -jnp.inf, jnp.float32)
    left = jnp.concatenate([fmap[:, :, 1:], ninf], axis=2)
    right = jnp.concatenate([ninf, fmap[:, :, :-1]], axis=2)
    m1 = jnp.maximum(jnp.maximum(left, right), fmap)
    ninf_h = jnp.full((C, 1, W), -jnp.inf, jnp.float32)
    up = jnp.concatenate([m1[:, 1:, :], ninf_h], axis=1)
    down = jnp.concatenate([ninf_h, m1[:, :-1, :]], axis=1)
    fmax = jnp.maximum(jnp.maximum(up, down), m1)
    scores = jnp.where(fmax == fmap, fmap, 0.0)
    scores_ref[0] = scores.reshape(NR, W)
    rmax = jnp.max(scores, axis=2)
    rmax_ref[0] = rmax
    cmax_ref[0] = jnp.max(rmax, axis=1).reshape(1, C)


def _dense_call(cls):
    return pl.pallas_call(
        _dense_kernel,
        grid=(B,),
        in_specs=[pl.BlockSpec((1, C, H, W), lambda b: (b, 0, 0, 0))],
        out_specs=[
            pl.BlockSpec((1, NR, W), lambda b: (b, 0, 0)),
            pl.BlockSpec((1, C, H), lambda b: (b, 0, 0)),
            pl.BlockSpec((1, 1, C), lambda b: (b, 0, 0)),
        ],
        out_shape=[
            jax.ShapeDtypeStruct((B, NR, W), jnp.float32),
            jax.ShapeDtypeStruct((B, C, H), jnp.float32),
            jax.ShapeDtypeStruct((B, 1, C), jnp.float32),
        ],
        compiler_params=pltpu.CompilerParams(
            dimension_semantics=("arbitrary",),
        ),
    )(cls)


def _iota16():
    return jnp.arange(16, dtype=jnp.int32)


def _sc_extract(scores_hbm, rmax_hbm, cmax_hbm, reg_hbm, wh_hbm,
                x1o, y1o, x2o, y2o, sco, clo,
                r_v, cm_v, slot_v, cache_v, vals_v, lidx_v, idx_v,
                g0_v, g1_v, g2_v, g3_v, out_v, sem):
    cid = lax.axis_index("c")
    sid = lax.axis_index("s")
    wid = sid * 2 + cid

    @pl.when(wid < B)
    def _work():
        b = wid
        pltpu.sync_copy(rmax_hbm.at[b], r_v)
        pltpu.sync_copy(cmax_hbm.at[b], cm_v)
        i16 = _iota16()

        def _init(i, carry):
            slot_v[pl.ds(i * 16, 16)] = jnp.full((16,), -1, jnp.int32)
            return carry
        lax.fori_loop(0, NR // 16, _init, 0)
        for q in range(KPAD // 16):
            vals_v[pl.ds(q * 16, 16)] = jnp.zeros((16,), jnp.float32)
            lidx_v[pl.ds(q * 16, 16)] = jnp.zeros((16,), jnp.int32)

        def _argmin_idx(load, nchunk, base, target):
            idx = jnp.full((16,), BIG, jnp.int32)
            for j in range(nchunk):
                cand = jnp.where(load(j) == target, base + j * 16 + i16,
                                 BIG)
                idx = jnp.minimum(idx, cand)
            return lax.reduce_min(idx, axes=(0,))

        def _argmax_chunks(load, nchunk, base):
            m = jnp.full((16,), -jnp.inf, jnp.float32)
            for j in range(nchunk):
                m = jnp.maximum(m, load(j))
            ms = lax.reduce_max(m, axes=(0,))
            return ms, _argmin_idx(load, nchunk, base, ms)

        def _prefetch(c, carry):
            rb = c * H
            _, rc = _argmax_chunks(
                lambda j: r_v[pl.ds(rb + j * 16, 16)], H // 16, rb)
            pltpu.async_copy(scores_hbm.at[b, rc], cache_v.at[c], sem)
            qp = rc // 16
            slot_v[pl.ds(qp * 16, 16)] = jnp.where(
                qp * 16 + i16 == rc, c, slot_v[pl.ds(qp * 16, 16)])
            _, rc2 = _argmax_chunks(
                lambda j: jnp.where(rb + j * 16 + i16 == rc, -jnp.inf,
                                    r_v[pl.ds(rb + j * 16, 16)]),
                H // 16, rb)
            pltpu.async_copy(scores_hbm.at[b, rc2], cache_v.at[C + c], sem)
            qp2 = rc2 // 16
            slot_v[pl.ds(qp2 * 16, 16)] = jnp.where(
                qp2 * 16 + i16 == rc2, C + c, slot_v[pl.ds(qp2 * 16, 16)])
            return carry
        lax.fori_loop(0, C, _prefetch, 0)
        pltpu.make_async_copy(
            scores_hbm.at[b, pl.ds(0, 2 * C)], cache_v.at[pl.ds(0, 2 * C)],
            sem
        ).wait()

        def _body(k, carry):
            m, cstar = _argmax_chunks(
                lambda j: cm_v[pl.ds(j * 16, 16)], C // 16, 0)
            rbase = cstar * H
            rstar = _argmin_idx(
                lambda j: r_v[pl.ds(rbase + j * 16, 16)], H // 16, rbase, m)
            qr = rstar // 16
            s = lax.reduce_max(
                jnp.where(qr * 16 + i16 == rstar,
                          slot_v[pl.ds(qr * 16, 16)], -BIG), axes=(0,))
            t = jnp.where(s < 0, 2 * C + k, s)

            @pl.when(s < 0)
            def _fetch():
                pltpu.sync_copy(scores_hbm.at[b, rstar], cache_v.at[2 * C + k])

            wstar = _argmin_idx(
                lambda j: cache_v[t, pl.ds(j * 16, 16)], W // 16, 0, m)
            newrow = jnp.full((16,), -jnp.inf, jnp.float32)
            for j in range(W // 16):
                ch = cache_v[t, pl.ds(j * 16, 16)]
                ch = jnp.where(j * 16 + i16 == wstar, -1.0, ch)
                cache_v[t, pl.ds(j * 16, 16)] = ch
                newrow = jnp.maximum(newrow, ch)
            newr = lax.reduce_max(newrow, axes=(0,))
            slot_v[pl.ds(qr * 16, 16)] = jnp.where(
                qr * 16 + i16 == rstar, t, slot_v[pl.ds(qr * 16, 16)])
            r_v[pl.ds(qr * 16, 16)] = jnp.where(
                qr * 16 + i16 == rstar, newr, r_v[pl.ds(qr * 16, 16)])
            newcm = jnp.full((16,), -jnp.inf, jnp.float32)
            for j in range(H // 16):
                newcm = jnp.maximum(newcm, r_v[pl.ds(rbase + j * 16, 16)])
            newc = lax.reduce_max(newcm, axes=(0,))
            qc = cstar // 16
            cm_v[pl.ds(qc * 16, 16)] = jnp.where(
                qc * 16 + i16 == cstar, newc, cm_v[pl.ds(qc * 16, 16)])
            qk = k // 16
            vals_v[pl.ds(qk * 16, 16)] = jnp.where(
                qk * 16 + i16 == k, m, vals_v[pl.ds(qk * 16, 16)])
            lidx_v[pl.ds(qk * 16, 16)] = jnp.where(
                qk * 16 + i16 == k, rstar * W + wstar,
                lidx_v[pl.ds(qk * 16, 16)])
            return carry

        lax.fori_loop(0, TOPK, _body, 0)

        def _gather(tab_hbm, chan, dst):
            for q in range(KPAD // 16):
                lv = lidx_v[pl.ds(q * 16, 16)]
                hw = lv % HW
                idx_v[pl.ds(q * 16, 16)] = b * (2 * HW) + chan * HW + hw
            pltpu.async_copy(tab_hbm.at[idx_v], dst, sem).wait()

        _gather(reg_hbm, 0, g0_v)
        _gather(reg_hbm, 1, g1_v)
        _gather(wh_hbm, 0, g2_v)
        _gather(wh_hbm, 1, g3_v)

        for q in range(KPAD // 16):
            sl = pl.ds(q * 16, 16)
            lv = lidx_v[sl]
            hw = lv % HW
            xs = (hw % W).astype(jnp.float32) + g0_v[sl]
            ys = (hw // W).astype(jnp.float32) + g1_v[sl]
            hw0 = g2_v[sl] / 2
            hw1 = g3_v[sl] / 2
            out_v[0, sl] = xs - hw0
            out_v[1, sl] = ys - hw1
            out_v[2, sl] = xs + hw0
            out_v[3, sl] = ys + hw1
        pltpu.sync_copy(out_v.at[0], x1o.at[b])
        pltpu.sync_copy(out_v.at[1], y1o.at[b])
        pltpu.sync_copy(out_v.at[2], x2o.at[b])
        pltpu.sync_copy(out_v.at[3], y2o.at[b])
        pltpu.sync_copy(vals_v, sco.at[b])
        for q in range(KPAD // 16):
            sl = pl.ds(q * 16, 16)
            lidx_v[sl] = lidx_v[sl] // HW
        pltpu.sync_copy(lidx_v, clo.at[b])


def _sc_call(scores, rmaxf, cmaxf, regf, whf):
    mesh = plsc.VectorSubcoreMesh(core_axis_name="c", subcore_axis_name="s")
    fn = functools.partial(
        pl.kernel, mesh=mesh,
        out_type=[jax.ShapeDtypeStruct((B, KPAD), jnp.float32)] * 5
        + [jax.ShapeDtypeStruct((B, KPAD), jnp.int32)],
        scratch_types=[
            pltpu.VMEM((NR,), jnp.float32),
            pltpu.VMEM((C,), jnp.float32),
            pltpu.VMEM((NR + 16,), jnp.int32),
            pltpu.VMEM((2 * C + TOPK, W), jnp.float32),
            pltpu.VMEM((KPAD,), jnp.float32),
            pltpu.VMEM((KPAD,), jnp.int32),
            pltpu.VMEM((KPAD,), jnp.int32),
            pltpu.VMEM((KPAD,), jnp.float32),
            pltpu.VMEM((KPAD,), jnp.float32),
            pltpu.VMEM((KPAD,), jnp.float32),
            pltpu.VMEM((KPAD,), jnp.float32),
            pltpu.VMEM((4, KPAD), jnp.float32),
            pltpu.SemaphoreType.DMA,
        ],
        compiler_params=pltpu.CompilerParams(needs_layout_passes=False),
    )(_sc_extract)
    return fn(scores, rmaxf, cmaxf, regf, whf)


@jax.jit
def kernel(cls, reg, wh):
    scores, rmax, cmax = _dense_call(cls)
    rmaxf = rmax.reshape(B, NR)
    cmaxf = cmax.reshape(B, C)
    regf = reg.reshape(-1)
    whf = wh.reshape(-1)
    x1, y1, x2, y2, sc, cl = _sc_call(scores, rmaxf, cmaxf, regf, whf)
    bboxes = jnp.stack(
        [x1[:, :TOPK], y1[:, :TOPK], x2[:, :TOPK], y2[:, :TOPK]], axis=-1)
    scores_out = sc[:, :TOPK].reshape(-1)
    clses = cl[:, :TOPK].reshape(-1)
    return bboxes, scores_out, clses

# --- scband reference (transcript-rebuilt; emitter-appended) ---
"""Pipeline reference for scband-center-net-20109036880548 (READ-ONLY COPY).

The authoritative reference and input builder live on the scoring server;
editing this copy changes nothing except your own understanding.
"""

import jax, jax.numpy as jnp
import numpy as np

K = 100
POOL = 3


def setup_inputs(seed: int = 0) -> dict:
    key = jax.random.key(seed)
    k1, k2, k3 = jax.random.split(key, 3)
    cls = jax.random.normal(k1, (16, 80, 128, 128), dtype=jnp.float32)
    reg = jax.random.normal(k2, (16, 2, 128, 128), dtype=jnp.float32)
    wh = jax.random.uniform(k3, (16, 2, 128, 128), dtype=jnp.float32)
    return {"cls": cls, "reg": reg, "wh": wh}


def _decode(cls, reg, wh):
    # fmap = sigmoid(cls)
    fmap = jax.nn.sigmoid(cls)
    B, C, H, W = fmap.shape
    # pseudo-NMS via 3x3 max-pool, stride 1, SAME padding
    fmap_max = jax.lax.reduce_window(
        fmap, -jnp.inf, jax.lax.max,
        window_dimensions=(1, 1, POOL, POOL),
        window_strides=(1, 1, 1, 1),
        padding="SAME",
    )
    keep = (fmap_max == fmap).astype(fmap.dtype)
    scores = fmap * keep
    # per-class top-K over spatial locations
    topk_scores, topk_inds = jax.lax.top_k(scores.reshape(B, C, H * W), K)
    topk_inds = topk_inds % (H * W)
    topk_ys = (topk_inds // W).astype(jnp.float32)
    topk_xs = (topk_inds % W).astype(jnp.float32)
    # cross-class top-K
    topk_score, index = jax.lax.top_k(topk_scores.reshape(B, C * K), K)
    topk_clses = (index // K).astype(jnp.int32)
    inds = jnp.take_along_axis(topk_inds.reshape(B, C * K), index, axis=1)
    ys = jnp.take_along_axis(topk_ys.reshape(B, C * K), index, axis=1)
    xs = jnp.take_along_axis(topk_xs.reshape(B, C * K), index, axis=1)
    # gather reg offsets: [B,2,H,W] -> [B,HW,2]
    reg_t = jnp.transpose(reg.reshape(B, 2, H * W), (0, 2, 1))
    reg_g = jnp.take_along_axis(reg_t, inds[:, :, None], axis=1)  # [B,K,2]
    xs = xs[:, :, None] + reg_g[:, :, 0:1]
    ys = ys[:, :, None] + reg_g[:, :, 1:2]
    # gather wh: [B,2,H,W] -> [B,HW,2]
    wh_t = jnp.transpose(wh.reshape(B, 2, H * W), (0, 2, 1))
    wh_g = jnp.take_along_axis(wh_t, inds[:, :, None], axis=1)  # [B,K,2]
    half_w = wh_g[..., 0:1] / 2
    half_h = wh_g[..., 1:2] / 2
    bboxes = jnp.concatenate(
        [xs - half_w, ys - half_h, xs + half_w, ys + half_h], axis=2
    )
    scores_out = topk_score.reshape(-1)
    clses_out = topk_clses.reshape(-1).astype(jnp.int32)
    return bboxes, scores_out, clses_out


def reference(cls, reg, wh):
    return _decode(cls, reg, wh)

if __name__ == "__main__":
    import jax
    _d = setup_inputs()
    print(jax.jit(kernel)(*tuple(_d.values())))

</pallas_src>

<mosaic_0001>
#map = affine_map<(d0, d1) -> (0, 0, 0)>
#map1 = affine_map<(d0, d1) -> (0, 0)>
#map2 = affine_map<(d0, d1) -> (0)>
module attributes {stable_mosaic.version = 14 : i64} {
  func.func @_sc_extract(%arg0: i32, %arg1: i32, %arg2: memref<16x10240x128xf32, #tpu.memory_space<hbm>>, %arg3: memref<16x10240xf32, #tpu.memory_space<hbm>>, %arg4: memref<16x80xf32, #tpu.memory_space<hbm>>, %arg5: memref<524288xf32, #tpu.memory_space<hbm>>, %arg6: memref<524288xf32, #tpu.memory_space<hbm>>, %arg7: memref<16x128xf32, #tpu.memory_space<hbm>>, %arg8: memref<16x128xf32, #tpu.memory_space<hbm>>, %arg9: memref<16x128xf32, #tpu.memory_space<hbm>>, %arg10: memref<16x128xf32, #tpu.memory_space<hbm>>, %arg11: memref<16x128xf32, #tpu.memory_space<hbm>>, %arg12: memref<16x128xi32, #tpu.memory_space<hbm>>, %arg13: memref<10240xf32, #tpu.memory_space<vmem>>, %arg14: memref<80xf32, #tpu.memory_space<vmem>>, %arg15: memref<10256xi32, #tpu.memory_space<vmem>>, %arg16: memref<260x128xf32, #tpu.memory_space<vmem>>, %arg17: memref<128xf32, #tpu.memory_space<vmem>>, %arg18: memref<128xi32, #tpu.memory_space<vmem>>, %arg19: memref<128xi32, #tpu.memory_space<vmem>>, %arg20: memref<128xf32, #tpu.memory_space<vmem>>, %arg21: memref<128xf32, #tpu.memory_space<vmem>>, %arg22: memref<128xf32, #tpu.memory_space<vmem>>, %arg23: memref<128xf32, #tpu.memory_space<vmem>>, %arg24: memref<4x128xf32, #tpu.memory_space<vmem>>, %arg25: memref<!tpu.dma_semaphore, #tpu.memory_space<semaphore_mem>>) attributes {dimension_semantics = [#tpu.dimension_semantics<core_parallel>, #tpu.dimension_semantics<subcore_parallel>], iteration_bounds = array<i64: 2, 16>, scalar_prefetch = 0 : i64, scratch_operands = 13 : i64, tpu.core_type = #tpu.core_type<sc_vector_subcore>, window_params = [{transform_indices = #map}, {transform_indices = #map1}, {transform_indices = #map1}, {transform_indices = #map2}, {transform_indices = #map2}, {transform_indices = #map1}, {transform_indices = #map1}, {transform_indices = #map1}, {transform_indices = #map1}, {transform_indices = #map1}, {transform_indices = #map1}]} {
    %mul3A = arith.constant 2 : i32
    %mul3A_0 = arith.muli %arg1, %mul3A : i32
    %add3A = arith.addi %mul3A_0, %arg0 : i32
    %lt3A = arith.constant 16 : i32
    %lt3A_1 = arith.cmpi slt, %add3A, %lt3A : i32
    %convert_element_type3A = arith.extui %lt3A_1 : i1 to i32
    %cond3A = arith.constant 0 : i32
    %cond3A_2 = arith.cmpi ne, %convert_element_type3A, %cond3A : i32
    scf.if %cond3A_2 {
      "tpu.region"() ({
        %run_scoped3A_2327 = tpu.sem_alloc : memref<!tpu.dma_semaphore, #tpu.memory_space<semaphore_mem>>
        %dma_start3A_2328 = arith.constant 0 : i32
        %dma_start3A_2329 = tpu.memref_slice %arg3[%add3A, %dma_start3A_2328] : memref<16x10240xf32, #tpu.memory_space<hbm>> -> memref<1x10240xf32, #tpu.memory_space<hbm>>
        %dma_start3A_2330 = tpu.memref_squeeze %dma_start3A_2329 : memref<1x10240xf32, #tpu.memory_space<hbm>> -> memref<10240xf32, #tpu.memory_space<hbm>>
        %dma_start3A_2331 = arith.constant 0 : i32
        %dma_start3A_2332 = tpu.memref_slice %arg3[%add3A, %dma_start3A_2331] : memref<16x10240xf32, #tpu.memory_space<hbm>> -> memref<1x10240xf32, #tpu.memory_space<hbm>>
        %dma_start3A_2333 = tpu.memref_squeeze %dma_start3A_2332 : memref<1x10240xf32, #tpu.memory_space<hbm>> -> memref<10240xf32, #tpu.memory_space<hbm>>
        tpu.enqueue_dma source(%dma_start3A_2333 : memref<10240xf32, #tpu.memory_space<hbm>>) target(%arg13 : memref<10240xf32, #tpu.memory_space<vmem>>) target_semaphore(%run_scoped3A_2327 : memref<!tpu.dma_semaphore, #tpu.memory_space<semaphore_mem>>)
        %dma_wait3A_2334 = arith.constant 0 : i32
        %dma_wait3A_2335 = tpu.memref_slice %arg3[%add3A, %dma_wait3A_2334] : memref<16x10240xf32, #tpu.memory_space<hbm>> -> memref<1x10240xf32, #tpu.memory_space<hbm>>
        %dma_wait3A_2336 = tpu.memref_squeeze %dma_wait3A_2335 : memref<1x10240xf32, #tpu.memory_space<hbm>> -> memref<10240xf32, #tpu.memory_space<hbm>>
        %dma_wait3A_2337 = arith.constant 0 : i32
        %dma_wait3A_2338 = tpu.memref_slice %arg3[%add3A, %dma_wait3A_2337] : memref<16x10240xf32, #tpu.memory_space<hbm>> -> memref<1x10240xf32, #tpu.memory_space<hbm>>
        %dma_wait3A_2339 = tpu.memref_squeeze %dma_wait3A_2338 : memref<1x10240xf32, #tpu.memory_space<hbm>> -> memref<10240xf32, #tpu.memory_space<hbm>>
        tpu.wait_dma2 semaphore(%run_scoped3A_2327 : memref<!tpu.dma_semaphore, #tpu.memory_space<semaphore_mem>>) src(%dma_wait3A_2339 : memref<10240xf32, #tpu.memory_space<hbm>>) dst(%arg13 : memref<10240xf32, #tpu.memory_space<vmem>>)
        tpu.yield
      }) : () -> ()
      "tpu.region"() ({
        %run_scoped3A_2327 = tpu.sem_alloc : memref<!tpu.dma_semaphore, #tpu.memory_space<semaphore_mem>>
        %dma_start3A_2328 = arith.constant 0 : i32
        %dma_start3A_2329 = tpu.memref_slice %arg4[%add3A, %dma_start3A_2328] : memref<16x80xf32, #tpu.memory_space<hbm>> -> memref<1x80xf32, #tpu.memory_space<hbm>>
        %dma_start3A_2330 = tpu.memref_squeeze %dma_start3A_2329 : memref<1x80xf32, #tpu.memory_space<hbm>> -> memref<80xf32, #tpu.memory_space<hbm>>
        %dma_start3A_2331 = arith.constant 0 : i32
        %dma_start3A_2332 = tpu.memref_slice %arg4[%add3A, %dma_start3A_2331] : memref<16x80xf32, #tpu.memory_space<hbm>> -> memref<1x80xf32, #tpu.memory_space<hbm>>
        %dma_start3A_2333 = tpu.memref_squeeze %dma_start3A_2332 : memref<1x80xf32, #tpu.memory_space<hbm>> -> memref<80xf32, #tpu.memory_space<hbm>>
        tpu.enqueue_dma source(%dma_start3A_2333 : memref<80xf32, #tpu.memory_space<hbm>>) target(%arg14 : memref<80xf32, #tpu.memory_space<vmem>>) target_semaphore(%run_scoped3A_2327 : memref<!tpu.dma_semaphore, #tpu.memory_space<semaphore_mem>>)
        %dma_wait3A_2334 = arith.constant 0 : i32
        %dma_wait3A_2335 = tpu.memref_slice %arg4[%add3A, %dma_wait3A_2334] : memref<16x80xf32, #tpu.memory_space<hbm>> -> memref<1x80xf32, #tpu.memory_space<hbm>>
        %dma_wait3A_2336 = tpu.memref_squeeze %dma_wait3A_2335 : memref<1x80xf32, #tpu.memory_space<hbm>> -> memref<80xf32, #tpu.memory_space<hbm>>
        %dma_wait3A_2337 = arith.constant 0 : i32
        %dma_wait3A_2338 = tpu.memref_slice %arg4[%add3A, %dma_wait3A_2337] : memref<16x80xf32, #tpu.memory_space<hbm>> -> memref<1x80xf32, #tpu.memory_space<hbm>>
        %dma_wait3A_2339 = tpu.memref_squeeze %dma_wait3A_2338 : memref<1x80xf32, #tpu.memory_space<hbm>> -> memref<80xf32, #tpu.memory_space<hbm>>
        tpu.wait_dma2 semaphore(%run_scoped3A_2327 : memref<!tpu.dma_semaphore, #tpu.memory_space<semaphore_mem>>) src(%dma_wait3A_2339 : memref<80xf32, #tpu.memory_space<hbm>>) dst(%arg14 : memref<80xf32, #tpu.memory_space<vmem>>)
        tpu.yield
      }) : () -> ()
      %iota3A = tpu.iota {dimensions = array<i32: 0>} : vector<16xi32>
      %scan3A = arith.constant 0 : i32
      %scan3A_3 = arith.constant 0 : i32
      %scan3A_4 = arith.constant 640 : i32
      %scan3A_5 = arith.addi %scan3A_3, %scan3A_4 : i32
      %scan3A_6 = arith.constant 1 : i32
      scf.for %scan3A_2327 = %scan3A_3 to %scan3A_5 step %scan3A_6  : i32 {
        %broadcast_in_dim3A_2328 = arith.constant -1 : i32
        %broadcast_in_dim3A_2329 = vector.broadcast %broadcast_in_dim3A_2328 : i32 to vector<16xi32>
        %mul3A_2330 = arith.constant 16 : i32
        %mul3A_2331 = arith.muli %scan3A_2327, %mul3A_2330 : i32
        %swap3A_2332 = arith.index_cast %mul3A_2331 : i32 to index
        %swap3A_2333 = tpu.vector_load %arg15[%swap3A_2332] {strides = array<i32>} : memref<10256xi32, #tpu.memory_space<vmem>>, vector<16xi32>,
        tpu.vector_store %arg15[%swap3A_2332], %broadcast_in_dim3A_2329 {strides = array<i32>} : memref<10256xi32, #tpu.memory_space<vmem>>, vector<16xi32>,
      }
      %scan3A_7 = arith.constant 640 : i32
      %broadcast_in_dim3A = arith.constant 0.000000e+00 : f32
      %broadcast_in_dim3A_8 = vector.broadcast %broadcast_in_dim3A : f32 to vector<16xf32>
      %swap3A = arith.constant 0 : index
      %swap3A_9 = tpu.vector_load %arg17[%swap3A] {strides = array<i32>} : memref<128xf32, #tpu.memory_space<vmem>>, vector<16xf32>,
      tpu.vector_store %arg17[%swap3A], %broadcast_in_dim3A_8 {strides = array<i32>} : memref<128xf32, #tpu.memory_space<vmem>>, vector<16xf32>,
      %broadcast_in_dim3A_10 = arith.constant 0 : i32
      %broadcast_in_dim3A_11 = vector.broadcast %broadcast_in_dim3A_10 : i32 to vector<16xi32>
      %swap3A_12 = arith.constant 0 : index
      %swap3A_13 = tpu.vector_load %arg18[%swap3A_12] {strides = array<i32>} : memref<128xi32, #tpu.memory_space<vmem>>, vector<16xi32>,
      tpu.vector_store %arg18[%swap3A_12], %broadcast_in_dim3A_11 {strides = array<i32>} : memref<128xi32, #tpu.memory_space<vmem>>, vector<16xi32>,
      %broadcast_in_dim3A_14 = arith.constant 0.000000e+00 : f32
      %broadcast_in_dim3A_15 = vector.broadcast %broadcast_in_dim3A_14 : f32 to vector<16xf32>
      %swap3A_16 = arith.constant 16 : index
      %swap3A_17 = tpu.vector_load %arg17[%swap3A_16] {strides = array<i32>} : memref<128xf32, #tpu.memory_space<vmem>>, vector<16xf32>,
      tpu.vector_store %arg17[%swap3A_16], %broadcast_in_dim3A_15 {strides = array<i32>} : memref<128xf32, #tpu.memory_space<vmem>>, vector<16xf32>,
      %broadcast_in_dim3A_18 = arith.constant 0 : i32
      %broadcast_in_dim3A_19 = vector.broadcast %broadcast_in_dim3A_18 : i32 to vector<16xi32>
      %swap3A_20 = arith.constant 16 : index
      %swap3A_21 = tpu.vector_load %arg18[%swap3A_20] {strides = array<i32>} : memref<128xi32, #tpu.memory_space<vmem>>, vector<16xi32>,
      tpu.vector_store %arg18[%swap3A_20], %broadcast_in_dim3A_19 {strides = array<i32>} : memref<128xi32, #tpu.memory_space<vmem>>, vector<16xi32>,
      %broadcast_in_dim3A_22 = arith.constant 0.000000e+00 : f32
      %broadcast_in_dim3A_23 = vector.broadcast %broadcast_in_dim3A_22 : f32 to vector<16xf32>
      %swap3A_24 = arith.constant 32 : index
      %swap3A_25 = tpu.vector_load %arg17[%swap3A_24] {strides = array<i32>} : memref<128xf32, #tpu.memory_space<vmem>>, vector<16xf32>,
      tpu.vector_store %arg17[%swap3A_24], %broadcast_in_dim3A_23 {strides = array<i32>} : memref<128xf32, #tpu.memory_space<vmem>>, vector<16xf32>,
      %broadcast_in_dim3A_26 = arith.constant 0 : i32
      %broadcast_in_dim3A_27 = vector.broadcast %broadcast_in_dim3A_26 : i32 to vector<16xi32>
      %swap3A_28 = arith.constant 32 : index
      %swap3A_29 = tpu.vector_load %arg18[%swap3A_28] {strides = array<i32>} : memref<128xi32, #tpu.memory_space<vmem>>, vector<16xi32>,
      tpu.vector_store %arg18[%swap3A_28], %broadcast_in_dim3A_27 {strides = array<i32>} : memref<128xi32, #tpu.memory_space<vmem>>, vector<16xi32>,
      %broadcast_in_dim3A_30 = arith.constant 0.000000e+00 : f32
      %broadcast_in_dim3A_31 = vector.broadcast %broadcast_in_dim3A_30 : f32 to vector<16xf32>
      %swap3A_32 = arith.constant 48 : index
      %swap3A_33 = tpu.vector_load %arg17[%swap3A_32] {strides = array<i32>} : memref<128xf32, #tpu.memory_space<vmem>>, vector<16xf32>,
      tpu.vector_store %arg17[%swap3A_32], %broadcast_in_dim3A_31 {strides = array<i32>} : memref<128xf32, #tpu.memory_space<vmem>>, vector<16xf32>,
      %broadcast_in_dim3A_34 = arith.constant 0 : i32
      %broadcast_in_dim3A_35 = vector.broadcast %broadcast_in_dim3A_34 : i32 to vector<16xi32>
      %swap3A_36 = arith.constant 48 : index
      %swap3A_37 = tpu.vector_load %arg18[%swap3A_36] {strides = array<i32>} : memref<128xi32, #tpu.memory_space<vmem>>, vector<16xi32>,
      tpu.vector_store %arg18[%swap3A_36], %broadcast_in_dim3A_35 {strides = array<i32>} : memref<128xi32, #tpu.memory_space<vmem>>, vector<16xi32>,
      %broadcast_in_dim3A_38 = arith.constant 0.000000e+00 : f32
      %broadcast_in_dim3A_39 = vector.broadcast %broadcast_in_dim3A_38 : f32 to vector<16xf32>
      %swap3A_40 = arith.constant 64 : index
      %swap3A_41 = tpu.vector_load %arg17[%swap3A_40] {strides = array<i32>} : memref<128xf32, #tpu.memory_space<vmem>>, vector<16xf32>,
      tpu.vector_store %arg17[%swap3A_40], %broadcast_in_dim3A_39 {strides = array<i32>} : memref<128xf32, #tpu.memory_space<vmem>>, vector<16xf32>,
      %broadcast_in_dim3A_42 = arith.constant 0 : i32
      %broadcast_in_dim3A_43 = vector.broadcast %broadcast_in_dim3A_42 : i32 to vector<16xi32>
      %swap3A_44 = arith.constant 64 : index
      %swap3A_45 = tpu.vector_load %arg18[%swap3A_44] {strides = array<i32>} : memref<128xi32, #tpu.memory_space<vmem>>, vector<16xi32>,
      tpu.vector_store %arg18[%swap3A_44], %broadcast_in_dim3A_43 {strides = array<i32>} : memref<128xi32, #tpu.memory_space<vmem>>, vector<16xi32>,
      %broadcast_in_dim3A_46 = arith.constant 0.000000e+00 : f32
      %broadcast_in_dim3A_47 = vector.broadcast %broadcast_in_dim3A_46 : f32 to vector<16xf32>
      %swap3A_48 = arith.constant 80 : index
      %swap3A_49 = tpu.vector_load %arg17[%swap3A_48] {strides = array<i32>} : memref<128xf32, #tpu.memory_space<vmem>>, vector<16xf32>,
      tpu.vector_store %arg17[%swap3A_48], %broadcast_in_dim3A_47 {strides = array<i32>} : memref<128xf32, #tpu.memory_space<vmem>>, vector<16xf32>,
      %broadcast_in_dim3A_50 = arith.constant 0 : i32
      %broadcast_in_dim3A_51 = vector.broadcast %broadcast_in_dim3A_50 : i32 to vector<16xi32>
      %swap3A_52 = arith.constant 80 : index
      %swap3A_53 = tpu.vector_load %arg18[%swap3A_52] {strides = array<i32>} : memref<128xi32, #tpu.memory_space<vmem>>, vector<16xi32>,
      tpu.vector_store %arg18[%swap3A_52], %broadcast_in_dim3A_51 {strides = array<i32>} : memref<128xi32, #tpu.memory_space<vmem>>, vector<16xi32>,
      %broadcast_in_dim3A_54 = arith.constant 0.000000e+00 : f32
      %broadcast_in_dim3A_55 = vector.broadcast %broadcast_in_dim3A_54 : f32 to vector<16xf32>
      %swap3A_56 = arith.constant 96 : index
      %swap3A_57 = tpu.vector_load %arg17[%swap3A_56] {strides = array<i32>} : memref<128xf32, #tpu.memory_space<vmem>>, vector<16xf32>,
      tpu.vector_store %arg17[%swap3A_56], %broadcast_in_dim3A_55 {strides = array<i32>} : memref<128xf32, #tpu.memory_space<vmem>>, vector<16xf32>,
      %broadcast_in_dim3A_58 = arith.constant 0 : i32
      %broadcast_in_dim3A_59 = vector.broadcast %broadcast_in_dim3A_58 : i32 to vector<16xi32>
      %swap3A_60 = arith.constant 96 : index
      %swap3A_61 = tpu.vector_load %arg18[%swap3A_60] {strides = array<i32>} : memref<128xi32, #tpu.memory_space<vmem>>, vector<16xi32>,
      tpu.vector_store %arg18[%swap3A_60], %broadcast_in_dim3A_59 {strides = array<i32>} : memref<128xi32, #tpu.memory_space<vmem>>, vector<16xi32>,
      %broadcast_in_dim3A_62 = arith.constant 0.000000e+00 : f32
      %broadcast_in_dim3A_63 = vector.broadcast %broadcast_in_dim3A_62 : f32 to vector<16xf32>
      %swap3A_64 = arith.constant 112 : index
      %swap3A_65 = tpu.vector_load %arg17[%swap3A_64] {strides = array<i32>} : memref<128xf32, #tpu.memory_space<vmem>>, vector<16xf32>,
      tpu.vector_store %arg17[%swap3A_64], %broadcast_in_dim3A_63 {strides = array<i32>} : memref<128xf32, #tpu.memory_space<vmem>>, vector<16xf32>,
      %broadcast_in_dim3A_66 = arith.constant 0 : i32
      %broadcast_in_dim3A_67 = vector.broadcast %broadcast_in_dim3A_66 : i32 to vector<16xi32>
      %swap3A_68 = arith.constant 112 : index
      %swap3A_69 = tpu.vector_load %arg18[%swap3A_68] {strides = array<i32>} : memref<128xi32, #tpu.memory_space<vmem>>, vector<16xi32>,
      tpu.vector_store %arg18[%swap3A_68], %broadcast_in_dim3A_67 {strides = array<i32>} : memref<128xi32, #tpu.memory_space<vmem>>, vector<16xi32>,
      %scan3A_70 = arith.constant 0 : i32
      %scan3A_71 = arith.constant 0 : i32
      %scan3A_72 = arith.constant 80 : i32
      %scan3A_73 = arith.addi %scan3A_71, %scan3A_72 : i32
      %scan3A_74 = arith.constant 1 : i32
      scf.for %scan3A_2327 = %scan3A_71 to %scan3A_73 step %scan3A_74  : i32 {
        %mul3A_2328 = arith.constant 128 : i32
        %mul3A_2329 = arith.muli %scan3A_2327, %mul3A_2328 : i32
        %broadcast_in_dim3A_2330 = arith.constant 0xFF800000 : f32
        %broadcast_in_dim3A_2331 = vector.broadcast %broadcast_in_dim3A_2330 : f32 to vector<16xf32>
        %add3A_2332 = arith.constant 0 : i32
        %add3A_2333 = arith.addi %mul3A_2329, %add3A_2332 : i32
        %get3A_2334 = arith.index_cast %add3A_2333 : i32 to index
        %get3A_2335 = tpu.vector_load %arg13[%get3A_2334] {strides = array<i32>} : memref<10240xf32, #tpu.memory_space<vmem>>, vector<16xf32>,
        %max3A = arith.maximumf %broadcast_in_dim3A_2331, %get3A_2335 : vector<16xf32>
        %add3A_2336 = arith.constant 16 : i32
        %add3A_2337 = arith.addi %mul3A_2329, %add3A_2336 : i32
        %get3A_2338 = arith.index_cast %add3A_2337 : i32 to index
        %get3A_2339 = tpu.vector_load %arg13[%get3A_2338] {strides = array<i32>} : memref<10240xf32, #tpu.memory_space<vmem>>, vector<16xf32>,
        %max3A_2340 = arith.maximumf %max3A, %get3A_2339 : vector<16xf32>
        %add3A_2341 = arith.constant 32 : i32
        %add3A_2342 = arith.addi %mul3A_2329, %add3A_2341 : i32
        %get3A_2343 = arith.index_cast %add3A_2342 : i32 to index
        %get3A_2344 = tpu.vector_load %arg13[%get3A_2343] {strides = array<i32>} : memref<10240xf32, #tpu.memory_space<vmem>>, vector<16xf32>,
        %max3A_2345 = arith.maximumf %max3A_2340, %get3A_2344 : vector<16xf32>
        %add3A_2346 = arith.constant 48 : i32
        %add3A_2347 = arith.addi %mul3A_2329, %add3A_2346 : i32
        %get3A_2348 = arith.index_cast %add3A_2347 : i32 to index
        %get3A_2349 = tpu.vector_load %arg13[%get3A_2348] {strides = array<i32>} : memref<10240xf32, #tpu.memory_space<vmem>>, vector<16xf32>,
        %max3A_2350 = arith.maximumf %max3A_2345, %get3A_2349 : vector<16xf32>
        %add3A_2351 = arith.constant 64 : i32
        %add3A_2352 = arith.addi %mul3A_2329, %add3A_2351 : i32
        %get3A_2353 = arith.index_cast %add3A_2352 : i32 to index
        %get3A_2354 = tpu.vector_load %arg13[%get3A_2353] {strides = array<i32>} : memref<10240xf32, #tpu.memory_space<vmem>>, vector<16xf32>,
        %max3A_2355 = arith.maximumf %max3A_2350, %get3A_2354 : vector<16xf32>
        %add3A_2356 = arith.constant 80 : i32
        %add3A_2357 = arith.addi %mul3A_2329, %add3A_2356 : i32
        %get3A_2358 = arith.index_cast %add3A_2357 : i32 to index
        %get3A_2359 = tpu.vector_load %arg13[%get3A_2358] {strides = array<i32>} : memref<10240xf32, #tpu.memory_space<vmem>>, vector<16xf32>,
        %max3A_2360 = arith.maximumf %max3A_2355, %get3A_2359 : vector<16xf32>
        %add3A_2361 = arith.constant 96 : i32
        %add3A_2362 = arith.addi %mul3A_2329, %add3A_2361 : i32
        %get3A_2363 = arith.index_cast %add3A_2362 : i32 to index
        %get3A_2364 = tpu.vector_load %arg13[%get3A_2363] {strides = array<i32>} : memref<10240xf32, #tpu.memory_space<vmem>>, vector<16xf32>,
        %max3A_2365 = arith.maximumf %max3A_2360, %get3A_2364 : vector<16xf32>
        %add3A_2366 = arith.constant 112 : i32
        %add3A_2367 = arith.addi %mul3A_2329, %add3A_2366 : i32
        %get3A_2368 = arith.index_cast %add3A_2367 : i32 to index
        %get3A_2369 = tpu.vector_load %arg13[%get3A_2368] {strides = array<i32>} : memref<10240xf32, #tpu.memory_space<vmem>>, vector<16xf32>,
        %max3A_2370 = arith.maximumf %max3A_2365, %get3A_2369 : vector<16xf32>
        %reduce_max3A = arith.constant true
        %reduce_max3A_2371 = vector.broadcast %reduce_max3A : i1 to vector<16xi1>
        %reduce_max3A_2372 = tpu.scan <max>, %max3A_2370 masked %reduce_max3A_2371 : vector<16xf32>, vector<16xi1> -> vector<16xf32>
        %reduce_max3A_2373 = vector.extract %reduce_max3A_2372[15] : f32 from vector<16xf32>
        %broadcast_in_dim3A_2374 = arith.constant 1073741824 : i32
        %broadcast_in_dim3A_2375 = vector.broadcast %broadcast_in_dim3A_2374 : i32 to vector<16xi32>
        %add3A_2376 = arith.constant 0 : i32
        %add3A_2377 = arith.addi %mul3A_2329, %add3A_2376 : i32
        %get3A_2378 = arith.index_cast %add3A_2377 : i32 to index
        %get3A_2379 = tpu.vector_load %arg13[%get3A_2378] {strides = array<i32>} : memref<10240xf32, #tpu.memory_space<vmem>>, vector<16xf32>,
        %eq3A_2380 = vector.broadcast %reduce_max3A_2373 : f32 to vector<16xf32>
        %eq3A_2381 = arith.cmpf oeq, %get3A_2379, %eq3A_2380 : vector<16xf32>
        %add3A_2382 = arith.constant 0 : i32
        %add3A_2383 = arith.addi %mul3A_2329, %add3A_2382 : i32
        %add3A_2384 = vector.broadcast %add3A_2383 : i32 to vector<16xi32>
        %add3A_2385 = arith.addi %add3A_2384, %iota3A : vector<16xi32>
        %jit3A_2386 = arith.constant 1073741824 : i32
        %broadcast_in_dim3A_2387 = vector.broadcast %jit3A_2386 : i32 to vector<16xi32>
        %select_n3A_2388 = arith.select %eq3A_2381, %add3A_2385, %broadcast_in_dim3A_2387 : vector<16xi1>, vector<16xi32>
        %min3A = arith.minsi %broadcast_in_dim3A_2375, %select_n3A_2388 : vector<16xi32>
        %add3A_2389 = arith.constant 16 : i32
        %add3A_2390 = arith.addi %mul3A_2329, %add3A_2389 : i32
        %get3A_2391 = arith.index_cast %add3A_2390 : i32 to index
        %get3A_2392 = tpu.vector_load %arg13[%get3A_2391] {strides = array<i32>} : memref<10240xf32, #tpu.memory_space<vmem>>, vector<16xf32>,
        %eq3A_2393 = vector.broadcast %reduce_max3A_2373 : f32 to vector<16xf32>
        %eq3A_2394 = arith.cmpf oeq, %get3A_2392, %eq3A_2393 : vector<16xf32>
        %add3A_2395 = arith.constant 16 : i32
        %add3A_2396 = arith.addi %mul3A_2329, %add3A_2395 : i32
        %add3A_2397 = vector.broadcast %add3A_2396 : i32 to vector<16xi32>
        %add3A_2398 = arith.addi %add3A_2397, %iota3A : vector<16xi32>
        %jit3A_2399 = arith.constant 1073741824 : i32
        %broadcast_in_dim3A_2400 = vector.broadcast %jit3A_2399 : i32 to vector<16xi32>
        %select_n3A_2401 = arith.select %eq3A_2394, %add3A_2398, %broadcast_in_dim3A_2400 : vector<16xi1>, vector<16xi32>
        %min3A_2402 = arith.minsi %min3A, %select_n3A_2401 : vector<16xi32>
        %add3A_2403 = arith.constant 32 : i32
        %add3A_2404 = arith.addi %mul3A_2329, %add3A_2403 : i32
        %get3A_2405 = arith.index_cast %add3A_2404 : i32 to index
        %get3A_2406 = tpu.vector_load %arg13[%get3A_2405] {strides = array<i32>} : memref<10240xf32, #tpu.memory_space<vmem>>, vector<16xf32>,
        %eq3A_2407 = vector.broadcast %reduce_max3A_2373 : f32 to vector<16xf32>
        %eq3A_2408 = arith.cmpf oeq, %get3A_2406, %eq3A_2407 : vector<16xf32>
        %add3A_2409 = arith.constant 32 : i32
        %add3A_2410 = arith.addi %mul3A_2329, %add3A_2409 : i32
        %add3A_2411 = vector.broadcast %add3A_2410 : i32 to vector<16xi32>
        %add3A_2412 = arith.addi %add3A_2411, %iota3A : vector<16xi32>
        %jit3A_2413 = arith.constant 1073741824 : i32
        %broadcast_in_dim3A_2414 = vector.broadcast %jit3A_2413 : i32 to vector<16xi32>
        %select_n3A_2415 = arith.select %eq3A_2408, %add3A_2412, %broadcast_in_dim3A_2414 : vector<16xi1>, vector<16xi32>
        %min3A_2416 = arith.minsi %min3A_2402, %select_n3A_2415 : vector<16xi32>
        %add3A_2417 = arith.constant 48 : i32
        %add3A_2418 = arith.addi %mul3A_2329, %add3A_2417 : i32
        %get3A_2419 = arith.index_cast %add3A_2418 : i32 to index
        %get3A_2420 = tpu.vector_load %arg13[%get3A_2419] {strides = array<i32>} : memref<10240xf32, #tpu.memory_space<vmem>>, vector<16xf32>,
        %eq3A_2421 = vector.broadcast %reduce_max3A_2373 : f32 to vector<16xf32>
        %eq3A_2422 = arith.cmpf oeq, %get3A_2420, %eq3A_2421 : vector<16xf32>
        %add3A_2423 = arith.constant 48 : i32
        %add3A_2424 = arith.addi %mul3A_2329, %add3A_2423 : i32
        %add3A_2425 = vector.broadcast %add3A_2424 : i32 to vector<16xi32>
        %add3A_2426 = arith.addi %add3A_2425, %iota3A : vector<16xi32>
        %jit3A_2427 = arith.constant 1073741824 : i32
        %broadcast_in_dim3A_2428 = vector.broadcast %jit3A_2427 : i32 to vector<16xi32>
        %select_n3A_2429 = arith.select %eq3A_2422, %add3A_2426, %broadcast_in_dim3A_2428 : vector<16xi1>, vector<16xi32>
        %min3A_2430 = arith.minsi %min3A_2416, %select_n3A_2429 : vector<16xi32>
        %add3A_2431 = arith.constant 64 : i32
        %add3A_2432 = arith.addi %mul3A_2329, %add3A_2431 : i32
        %get3A_2433 = arith.index_cast %add3A_2432 : i32 to index
        %get3A_2434 = tpu.vector_load %arg13[%get3A_2433] {strides = array<i32>} : memref<10240xf32, #tpu.memory_space<vmem>>, vector<16xf32>,
        %eq3A_2435 = vector.broadcast %reduce_max3A_2373 : f32 to vector<16xf32>
        %eq3A_2436 = arith.cmpf oeq, %get3A_2434, %eq3A_2435 : vector<16xf32>
        %add3A_2437 = arith.constant 64 : i32
        %add3A_2438 = arith.addi %mul3A_2329, %add3A_2437 : i32
        %add3A_2439 = vector.broadcast %add3A_2438 : i32 to vector<16xi32>
        %add3A_2440 = arith.addi %add3A_2439, %iota3A : vector<16xi32>
        %jit3A_2441 = arith.constant 1073741824 : i32
        %broadcast_in_dim3A_2442 = vector.broadcast %jit3A_2441 : i32 to vector<16xi32>
        %select_n3A_2443 = arith.select %eq3A_2436, %add3A_2440, %broadcast_in_dim3A_2442 : vector<16xi1>, vector<16xi32>
        %min3A_2444 = arith.minsi %min3A_2430, %select_n3A_2443 : vector<16xi32>
        %add3A_2445 = arith.constant 80 : i32
        %add3A_2446 = arith.addi %mul3A_2329, %add3A_2445 : i32
        %get3A_2447 = arith.index_cast %add3A_2446 : i32 to index
        %get3A_2448 = tpu.vector_load %arg13[%get3A_2447] {strides = array<i32>} : memref<10240xf32, #tpu.memory_space<vmem>>, vector<16xf32>,
        %eq3A_2449 = vector.broadcast %reduce_max3A_2373 : f32 to vector<16xf32>
        %eq3A_2450 = arith.cmpf oeq, %get3A_2448, %eq3A_2449 : vector<16xf32>
        %add3A_2451 = arith.constant 80 : i32
        %add3A_2452 = arith.addi %mul3A_2329, %add3A_2451 : i32
        %add3A_2453 = vector.broadcast %add3A_2452 : i32 to vector<16xi32>
        %add3A_2454 = arith.addi %add3A_2453, %iota3A : vector<16xi32>
        %jit3A_2455 = arith.constant 1073741824 : i32
        %broadcast_in_dim3A_2456 = vector.broadcast %jit3A_2455 : i32 to vector<16xi32>
        %select_n3A_2457 = arith.select %eq3A_2450, %add3A_2454, %broadcast_in_dim3A_2456 : vector<16xi1>, vector<16xi32>
        %min3A_2458 = arith.minsi %min3A_2444, %select_n3A_2457 : vector<16xi32>
        %add3A_2459 = arith.constant 96 : i32
        %add3A_2460 = arith.addi %mul3A_2329, %add3A_2459 : i32
        %get3A_2461 = arith.index_cast %add3A_2460 : i32 to index
        %get3A_2462 = tpu.vector_load %arg13[%get3A_2461] {strides = array<i32>} : memref<10240xf32, #tpu.memory_space<vmem>>, vector<16xf32>,
        %eq3A_2463 = vector.broadcast %reduce_max3A_2373 : f32 to vector<16xf32>
        %eq3A_2464 = arith.cmpf oeq, %get3A_2462, %eq3A_2463 : vector<16xf32>
        %add3A_2465 = arith.constant 96 : i32
        %add3A_2466 = arith.addi %mul3A_2329, %add3A_2465 : i32
        %add3A_2467 = vector.broadcast %add3A_2466 : i32 to vector<16xi32>
        %add3A_2468 = arith.addi %add3A_2467, %iota3A : vector<16xi32>
        %jit3A_2469 = arith.constant 1073741824 : i32
        %broadcast_in_dim3A_2470 = vector.broadcast %jit3A_2469 : i32 to vector<16xi32>
        %select_n3A_2471 = arith.select %eq3A_2464, %add3A_2468, %broadcast_in_dim3A_2470 : vector<16xi1>, vector<16xi32>
        %min3A_2472 = arith.minsi %min3A_2458, %select_n3A_2471 : vector<16xi32>
        %add3A_2473 = arith.constant 112 : i32
        %add3A_2474 = arith.addi %mul3A_2329, %add3A_2473 : i32
        %get3A_2475 = arith.index_cast %add3A_2474 : i32 to index
        %get3A_2476 = tpu.vector_load %arg13[%get3A_2475] {strides = array<i32>} : memref<10240xf32, #tpu.memory_space<vmem>>, vector<16xf32>,
        %eq3A_2477 = vector.broadcast %reduce_max3A_2373 : f32 to vector<16xf32>
        %eq3A_2478 = arith.cmpf oeq, %get3A_2476, %eq3A_2477 : vector<16xf32>
        %add3A_2479 = arith.constant 112 : i32
        %add3A_2480 = arith.addi %mul3A_2329, %add3A_2479 : i32
        %add3A_2481 = vector.broadcast %add3A_2480 : i32 to vector<16xi32>
        %add3A_2482 = arith.addi %add3A_2481, %iota3A : vector<16xi32>
        %jit3A_2483 = arith.constant 1073741824 : i32
        %broadcast_in_dim3A_2484 = vector.broadcast %jit3A_2483 : i32 to vector<16xi32>
        %select_n3A_2485 = arith.select %eq3A_2478, %add3A_2482, %broadcast_in_dim3A_2484 : vector<16xi1>, vector<16xi32>
        %min3A_2486 = arith.minsi %min3A_2472, %select_n3A_2485 : vector<16xi32>
        %reduce_min3A = arith.constant true
        %reduce_min3A_2487 = vector.broadcast %reduce_min3A : i1 to vector<16xi1>
        %reduce_min3A_2488 = arith.constant -2147483648 : i32
        %reduce_min3A_2489 = vector.broadcast %reduce_min3A_2488 : i32 to vector<16xi32>
        %reduce_min3A_2490 = arith.xori %min3A_2486, %reduce_min3A_2489 : vector<16xi32>
        %reduce_min3A_2491 = tpu.scan <min>, %reduce_min3A_2490 masked %reduce_min3A_2487 : vector<16xi32>, vector<16xi1> -> vector<16xi32>
        %reduce_min3A_2492 = arith.xori %reduce_min3A_2491, %reduce_min3A_2489 : vector<16xi32>
        %reduce_min3A_2493 = vector.extract %reduce_min3A_2492[15] : i32 from vector<16xi32>
        %dma_start3A_2494 = arith.constant 0 : i32
        %dma_start3A_2495 = tpu.memref_slice %arg16[%scan3A_2327, %dma_start3A_2494] : memref<260x128xf32, #tpu.memory_space<vmem>> -> memref<1x128xf32, #tpu.memory_space<vmem>>
        %dma_start3A_2496 = tpu.memref_squeeze %dma_start3A_2495 : memref<1x128xf32, #tpu.memory_space<vmem>> -> memref<128xf32, #tpu.memory_space<vmem>>
        %dma_start3A_2497 = arith.constant 0 : i32
        %dma_start3A_2498 = tpu.memref_slice %arg2[%add3A, %reduce_min3A_2493, %dma_start3A_2497] : memref<16x10240x128xf32, #tpu.memory_space<hbm>> -> memref<1x1x128xf32, #tpu.memory_space<hbm>>
        %dma_start3A_2499 = tpu.memref_squeeze %dma_start3A_2498 : memref<1x1x128xf32, #tpu.memory_space<hbm>> -> memref<128xf32, #tpu.memory_space<hbm>>
        %dma_start3A_2500 = arith.constant 0 : i32
        %dma_start3A_2501 = tpu.memref_slice %arg16[%scan3A_2327, %dma_start3A_2500] : memref<260x128xf32, #tpu.memory_space<vmem>> -> memref<1x128xf32, #tpu.memory_space<vmem>>
        %dma_start3A_2502 = tpu.memref_squeeze %dma_start3A_2501 : memref<1x128xf32, #tpu.memory_space<vmem>> -> memref<128xf32, #tpu.memory_space<vmem>>
        %dma_start3A_2503 = arith.constant 0 : i32
        %dma_start3A_2504 = tpu.memref_slice %arg2[%add3A, %reduce_min3A_2493, %dma_start3A_2503] : memref<16x10240x128xf32, #tpu.memory_space<hbm>> -> memref<1x1x128xf32, #tpu.memory_space<hbm>>
        %dma_start3A_2505 = tpu.memref_squeeze %dma_start3A_2504 : memref<1x1x128xf32, #tpu.memory_space<hbm>> -> memref<128xf32, #tpu.memory_space<hbm>>
        tpu.enqueue_dma source(%dma_start3A_2505 : memref<128xf32, #tpu.memory_space<hbm>>) target(%dma_start3A_2502 : memref<128xf32, #tpu.memory_space<vmem>>) target_semaphore(%arg25 : memref<!tpu.dma_semaphore, #tpu.memory_space<semaphore_mem>>)
        %jit3A_2506 = arith.constant 16 : i32
        %div3A_2507 = arith.divsi %reduce_min3A_2493, %jit3A_2506 : i32
        %sign3A_2508 = arith.constant 0 : i32
        %sign3A_2509 = arith.cmpi sgt, %reduce_min3A_2493, %sign3A_2508 : i32
        %sign3A_2510 = arith.extui %sign3A_2509 : i1 to i32
        %sign3A_2511 = arith.constant 0 : i32
        %sign3A_2512 = arith.cmpi slt, %reduce_min3A_2493, %sign3A_2511 : i32
        %sign3A_2513 = arith.extui %sign3A_2512 : i1 to i32
        %sign3A_2514 = arith.subi %sign3A_2510, %sign3A_2513 : i32
        %sign3A_2515 = arith.constant 0 : i32
        %sign3A_2516 = arith.cmpi sgt, %jit3A_2506, %sign3A_2515 : i32
        %sign3A_2517 = arith.extui %sign3A_2516 : i1 to i32
        %sign3A_2518 = arith.constant 0 : i32
        %sign3A_2519 = arith.cmpi slt, %jit3A_2506, %sign3A_2518 : i32
        %sign3A_2520 = arith.extui %sign3A_2519 : i1 to i32
        %sign3A_2521 = arith.subi %sign3A_2517, %sign3A_2520 : i32
        %ne3A_2522 = arith.cmpi ne, %sign3A_2514, %sign3A_2521 : i32
        %rem3A_2523 = arith.remsi %reduce_min3A_2493, %jit3A_2506 : i32
        %ne3A_2524 = arith.constant 0 : i32
        %ne3A_2525 = arith.cmpi ne, %rem3A_2523, %ne3A_2524 : i32
        %and3A_2526 = arith.andi %ne3A_2522, %ne3A_2525 : i1
        %sub3A_2527 = arith.constant 1 : i32
        %sub3A_2528 = arith.subi %div3A_2507, %sub3A_2527 : i32
        %select_n3A_2529 = arith.select %and3A_2526, %sub3A_2528, %div3A_2507 : i32
        %mul3A_2530 = arith.constant 16 : i32
        %mul3A_2531 = arith.muli %select_n3A_2529, %mul3A_2530 : i32
        %add3A_2532 = vector.broadcast %mul3A_2531 : i32 to vector<16xi32>
        %add3A_2533 = arith.addi %add3A_2532, %iota3A : vector<16xi32>
        %eq3A_2534 = vector.broadcast %reduce_min3A_2493 : i32 to vector<16xi32>
        %eq3A_2535 = arith.cmpi eq, %add3A_2533, %eq3A_2534 : vector<16xi32>
        %mul3A_2536 = arith.constant 16 : i32
        %mul3A_2537 = arith.muli %select_n3A_2529, %mul3A_2536 : i32
        %get3A_2538 = arith.index_cast %mul3A_2537 : i32 to index
        %get3A_2539 = tpu.vector_load %arg15[%get3A_2538] {strides = array<i32>} : memref<10256xi32, #tpu.memory_space<vmem>>, vector<16xi32>,
        %broadcast_in_dim3A_2540 = vector.broadcast %scan3A_2327 : i32 to vector<16xi32>
        %select_n3A_2541 = arith.select %eq3A_2535, %broadcast_in_dim3A_2540, %get3A_2539 : vector<16xi1>, vector<16xi32>
        %mul3A_2542 = arith.constant 16 : i32
        %mul3A_2543 = arith.muli %select_n3A_2529, %mul3A_2542 : i32
        %swap3A_2544 = arith.index_cast %mul3A_2543 : i32 to index
        %swap3A_2545 = tpu.vector_load %arg15[%swap3A_2544] {strides = array<i32>} : memref<10256xi32, #tpu.memory_space<vmem>>, vector<16xi32>,
        tpu.vector_store %arg15[%swap3A_2544], %select_n3A_2541 {strides = array<i32>} : memref<10256xi32, #tpu.memory_space<vmem>>, vector<16xi32>,
        %broadcast_in_dim3A_2546 = arith.constant 0xFF800000 : f32
        %broadcast_in_dim3A_2547 = vector.broadcast %broadcast_in_dim3A_2546 : f32 to vector<16xf32>
        %add3A_2548 = arith.constant 0 : i32
        %add3A_2549 = arith.addi %mul3A_2329, %add3A_2548 : i32
        %add3A_2550 = vector.broadcast %add3A_2549 : i32 to vector<16xi32>
        %add3A_2551 = arith.addi %add3A_2550, %iota3A : vector<16xi32>
        %eq3A_2552 = vector.broadcast %reduce_min3A_2493 : i32 to vector<16xi32>
        %eq3A_2553 = arith.cmpi eq, %add3A_2551, %eq3A_2552 : vector<16xi32>
        %add3A_2554 = arith.constant 0 : i32
        %add3A_2555 = arith.addi %mul3A_2329, %add3A_2554 : i32
        %get3A_2556 = arith.index_cast %add3A_2555 : i32 to index
        %get3A_2557 = tpu.vector_load %arg13[%get3A_2556] {strides = array<i32>} : memref<10240xf32, #tpu.memory_space<vmem>>, vector<16xf32>,
        %jit3A_2558 = arith.constant 0xFF800000 : f32
        %broadcast_in_dim3A_2559 = vector.broadcast %jit3A_2558 : f32 to vector<16xf32>
        %select_n3A_2560 = arith.select %eq3A_2553, %broadcast_in_dim3A_2559, %get3A_2557 : vector<16xi1>, vector<16xf32>
        %max3A_2561 = arith.maximumf %broadcast_in_dim3A_2547, %select_n3A_2560 : vector<16xf32>
        %add3A_2562 = arith.constant 16 : i32
        %add3A_2563 = arith.addi %mul3A_2329, %add3A_2562 : i32
        %add3A_2564 = vector.broadcast %add3A_2563 : i32 to vector<16xi32>
        %add3A_2565 = arith.addi %add3A_2564, %iota3A : vector<16xi32>
        %eq3A_2566 = vector.broadcast %reduce_min3A_2493 : i32 to vector<16xi32>
        %eq3A_2567 = arith.cmpi eq, %add3A_2565, %eq3A_2566 : vector<16xi32>
        %add3A_2568 = arith.constant 16 : i32
        %add3A_2569 = arith.addi %mul3A_2329, %add3A_2568 : i32
        %get3A_2570 = arith.index_cast %add3A_2569 : i32 to index
        %get3A_2571 = tpu.vector_load %arg13[%get3A_2570] {strides = array<i32>} : memref<10240xf32, #tpu.memory_space<vmem>>, vector<16xf32>,
        %jit3A_2572 = arith.constant 0xFF800000 : f32
        %broadcast_in_dim3A_2573 = vector.broadcast %jit3A_2572 : f32 to vector<16xf32>
        %select_n3A_2574 = arith.select %eq3A_2567, %broadcast_in_dim3A_2573, %get3A_2571 : vector<16xi1>, vector<16xf32>
        %max3A_2575 = arith.maximumf %max3A_2561, %select_n3A_2574 : vector<16xf32>
        %add3A_2576 = arith.constant 32 : i32
        %add3A_2577 = arith.addi %mul3A_2329, %add3A_2576 : i32
        %add3A_2578 = vector.broadcast %add3A_2577 : i32 to vector<16xi32>
        %add3A_2579 = arith.addi %add3A_2578, %iota3A : vector<16xi32>
        %eq3A_2580 = vector.broadcast %reduce_min3A_2493 : i32 to vector<16xi32>
        %eq3A_2581 = arith.cmpi eq, %add3A_2579, %eq3A_2580 : vector<16xi32>
        %add3A_2582 = arith.constant 32 : i32
        %add3A_2583 = arith.addi %mul3A_2329, %add3A_2582 : i32
        %get3A_2584 = arith.index_cast %add3A_2583 : i32 to index
        %get3A_2585 = tpu.vector_load %arg13[%get3A_2584] {strides = array<i32>} : memref<10240xf32, #tpu.memory_space<vmem>>, vector<16xf32>,
        %jit3A_2586 = arith.constant 0xFF800000 : f32
        %broadcast_in_dim3A_2587 = vector.broadcast %jit3A_2586 : f32 to vector<16xf32>
        %select_n3A_2588 = arith.select %eq3A_2581, %broadcast_in_dim3A_2587, %get3A_2585 : vector<16xi1>, vector<16xf32>
        %max3A_2589 = arith.maximumf %max3A_2575, %select_n3A_2588 : vector<16xf32>
        %add3A_2590 = arith.constant 48 : i32
        %add3A_2591 = arith.addi %mul3A_2329, %add3A_2590 : i32
        %add3A_2592 = vector.broadcast %add3A_2591 : i32 to vector<16xi32>
        %add3A_2593 = arith.addi %add3A_2592, %iota3A : vector<16xi32>
        %eq3A_2594 = vector.broadcast %reduce_min3A_2493 : i32 to vector<16xi32>
        %eq3A_2595 = arith.cmpi eq, %add3A_2593, %eq3A_2594 : vector<16xi32>
        %add3A_2596 = arith.constant 48 : i32
        %add3A_2597 = arith.addi %mul3A_2329, %add3A_2596 : i32
        %get3A_2598 = arith.index_cast %add3A_2597 : i32 to index
        %get3A_2599 = tpu.vector_load %arg13[%get3A_2598] {strides = array<i32>} : memref<10240xf32, #tpu.memory_space<vmem>>, vector<16xf32>,
        %jit3A_2600 = arith.constant 0xFF800000 : f32
        %broadcast_in_dim3A_2601 = vector.broadcast %jit3A_2600 : f32 to vector<16xf32>
        %select_n3A_2602 = arith.select %eq3A_2595, %broadcast_in_dim3A_2601, %get3A_2599 : vector<16xi1>, vector<16xf32>
        %max3A_2603 = arith.maximumf %max3A_2589, %select_n3A_2602 : vector<16xf32>
        %add3A_2604 = arith.constant 64 : i32
        %add3A_2605 = arith.addi %mul3A_2329, %add3A_2604 : i32
        %add3A_2606 = vector.broadcast %add3A_2605 : i32 to vector<16xi32>
        %add3A_2607 = arith.addi %add3A_2606, %iota3A : vector<16xi32>
        %eq3A_2608 = vector.broadcast %reduce_min3A_2493 : i32 to vector<16xi32>
        %eq3A_2609 = arith.cmpi eq, %add3A_2607, %eq3A_2608 : vector<16xi32>
        %add3A_2610 = arith.constant 64 : i32
        %add3A_2611 = arith.addi %mul3A_2329, %add3A_2610 : i32
        %get3A_2612 = arith.index_cast %add3A_2611 : i32 to index
        %get3A_2613 = tpu.vector_load %arg13[%get3A_2612] {strides = array<i32>} : memref<10240xf32, #tpu.memory_space<vmem>>, vector<16xf32>,
        %jit3A_2614 = arith.constant 0xFF800000 : f32
        %broadcast_in_dim3A_2615 = vector.broadcast %jit3A_2614 : f32 to vector<16xf32>
        %select_n3A_2616 = arith.select %eq3A_2609, %broadcast_in_dim3A_2615, %get3A_2613 : vector<16xi1>, vector<16xf32>
        %max3A_2617 = arith.maximumf %max3A_2603, %select_n3A_2616 : vector<16xf32>
        %add3A_2618 = arith.constant 80 : i32
        %add3A_2619 = arith.addi %mul3A_2329, %add3A_2618 : i32
        %add3A_2620 = vector.broadcast %add3A_2619 : i32 to vector<16xi32>
        %add3A_2621 = arith.addi %add3A_2620, %iota3A : vector<16xi32>
        %eq3A_2622 = vector.broadcast %reduce_min3A_2493 : i32 to vector<16xi32>
        %eq3A_2623 = arith.cmpi eq, %add3A_2621, %eq3A_2622 : vector<16xi32>
        %add3A_2624 = arith.constant 80 : i32
        %add3A_2625 = arith.addi %mul3A_2329, %add3A_2624 : i32
        %get3A_2626 = arith.index_cast %add3A_2625 : i32 to index
        %get3A_2627 = tpu.vector_load %arg13[%get3A_2626] {strides = array<i32>} : memref<10240xf32, #tpu.memory_space<vmem>>, vector<16xf32>,
        %jit3A_2628 = arith.constant 0xFF800000 : f32
        %broadcast_in_dim3A_2629 = vector.broadcast %jit3A_2628 : f32 to vector<16xf32>
        %select_n3A_2630 = arith.select %eq3A_2623, %broadcast_in_dim3A_2629, %get3A_2627 : vector<16xi1>, vector<16xf32>
        %max3A_2631 = arith.maximumf %max3A_2617, %select_n3A_2630 : vector<16xf32>
        %add3A_2632 = arith.constant 96 : i32
        %add3A_2633 = arith.addi %mul3A_2329, %add3A_2632 : i32
        %add3A_2634 = vector.broadcast %add3A_2633 : i32 to vector<16xi32>
        %add3A_2635 = arith.addi %add3A_2634, %iota3A : vector<16xi32>
        %eq3A_2636 = vector.broadcast %reduce_min3A_2493 : i32 to vector<16xi32>
        %eq3A_2637 = arith.cmpi eq, %add3A_2635, %eq3A_2636 : vector<16xi32>
        %add3A_2638 = arith.constant 96 : i32
        %add3A_2639 = arith.addi %mul3A_2329, %add3A_2638 : i32
        %get3A_2640 = arith.index_cast %add3A_2639 : i32 to index
        %get3A_2641 = tpu.vector_load %arg13[%get3A_2640] {strides = array<i32>} : memref<10240xf32, #tpu.memory_space<vmem>>, vector<16xf32>,
        %jit3A_2642 = arith.constant 0xFF800000 : f32
        %broadcast_in_dim3A_2643 = vector.broadcast %jit3A_2642 : f32 to vector<16xf32>
        %select_n3A_2644 = arith.select %eq3A_2637, %broadcast_in_dim3A_2643, %get3A_2641 : vector<16xi1>, vector<16xf32>
        %max3A_2645 = arith.maximumf %max3A_2631, %select_n3A_2644 : vector<16xf32>
        %add3A_2646 = arith.constant 112 : i32
        %add3A_2647 = arith.addi %mul3A_2329, %add3A_2646 : i32
        %add3A_2648 = vector.broadcast %add3A_2647 : i32 to vector<16xi32>
        %add3A_2649 = arith.addi %add3A_2648, %iota3A : vector<16xi32>
        %eq3A_2650 = vector.broadcast %reduce_min3A_2493 : i32 to vector<16xi32>
        %eq3A_2651 = arith.cmpi eq, %add3A_2649, %eq3A_2650 : vector<16xi32>
        %add3A_2652 = arith.constant 112 : i32
        %add3A_2653 = arith.addi %mul3A_2329, %add3A_2652 : i32
        %get3A_2654 = arith.index_cast %add3A_2653 : i32 to index
        %get3A_2655 = tpu.vector_load %arg13[%get3A_2654] {strides = array<i32>} : memref<10240xf32, #tpu.memory_space<vmem>>, vector<16xf32>,
        %jit3A_2656 = arith.constant 0xFF800000 : f32
        %broadcast_in_dim3A_2657 = vector.broadcast %jit3A_2656 : f32 to vector<16xf32>
        %select_n3A_2658 = arith.select %eq3A_2651, %broadcast_in_dim3A_2657, %get3A_2655 : vector<16xi1>, vector<16xf32>
        %max3A_2659 = arith.maximumf %max3A_2645, %select_n3A_2658 : vector<16xf32>
        %reduce_max3A_2660 = arith.constant true
        %reduce_max3A_2661 = vector.broadcast %reduce_max3A_2660 : i1 to vector<16xi1>
        %reduce_max3A_2662 = tpu.scan <max>, %max3A_2659 masked %reduce_max3A_2661 : vector<16xf32>, vector<16xi1> -> vector<16xf32>
        %reduce_max3A_2663 = vector.extract %reduce_max3A_2662[15] : f32 from vector<16xf32>
        %broadcast_in_dim3A_2664 = arith.constant 1073741824 : i32
        %broadcast_in_dim3A_2665 = vector.broadcast %broadcast_in_dim3A_2664 : i32 to vector<16xi32>
        %add3A_2666 = arith.constant 0 : i32
        %add3A_2667 = arith.addi %mul3A_2329, %add3A_2666 : i32
        %add3A_2668 = vector.broadcast %add3A_2667 : i32 to vector<16xi32>
        %add3A_2669 = arith.addi %add3A_2668, %iota3A : vector<16xi32>
        %eq3A_2670 = vector.broadcast %reduce_min3A_2493 : i32 to vector<16xi32>
        %eq3A_2671 = arith.cmpi eq, %add3A_2669, %eq3A_2670 : vector<16xi32>
        %add3A_2672 = arith.constant 0 : i32
        %add3A_2673 = arith.addi %mul3A_2329, %add3A_2672 : i32
        %get3A_2674 = arith.index_cast %add3A_2673 : i32 to index
        %get3A_2675 = tpu.vector_load %arg13[%get3A_2674] {strides = array<i32>} : memref<10240xf32, #tpu.memory_space<vmem>>, vector<16xf32>,
        %jit3A_2676 = arith.constant 0xFF800000 : f32
        %broadcast_in_dim3A_2677 = vector.broadcast %jit3A_2676 : f32 to vector<16xf32>
        %select_n3A_2678 = arith.select %eq3A_2671, %broadcast_in_dim3A_2677, %get3A_2675 : vector<16xi1>, vector<16xf32>
        %eq3A_2679 = vector.broadcast %reduce_max3A_2663 : f32 to vector<16xf32>
        %eq3A_2680 = arith.cmpf oeq, %select_n3A_2678, %eq3A_2679 : vector<16xf32>
        %add3A_2681 = arith.constant 0 : i32
        %add3A_2682 = arith.addi %mul3A_2329, %add3A_2681 : i32
        %add3A_2683 = vector.broadcast %add3A_2682 : i32 to vector<16xi32>
        %add3A_2684 = arith.addi %add3A_2683, %iota3A : vector<16xi32>
        %jit3A_2685 = arith.constant 1073741824 : i32
        %broadcast_in_dim3A_2686 = vector.broadcast %jit3A_2685 : i32 to vector<16xi32>
        %select_n3A_2687 = arith.select %eq3A_2680, %add3A_2684, %broadcast_in_dim3A_2686 : vector<16xi1>, vector<16xi32>
        %min3A_2688 = arith.minsi %broadcast_in_dim3A_2665, %select_n3A_2687 : vector<16xi32>
        %add3A_2689 = arith.constant 16 : i32
        %add3A_2690 = arith.addi %mul3A_2329, %add3A_2689 : i32
        %add3A_2691 = vector.broadcast %add3A_2690 : i32 to vector<16xi32>
        %add3A_2692 = arith.addi %add3A_2691, %iota3A : vector<16xi32>
        %eq3A_2693 = vector.broadcast %reduce_min3A_2493 : i32 to vector<16xi32>
        %eq3A_2694 = arith.cmpi eq, %add3A_2692, %eq3A_2693 : vector<16xi32>
        %add3A_2695 = arith.constant 16 : i32
        %add3A_2696 = arith.addi %mul3A_2329, %add3A_2695 : i32
        %get3A_2697 = arith.index_cast %add3A_2696 : i32 to index
        %get3A_2698 = tpu.vector_load %arg13[%get3A_2697] {strides = array<i32>} : memref<10240xf32, #tpu.memory_space<vmem>>, vector<16xf32>,
        %jit3A_2699 = arith.constant 0xFF800000 : f32
        %broadcast_in_dim3A_2700 = vector.broadcast %jit3A_2699 : f32 to vector<16xf32>
        %select_n3A_2701 = arith.select %eq3A_2694, %broadcast_in_dim3A_2700, %get3A_2698 : vector<16xi1>, vector<16xf32>
        %eq3A_2702 = vector.broadcast %reduce_max3A_2663 : f32 to vector<16xf32>
        %eq3A_2703 = arith.cmpf oeq, %select_n3A_2701, %eq3A_2702 : vector<16xf32>
        %add3A_2704 = arith.constant 16 : i32
        %add3A_2705 = arith.addi %mul3A_2329, %add3A_2704 : i32
        %add3A_2706 = vector.broadcast %add3A_2705 : i32 to vector<16xi32>
        %add3A_2707 = arith.addi %add3A_2706, %iota3A : vector<16xi32>
        %jit3A_2708 = arith.constant 1073741824 : i32
        %broadcast_in_dim3A_2709 = vector.broadcast %jit3A_2708 : i32 to vector<16xi32>
        %select_n3A_2710 = arith.select %eq3A_2703, %add3A_2707, %broadcast_in_dim3A_2709 : vector<16xi1>, vector<16xi32>
        %min3A_2711 = arith.minsi %min3A_2688, %select_n3A_2710 : vector<16xi32>
        %add3A_2712 = arith.constant 32 : i32
        %add3A_2713 = arith.addi %mul3A_2329, %add3A_2712 : i32
        %add3A_2714 = vector.broadcast %add3A_2713 : i32 to vector<16xi32>
        %add3A_2715 = arith.addi %add3A_2714, %iota3A : vector<16xi32>
        %eq3A_2716 = vector.broadcast %reduce_min3A_2493 : i32 to vector<16xi32>
        %eq3A_2717 = arith.cmpi eq, %add3A_2715, %eq3A_2716 : vector<16xi32>
        %add3A_2718 = arith.constant 32 : i32
        %add3A_2719 = arith.addi %mul3A_2329, %add3A_2718 : i32
        %get3A_2720 = arith.index_cast %add3A_2719 : i32 to index
        %get3A_2721 = tpu.vector_load %arg13[%get3A_2720] {strides = array<i32>} : memref<10240xf32, #tpu.memory_space<vmem>>, vector<16xf32>,
        %jit3A_2722 = arith.constant 0xFF800000 : f32
        %broadcast_in_dim3A_2723 = vector.broadcast %jit3A_2722 : f32 to vector<16xf32>
        %select_n3A_2724 = arith.select %eq3A_2717, %broadcast_in_dim3A_2723, %get3A_2721 : vector<16xi1>, vector<16xf32>
        %eq3A_2725 = vector.broadcast %reduce_max3A_2663 : f32 to vector<16xf32>
        %eq3A_2726 = arith.cmpf oeq, %select_n3A_2724, %eq3A_2725 : vector<16xf32>
        %add3A_2727 = arith.constant 32 : i32
        %add3A_2728 = arith.addi %mul3A_2329, %add3A_2727 : i32
        %add3A_2729 = vector.broadcast %add3A_2728 : i32 to vector<16xi32>
        %add3A_2730 = arith.addi %add3A_2729, %iota3A : vector<16xi32>
        %jit3A_2731 = arith.constant 1073741824 : i32
        %broadcast_in_dim3A_2732 = vector.broadcast %jit3A_2731 : i32 to vector<16xi32>
        %select_n3A_2733 = arith.select %eq3A_2726, %add3A_2730, %broadcast_in_dim3A_2732 : vector<16xi1>, vector<16xi32>
        %min3A_2734 = arith.minsi %min3A_2711, %select_n3A_2733 : vector<16xi32>
        %add3A_2735 = arith.constant 48 : i32
        %add3A_2736 = arith.addi %mul3A_2329, %add3A_2735 : i32
        %add3A_2737 = vector.broadcast %add3A_2736 : i32 to vector<16xi32>
        %add3A_2738 = arith.addi %add3A_2737, %iota3A : vector<16xi32>
        %eq3A_2739 = vector.broadcast %reduce_min3A_2493 : i32 to vector<16xi32>
        %eq3A_2740 = arith.cmpi eq, %add3A_2738, %eq3A_2739 : vector<16xi32>
        %add3A_2741 = arith.constant 48 : i32
        %add3A_2742 = arith.addi %mul3A_2329, %add3A_2741 : i32
        %get3A_2743 = arith.index_cast %add3A_2742 : i32 to index
        %get3A_2744 = tpu.vector_load %arg13[%get3A_2743] {strides = array<i32>} : memref<10240xf32, #tpu.memory_space<vmem>>, vector<16xf32>,
        %jit3A_2745 = arith.constant 0xFF800000 : f32
        %broadcast_in_dim3A_2746 = vector.broadcast %jit3A_2745 : f32 to vector<16xf32>
        %select_n3A_2747 = arith.select %eq3A_2740, %broadcast_in_dim3A_2746, %get3A_2744 : vector<16xi1>, vector<16xf32>
        %eq3A_2748 = vector.broadcast %reduce_max3A_2663 : f32 to vector<16xf32>
        %eq3A_2749 = arith.cmpf oeq, %select_n3A_2747, %eq3A_2748 : vector<16xf32>
        %add3A_2750 = arith.constant 48 : i32
        %add3A_2751 = arith.addi %mul3A_2329, %add3A_2750 : i32
        %add3A_2752 = vector.broadcast %add3A_2751 : i32 to vector<16xi32>
        %add3A_2753 = arith.addi %add3A_2752, %iota3A : vector<16xi32>
        %jit3A_2754 = arith.constant 1073741824 : i32
        %broadcast_in_dim3A_2755 = vector.broadcast %jit3A_2754 : i32 to vector<16xi32>
        %select_n3A_2756 = arith.select %eq3A_2749, %add3A_2753, %broadcast_in_dim3A_2755 : vector<16xi1>, vector<16xi32>
        %min3A_2757 = arith.minsi %min3A_2734, %select_n3A_2756 : vector<16xi32>
        %add3A_2758 = arith.constant 64 : i32
        %add3A_2759 = arith.addi %mul3A_2329, %add3A_2758 : i32
        %add3A_2760 = vector.broadcast %add3A_2759 : i32 to vector<16xi32>
        %add3A_2761 = arith.addi %add3A_2760, %iota3A : vector<16xi32>
        %eq3A_2762 = vector.broadcast %reduce_min3A_2493 : i32 to vector<16xi32>
        %eq3A_2763 = arith.cmpi eq, %add3A_2761, %eq3A_2762 : vector<16xi32>
        %add3A_2764 = arith.constant 64 : i32
        %add3A_2765 = arith.addi %mul3A_2329, %add3A_2764 : i32
        %get3A_2766 = arith.index_cast %add3A_2765 : i32 to index
        %get3A_2767 = tpu.vector_load %arg13[%get3A_2766] {strides = array<i32>} : memref<10240xf32, #tpu.memory_space<vmem>>, vector<16xf32>,
        %jit3A_2768 = arith.constant 0xFF800000 : f32
        %broadcast_in_dim3A_2769 = vector.broadcast %jit3A_2768 : f32 to vector<16xf32>
        %select_n3A_2770 = arith.select %eq3A_2763, %broadcast_in_dim3A_2769, %get3A_2767 : vector<16xi1>, vector<16xf32>
        %eq3A_2771 = vector.broadcast %reduce_max3A_2663 : f32 to vector<16xf32>
        %eq3A_2772 = arith.cmpf oeq, %select_n3A_2770, %eq3A_2771 : vector<16xf32>
        %add3A_2773 = arith.constant 64 : i32
        %add3A_2774 = arith.addi %mul3A_2329, %add3A_2773 : i32
        %add3A_2775 = vector.broadcast %add3A_2774 : i32 to vector<16xi32>
        %add3A_2776 = arith.addi %add3A_2775, %iota3A : vector<16xi32>
        %jit3A_2777 = arith.constant 1073741824 : i32
        %broadcast_in_dim3A_2778 = vector.broadcast %jit3A_2777 : i32 to vector<16xi32>
        %select_n3A_2779 = arith.select %eq3A_2772, %add3A_2776, %broadcast_in_dim3A_2778 : vector<16xi1>, vector<16xi32>
        %min3A_2780 = arith.minsi %min3A_2757, %select_n3A_2779 : vector<16xi32>
        %add3A_2781 = arith.constant 80 : i32
        %add3A_2782 = arith.addi %mul3A_2329, %add3A_2781 : i32
        %add3A_2783 = vector.broadcast %add3A_2782 : i32 to vector<16xi32>
        %add3A_2784 = arith.addi %add3A_2783, %iota3A : vector<16xi32>
        %eq3A_2785 = vector.broadcast %reduce_min3A_2493 : i32 to vector<16xi32>
        %eq3A_2786 = arith.cmpi eq, %add3A_2784, %eq3A_2785 : vector<16xi32>
        %add3A_2787 = arith.constant 80 : i32
        %add3A_2788 = arith.addi %mul3A_2329, %add3A_2787 : i32
        %get3A_2789 = arith.index_cast %add3A_2788 : i32 to index
        %get3A_2790 = tpu.vector_load %arg13[%get3A_2789] {strides = array<i32>} : memref<10240xf32, #tpu.memory_space<vmem>>, vector<16xf32>,
        %jit3A_2791 = arith.constant 0xFF800000 : f32
        %broadcast_in_dim3A_2792 = vector.broadcast %jit3A_2791 : f32 to vector<16xf32>
        %select_n3A_2793 = arith.select %eq3A_2786, %broadcast_in_dim3A_2792, %get3A_2790 : vector<16xi1>, vector<16xf32>
        %eq3A_2794 = vector.broadcast %reduce_max3A_2663 : f32 to vector<16xf32>
        %eq3A_2795 = arith.cmpf oeq, %select_n3A_2793, %eq3A_2794 : vector<16xf32>
        %add3A_2796 = arith.constant 80 : i32
        %add3A_2797 = arith.addi %mul3A_2329, %add3A_2796 : i32
        %add3A_2798 = vector.broadcast %add3A_2797 : i32 to vector<16xi32>
        %add3A_2799 = arith.addi %add3A_2798, %iota3A : vector<16xi32>
        %jit3A_2800 = arith.constant 1073741824 : i32
        %broadcast_in_dim3A_2801 = vector.broadcast %jit3A_2800 : i32 to vector<16xi32>
        %select_n3A_2802 = arith.select %eq3A_2795, %add3A_2799, %broadcast_in_dim3A_2801 : vector<16xi1>, vector<16xi32>
        %min3A_2803 = arith.minsi %min3A_2780, %select_n3A_2802 : vector<16xi32>
        %add3A_2804 = arith.constant 96 : i32
        %add3A_2805 = arith.addi %mul3A_2329, %add3A_2804 : i32
        %add3A_2806 = vector.broadcast %add3A_2805 : i32 to vector<16xi32>
        %add3A_2807 = arith.addi %add3A_2806, %iota3A : vector<16xi32>
        %eq3A_2808 = vector.broadcast %reduce_min3A_2493 : i32 to vector<16xi32>
        %eq3A_2809 = arith.cmpi eq, %add3A_2807, %eq3A_2808 : vector<16xi32>
        %add3A_2810 = arith.constant 96 : i32
        %add3A_2811 = arith.addi %mul3A_2329, %add3A_2810 : i32
        %get3A_2812 = arith.index_cast %add3A_2811 : i32 to index
        %get3A_2813 = tpu.vector_load %arg13[%get3A_2812] {strides = array<i32>} : memref<10240xf32, #tpu.memory_space<vmem>>, vector<16xf32>,
        %jit3A_2814 = arith.constant 0xFF800000 : f32
        %broadcast_in_dim3A_2815 = vector.broadcast %jit3A_2814 : f32 to vector<16xf32>
        %select_n3A_2816 = arith.select %eq3A_2809, %broadcast_in_dim3A_2815, %get3A_2813 : vector<16xi1>, vector<16xf32>
        %eq3A_2817 = vector.broadcast %reduce_max3A_2663 : f32 to vector<16xf32>
        %eq3A_2818 = arith.cmpf oeq, %select_n3A_2816, %eq3A_2817 : vector<16xf32>
        %add3A_2819 = arith.constant 96 : i32
        %add3A_2820 = arith.addi %mul3A_2329, %add3A_2819 : i32
        %add3A_2821 = vector.broadcast %add3A_2820 : i32 to vector<16xi32>
        %add3A_2822 = arith.addi %add3A_2821, %iota3A : vector<16xi32>
        %jit3A_2823 = arith.constant 1073741824 : i32
        %broadcast_in_dim3A_2824 = vector.broadcast %jit3A_2823 : i32 to vector<16xi32>
        %select_n3A_2825 = arith.select %eq3A_2818, %add3A_2822, %broadcast_in_dim3A_2824 : vector<16xi1>, vector<16xi32>
        %min3A_2826 = arith.minsi %min3A_2803, %select_n3A_2825 : vector<16xi32>
        %add3A_2827 = arith.constant 112 : i32
        %add3A_2828 = arith.addi %mul3A_2329, %add3A_2827 : i32
        %add3A_2829 = vector.broadcast %add3A_2828 : i32 to vector<16xi32>
        %add3A_2830 = arith.addi %add3A_2829, %iota3A : vector<16xi32>
        %eq3A_2831 = vector.broadcast %reduce_min3A_2493 : i32 to vector<16xi32>
        %eq3A_2832 = arith.cmpi eq, %add3A_2830, %eq3A_2831 : vector<16xi32>
        %add3A_2833 = arith.constant 112 : i32
        %add3A_2834 = arith.addi %mul3A_2329, %add3A_2833 : i32
        %get3A_2835 = arith.index_cast %add3A_2834 : i32 to index
        %get3A_2836 = tpu.vector_load %arg13[%get3A_2835] {strides = array<i32>} : memref<10240xf32, #tpu.memory_space<vmem>>, vector<16xf32>,
        %jit3A_2837 = arith.constant 0xFF800000 : f32
        %broadcast_in_dim3A_2838 = vector.broadcast %jit3A_2837 : f32 to vector<16xf32>
        %select_n3A_2839 = arith.select %eq3A_2832, %broadcast_in_dim3A_2838, %get3A_2836 : vector<16xi1>, vector<16xf32>
        %eq3A_2840 = vector.broadcast %reduce_max3A_2663 : f32 to vector<16xf32>
        %eq3A_2841 = arith.cmpf oeq, %select_n3A_2839, %eq3A_2840 : vector<16xf32>
        %add3A_2842 = arith.constant 112 : i32
        %add3A_2843 = arith.addi %mul3A_2329, %add3A_2842 : i32
        %add3A_2844 = vector.broadcast %add3A_2843 : i32 to vector<16xi32>
        %add3A_2845 = arith.addi %add3A_2844, %iota3A : vector<16xi32>
        %jit3A_2846 = arith.constant 1073741824 : i32
        %broadcast_in_dim3A_2847 = vector.broadcast %jit3A_2846 : i32 to vector<16xi32>
        %select_n3A_2848 = arith.select %eq3A_2841, %add3A_2845, %broadcast_in_dim3A_2847 : vector<16xi1>, vector<16xi32>
        %min3A_2849 = arith.minsi %min3A_2826, %select_n3A_2848 : vector<16xi32>
        %reduce_min3A_2850 = arith.constant true
        %reduce_min3A_2851 = vector.broadcast %reduce_min3A_2850 : i1 to vector<16xi1>
        %reduce_min3A_2852 = arith.constant -2147483648 : i32
        %reduce_min3A_2853 = vector.broadcast %reduce_min3A_2852 : i32 to vector<16xi32>
        %reduce_min3A_2854 = arith.xori %min3A_2849, %reduce_min3A_2853 : vector<16xi32>
        %reduce_min3A_2855 = tpu.scan <min>, %reduce_min3A_2854 masked %reduce_min3A_2851 : vector<16xi32>, vector<16xi1> -> vector<16xi32>
        %reduce_min3A_2856 = arith.xori %reduce_min3A_2855, %reduce_min3A_2853 : vector<16xi32>
        %reduce_min3A_2857 = vector.extract %reduce_min3A_2856[15] : i32 from vector<16xi32>
        %add3A_2858 = arith.constant 80 : i32
        %add3A_2859 = arith.addi %add3A_2858, %scan3A_2327 : i32
        %dma_start3A_2860 = arith.constant 0 : i32
        %dma_start3A_2861 = tpu.memref_slice %arg16[%add3A_2859, %dma_start3A_2860] : memref<260x128xf32, #tpu.memory_space<vmem>> -> memref<1x128xf32, #tpu.memory_space<vmem>>
        %dma_start3A_2862 = tpu.memref_squeeze %dma_start3A_2861 : memref<1x128xf32, #tpu.memory_space<vmem>> -> memref<128xf32, #tpu.memory_space<vmem>>
        %dma_start3A_2863 = arith.constant 0 : i32
        %dma_start3A_2864 = tpu.memref_slice %arg2[%add3A, %reduce_min3A_2857, %dma_start3A_2863] : memref<16x10240x128xf32, #tpu.memory_space<hbm>> -> memref<1x1x128xf32, #tpu.memory_space<hbm>>
        %dma_start3A_2865 = tpu.memref_squeeze %dma_start3A_2864 : memref<1x1x128xf32, #tpu.memory_space<hbm>> -> memref<128xf32, #tpu.memory_space<hbm>>
        %dma_start3A_2866 = arith.constant 0 : i32
        %dma_start3A_2867 = tpu.memref_slice %arg16[%add3A_2859, %dma_start3A_2866] : memref<260x128xf32, #tpu.memory_space<vmem>> -> memref<1x128xf32, #tpu.memory_space<vmem>>
        %dma_start3A_2868 = tpu.memref_squeeze %dma_start3A_2867 : memref<1x128xf32, #tpu.memory_space<vmem>> -> memref<128xf32, #tpu.memory_space<vmem>>
        %dma_start3A_2869 = arith.constant 0 : i32
        %dma_start3A_2870 = tpu.memref_slice %arg2[%add3A, %reduce_min3A_2857, %dma_start3A_2869] : memref<16x10240x128xf32, #tpu.memory_space<hbm>> -> memref<1x1x128xf32, #tpu.memory_space<hbm>>
        %dma_start3A_2871 = tpu.memref_squeeze %dma_start3A_2870 : memref<1x1x128xf32, #tpu.memory_space<hbm>> -> memref<128xf32, #tpu.memory_space<hbm>>
        tpu.enqueue_dma source(%dma_start3A_2871 : memref<128xf32, #tpu.memory_space<hbm>>) target(%dma_start3A_2868 : memref<128xf32, #tpu.memory_space<vmem>>) target_semaphore(%arg25 : memref<!tpu.dma_semaphore, #tpu.memory_space<semaphore_mem>>)
        %jit3A_2872 = arith.constant 16 : i32
        %div3A_2873 = arith.divsi %reduce_min3A_2857, %jit3A_2872 : i32
        %sign3A_2874 = arith.constant 0 : i32
        %sign3A_2875 = arith.cmpi sgt, %reduce_min3A_2857, %sign3A_2874 : i32
        %sign3A_2876 = arith.extui %sign3A_2875 : i1 to i32
        %sign3A_2877 = arith.constant 0 : i32
        %sign3A_2878 = arith.cmpi slt, %reduce_min3A_2857, %sign3A_2877 : i32
        %sign3A_2879 = arith.extui %sign3A_2878 : i1 to i32
        %sign3A_2880 = arith.subi %sign3A_2876, %sign3A_2879 : i32
        %sign3A_2881 = arith.constant 0 : i32
        %sign3A_2882 = arith.cmpi sgt, %jit3A_2872, %sign3A_2881 : i32
        %sign3A_2883 = arith.extui %sign3A_2882 : i1 to i32
        %sign3A_2884 = arith.constant 0 : i32
        %sign3A_2885 = arith.cmpi slt, %jit3A_2872, %sign3A_2884 : i32
        %sign3A_2886 = arith.extui %sign3A_2885 : i1 to i32
        %sign3A_2887 = arith.subi %sign3A_2883, %sign3A_2886 : i32
        %ne3A_2888 = arith.cmpi ne, %sign3A_2880, %sign3A_2887 : i32
        %rem3A_2889 = arith.remsi %reduce_min3A_2857, %jit3A_2872 : i32
        %ne3A_2890 = arith.constant 0 : i32
        %ne3A_2891 = arith.cmpi ne, %rem3A_2889, %ne3A_2890 : i32
        %and3A_2892 = arith.andi %ne3A_2888, %ne3A_2891 : i1
        %sub3A_2893 = arith.constant 1 : i32
        %sub3A_2894 = arith.subi %div3A_2873, %sub3A_2893 : i32
        %select_n3A_2895 = arith.select %and3A_2892, %sub3A_2894, %div3A_2873 : i32
        %mul3A_2896 = arith.constant 16 : i32
        %mul3A_2897 = arith.muli %select_n3A_2895, %mul3A_2896 : i32
        %add3A_2898 = vector.broadcast %mul3A_2897 : i32 to vector<16xi32>
        %add3A_2899 = arith.addi %add3A_2898, %iota3A : vector<16xi32>
        %eq3A_2900 = vector.broadcast %reduce_min3A_2857 : i32 to vector<16xi32>
        %eq3A_2901 = arith.cmpi eq, %add3A_2899, %eq3A_2900 : vector<16xi32>
        %add3A_2902 = arith.constant 80 : i32
        %add3A_2903 = arith.addi %add3A_2902, %scan3A_2327 : i32
        %mul3A_2904 = arith.constant 16 : i32
        %mul3A_2905 = arith.muli %select_n3A_2895, %mul3A_2904 : i32
        %get3A_2906 = arith.index_cast %mul3A_2905 : i32 to index
        %get3A_2907 = tpu.vector_load %arg15[%get3A_2906] {strides = array<i32>} : memref<10256xi32, #tpu.memory_space<vmem>>, vector<16xi32>,
        %broadcast_in_dim3A_2908 = vector.broadcast %add3A_2903 : i32 to vector<16xi32>
        %select_n3A_2909 = arith.select %eq3A_2901, %broadcast_in_dim3A_2908, %get3A_2907 : vector<16xi1>, vector<16xi32>
        %mul3A_2910 = arith.constant 16 : i32
        %mul3A_2911 = arith.muli %select_n3A_2895, %mul3A_2910 : i32
        %swap3A_2912 = arith.index_cast %mul3A_2911 : i32 to index
        %swap3A_2913 = tpu.vector_load %arg15[%swap3A_2912] {strides = array<i32>} : memref<10256xi32, #tpu.memory_space<vmem>>, vector<16xi32>,
        tpu.vector_store %arg15[%swap3A_2912], %select_n3A_2909 {strides = array<i32>} : memref<10256xi32, #tpu.memory_space<vmem>>, vector<16xi32>,
      }
      %scan3A_75 = arith.constant 80 : i32
      %dma_wait3A = arith.constant 0 : i32
      %dma_wait3A_76 = arith.constant 0 : i32
      %dma_wait3A_77 = tpu.memref_slice %arg16[%dma_wait3A, %dma_wait3A_76] : memref<260x128xf32, #tpu.memory_space<vmem>> -> memref<160x128xf32, #tpu.memory_space<vmem>>
      %dma_wait3A_78 = arith.constant 0 : i32
      %dma_wait3A_79 = arith.constant 0 : i32
      %dma_wait3A_80 = tpu.memref_slice %arg2[%add3A, %dma_wait3A_78, %dma_wait3A_79] : memref<16x10240x128xf32, #tpu.memory_space<hbm>> -> memref<1x160x128xf32, #tpu.memory_space<hbm>>
      %dma_wait3A_81 = tpu.memref_squeeze %dma_wait3A_80 : memref<1x160x128xf32, #tpu.memory_space<hbm>> -> memref<160x128xf32, #tpu.memory_space<hbm>>
      %dma_wait3A_82 = arith.constant 0 : i32
      %dma_wait3A_83 = arith.constant 0 : i32
      %dma_wait3A_84 = tpu.memref_slice %arg16[%dma_wait3A_82, %dma_wait3A_83] : memref<260x128xf32, #tpu.memory_space<vmem>> -> memref<160x128xf32, #tpu.memory_space<vmem>>
      %dma_wait3A_85 = arith.constant 0 : i32
      %dma_wait3A_86 = arith.constant 0 : i32
      %dma_wait3A_87 = tpu.memref_slice %arg2[%add3A, %dma_wait3A_85, %dma_wait3A_86] : memref<16x10240x128xf32, #tpu.memory_space<hbm>> -> memref<1x160x128xf32, #tpu.memory_space<hbm>>
      %dma_wait3A_88 = tpu.memref_squeeze %dma_wait3A_87 : memref<1x160x128xf32, #tpu.memory_space<hbm>> -> memref<160x128xf32, #tpu.memory_space<hbm>>
      tpu.wait_dma2 semaphore(%arg25 : memref<!tpu.dma_semaphore, #tpu.memory_space<semaphore_mem>>) src(%dma_wait3A_88 : memref<160x128xf32, #tpu.memory_space<hbm>>) dst(%dma_wait3A_84 : memref<160x128xf32, #tpu.memory_space<vmem>>)
      %scan3A_89 = arith.constant 0 : i32
      %scan3A_90 = arith.constant 0 : i32
      %scan3A_91 = arith.constant 100 : i32
      %scan3A_92 = arith.addi %scan3A_90, %scan3A_91 : i32
      %scan3A_93 = arith.constant 1 : i32
      scf.for %scan3A_2327 = %scan3A_90 to %scan3A_92 step %scan3A_93  : i32 {
        %broadcast_in_dim3A_2328 = arith.constant 0xFF800000 : f32
        %broadcast_in_dim3A_2329 = vector.broadcast %broadcast_in_dim3A_2328 : f32 to vector<16xf32>
        %get3A_2330 = arith.constant 0 : index
        %get3A_2331 = tpu.vector_load %arg14[%get3A_2330] {strides = array<i32>} : memref<80xf32, #tpu.memory_space<vmem>>, vector<16xf32>,
        %max3A = arith.maximumf %broadcast_in_dim3A_2329, %get3A_2331 : vector<16xf32>
        %get3A_2332 = arith.constant 16 : index
        %get3A_2333 = tpu.vector_load %arg14[%get3A_2332] {strides = array<i32>} : memref<80xf32, #tpu.memory_space<vmem>>, vector<16xf32>,
        %max3A_2334 = arith.maximumf %max3A, %get3A_2333 : vector<16xf32>
        %get3A_2335 = arith.constant 32 : index
        %get3A_2336 = tpu.vector_load %arg14[%get3A_2335] {strides = array<i32>} : memref<80xf32, #tpu.memory_space<vmem>>, vector<16xf32>,
        %max3A_2337 = arith.maximumf %max3A_2334, %get3A_2336 : vector<16xf32>
        %get3A_2338 = arith.constant 48 : index
        %get3A_2339 = tpu.vector_load %arg14[%get3A_2338] {strides = array<i32>} : memref<80xf32, #tpu.memory_space<vmem>>, vector<16xf32>,
        %max3A_2340 = arith.maximumf %max3A_2337, %get3A_2339 : vector<16xf32>
        %get3A_2341 = arith.constant 64 : index
        %get3A_2342 = tpu.vector_load %arg14[%get3A_2341] {strides = array<i32>} : memref<80xf32, #tpu.memory_space<vmem>>, vector<16xf32>,
        %max3A_2343 = arith.maximumf %max3A_2340, %get3A_2342 : vector<16xf32>
        %reduce_max3A = arith.constant true
        %reduce_max3A_2344 = vector.broadcast %reduce_max3A : i1 to vector<16xi1>
        %reduce_max3A_2345 = tpu.scan <max>, %max3A_2343 masked %reduce_max3A_2344 : vector<16xf32>, vector<16xi1> -> vector<16xf32>
        %reduce_max3A_2346 = vector.extract %reduce_max3A_2345[15] : f32 from vector<16xf32>
        %broadcast_in_dim3A_2347 = arith.constant 1073741824 : i32
        %broadcast_in_dim3A_2348 = vector.broadcast %broadcast_in_dim3A_2347 : i32 to vector<16xi32>
        %get3A_2349 = arith.constant 0 : index
        %get3A_2350 = tpu.vector_load %arg14[%get3A_2349] {strides = array<i32>} : memref<80xf32, #tpu.memory_space<vmem>>, vector<16xf32>,
        %eq3A_2351 = vector.broadcast %reduce_max3A_2346 : f32 to vector<16xf32>
        %eq3A_2352 = arith.cmpf oeq, %get3A_2350, %eq3A_2351 : vector<16xf32>
        %add3A_2353 = arith.constant 0 : i32
        %add3A_2354 = vector.broadcast %add3A_2353 : i32 to vector<16xi32>
        %add3A_2355 = arith.addi %add3A_2354, %iota3A : vector<16xi32>
        %jit3A_2356 = arith.constant 1073741824 : i32
        %broadcast_in_dim3A_2357 = vector.broadcast %jit3A_2356 : i32 to vector<16xi32>
        %select_n3A_2358 = arith.select %eq3A_2352, %add3A_2355, %broadcast_in_dim3A_2357 : vector<16xi1>, vector<16xi32>
        %min3A = arith.minsi %broadcast_in_dim3A_2348, %select_n3A_2358 : vector<16xi32>
        %get3A_2359 = arith.constant 16 : index
        %get3A_2360 = tpu.vector_load %arg14[%get3A_2359] {strides = array<i32>} : memref<80xf32, #tpu.memory_space<vmem>>, vector<16xf32>,
        %eq3A_2361 = vector.broadcast %reduce_max3A_2346 : f32 to vector<16xf32>
        %eq3A_2362 = arith.cmpf oeq, %get3A_2360, %eq3A_2361 : vector<16xf32>
        %add3A_2363 = arith.constant 16 : i32
        %add3A_2364 = vector.broadcast %add3A_2363 : i32 to vector<16xi32>
        %add3A_2365 = arith.addi %add3A_2364, %iota3A : vector<16xi32>
        %jit3A_2366 = arith.constant 1073741824 : i32
        %broadcast_in_dim3A_2367 = vector.broadcast %jit3A_2366 : i32 to vector<16xi32>
        %select_n3A_2368 = arith.select %eq3A_2362, %add3A_2365, %broadcast_in_dim3A_2367 : vector<16xi1>, vector<16xi32>
        %min3A_2369 = arith.minsi %min3A, %select_n3A_2368 : vector<16xi32>
        %get3A_2370 = arith.constant 32 : index
        %get3A_2371 = tpu.vector_load %arg14[%get3A_2370] {strides = array<i32>} : memref<80xf32, #tpu.memory_space<vmem>>, vector<16xf32>,
        %eq3A_2372 = vector.broadcast %reduce_max3A_2346 : f32 to vector<16xf32>
        %eq3A_2373 = arith.cmpf oeq, %get3A_2371, %eq3A_2372 : vector<16xf32>
        %add3A_2374 = arith.constant 32 : i32
        %add3A_2375 = vector.broadcast %add3A_2374 : i32 to vector<16xi32>
        %add3A_2376 = arith.addi %add3A_2375, %iota3A : vector<16xi32>
        %jit3A_2377 = arith.constant 1073741824 : i32
        %broadcast_in_dim3A_2378 = vector.broadcast %jit3A_2377 : i32 to vector<16xi32>
        %select_n3A_2379 = arith.select %eq3A_2373, %add3A_2376, %broadcast_in_dim3A_2378 : vector<16xi1>, vector<16xi32>
        %min3A_2380 = arith.minsi %min3A_2369, %select_n3A_2379 : vector<16xi32>
        %get3A_2381 = arith.constant 48 : index
        %get3A_2382 = tpu.vector_load %arg14[%get3A_2381] {strides = array<i32>} : memref<80xf32, #tpu.memory_space<vmem>>, vector<16xf32>,
        %eq3A_2383 = vector.broadcast %reduce_max3A_2346 : f32 to vector<16xf32>
        %eq3A_2384 = arith.cmpf oeq, %get3A_2382, %eq3A_2383 : vector<16xf32>
        %add3A_2385 = arith.constant 48 : i32
        %add3A_2386 = vector.broadcast %add3A_2385 : i32 to vector<16xi32>
        %add3A_2387 = arith.addi %add3A_2386, %iota3A : vector<16xi32>
        %jit3A_2388 = arith.constant 1073741824 : i32
        %broadcast_in_dim3A_2389 = vector.broadcast %jit3A_2388 : i32 to vector<16xi32>
        %select_n3A_2390 = arith.select %eq3A_2384, %add3A_2387, %broadcast_in_dim3A_2389 : vector<16xi1>, vector<16xi32>
        %min3A_2391 = arith.minsi %min3A_2380, %select_n3A_2390 : vector<16xi32>
        %get3A_2392 = arith.constant 64 : index
        %get3A_2393 = tpu.vector_load %arg14[%get3A_2392] {strides = array<i32>} : memref<80xf32, #tpu.memory_space<vmem>>, vector<16xf32>,
        %eq3A_2394 = vector.broadcast %reduce_max3A_2346 : f32 to vector<16xf32>
        %eq3A_2395 = arith.cmpf oeq, %get3A_2393, %eq3A_2394 : vector<16xf32>
        %add3A_2396 = arith.constant 64 : i32
        %add3A_2397 = vector.broadcast %add3A_2396 : i32 to vector<16xi32>
        %add3A_2398 = arith.addi %add3A_2397, %iota3A : vector<16xi32>
        %jit3A_2399 = arith.constant 1073741824 : i32
        %broadcast_in_dim3A_2400 = vector.broadcast %jit3A_2399 : i32 to vector<16xi32>
        %select_n3A_2401 = arith.select %eq3A_2395, %add3A_2398, %broadcast_in_dim3A_2400 : vector<16xi1>, vector<16xi32>
        %min3A_2402 = arith.minsi %min3A_2391, %select_n3A_2401 : vector<16xi32>
        %reduce_min3A = arith.constant true
        %reduce_min3A_2403 = vector.broadcast %reduce_min3A : i1 to vector<16xi1>
        %reduce_min3A_2404 = arith.constant -2147483648 : i32
        %reduce_min3A_2405 = vector.broadcast %reduce_min3A_2404 : i32 to vector<16xi32>
        %reduce_min3A_2406 = arith.xori %min3A_2402, %reduce_min3A_2405 : vector<16xi32>
        %reduce_min3A_2407 = tpu.scan <min>, %reduce_min3A_2406 masked %reduce_min3A_2403 : vector<16xi32>, vector<16xi1> -> vector<16xi32>
        %reduce_min3A_2408 = arith.xori %reduce_min3A_2407, %reduce_min3A_2405 : vector<16xi32>
        %reduce_min3A_2409 = vector.extract %reduce_min3A_2408[15] : i32 from vector<16xi32>
        %mul3A_2410 = arith.constant 128 : i32
        %mul3A_2411 = arith.muli %reduce_min3A_2409, %mul3A_2410 : i32
        %broadcast_in_dim3A_2412 = arith.constant 1073741824 : i32
        %broadcast_in_dim3A_2413 = vector.broadcast %broadcast_in_dim3A_2412 : i32 to vector<16xi32>
        %add3A_2414 = arith.constant 0 : i32
        %add3A_2415 = arith.addi %mul3A_2411, %add3A_2414 : i32
        %get3A_2416 = arith.index_cast %add3A_2415 : i32 to index
        %get3A_2417 = tpu.vector_load %arg13[%get3A_2416] {strides = array<i32>} : memref<10240xf32, #tpu.memory_space<vmem>>, vector<16xf32>,
        %eq3A_2418 = vector.broadcast %reduce_max3A_2346 : f32 to vector<16xf32>
        %eq3A_2419 = arith.cmpf oeq, %get3A_2417, %eq3A_2418 : vector<16xf32>
        %add3A_2420 = arith.constant 0 : i32
        %add3A_2421 = arith.addi %mul3A_2411, %add3A_2420 : i32
        %add3A_2422 = vector.broadcast %add3A_2421 : i32 to vector<16xi32>
        %add3A_2423 = arith.addi %add3A_2422, %iota3A : vector<16xi32>
        %jit3A_2424 = arith.constant 1073741824 : i32
        %broadcast_in_dim3A_2425 = vector.broadcast %jit3A_2424 : i32 to vector<16xi32>
        %select_n3A_2426 = arith.select %eq3A_2419, %add3A_2423, %broadcast_in_dim3A_2425 : vector<16xi1>, vector<16xi32>
        %min3A_2427 = arith.minsi %broadcast_in_dim3A_2413, %select_n3A_2426 : vector<16xi32>
        %add3A_2428 = arith.constant 16 : i32
        %add3A_2429 = arith.addi %mul3A_2411, %add3A_2428 : i32
        %get3A_2430 = arith.index_cast %add3A_2429 : i32 to index
        %get3A_2431 = tpu.vector_load %arg13[%get3A_2430] {strides = array<i32>} : memref<10240xf32, #tpu.memory_space<vmem>>, vector<16xf32>,
        %eq3A_2432 = vector.broadcast %reduce_max3A_2346 : f32 to vector<16xf32>
        %eq3A_2433 = arith.cmpf oeq, %get3A_2431, %eq3A_2432 : vector<16xf32>
        %add3A_2434 = arith.constant 16 : i32
        %add3A_2435 = arith.addi %mul3A_2411, %add3A_2434 : i32
        %add3A_2436 = vector.broadcast %add3A_2435 : i32 to vector<16xi32>
        %add3A_2437 = arith.addi %add3A_2436, %iota3A : vector<16xi32>
        %jit3A_2438 = arith.constant 1073741824 : i32
        %broadcast_in_dim3A_2439 = vector.broadcast %jit3A_2438 : i32 to vector<16xi32>
        %select_n3A_2440 = arith.select %eq3A_2433, %add3A_2437, %broadcast_in_dim3A_2439 : vector<16xi1>, vector<16xi32>
        %min3A_2441 = arith.minsi %min3A_2427, %select_n3A_2440 : vector<16xi32>
        %add3A_2442 = arith.constant 32 : i32
        %add3A_2443 = arith.addi %mul3A_2411, %add3A_2442 : i32
        %get3A_2444 = arith.index_cast %add3A_2443 : i32 to index
        %get3A_2445 = tpu.vector_load %arg13[%get3A_2444] {strides = array<i32>} : memref<10240xf32, #tpu.memory_space<vmem>>, vector<16xf32>,
        %eq3A_2446 = vector.broadcast %reduce_max3A_2346 : f32 to vector<16xf32>
        %eq3A_2447 = arith.cmpf oeq, %get3A_2445, %eq3A_2446 : vector<16xf32>
        %add3A_2448 = arith.constant 32 : i32
        %add3A_2449 = arith.addi %mul3A_2411, %add3A_2448 : i32
        %add3A_2450 = vector.broadcast %add3A_2449 : i32 to vector<16xi32>
        %add3A_2451 = arith.addi %add3A_2450, %iota3A : vector<16xi32>
        %jit3A_2452 = arith.constant 1073741824 : i32
        %broadcast_in_dim3A_2453 = vector.broadcast %jit3A_2452 : i32 to vector<16xi32>
        %select_n3A_2454 = arith.select %eq3A_2447, %add3A_2451, %broadcast_in_dim3A_2453 : vector<16xi1>, vector<16xi32>
        %min3A_2455 = arith.minsi %min3A_2441, %select_n3A_2454 : vector<16xi32>
        %add3A_2456 = arith.constant 48 : i32
        %add3A_2457 = arith.addi %mul3A_2411, %add3A_2456 : i32
        %get3A_2458 = arith.index_cast %add3A_2457 : i32 to index
        %get3A_2459 = tpu.vector_load %arg13[%get3A_2458] {strides = array<i32>} : memref<10240xf32, #tpu.memory_space<vmem>>, vector<16xf32>,
        %eq3A_2460 = vector.broadcast %reduce_max3A_2346 : f32 to vector<16xf32>
        %eq3A_2461 = arith.cmpf oeq, %get3A_2459, %eq3A_2460 : vector<16xf32>
        %add3A_2462 = arith.constant 48 : i32
        %add3A_2463 = arith.addi %mul3A_2411, %add3A_2462 : i32
        %add3A_2464 = vector.broadcast %add3A_2463 : i32 to vector<16xi32>
        %add3A_2465 = arith.addi %add3A_2464, %iota3A : vector<16xi32>
        %jit3A_2466 = arith.constant 1073741824 : i32
        %broadcast_in_dim3A_2467 = vector.broadcast %jit3A_2466 : i32 to vector<16xi32>
        %select_n3A_2468 = arith.select %eq3A_2461, %add3A_2465, %broadcast_in_dim3A_2467 : vector<16xi1>, vector<16xi32>
        %min3A_2469 = arith.minsi %min3A_2455, %select_n3A_2468 : vector<16xi32>
        %add3A_2470 = arith.constant 64 : i32
        %add3A_2471 = arith.addi %mul3A_2411, %add3A_2470 : i32
        %get3A_2472 = arith.index_cast %add3A_2471 : i32 to index
        %get3A_2473 = tpu.vector_load %arg13[%get3A_2472] {strides = array<i32>} : memref<10240xf32, #tpu.memory_space<vmem>>, vector<16xf32>,
        %eq3A_2474 = vector.broadcast %reduce_max3A_2346 : f32 to vector<16xf32>
        %eq3A_2475 = arith.cmpf oeq, %get3A_2473, %eq3A_2474 : vector<16xf32>
        %add3A_2476 = arith.constant 64 : i32
        %add3A_2477 = arith.addi %mul3A_2411, %add3A_2476 : i32
        %add3A_2478 = vector.broadcast %add3A_2477 : i32 to vector<16xi32>
        %add3A_2479 = arith.addi %add3A_2478, %iota3A : vector<16xi32>
        %jit3A_2480 = arith.constant 1073741824 : i32
        %broadcast_in_dim3A_2481 = vector.broadcast %jit3A_2480 : i32 to vector<16xi32>
        %select_n3A_2482 = arith.select %eq3A_2475, %add3A_2479, %broadcast_in_dim3A_2481 : vector<16xi1>, vector<16xi32>
        %min3A_2483 = arith.minsi %min3A_2469, %select_n3A_2482 : vector<16xi32>
        %add3A_2484 = arith.constant 80 : i32
        %add3A_2485 = arith.addi %mul3A_2411, %add3A_2484 : i32
        %get3A_2486 = arith.index_cast %add3A_2485 : i32 to index
        %get3A_2487 = tpu.vector_load %arg13[%get3A_2486] {strides = array<i32>} : memref<10240xf32, #tpu.memory_space<vmem>>, vector<16xf32>,
        %eq3A_2488 = vector.broadcast %reduce_max3A_2346 : f32 to vector<16xf32>
        %eq3A_2489 = arith.cmpf oeq, %get3A_2487, %eq3A_2488 : vector<16xf32>
        %add3A_2490 = arith.constant 80 : i32
        %add3A_2491 = arith.addi %mul3A_2411, %add3A_2490 : i32
        %add3A_2492 = vector.broadcast %add3A_2491 : i32 to vector<16xi32>
        %add3A_2493 = arith.addi %add3A_2492, %iota3A : vector<16xi32>
        %jit3A_2494 = arith.constant 1073741824 : i32
        %broadcast_in_dim3A_2495 = vector.broadcast %jit3A_2494 : i32 to vector<16xi32>
        %select_n3A_2496 = arith.select %eq3A_2489, %add3A_2493, %broadcast_in_dim3A_2495 : vector<16xi1>, vector<16xi32>
        %min3A_2497 = arith.minsi %min3A_2483, %select_n3A_2496 : vector<16xi32>
        %add3A_2498 = arith.constant 96 : i32
        %add3A_2499 = arith.addi %mul3A_2411, %add3A_2498 : i32
        %get3A_2500 = arith.index_cast %add3A_2499 : i32 to index
        %get3A_2501 = tpu.vector_load %arg13[%get3A_2500] {strides = array<i32>} : memref<10240xf32, #tpu.memory_space<vmem>>, vector<16xf32>,
        %eq3A_2502 = vector.broadcast %reduce_max3A_2346 : f32 to vector<16xf32>
        %eq3A_2503 = arith.cmpf oeq, %get3A_2501, %eq3A_2502 : vector<16xf32>
        %add3A_2504 = arith.constant 96 : i32
        %add3A_2505 = arith.addi %mul3A_2411, %add3A_2504 : i32
        %add3A_2506 = vector.broadcast %add3A_2505 : i32 to vector<16xi32>
        %add3A_2507 = arith.addi %add3A_2506, %iota3A : vector<16xi32>
        %jit3A_2508 = arith.constant 1073741824 : i32
        %broadcast_in_dim3A_2509 = vector.broadcast %jit3A_2508 : i32 to vector<16xi32>
        %select_n3A_2510 = arith.select %eq3A_2503, %add3A_2507, %broadcast_in_dim3A_2509 : vector<16xi1>, vector<16xi32>
        %min3A_2511 = arith.minsi %min3A_2497, %select_n3A_2510 : vector<16xi32>
        %add3A_2512 = arith.constant 112 : i32
        %add3A_2513 = arith.addi %mul3A_2411, %add3A_2512 : i32
        %get3A_2514 = arith.index_cast %add3A_2513 : i32 to index
        %get3A_2515 = tpu.vector_load %arg13[%get3A_2514] {strides = array<i32>} : memref<10240xf32, #tpu.memory_space<vmem>>, vector<16xf32>,
        %eq3A_2516 = vector.broadcast %reduce_max3A_2346 : f32 to vector<16xf32>
        %eq3A_2517 = arith.cmpf oeq, %get3A_2515, %eq3A_2516 : vector<16xf32>
        %add3A_2518 = arith.constant 112 : i32
        %add3A_2519 = arith.addi %mul3A_2411, %add3A_2518 : i32
        %add3A_2520 = vector.broadcast %add3A_2519 : i32 to vector<16xi32>
        %add3A_2521 = arith.addi %add3A_2520, %iota3A : vector<16xi32>
        %jit3A_2522 = arith.constant 1073741824 : i32
        %broadcast_in_dim3A_2523 = vector.broadcast %jit3A_2522 : i32 to vector<16xi32>
        %select_n3A_2524 = arith.select %eq3A_2517, %add3A_2521, %broadcast_in_dim3A_2523 : vector<16xi1>, vector<16xi32>
        %min3A_2525 = arith.minsi %min3A_2511, %select_n3A_2524 : vector<16xi32>
        %reduce_min3A_2526 = arith.constant true
        %reduce_min3A_2527 = vector.broadcast %reduce_min3A_2526 : i1 to vector<16xi1>
        %reduce_min3A_2528 = arith.constant -2147483648 : i32
        %reduce_min3A_2529 = vector.broadcast %reduce_min3A_2528 : i32 to vector<16xi32>
        %reduce_min3A_2530 = arith.xori %min3A_2525, %reduce_min3A_2529 : vector<16xi32>
        %reduce_min3A_2531 = tpu.scan <min>, %reduce_min3A_2530 masked %reduce_min3A_2527 : vector<16xi32>, vector<16xi1> -> vector<16xi32>
        %reduce_min3A_2532 = arith.xori %reduce_min3A_2531, %reduce_min3A_2529 : vector<16xi32>
        %reduce_min3A_2533 = vector.extract %reduce_min3A_2532[15] : i32 from vector<16xi32>
        %jit3A_2534 = arith.constant 16 : i32
        %div3A_2535 = arith.divsi %reduce_min3A_2533, %jit3A_2534 : i32
        %sign3A_2536 = arith.constant 0 : i32
        %sign3A_2537 = arith.cmpi sgt, %reduce_min3A_2533, %sign3A_2536 : i32
        %sign3A_2538 = arith.extui %sign3A_2537 : i1 to i32
        %sign3A_2539 = arith.constant 0 : i32
        %sign3A_2540 = arith.cmpi slt, %reduce_min3A_2533, %sign3A_2539 : i32
        %sign3A_2541 = arith.extui %sign3A_2540 : i1 to i32
        %sign3A_2542 = arith.subi %sign3A_2538, %sign3A_2541 : i32
        %sign3A_2543 = arith.constant 0 : i32
        %sign3A_2544 = arith.cmpi sgt, %jit3A_2534, %sign3A_2543 : i32
        %sign3A_2545 = arith.extui %sign3A_2544 : i1 to i32
        %sign3A_2546 = arith.constant 0 : i32
        %sign3A_2547 = arith.cmpi slt, %jit3A_2534, %sign3A_2546 : i32
        %sign3A_2548 = arith.extui %sign3A_2547 : i1 to i32
        %sign3A_2549 = arith.subi %sign3A_2545, %sign3A_2548 : i32
        %ne3A_2550 = arith.cmpi ne, %sign3A_2542, %sign3A_2549 : i32
        %rem3A_2551 = arith.remsi %reduce_min3A_2533, %jit3A_2534 : i32
        %ne3A_2552 = arith.constant 0 : i32
        %ne3A_2553 = arith.cmpi ne, %rem3A_2551, %ne3A_2552 : i32
        %and3A_2554 = arith.andi %ne3A_2550, %ne3A_2553 : i1
        %sub3A_2555 = arith.constant 1 : i32
        %sub3A_2556 = arith.subi %div3A_2535, %sub3A_2555 : i32
        %select_n3A_2557 = arith.select %and3A_2554, %sub3A_2556, %div3A_2535 : i32
        %mul3A_2558 = arith.constant 16 : i32
        %mul3A_2559 = arith.muli %select_n3A_2557, %mul3A_2558 : i32
        %add3A_2560 = vector.broadcast %mul3A_2559 : i32 to vector<16xi32>
        %add3A_2561 = arith.addi %add3A_2560, %iota3A : vector<16xi32>
        %eq3A_2562 = vector.broadcast %reduce_min3A_2533 : i32 to vector<16xi32>
        %eq3A_2563 = arith.cmpi eq, %add3A_2561, %eq3A_2562 : vector<16xi32>
        %mul3A_2564 = arith.constant 16 : i32
        %mul3A_2565 = arith.muli %select_n3A_2557, %mul3A_2564 : i32
        %get3A_2566 = arith.index_cast %mul3A_2565 : i32 to index
        %get3A_2567 = tpu.vector_load %arg15[%get3A_2566] {strides = array<i32>} : memref<10256xi32, #tpu.memory_space<vmem>>, vector<16xi32>,
        %jit3A_2568 = arith.constant -1073741824 : i32
        %broadcast_in_dim3A_2569 = vector.broadcast %jit3A_2568 : i32 to vector<16xi32>
        %select_n3A_2570 = arith.select %eq3A_2563, %get3A_2567, %broadcast_in_dim3A_2569 : vector<16xi1>, vector<16xi32>
        %reduce_max3A_2571 = arith.constant true
        %reduce_max3A_2572 = vector.broadcast %reduce_max3A_2571 : i1 to vector<16xi1>
        %reduce_max3A_2573 = arith.constant -2147483648 : i32
        %reduce_max3A_2574 = vector.broadcast %reduce_max3A_2573 : i32 to vector<16xi32>
        %reduce_max3A_2575 = arith.xori %select_n3A_2570, %reduce_max3A_2574 : vector<16xi32>
        %reduce_max3A_2576 = tpu.scan <max>, %reduce_max3A_2575 masked %reduce_max3A_2572 : vector<16xi32>, vector<16xi1> -> vector<16xi32>
        %reduce_max3A_2577 = arith.xori %reduce_max3A_2576, %reduce_max3A_2574 : vector<16xi32>
        %reduce_max3A_2578 = vector.extract %reduce_max3A_2577[15] : i32 from vector<16xi32>
        %lt3A_2579 = arith.constant 0 : i32
        %lt3A_2580 = arith.cmpi slt, %reduce_max3A_2578, %lt3A_2579 : i32
        %add3A_2581 = arith.constant 160 : i32
        %add3A_2582 = arith.addi %add3A_2581, %scan3A_2327 : i32
        %select_n3A_2583 = arith.select %lt3A_2580, %add3A_2582, %reduce_max3A_2578 : i32
        %lt3A_2584 = arith.constant 0 : i32
        %lt3A_2585 = arith.cmpi slt, %reduce_max3A_2578, %lt3A_2584 : i32
        %convert_element_type3A_2586 = arith.extui %lt3A_2585 : i1 to i32
        %cond3A_2587 = arith.constant 0 : i32
        %cond3A_2588 = arith.cmpi ne, %convert_element_type3A_2586, %cond3A_2587 : i32
        scf.if %cond3A_2588 {
          %add3A_2998 = arith.constant 160 : i32
          %add3A_2999 = arith.addi %add3A_2998, %scan3A_2327 : i32
          "tpu.region"() ({
            %run_scoped3A_3000 = tpu.sem_alloc : memref<!tpu.dma_semaphore, #tpu.memory_space<semaphore_mem>>
            %dma_start3A_3001 = arith.constant 0 : i32
            %dma_start3A_3002 = tpu.memref_slice %arg16[%add3A_2999, %dma_start3A_3001] : memref<260x128xf32, #tpu.memory_space<vmem>> -> memref<1x128xf32, #tpu.memory_space<vmem>>
            %dma_start3A_3003 = tpu.memref_squeeze %dma_start3A_3002 : memref<1x128xf32, #tpu.memory_space<vmem>> -> memref<128xf32, #tpu.memory_space<vmem>>
            %dma_start3A_3004 = arith.constant 0 : i32
            %dma_start3A_3005 = tpu.memref_slice %arg2[%add3A, %reduce_min3A_2533, %dma_start3A_3004] : memref<16x10240x128xf32, #tpu.memory_space<hbm>> -> memref<1x1x128xf32, #tpu.memory_space<hbm>>
            %dma_start3A_3006 = tpu.memref_squeeze %dma_start3A_3005 : memref<1x1x128xf32, #tpu.memory_space<hbm>> -> memref<128xf32, #tpu.memory_space<hbm>>
            %dma_start3A_3007 = arith.constant 0 : i32
            %dma_start3A_3008 = tpu.memref_slice %arg16[%add3A_2999, %dma_start3A_3007] : memref<260x128xf32, #tpu.memory_space<vmem>> -> memref<1x128xf32, #tpu.memory_space<vmem>>
            %dma_start3A_3009 = tpu.memref_squeeze %dma_start3A_3008 : memref<1x128xf32, #tpu.memory_space<vmem>> -> memref<128xf32, #tpu.memory_space<vmem>>
            %dma_start3A_3010 = arith.constant 0 : i32
            %dma_start3A_3011 = tpu.memref_slice %arg2[%add3A, %reduce_min3A_2533, %dma_start3A_3010] : memref<16x10240x128xf32, #tpu.memory_space<hbm>> -> memref<1x1x128xf32, #tpu.memory_space<hbm>>
            %dma_start3A_3012 = tpu.memref_squeeze %dma_start3A_3011 : memref<1x1x128xf32, #tpu.memory_space<hbm>> -> memref<128xf32, #tpu.memory_space<hbm>>
            tpu.enqueue_dma source(%dma_start3A_3012 : memref<128xf32, #tpu.memory_space<hbm>>) target(%dma_start3A_3009 : memref<128xf32, #tpu.memory_space<vmem>>) target_semaphore(%run_scoped3A_3000 : memref<!tpu.dma_semaphore, #tpu.memory_space<semaphore_mem>>)
            %dma_wait3A_3013 = arith.constant 0 : i32
            %dma_wait3A_3014 = tpu.memref_slice %arg16[%add3A_2999, %dma_wait3A_3013] : memref<260x128xf32, #tpu.memory_space<vmem>> -> memref<1x128xf32, #tpu.memory_space<vmem>>
            %dma_wait3A_3015 = tpu.memref_squeeze %dma_wait3A_3014 : memref<1x128xf32, #tpu.memory_space<vmem>> -> memref<128xf32, #tpu.memory_space<vmem>>
            %dma_wait3A_3016 = arith.constant 0 : i32
            %dma_wait3A_3017 = tpu.memref_slice %arg2[%add3A, %reduce_min3A_2533, %dma_wait3A_3016] : memref<16x10240x128xf32, #tpu.memory_space<hbm>> -> memref<1x1x128xf32, #tpu.memory_space<hbm>>
            %dma_wait3A_3018 = tpu.memref_squeeze %dma_wait3A_3017 : memref<1x1x128xf32, #tpu.memory_space<hbm>> -> memref<128xf32, #tpu.memory_space<hbm>>
            %dma_wait3A_3019 = arith.constant 0 : i32
            %dma_wait3A_3020 = tpu.memref_slice %arg16[%add3A_2999, %dma_wait3A_3019] : memref<260x128xf32, #tpu.memory_space<vmem>> -> memref<1x128xf32, #tpu.memory_space<vmem>>
            %dma_wait3A_3021 = tpu.memref_squeeze %dma_wait3A_3020 : memref<1x128xf32, #tpu.memory_space<vmem>> -> memref<128xf32, #tpu.memory_space<vmem>>
            %dma_wait3A_3022 = arith.constant 0 : i32
            %dma_wait3A_3023 = tpu.memref_slice %arg2[%add3A, %reduce_min3A_2533, %dma_wait3A_3022] : memref<16x10240x128xf32, #tpu.memory_space<hbm>> -> memref<1x1x128xf32, #tpu.memory_space<hbm>>
            %dma_wait3A_3024 = tpu.memref_squeeze %dma_wait3A_3023 : memref<1x1x128xf32, #tpu.memory_space<hbm>> -> memref<128xf32, #tpu.memory_space<hbm>>
            tpu.wait_dma2 semaphore(%run_scoped3A_3000 : memref<!tpu.dma_semaphore, #tpu.memory_space<semaphore_mem>>) src(%dma_wait3A_3024 : memref<128xf32, #tpu.memory_space<hbm>>) dst(%dma_wait3A_3021 : memref<128xf32, #tpu.memory_space<vmem>>)
            tpu.yield
          }) : () -> ()
        } else {
        }
        %broadcast_in_dim3A_2589 = arith.constant 1073741824 : i32
        %broadcast_in_dim3A_2590 = vector.broadcast %broadcast_in_dim3A_2589 : i32 to vector<16xi32>
        %get3A_2591 = arith.index_cast %select_n3A_2583 : i32 to index
        %get3A_2592 = arith.constant 0 : index
        %get3A_2593 = tpu.vector_load %arg16[%get3A_2591, %get3A_2592] {strides = array<i32>} : memref<260x128xf32, #tpu.memory_space<vmem>>, vector<16xf32>,
        %eq3A_2594 = vector.broadcast %reduce_max3A_2346 : f32 to vector<16xf32>
        %eq3A_2595 = arith.cmpf oeq, %get3A_2593, %eq3A_2594 : vector<16xf32>
        %add3A_2596 = arith.constant 0 : i32
        %add3A_2597 = vector.broadcast %add3A_2596 : i32 to vector<16xi32>
        %add3A_2598 = arith.addi %add3A_2597, %iota3A : vector<16xi32>
        %jit3A_2599 = arith.constant 1073741824 : i32
        %broadcast_in_dim3A_2600 = vector.broadcast %jit3A_2599 : i32 to vector<16xi32>
        %select_n3A_2601 = arith.select %eq3A_2595, %add3A_2598, %broadcast_in_dim3A_2600 : vector<16xi1>, vector<16xi32>
        %min3A_2602 = arith.minsi %broadcast_in_dim3A_2590, %select_n3A_2601 : vector<16xi32>
        %get3A_2603 = arith.index_cast %select_n3A_2583 : i32 to index
        %get3A_2604 = arith.constant 16 : index
        %get3A_2605 = tpu.vector_load %arg16[%get3A_2603, %get3A_2604] {strides = array<i32>} : memref<260x128xf32, #tpu.memory_space<vmem>>, vector<16xf32>,
        %eq3A_2606 = vector.broadcast %reduce_max3A_2346 : f32 to vector<16xf32>
        %eq3A_2607 = arith.cmpf oeq, %get3A_2605, %eq3A_2606 : vector<16xf32>
        %add3A_2608 = arith.constant 16 : i32
        %add3A_2609 = vector.broadcast %add3A_2608 : i32 to vector<16xi32>
        %add3A_2610 = arith.addi %add3A_2609, %iota3A : vector<16xi32>
        %jit3A_2611 = arith.constant 1073741824 : i32
        %broadcast_in_dim3A_2612 = vector.broadcast %jit3A_2611 : i32 to vector<16xi32>
        %select_n3A_2613 = arith.select %eq3A_2607, %add3A_2610, %broadcast_in_dim3A_2612 : vector<16xi1>, vector<16xi32>
        %min3A_2614 = arith.minsi %min3A_2602, %select_n3A_2613 : vector<16xi32>
        %get3A_2615 = arith.index_cast %select_n3A_2583 : i32 to index
        %get3A_2616 = arith.constant 32 : index
        %get3A_2617 = tpu.vector_load %arg16[%get3A_2615, %get3A_2616] {strides = array<i32>} : memref<260x128xf32, #tpu.memory_space<vmem>>, vector<16xf32>,
        %eq3A_2618 = vector.broadcast %reduce_max3A_2346 : f32 to vector<16xf32>
        %eq3A_2619 = arith.cmpf oeq, %get3A_2617, %eq3A_2618 : vector<16xf32>
        %add3A_2620 = arith.constant 32 : i32
        %add3A_2621 = vector.broadcast %add3A_2620 : i32 to vector<16xi32>
        %add3A_2622 = arith.addi %add3A_2621, %iota3A : vector<16xi32>
        %jit3A_2623 = arith.constant 1073741824 : i32
        %broadcast_in_dim3A_2624 = vector.broadcast %jit3A_2623 : i32 to vector<16xi32>
        %select_n3A_2625 = arith.select %eq3A_2619, %add3A_2622, %broadcast_in_dim3A_2624 : vector<16xi1>, vector<16xi32>
        %min3A_2626 = arith.minsi %min3A_2614, %select_n3A_2625 : vector<16xi32>
        %get3A_2627 = arith.index_cast %select_n3A_2583 : i32 to index
        %get3A_2628 = arith.constant 48 : index
        %get3A_2629 = tpu.vector_load %arg16[%get3A_2627, %get3A_2628] {strides = array<i32>} : memref<260x128xf32, #tpu.memory_space<vmem>>, vector<16xf32>,
        %eq3A_2630 = vector.broadcast %reduce_max3A_2346 : f32 to vector<16xf32>
        %eq3A_2631 = arith.cmpf oeq, %get3A_2629, %eq3A_2630 : vector<16xf32>
        %add3A_2632 = arith.constant 48 : i32
        %add3A_2633 = vector.broadcast %add3A_2632 : i32 to vector<16xi32>
        %add3A_2634 = arith.addi %add3A_2633, %iota3A : vector<16xi32>
        %jit3A_2635 = arith.constant 1073741824 : i32
        %broadcast_in_dim3A_2636 = vector.broadcast %jit3A_2635 : i32 to vector<16xi32>
        %select_n3A_2637 = arith.select %eq3A_2631, %add3A_2634, %broadcast_in_dim3A_2636 : vector<16xi1>, vector<16xi32>
        %min3A_2638 = arith.minsi %min3A_2626, %select_n3A_2637 : vector<16xi32>
        %get3A_2639 = arith.index_cast %select_n3A_2583 : i32 to index
        %get3A_2640 = arith.constant 64 : index
        %get3A_2641 = tpu.vector_load %arg16[%get3A_2639, %get3A_2640] {strides = array<i32>} : memref<260x128xf32, #tpu.memory_space<vmem>>, vector<16xf32>,
        %eq3A_2642 = vector.broadcast %reduce_max3A_2346 : f32 to vector<16xf32>
        %eq3A_2643 = arith.cmpf oeq, %get3A_2641, %eq3A_2642 : vector<16xf32>
        %add3A_2644 = arith.constant 64 : i32
        %add3A_2645 = vector.broadcast %add3A_2644 : i32 to vector<16xi32>
        %add3A_2646 = arith.addi %add3A_2645, %iota3A : vector<16xi32>
        %jit3A_2647 = arith.constant 1073741824 : i32
        %broadcast_in_dim3A_2648 = vector.broadcast %jit3A_2647 : i32 to vector<16xi32>
        %select_n3A_2649 = arith.select %eq3A_2643, %add3A_2646, %broadcast_in_dim3A_2648 : vector<16xi1>, vector<16xi32>
        %min3A_2650 = arith.minsi %min3A_2638, %select_n3A_2649 : vector<16xi32>
        %get3A_2651 = arith.index_cast %select_n3A_2583 : i32 to index
        %get3A_2652 = arith.constant 80 : index
        %get3A_2653 = tpu.vector_load %arg16[%get3A_2651, %get3A_2652] {strides = array<i32>} : memref<260x128xf32, #tpu.memory_space<vmem>>, vector<16xf32>,
        %eq3A_2654 = vector.broadcast %reduce_max3A_2346 : f32 to vector<16xf32>
        %eq3A_2655 = arith.cmpf oeq, %get3A_2653, %eq3A_2654 : vector<16xf32>
        %add3A_2656 = arith.constant 80 : i32
        %add3A_2657 = vector.broadcast %add3A_2656 : i32 to vector<16xi32>
        %add3A_2658 = arith.addi %add3A_2657, %iota3A : vector<16xi32>
        %jit3A_2659 = arith.constant 1073741824 : i32
        %broadcast_in_dim3A_2660 = vector.broadcast %jit3A_2659 : i32 to vector<16xi32>
        %select_n3A_2661 = arith.select %eq3A_2655, %add3A_2658, %broadcast_in_dim3A_2660 : vector<16xi1>, vector<16xi32>
        %min3A_2662 = arith.minsi %min3A_2650, %select_n3A_2661 : vector<16xi32>
        %get3A_2663 = arith.index_cast %select_n3A_2583 : i32 to index
        %get3A_2664 = arith.constant 96 : index
        %get3A_2665 = tpu.vector_load %arg16[%get3A_2663, %get3A_2664] {strides = array<i32>} : memref<260x128xf32, #tpu.memory_space<vmem>>, vector<16xf32>,
        %eq3A_2666 = vector.broadcast %reduce_max3A_2346 : f32 to vector<16xf32>
        %eq3A_2667 = arith.cmpf oeq, %get3A_2665, %eq3A_2666 : vector<16xf32>
        %add3A_2668 = arith.constant 96 : i32
        %add3A_2669 = vector.broadcast %add3A_2668 : i32 to vector<16xi32>
        %add3A_2670 = arith.addi %add3A_2669, %iota3A : vector<16xi32>
        %jit3A_2671 = arith.constant 1073741824 : i32
        %broadcast_in_dim3A_2672 = vector.broadcast %jit3A_2671 : i32 to vector<16xi32>
        %select_n3A_2673 = arith.select %eq3A_2667, %add3A_2670, %broadcast_in_dim3A_2672 : vector<16xi1>, vector<16xi32>
        %min3A_2674 = arith.minsi %min3A_2662, %select_n3A_2673 : vector<16xi32>
        %get3A_2675 = arith.index_cast %select_n3A_2583 : i32 to index
        %get3A_2676 = arith.constant 112 : index
        %get3A_2677 = tpu.vector_load %arg16[%get3A_2675, %get3A_2676] {strides = array<i32>} : memref<260x128xf32, #tpu.memory_space<vmem>>, vector<16xf32>,
        %eq3A_2678 = vector.broadcast %reduce_max3A_2346 : f32 to vector<16xf32>
        %eq3A_2679 = arith.cmpf oeq, %get3A_2677, %eq3A_2678 : vector<16xf32>
        %add3A_2680 = arith.constant 112 : i32
        %add3A_2681 = vector.broadcast %add3A_2680 : i32 to vector<16xi32>
        %add3A_2682 = arith.addi %add3A_2681, %iota3A : vector<16xi32>
        %jit3A_2683 = arith.constant 1073741824 : i32
        %broadcast_in_dim3A_2684 = vector.broadcast %jit3A_2683 : i32 to vector<16xi32>
        %select_n3A_2685 = arith.select %eq3A_2679, %add3A_2682, %broadcast_in_dim3A_2684 : vector<16xi1>, vector<16xi32>
        %min3A_2686 = arith.minsi %min3A_2674, %select_n3A_2685 : vector<16xi32>
        %reduce_min3A_2687 = arith.constant true
        %reduce_min3A_2688 = vector.broadcast %reduce_min3A_2687 : i1 to vector<16xi1>
        %reduce_min3A_2689 = arith.constant -2147483648 : i32
        %reduce_min3A_2690 = vector.broadcast %reduce_min3A_2689 : i32 to vector<16xi32>
        %reduce_min3A_2691 = arith.xori %min3A_2686, %reduce_min3A_2690 : vector<16xi32>
        %reduce_min3A_2692 = tpu.scan <min>, %reduce_min3A_2691 masked %reduce_min3A_2688 : vector<16xi32>, vector<16xi1> -> vector<16xi32>
        %reduce_min3A_2693 = arith.xori %reduce_min3A_2692, %reduce_min3A_2690 : vector<16xi32>
        %reduce_min3A_2694 = vector.extract %reduce_min3A_2693[15] : i32 from vector<16xi32>
        %broadcast_in_dim3A_2695 = arith.constant 0xFF800000 : f32
        %broadcast_in_dim3A_2696 = vector.broadcast %broadcast_in_dim3A_2695 : f32 to vector<16xf32>
        %get3A_2697 = arith.index_cast %select_n3A_2583 : i32 to index
        %get3A_2698 = arith.constant 0 : index
        %get3A_2699 = tpu.vector_load %arg16[%get3A_2697, %get3A_2698] {strides = array<i32>} : memref<260x128xf32, #tpu.memory_space<vmem>>, vector<16xf32>,
        %add3A_2700 = arith.constant 0 : i32
        %add3A_2701 = vector.broadcast %add3A_2700 : i32 to vector<16xi32>
        %add3A_2702 = arith.addi %add3A_2701, %iota3A : vector<16xi32>
        %eq3A_2703 = vector.broadcast %reduce_min3A_2694 : i32 to vector<16xi32>
        %eq3A_2704 = arith.cmpi eq, %add3A_2702, %eq3A_2703 : vector<16xi32>
        %jit3A_2705 = arith.constant -1.000000e+00 : f32
        %broadcast_in_dim3A_2706 = vector.broadcast %jit3A_2705 : f32 to vector<16xf32>
        %select_n3A_2707 = arith.select %eq3A_2704, %broadcast_in_dim3A_2706, %get3A_2699 : vector<16xi1>, vector<16xf32>
        %swap3A_2708 = arith.index_cast %select_n3A_2583 : i32 to index
        %swap3A_2709 = arith.constant 0 : index
        %swap3A_2710 = tpu.vector_load %arg16[%swap3A_2708, %swap3A_2709] {strides = array<i32>} : memref<260x128xf32, #tpu.memory_space<vmem>>, vector<16xf32>,
        tpu.vector_store %arg16[%swap3A_2708, %swap3A_2709], %select_n3A_2707 {strides = array<i32>} : memref<260x128xf32, #tpu.memory_space<vmem>>, vector<16xf32>,
        %max3A_2711 = arith.maximumf %broadcast_in_dim3A_2696, %select_n3A_2707 : vector<16xf32>
        %get3A_2712 = arith.index_cast %select_n3A_2583 : i32 to index
        %get3A_2713 = arith.constant 16 : index
        %get3A_2714 = tpu.vector_load %arg16[%get3A_2712, %get3A_2713] {strides = array<i32>} : memref<260x128xf32, #tpu.memory_space<vmem>>, vector<16xf32>,
        %add3A_2715 = arith.constant 16 : i32
        %add3A_2716 = vector.broadcast %add3A_2715 : i32 to vector<16xi32>
        %add3A_2717 = arith.addi %add3A_2716, %iota3A : vector<16xi32>
        %eq3A_2718 = vector.broadcast %reduce_min3A_2694 : i32 to vector<16xi32>
        %eq3A_2719 = arith.cmpi eq, %add3A_2717, %eq3A_2718 : vector<16xi32>
        %jit3A_2720 = arith.constant -1.000000e+00 : f32
        %broadcast_in_dim3A_2721 = vector.broadcast %jit3A_2720 : f32 to vector<16xf32>
        %select_n3A_2722 = arith.select %eq3A_2719, %broadcast_in_dim3A_2721, %get3A_2714 : vector<16xi1>, vector<16xf32>
        %swap3A_2723 = arith.index_cast %select_n3A_2583 : i32 to index
        %swap3A_2724 = arith.constant 16 : index
        %swap3A_2725 = tpu.vector_load %arg16[%swap3A_2723, %swap3A_2724] {strides = array<i32>} : memref<260x128xf32, #tpu.memory_space<vmem>>, vector<16xf32>,
        tpu.vector_store %arg16[%swap3A_2723, %swap3A_2724], %select_n3A_2722 {strides = array<i32>} : memref<260x128xf32, #tpu.memory_space<vmem>>, vector<16xf32>,
        %max3A_2726 = arith.maximumf %max3A_2711, %select_n3A_2722 : vector<16xf32>
        %get3A_2727 = arith.index_cast %select_n3A_2583 : i32 to index
        %get3A_2728 = arith.constant 32 : index
        %get3A_2729 = tpu.vector_load %arg16[%get3A_2727, %get3A_2728] {strides = array<i32>} : memref<260x128xf32, #tpu.memory_space<vmem>>, vector<16xf32>,
        %add3A_2730 = arith.constant 32 : i32
        %add3A_2731 = vector.broadcast %add3A_2730 : i32 to vector<16xi32>
        %add3A_2732 = arith.addi %add3A_2731, %iota3A : vector<16xi32>
        %eq3A_2733 = vector.broadcast %reduce_min3A_2694 : i32 to vector<16xi32>
        %eq3A_2734 = arith.cmpi eq, %add3A_2732, %eq3A_2733 : vector<16xi32>
        %jit3A_2735 = arith.constant -1.000000e+00 : f32
        %broadcast_in_dim3A_2736 = vector.broadcast %jit3A_2735 : f32 to vector<16xf32>
        %select_n3A_2737 = arith.select %eq3A_2734, %broadcast_in_dim3A_2736, %get3A_2729 : vector<16xi1>, vector<16xf32>
        %swap3A_2738 = arith.index_cast %select_n3A_2583 : i32 to index
        %swap3A_2739 = arith.constant 32 : index
        %swap3A_2740 = tpu.vector_load %arg16[%swap3A_2738, %swap3A_2739] {strides = array<i32>} : memref<260x128xf32, #tpu.memory_space<vmem>>, vector<16xf32>,
        tpu.vector_store %arg16[%swap3A_2738, %swap3A_2739], %select_n3A_2737 {strides = array<i32>} : memref<260x128xf32, #tpu.memory_space<vmem>>, vector<16xf32>,
        %max3A_2741 = arith.maximumf %max3A_2726, %select_n3A_2737 : vector<16xf32>
        %get3A_2742 = arith.index_cast %select_n3A_2583 : i32 to index
        %get3A_2743 = arith.constant 48 : index
        %get3A_2744 = tpu.vector_load %arg16[%get3A_2742, %get3A_2743] {strides = array<i32>} : memref<260x128xf32, #tpu.memory_space<vmem>>, vector<16xf32>,
        %add3A_2745 = arith.constant 48 : i32
        %add3A_2746 = vector.broadcast %add3A_2745 : i32 to vector<16xi32>
        %add3A_2747 = arith.addi %add3A_2746, %iota3A : vector<16xi32>
        %eq3A_2748 = vector.broadcast %reduce_min3A_2694 : i32 to vector<16xi32>
        %eq3A_2749 = arith.cmpi eq, %add3A_2747, %eq3A_2748 : vector<16xi32>
        %jit3A_2750 = arith.constant -1.000000e+00 : f32
        %broadcast_in_dim3A_2751 = vector.broadcast %jit3A_2750 : f32 to vector<16xf32>
        %select_n3A_2752 = arith.select %eq3A_2749, %broadcast_in_dim3A_2751, %get3A_2744 : vector<16xi1>, vector<16xf32>
        %swap3A_2753 = arith.index_cast %select_n3A_2583 : i32 to index
        %swap3A_2754 = arith.constant 48 : index
        %swap3A_2755 = tpu.vector_load %arg16[%swap3A_2753, %swap3A_2754] {strides = array<i32>} : memref<260x128xf32, #tpu.memory_space<vmem>>, vector<16xf32>,
        tpu.vector_store %arg16[%swap3A_2753, %swap3A_2754], %select_n3A_2752 {strides = array<i32>} : memref<260x128xf32, #tpu.memory_space<vmem>>, vector<16xf32>,
        %max3A_2756 = arith.maximumf %max3A_2741, %select_n3A_2752 : vector<16xf32>
        %get3A_2757 = arith.index_cast %select_n3A_2583 : i32 to index
        %get3A_2758 = arith.constant 64 : index
        %get3A_2759 = tpu.vector_load %arg16[%get3A_2757, %get3A_2758] {strides = array<i32>} : memref<260x128xf32, #tpu.memory_space<vmem>>, vector<16xf32>,
        %add3A_2760 = arith.constant 64 : i32
        %add3A_2761 = vector.broadcast %add3A_2760 : i32 to vector<16xi32>
        %add3A_2762 = arith.addi %add3A_2761, %iota3A : vector<16xi32>
        %eq3A_2763 = vector.broadcast %reduce_min3A_2694 : i32 to vector<16xi32>
        %eq3A_2764 = arith.cmpi eq, %add3A_2762, %eq3A_2763 : vector<16xi32>
        %jit3A_2765 = arith.constant -1.000000e+00 : f32
        %broadcast_in_dim3A_2766 = vector.broadcast %jit3A_2765 : f32 to vector<16xf32>
        %select_n3A_2767 = arith.select %eq3A_2764, %broadcast_in_dim3A_2766, %get3A_2759 : vector<16xi1>, vector<16xf32>
        %swap3A_2768 = arith.index_cast %select_n3A_2583 : i32 to index
        %swap3A_2769 = arith.constant 64 : index
        %swap3A_2770 = tpu.vector_load %arg16[%swap3A_2768, %swap3A_2769] {strides = array<i32>} : memref<260x128xf32, #tpu.memory_space<vmem>>, vector<16xf32>,
        tpu.vector_store %arg16[%swap3A_2768, %swap3A_2769], %select_n3A_2767 {strides = array<i32>} : memref<260x128xf32, #tpu.memory_space<vmem>>, vector<16xf32>,
        %max3A_2771 = arith.maximumf %max3A_2756, %select_n3A_2767 : vector<16xf32>
        %get3A_2772 = arith.index_cast %select_n3A_2583 : i32 to index
        %get3A_2773 = arith.constant 80 : index
        %get3A_2774 = tpu.vector_load %arg16[%get3A_2772, %get3A_2773] {strides = array<i32>} : memref<260x128xf32, #tpu.memory_space<vmem>>, vector<16xf32>,
        %add3A_2775 = arith.constant 80 : i32
        %add3A_2776 = vector.broadcast %add3A_2775 : i32 to vector<16xi32>
        %add3A_2777 = arith.addi %add3A_2776, %iota3A : vector<16xi32>
        %eq3A_2778 = vector.broadcast %reduce_min3A_2694 : i32 to vector<16xi32>
        %eq3A_2779 = arith.cmpi eq, %add3A_2777, %eq3A_2778 : vector<16xi32>
        %jit3A_2780 = arith.constant -1.000000e+00 : f32
        %broadcast_in_dim3A_2781 = vector.broadcast %jit3A_2780 : f32 to vector<16xf32>
        %select_n3A_2782 = arith.select %eq3A_2779, %broadcast_in_dim3A_2781, %get3A_2774 : vector<16xi1>, vector<16xf32>
        %swap3A_2783 = arith.index_cast %select_n3A_2583 : i32 to index
        %swap3A_2784 = arith.constant 80 : index
        %swap3A_2785 = tpu.vector_load %arg16[%swap3A_2783, %swap3A_2784] {strides = array<i32>} : memref<260x128xf32, #tpu.memory_space<vmem>>, vector<16xf32>,
        tpu.vector_store %arg16[%swap3A_2783, %swap3A_2784], %select_n3A_2782 {strides = array<i32>} : memref<260x128xf32, #tpu.memory_space<vmem>>, vector<16xf32>,
        %max3A_2786 = arith.maximumf %max3A_2771, %select_n3A_2782 : vector<16xf32>
        %get3A_2787 = arith.index_cast %select_n3A_2583 : i32 to index
        %get3A_2788 = arith.constant 96 : index
        %get3A_2789 = tpu.vector_load %arg16[%get3A_2787, %get3A_2788] {strides = array<i32>} : memref<260x128xf32, #tpu.memory_space<vmem>>, vector<16xf32>,
        %add3A_2790 = arith.constant 96 : i32
        %add3A_2791 = vector.broadcast %add3A_2790 : i32 to vector<16xi32>
        %add3A_2792 = arith.addi %add3A_2791, %iota3A : vector<16xi32>
        %eq3A_2793 = vector.broadcast %reduce_min3A_2694 : i32 to vector<16xi32>
        %eq3A_2794 = arith.cmpi eq, %add3A_2792, %eq3A_2793 : vector<16xi32>
        %jit3A_2795 = arith.constant -1.000000e+00 : f32
        %broadcast_in_dim3A_2796 = vector.broadcast %jit3A_2795 : f32 to vector<16xf32>
        %select_n3A_2797 = arith.select %eq3A_2794, %broadcast_in_dim3A_2796, %get3A_2789 : vector<16xi1>, vector<16xf32>
        %swap3A_2798 = arith.index_cast %select_n3A_2583 : i32 to index
        %swap3A_2799 = arith.constant 96 : index
        %swap3A_2800 = tpu.vector_load %arg16[%swap3A_2798, %swap3A_2799] {strides = array<i32>} : memref<260x128xf32, #tpu.memory_space<vmem>>, vector<16xf32>,
        tpu.vector_store %arg16[%swap3A_2798, %swap3A_2799], %select_n3A_2797 {strides = array<i32>} : memref<260x128xf32, #tpu.memory_space<vmem>>, vector<16xf32>,
        %max3A_2801 = arith.maximumf %max3A_2786, %select_n3A_2797 : vector<16xf32>
        %get3A_2802 = arith.index_cast %select_n3A_2583 : i32 to index
        %get3A_2803 = arith.constant 112 : index
        %get3A_2804 = tpu.vector_load %arg16[%get3A_2802, %get3A_2803] {strides = array<i32>} : memref<260x128xf32, #tpu.memory_space<vmem>>, vector<16xf32>,
        %add3A_2805 = arith.constant 112 : i32
        %add3A_2806 = vector.broadcast %add3A_2805 : i32 to vector<16xi32>
        %add3A_2807 = arith.addi %add3A_2806, %iota3A : vector<16xi32>
        %eq3A_2808 = vector.broadcast %reduce_min3A_2694 : i32 to vector<16xi32>
        %eq3A_2809 = arith.cmpi eq, %add3A_2807, %eq3A_2808 : vector<16xi32>
        %jit3A_2810 = arith.constant -1.000000e+00 : f32
        %broadcast_in_dim3A_2811 = vector.broadcast %jit3A_2810 : f32 to vector<16xf32>
        %select_n3A_2812 = arith.select %eq3A_2809, %broadcast_in_dim3A_2811, %get3A_2804 : vector<16xi1>, vector<16xf32>
        %swap3A_2813 = arith.index_cast %select_n3A_2583 : i32 to index
        %swap3A_2814 = arith.constant 112 : index
        %swap3A_2815 = tpu.vector_load %arg16[%swap3A_2813, %swap3A_2814] {strides = array<i32>} : memref<260x128xf32, #tpu.memory_space<vmem>>, vector<16xf32>,
        tpu.vector_store %arg16[%swap3A_2813, %swap3A_2814], %select_n3A_2812 {strides = array<i32>} : memref<260x128xf32, #tpu.memory_space<vmem>>, vector<16xf32>,
        %max3A_2816 = arith.maximumf %max3A_2801, %select_n3A_2812 : vector<16xf32>
        %reduce_max3A_2817 = arith.constant true
        %reduce_max3A_2818 = vector.broadcast %reduce_max3A_2817 : i1 to vector<16xi1>
        %reduce_max3A_2819 = tpu.scan <max>, %max3A_2816 masked %reduce_max3A_2818 : vector<16xf32>, vector<16xi1> -> vector<16xf32>
        %reduce_max3A_2820 = vector.extract %reduce_max3A_2819[15] : f32 from vector<16xf32>
        %mul3A_2821 = arith.constant 16 : i32
        %mul3A_2822 = arith.muli %select_n3A_2557, %mul3A_2821 : i32
        %add3A_2823 = vector.broadcast %mul3A_2822 : i32 to vector<16xi32>
        %add3A_2824 = arith.addi %add3A_2823, %iota3A : vector<16xi32>
        %eq3A_2825 = vector.broadcast %reduce_min3A_2533 : i32 to vector<16xi32>
        %eq3A_2826 = arith.cmpi eq, %add3A_2824, %eq3A_2825 : vector<16xi32>
        %mul3A_2827 = arith.constant 16 : i32
        %mul3A_2828 = arith.muli %select_n3A_2557, %mul3A_2827 : i32
        %get3A_2829 = arith.index_cast %mul3A_2828 : i32 to index
        %get3A_2830 = tpu.vector_load %arg15[%get3A_2829] {strides = array<i32>} : memref<10256xi32, #tpu.memory_space<vmem>>, vector<16xi32>,
        %broadcast_in_dim3A_2831 = vector.broadcast %select_n3A_2583 : i32 to vector<16xi32>
        %select_n3A_2832 = arith.select %eq3A_2826, %broadcast_in_dim3A_2831, %get3A_2830 : vector<16xi1>, vector<16xi32>
        %mul3A_2833 = arith.constant 16 : i32
        %mul3A_2834 = arith.muli %select_n3A_2557, %mul3A_2833 : i32
        %swap3A_2835 = arith.index_cast %mul3A_2834 : i32 to index
        %swap3A_2836 = tpu.vector_load %arg15[%swap3A_2835] {strides = array<i32>} : memref<10256xi32, #tpu.memory_space<vmem>>, vector<16xi32>,
        tpu.vector_store %arg15[%swap3A_2835], %select_n3A_2832 {strides = array<i32>} : memref<10256xi32, #tpu.memory_space<vmem>>, vector<16xi32>,
        %mul3A_2837 = arith.constant 16 : i32
        %mul3A_2838 = arith.muli %select_n3A_2557, %mul3A_2837 : i32
        %add3A_2839 = vector.broadcast %mul3A_2838 : i32 to vector<16xi32>
        %add3A_2840 = arith.addi %add3A_2839, %iota3A : vector<16xi32>
        %eq3A_2841 = vector.broadcast %reduce_min3A_2533 : i32 to vector<16xi32>
        %eq3A_2842 = arith.cmpi eq, %add3A_2840, %eq3A_2841 : vector<16xi32>
        %mul3A_2843 = arith.constant 16 : i32
        %mul3A_2844 = arith.muli %select_n3A_2557, %mul3A_2843 : i32
        %get3A_2845 = arith.index_cast %mul3A_2844 : i32 to index
        %get3A_2846 = tpu.vector_load %arg13[%get3A_2845] {strides = array<i32>} : memref<10240xf32, #tpu.memory_space<vmem>>, vector<16xf32>,
        %broadcast_in_dim3A_2847 = vector.broadcast %reduce_max3A_2820 : f32 to vector<16xf32>
        %select_n3A_2848 = arith.select %eq3A_2842, %broadcast_in_dim3A_2847, %get3A_2846 : vector<16xi1>, vector<16xf32>
        %mul3A_2849 = arith.constant 16 : i32
        %mul3A_2850 = arith.muli %select_n3A_2557, %mul3A_2849 : i32
        %swap3A_2851 = arith.index_cast %mul3A_2850 : i32 to index
        %swap3A_2852 = tpu.vector_load %arg13[%swap3A_2851] {strides = array<i32>} : memref<10240xf32, #tpu.memory_space<vmem>>, vector<16xf32>,
        tpu.vector_store %arg13[%swap3A_2851], %select_n3A_2848 {strides = array<i32>} : memref<10240xf32, #tpu.memory_space<vmem>>, vector<16xf32>,
        %broadcast_in_dim3A_2853 = arith.constant 0xFF800000 : f32
        %broadcast_in_dim3A_2854 = vector.broadcast %broadcast_in_dim3A_2853 : f32 to vector<16xf32>
        %add3A_2855 = arith.constant 0 : i32
        %add3A_2856 = arith.addi %mul3A_2411, %add3A_2855 : i32
        %get3A_2857 = arith.index_cast %add3A_2856 : i32 to index
        %get3A_2858 = tpu.vector_load %arg13[%get3A_2857] {strides = array<i32>} : memref<10240xf32, #tpu.memory_space<vmem>>, vector<16xf32>,
        %max3A_2859 = arith.maximumf %broadcast_in_dim3A_2854, %get3A_2858 : vector<16xf32>
        %add3A_2860 = arith.constant 16 : i32
        %add3A_2861 = arith.addi %mul3A_2411, %add3A_2860 : i32
        %get3A_2862 = arith.index_cast %add3A_2861 : i32 to index
        %get3A_2863 = tpu.vector_load %arg13[%get3A_2862] {strides = array<i32>} : memref<10240xf32, #tpu.memory_space<vmem>>, vector<16xf32>,
        %max3A_2864 = arith.maximumf %max3A_2859, %get3A_2863 : vector<16xf32>
        %add3A_2865 = arith.constant 32 : i32
        %add3A_2866 = arith.addi %mul3A_2411, %add3A_2865 : i32
        %get3A_2867 = arith.index_cast %add3A_2866 : i32 to index
        %get3A_2868 = tpu.vector_load %arg13[%get3A_2867] {strides = array<i32>} : memref<10240xf32, #tpu.memory_space<vmem>>, vector<16xf32>,
        %max3A_2869 = arith.maximumf %max3A_2864, %get3A_2868 : vector<16xf32>
        %add3A_2870 = arith.constant 48 : i32
        %add3A_2871 = arith.addi %mul3A_2411, %add3A_2870 : i32
        %get3A_2872 = arith.index_cast %add3A_2871 : i32 to index
        %get3A_2873 = tpu.vector_load %arg13[%get3A_2872] {strides = array<i32>} : memref<10240xf32, #tpu.memory_space<vmem>>, vector<16xf32>,
        %max3A_2874 = arith.maximumf %max3A_2869, %get3A_2873 : vector<16xf32>
        %add3A_2875 = arith.constant 64 : i32
        %add3A_2876 = arith.addi %mul3A_2411, %add3A_2875 : i32
        %get3A_2877 = arith.index_cast %add3A_2876 : i32 to index
        %get3A_2878 = tpu.vector_load %arg13[%get3A_2877] {strides = array<i32>} : memref<10240xf32, #tpu.memory_space<vmem>>, vector<16xf32>,
        %max3A_2879 = arith.maximumf %max3A_2874, %get3A_2878 : vector<16xf32>
        %add3A_2880 = arith.constant 80 : i32
        %add3A_2881 = arith.addi %mul3A_2411, %add3A_2880 : i32
        %get3A_2882 = arith.index_cast %add3A_2881 : i32 to index
        %get3A_2883 = tpu.vector_load %arg13[%get3A_2882] {strides = array<i32>} : memref<10240xf32, #tpu.memory_space<vmem>>, vector<16xf32>,
        %max3A_2884 = arith.maximumf %max3A_2879, %get3A_2883 : vector<16xf32>
        %add3A_2885 = arith.constant 96 : i32
        %add3A_2886 = arith.addi %mul3A_2411, %add3A_2885 : i32
        %get3A_2887 = arith.index_cast %add3A_2886 : i32 to index
        %get3A_2888 = tpu.vector_load %arg13[%get3A_2887] {strides = array<i32>} : memref<10240xf32, #tpu.memory_space<vmem>>, vector<16xf32>,
        %max3A_2889 = arith.maximumf %max3A_2884, %get3A_2888 : vector<16xf32>
        %add3A_2890 = arith.constant 112 : i32
        %add3A_2891 = arith.addi %mul3A_2411, %add3A_2890 : i32
        %get3A_2892 = arith.index_cast %add3A_2891 : i32 to index
        %get3A_2893 = tpu.vector_load %arg13[%get3A_2892] {strides = array<i32>} : memref<10240xf32, #tpu.memory_space<vmem>>, vector<16xf32>,
        %max3A_2894 = arith.maximumf %max3A_2889, %get3A_2893 : vector<16xf32>
        %reduce_max3A_2895 = arith.constant true
        %reduce_max3A_2896 = vector.broadcast %reduce_max3A_2895 : i1 to vector<16xi1>
        %reduce_max3A_2897 = tpu.scan <max>, %max3A_2894 masked %reduce_max3A_2896 : vector<16xf32>, vector<16xi1> -> vector<16xf32>
        %reduce_max3A_2898 = vector.extract %reduce_max3A_2897[15] : f32 from vector<16xf32>
        %jit3A_2899 = arith.constant 16 : i32
        %div3A_2900 = arith.divsi %reduce_min3A_2409, %jit3A_2899 : i32
        %sign3A_2901 = arith.constant 0 : i32
        %sign3A_2902 = arith.cmpi sgt, %reduce_min3A_2409, %sign3A_2901 : i32
        %sign3A_2903 = arith.extui %sign3A_2902 : i1 to i32
        %sign3A_2904 = arith.constant 0 : i32
        %sign3A_2905 = arith.cmpi slt, %reduce_min3A_2409, %sign3A_2904 : i32
        %sign3A_2906 = arith.extui %sign3A_2905 : i1 to i32
        %sign3A_2907 = arith.subi %sign3A_2903, %sign3A_2906 : i32
        %sign3A_2908 = arith.constant 0 : i32
        %sign3A_2909 = arith.cmpi sgt, %jit3A_2899, %sign3A_2908 : i32
        %sign3A_2910 = arith.extui %sign3A_2909 : i1 to i32
        %sign3A_2911 = arith.constant 0 : i32
        %sign3A_2912 = arith.cmpi slt, %jit3A_2899, %sign3A_2911 : i32
        %sign3A_2913 = arith.extui %sign3A_2912 : i1 to i32
        %sign3A_2914 = arith.subi %sign3A_2910, %sign3A_2913 : i32
        %ne3A_2915 = arith.cmpi ne, %sign3A_2907, %sign3A_2914 : i32
        %rem3A_2916 = arith.remsi %reduce_min3A_2409, %jit3A_2899 : i32
        %ne3A_2917 = arith.constant 0 : i32
        %ne3A_2918 = arith.cmpi ne, %rem3A_2916, %ne3A_2917 : i32
        %and3A_2919 = arith.andi %ne3A_2915, %ne3A_2918 : i1
        %sub3A_2920 = arith.constant 1 : i32
        %sub3A_2921 = arith.subi %div3A_2900, %sub3A_2920 : i32
        %select_n3A_2922 = arith.select %and3A_2919, %sub3A_2921, %div3A_2900 : i32
        %mul3A_2923 = arith.constant 16 : i32
        %mul3A_2924 = arith.muli %select_n3A_2922, %mul3A_2923 : i32
        %add3A_2925 = vector.broadcast %mul3A_2924 : i32 to vector<16xi32>
        %add3A_2926 = arith.addi %add3A_2925, %iota3A : vector<16xi32>
        %eq3A_2927 = vector.broadcast %reduce_min3A_2409 : i32 to vector<16xi32>
        %eq3A_2928 = arith.cmpi eq, %add3A_2926, %eq3A_2927 : vector<16xi32>
        %mul3A_2929 = arith.constant 16 : i32
        %mul3A_2930 = arith.muli %select_n3A_2922, %mul3A_2929 : i32
        %get3A_2931 = arith.index_cast %mul3A_2930 : i32 to index
        %get3A_2932 = tpu.vector_load %arg14[%get3A_2931] {strides = array<i32>} : memref<80xf32, #tpu.memory_space<vmem>>, vector<16xf32>,
        %broadcast_in_dim3A_2933 = vector.broadcast %reduce_max3A_2898 : f32 to vector<16xf32>
        %select_n3A_2934 = arith.select %eq3A_2928, %broadcast_in_dim3A_2933, %get3A_2932 : vector<16xi1>, vector<16xf32>
        %mul3A_2935 = arith.constant 16 : i32
        %mul3A_2936 = arith.muli %select_n3A_2922, %mul3A_2935 : i32
        %swap3A_2937 = arith.index_cast %mul3A_2936 : i32 to index
        %swap3A_2938 = tpu.vector_load %arg14[%swap3A_2937] {strides = array<i32>} : memref<80xf32, #tpu.memory_space<vmem>>, vector<16xf32>,
        tpu.vector_store %arg14[%swap3A_2937], %select_n3A_2934 {strides = array<i32>} : memref<80xf32, #tpu.memory_space<vmem>>, vector<16xf32>,
        %jit3A_2939 = arith.constant 16 : i32
        %div3A_2940 = arith.divsi %scan3A_2327, %jit3A_2939 : i32
        %sign3A_2941 = arith.constant 0 : i32
        %sign3A_2942 = arith.cmpi sgt, %scan3A_2327, %sign3A_2941 : i32
        %sign3A_2943 = arith.extui %sign3A_2942 : i1 to i32
        %sign3A_2944 = arith.constant 0 : i32
        %sign3A_2945 = arith.cmpi slt, %scan3A_2327, %sign3A_2944 : i32
        %sign3A_2946 = arith.extui %sign3A_2945 : i1 to i32
        %sign3A_2947 = arith.subi %sign3A_2943, %sign3A_2946 : i32
        %sign3A_2948 = arith.constant 0 : i32
        %sign3A_2949 = arith.cmpi sgt, %jit3A_2939, %sign3A_2948 : i32
        %sign3A_2950 = arith.extui %sign3A_2949 : i1 to i32
        %sign3A_2951 = arith.constant 0 : i32
        %sign3A_2952 = arith.cmpi slt, %jit3A_2939, %sign3A_2951 : i32
        %sign3A_2953 = arith.extui %sign3A_2952 : i1 to i32
        %sign3A_2954 = arith.subi %sign3A_2950, %sign3A_2953 : i32
        %ne3A_2955 = arith.cmpi ne, %sign3A_2947, %sign3A_2954 : i32
        %rem3A_2956 = arith.remsi %scan3A_2327, %jit3A_2939 : i32
        %ne3A_2957 = arith.constant 0 : i32
        %ne3A_2958 = arith.cmpi ne, %rem3A_2956, %ne3A_2957 : i32
        %and3A_2959 = arith.andi %ne3A_2955, %ne3A_2958 : i1
        %sub3A_2960 = arith.constant 1 : i32
        %sub3A_2961 = arith.subi %div3A_2940, %sub3A_2960 : i32
        %select_n3A_2962 = arith.select %and3A_2959, %sub3A_2961, %div3A_2940 : i32
        %mul3A_2963 = arith.constant 16 : i32
        %mul3A_2964 = arith.muli %select_n3A_2962, %mul3A_2963 : i32
        %add3A_2965 = vector.broadcast %mul3A_2964 : i32 to vector<16xi32>
        %add3A_2966 = arith.addi %add3A_2965, %iota3A : vector<16xi32>
        %eq3A_2967 = vector.broadcast %scan3A_2327 : i32 to vector<16xi32>
        %eq3A_2968 = arith.cmpi eq, %add3A_2966, %eq3A_2967 : vector<16xi32>
        %mul3A_2969 = arith.constant 16 : i32
        %mul3A_2970 = arith.muli %select_n3A_2962, %mul3A_2969 : i32
        %get3A_2971 = arith.index_cast %mul3A_2970 : i32 to index
        %get3A_2972 = tpu.vector_load %arg17[%get3A_2971] {strides = array<i32>} : memref<128xf32, #tpu.memory_space<vmem>>, vector<16xf32>,
        %broadcast_in_dim3A_2973 = vector.broadcast %reduce_max3A_2346 : f32 to vector<16xf32>
        %select_n3A_2974 = arith.select %eq3A_2968, %broadcast_in_dim3A_2973, %get3A_2972 : vector<16xi1>, vector<16xf32>
        %mul3A_2975 = arith.constant 16 : i32
        %mul3A_2976 = arith.muli %select_n3A_2962, %mul3A_2975 : i32
        %swap3A_2977 = arith.index_cast %mul3A_2976 : i32 to index
        %swap3A_2978 = tpu.vector_load %arg17[%swap3A_2977] {strides = array<i32>} : memref<128xf32, #tpu.memory_space<vmem>>, vector<16xf32>,
        tpu.vector_store %arg17[%swap3A_2977], %select_n3A_2974 {strides = array<i32>} : memref<128xf32, #tpu.memory_space<vmem>>, vector<16xf32>,
        %mul3A_2979 = arith.constant 16 : i32
        %mul3A_2980 = arith.muli %select_n3A_2962, %mul3A_2979 : i32
        %add3A_2981 = vector.broadcast %mul3A_2980 : i32 to vector<16xi32>
        %add3A_2982 = arith.addi %add3A_2981, %iota3A : vector<16xi32>
        %eq3A_2983 = vector.broadcast %scan3A_2327 : i32 to vector<16xi32>
        %eq3A_2984 = arith.cmpi eq, %add3A_2982, %eq3A_2983 : vector<16xi32>
        %mul3A_2985 = arith.constant 128 : i32
        %mul3A_2986 = arith.muli %reduce_min3A_2533, %mul3A_2985 : i32
        %add3A_2987 = arith.addi %mul3A_2986, %reduce_min3A_2694 : i32
        %mul3A_2988 = arith.constant 16 : i32
        %mul3A_2989 = arith.muli %select_n3A_2962, %mul3A_2988 : i32
        %get3A_2990 = arith.index_cast %mul3A_2989 : i32 to index
        %get3A_2991 = tpu.vector_load %arg18[%get3A_2990] {strides = array<i32>} : memref<128xi32, #tpu.memory_space<vmem>>, vector<16xi32>,
        %broadcast_in_dim3A_2992 = vector.broadcast %add3A_2987 : i32 to vector<16xi32>
        %select_n3A_2993 = arith.select %eq3A_2984, %broadcast_in_dim3A_2992, %get3A_2991 : vector<16xi1>, vector<16xi32>
        %mul3A_2994 = arith.constant 16 : i32
        %mul3A_2995 = arith.muli %select_n3A_2962, %mul3A_2994 : i32
        %swap3A_2996 = arith.index_cast %mul3A_2995 : i32 to index
        %swap3A_2997 = tpu.vector_load %arg18[%swap3A_2996] {strides = array<i32>} : memref<128xi32, #tpu.memory_space<vmem>>, vector<16xi32>,
        tpu.vector_store %arg18[%swap3A_2996], %select_n3A_2993 {strides = array<i32>} : memref<128xi32, #tpu.memory_space<vmem>>, vector<16xi32>,
      }
      %scan3A_94 = arith.constant 100 : i32
      %get3A = arith.constant 0 : index
      %get3A_95 = tpu.vector_load %arg18[%get3A] {strides = array<i32>} : memref<128xi32, #tpu.memory_space<vmem>>, vector<16xi32>,
      %jit3A = arith.constant 16384 : i32
      %eq3A = arith.constant 0 : i32
      %eq3A_96 = arith.cmpi eq, %jit3A, %eq3A : i32
      %jit3A_97 = arith.constant 1 : i32
      %select_n3A = arith.select %eq3A_96, %jit3A_97, %jit3A : i32
      %rem3A = vector.broadcast %select_n3A : i32 to vector<16xi32>
      %rem3A_98 = arith.remsi %get3A_95, %rem3A : vector<16xi32>
      %ne3A = arith.constant 0 : i32
      %ne3A_99 = vector.broadcast %ne3A : i32 to vector<16xi32>
      %ne3A_100 = arith.cmpi ne, %rem3A_98, %ne3A_99 : vector<16xi32>
      %lt3A_101 = arith.constant 0 : i32
      %lt3A_102 = vector.broadcast %lt3A_101 : i32 to vector<16xi32>
      %lt3A_103 = arith.cmpi slt, %rem3A_98, %lt3A_102 : vector<16xi32>
      %lt3A_104 = arith.constant 0 : i32
      %lt3A_105 = arith.cmpi slt, %select_n3A, %lt3A_104 : i32
      %ne3A_106 = vector.broadcast %lt3A_105 : i1 to vector<16xi1>
      %ne3A_107 = vector.broadcast %ne3A_106 : vector<16xi1> to vector<16xi1>
      %ne3A_108 = arith.xori %lt3A_103, %ne3A_107 : vector<16xi1>
      %and3A = arith.andi %ne3A_108, %ne3A_100 : vector<16xi1>
      %add3A_109 = vector.broadcast %select_n3A : i32 to vector<16xi32>
      %add3A_110 = arith.addi %rem3A_98, %add3A_109 : vector<16xi32>
      %select_n3A_111 = arith.select %and3A, %add3A_110, %rem3A_98 : vector<16xi1>, vector<16xi32>
      %mul3A_112 = arith.constant 32768 : i32
      %mul3A_113 = arith.muli %add3A, %mul3A_112 : i32
      %add3A_114 = arith.constant 0 : i32
      %add3A_115 = arith.addi %mul3A_113, %add3A_114 : i32
      %add3A_116 = vector.broadcast %add3A_115 : i32 to vector<16xi32>
      %add3A_117 = arith.addi %add3A_116, %select_n3A_111 : vector<16xi32>
      %swap3A_118 = arith.constant 0 : index
      %swap3A_119 = tpu.vector_load %arg19[%swap3A_118] {strides = array<i32>} : memref<128xi32, #tpu.memory_space<vmem>>, vector<16xi32>,
      tpu.vector_store %arg19[%swap3A_118], %add3A_117 {strides = array<i32>} : memref<128xi32, #tpu.memory_space<vmem>>, vector<16xi32>,
      %get3A_120 = arith.constant 16 : index
      %get3A_121 = tpu.vector_load %arg18[%get3A_120] {strides = array<i32>} : memref<128xi32, #tpu.memory_space<vmem>>, vector<16xi32>,
      %jit3A_122 = arith.constant 16384 : i32
      %eq3A_123 = arith.constant 0 : i32
      %eq3A_124 = arith.cmpi eq, %jit3A_122, %eq3A_123 : i32
      %jit3A_125 = arith.constant 1 : i32
      %select_n3A_126 = arith.select %eq3A_124, %jit3A_125, %jit3A_122 : i32
      %rem3A_127 = vector.broadcast %select_n3A_126 : i32 to vector<16xi32>
      %rem3A_128 = arith.remsi %get3A_121, %rem3A_127 : vector<16xi32>
      %ne3A_129 = arith.constant 0 : i32
      %ne3A_130 = vector.broadcast %ne3A_129 : i32 to vector<16xi32>
      %ne3A_131 = arith.cmpi ne, %rem3A_128, %ne3A_130 : vector<16xi32>
      %lt3A_132 = arith.constant 0 : i32
      %lt3A_133 = vector.broadcast %lt3A_132 : i32 to vector<16xi32>
      %lt3A_134 = arith.cmpi slt, %rem3A_128, %lt3A_133 : vector<16xi32>
      %lt3A_135 = arith.constant 0 : i32
      %lt3A_136 = arith.cmpi slt, %select_n3A_126, %lt3A_135 : i32
      %ne3A_137 = vector.broadcast %lt3A_136 : i1 to vector<16xi1>
      %ne3A_138 = vector.broadcast %ne3A_137 : vector<16xi1> to vector<16xi1>
      %ne3A_139 = arith.xori %lt3A_134, %ne3A_138 : vector<16xi1>
      %and3A_140 = arith.andi %ne3A_139, %ne3A_131 : vector<16xi1>
      %add3A_141 = vector.broadcast %select_n3A_126 : i32 to vector<16xi32>
      %add3A_142 = arith.addi %rem3A_128, %add3A_141 : vector<16xi32>
      %select_n3A_143 = arith.select %and3A_140, %add3A_142, %rem3A_128 : vector<16xi1>, vector<16xi32>
      %mul3A_144 = arith.constant 32768 : i32
      %mul3A_145 = arith.muli %add3A, %mul3A_144 : i32
      %add3A_146 = arith.constant 0 : i32
      %add3A_147 = arith.addi %mul3A_145, %add3A_146 : i32
      %add3A_148 = vector.broadcast %add3A_147 : i32 to vector<16xi32>
      %add3A_149 = arith.addi %add3A_148, %select_n3A_143 : vector<16xi32>
      %swap3A_150 = arith.constant 16 : index
      %swap3A_151 = tpu.vector_load %arg19[%swap3A_150] {strides = array<i32>} : memref<128xi32, #tpu.memory_space<vmem>>, vector<16xi32>,
      tpu.vector_store %arg19[%swap3A_150], %add3A_149 {strides = array<i32>} : memref<128xi32, #tpu.memory_space<vmem>>, vector<16xi32>,
      %get3A_152 = arith.constant 32 : index
      %get3A_153 = tpu.vector_load %arg18[%get3A_152] {strides = array<i32>} : memref<128xi32, #tpu.memory_space<vmem>>, vector<16xi32>,
      %jit3A_154 = arith.constant 16384 : i32
      %eq3A_155 = arith.constant 0 : i32
      %eq3A_156 = arith.cmpi eq, %jit3A_154, %eq3A_155 : i32
      %jit3A_157 = arith.constant 1 : i32
      %select_n3A_158 = arith.select %eq3A_156, %jit3A_157, %jit3A_154 : i32
      %rem3A_159 = vector.broadcast %select_n3A_158 : i32 to vector<16xi32>
      %rem3A_160 = arith.remsi %get3A_153, %rem3A_159 : vector<16xi32>
      %ne3A_161 = arith.constant 0 : i32
      %ne3A_162 = vector.broadcast %ne3A_161 : i32 to vector<16xi32>
      %ne3A_163 = arith.cmpi ne, %rem3A_160, %ne3A_162 : vector<16xi32>
      %lt3A_164 = arith.constant 0 : i32
      %lt3A_165 = vector.broadcast %lt3A_164 : i32 to vector<16xi32>
      %lt3A_166 = arith.cmpi slt, %rem3A_160, %lt3A_165 : vector<16xi32>
      %lt3A_167 = arith.constant 0 : i32
      %lt3A_168 = arith.cmpi slt, %select_n3A_158, %lt3A_167 : i32
      %ne3A_169 = vector.broadcast %lt3A_168 : i1 to vector<16xi1>
      %ne3A_170 = vector.broadcast %ne3A_169 : vector<16xi1> to vector<16xi1>
      %ne3A_171 = arith.xori %lt3A_166, %ne3A_170 : vector<16xi1>
      %and3A_172 = arith.andi %ne3A_171, %ne3A_163 : vector<16xi1>
      %add3A_173 = vector.broadcast %select_n3A_158 : i32 to vector<16xi32>
      %add3A_174 = arith.addi %rem3A_160, %add3A_173 : vector<16xi32>
      %select_n3A_175 = arith.select %and3A_172, %add3A_174, %rem3A_160 : vector<16xi1>, vector<16xi32>
      %mul3A_176 = arith.constant 32768 : i32
      %mul3A_177 = arith.muli %add3A, %mul3A_176 : i32
      %add3A_178 = arith.constant 0 : i32
      %add3A_179 = arith.addi %mul3A_177, %add3A_178 : i32
      %add3A_180 = vector.broadcast %add3A_179 : i32 to vector<16xi32>
      %add3A_181 = arith.addi %add3A_180, %select_n3A_175 : vector<16xi32>
      %swap3A_182 = arith.constant 32 : index
      %swap3A_183 = tpu.vector_load %arg19[%swap3A_182] {strides = array<i32>} : memref<128xi32, #tpu.memory_space<vmem>>, vector<16xi32>,
      tpu.vector_store %arg19[%swap3A_182], %add3A_181 {strides = array<i32>} : memref<128xi32, #tpu.memory_space<vmem>>, vector<16xi32>,
      %get3A_184 = arith.constant 48 : index
      %get3A_185 = tpu.vector_load %arg18[%get3A_184] {strides = array<i32>} : memref<128xi32, #tpu.memory_space<vmem>>, vector<16xi32>,
      %jit3A_186 = arith.constant 16384 : i32
      %eq3A_187 = arith.constant 0 : i32
      %eq3A_188 = arith.cmpi eq, %jit3A_186, %eq3A_187 : i32
      %jit3A_189 = arith.constant 1 : i32
      %select_n3A_190 = arith.select %eq3A_188, %jit3A_189, %jit3A_186 : i32
      %rem3A_191 = vector.broadcast %select_n3A_190 : i32 to vector<16xi32>
      %rem3A_192 = arith.remsi %get3A_185, %rem3A_191 : vector<16xi32>
      %ne3A_193 = arith.constant 0 : i32
      %ne3A_194 = vector.broadcast %ne3A_193 : i32 to vector<16xi32>
      %ne3A_195 = arith.cmpi ne, %rem3A_192, %ne3A_194 : vector<16xi32>
      %lt3A_196 = arith.constant 0 : i32
      %lt3A_197 = vector.broadcast %lt3A_196 : i32 to vector<16xi32>
      %lt3A_198 = arith.cmpi slt, %rem3A_192, %lt3A_197 : vector<16xi32>
      %lt3A_199 = arith.constant 0 : i32
      %lt3A_200 = arith.cmpi slt, %select_n3A_190, %lt3A_199 : i32
      %ne3A_201 = vector.broadcast %lt3A_200 : i1 to vector<16xi1>
      %ne3A_202 = vector.broadcast %ne3A_201 : vector<16xi1> to vector<16xi1>
      %ne3A_203 = arith.xori %lt3A_198, %ne3A_202 : vector<16xi1>
      %and3A_204 = arith.andi %ne3A_203, %ne3A_195 : vector<16xi1>
      %add3A_205 = vector.broadcast %select_n3A_190 : i32 to vector<16xi32>
      %add3A_206 = arith.addi %rem3A_192, %add3A_205 : vector<16xi32>
      %select_n3A_207 = arith.select %and3A_204, %add3A_206, %rem3A_192 : vector<16xi1>, vector<16xi32>
      %mul3A_208 = arith.constant 32768 : i32
      %mul3A_209 = arith.muli %add3A, %mul3A_208 : i32
      %add3A_210 = arith.constant 0 : i32
      %add3A_211 = arith.addi %mul3A_209, %add3A_210 : i32
      %add3A_212 = vector.broadcast %add3A_211 : i32 to vector<16xi32>
      %add3A_213 = arith.addi %add3A_212, %select_n3A_207 : vector<16xi32>
      %swap3A_214 = arith.constant 48 : index
      %swap3A_215 = tpu.vector_load %arg19[%swap3A_214] {strides = array<i32>} : memref<128xi32, #tpu.memory_space<vmem>>, vector<16xi32>,
      tpu.vector_store %arg19[%swap3A_214], %add3A_213 {strides = array<i32>} : memref<128xi32, #tpu.memory_space<vmem>>, vector<16xi32>,
      %get3A_216 = arith.constant 64 : index
      %get3A_217 = tpu.vector_load %arg18[%get3A_216] {strides = array<i32>} : memref<128xi32, #tpu.memory_space<vmem>>, vector<16xi32>,
      %jit3A_218 = arith.constant 16384 : i32
      %eq3A_219 = arith.constant 0 : i32
      %eq3A_220 = arith.cmpi eq, %jit3A_218, %eq3A_219 : i32
      %jit3A_221 = arith.constant 1 : i32
      %select_n3A_222 = arith.select %eq3A_220, %jit3A_221, %jit3A_218 : i32
      %rem3A_223 = vector.broadcast %select_n3A_222 : i32 to vector<16xi32>
      %rem3A_224 = arith.remsi %get3A_217, %rem3A_223 : vector<16xi32>
      %ne3A_225 = arith.constant 0 : i32
      %ne3A_226 = vector.broadcast %ne3A_225 : i32 to vector<16xi32>
      %ne3A_227 = arith.cmpi ne, %rem3A_224, %ne3A_226 : vector<16xi32>
      %lt3A_228 = arith.constant 0 : i32
      %lt3A_229 = vector.broadcast %lt3A_228 : i32 to vector<16xi32>
      %lt3A_230 = arith.cmpi slt, %rem3A_224, %lt3A_229 : vector<16xi32>
      %lt3A_231 = arith.constant 0 : i32
      %lt3A_232 = arith.cmpi slt, %select_n3A_222, %lt3A_231 : i32
      %ne3A_233 = vector.broadcast %lt3A_232 : i1 to vector<16xi1>
      %ne3A_234 = vector.broadcast %ne3A_233 : vector<16xi1> to vector<16xi1>
      %ne3A_235 = arith.xori %lt3A_230, %ne3A_234 : vector<16xi1>
      %and3A_236 = arith.andi %ne3A_235, %ne3A_227 : vector<16xi1>
      %add3A_237 = vector.broadcast %select_n3A_222 : i32 to vector<16xi32>
      %add3A_238 = arith.addi %rem3A_224, %add3A_237 : vector<16xi32>
      %select_n3A_239 = arith.select %and3A_236, %add3A_238, %rem3A_224 : vector<16xi1>, vector<16xi32>
      %mul3A_240 = arith.constant 32768 : i32
      %mul3A_241 = arith.muli %add3A, %mul3A_240 : i32
      %add3A_242 = arith.constant 0 : i32
      %add3A_243 = arith.addi %mul3A_241, %add3A_242 : i32
      %add3A_244 = vector.broadcast %add3A_243 : i32 to vector<16xi32>
      %add3A_245 = arith.addi %add3A_244, %select_n3A_239 : vector<16xi32>
      %swap3A_246 = arith.constant 64 : index
      %swap3A_247 = tpu.vector_load %arg19[%swap3A_246] {strides = array<i32>} : memref<128xi32, #tpu.memory_space<vmem>>, vector<16xi32>,
      tpu.vector_store %arg19[%swap3A_246], %add3A_245 {strides = array<i32>} : memref<128xi32, #tpu.memory_space<vmem>>, vector<16xi32>,
      %get3A_248 = arith.constant 80 : index
      %get3A_249 = tpu.vector_load %arg18[%get3A_248] {strides = array<i32>} : memref<128xi32, #tpu.memory_space<vmem>>, vector<16xi32>,
      %jit3A_250 = arith.constant 16384 : i32
      %eq3A_251 = arith.constant 0 : i32
      %eq3A_252 = arith.cmpi eq, %jit3A_250, %eq3A_251 : i32
      %jit3A_253 = arith.constant 1 : i32
      %select_n3A_254 = arith.select %eq3A_252, %jit3A_253, %jit3A_250 : i32
      %rem3A_255 = vector.broadcast %select_n3A_254 : i32 to vector<16xi32>
      %rem3A_256 = arith.remsi %get3A_249, %rem3A_255 : vector<16xi32>
      %ne3A_257 = arith.constant 0 : i32
      %ne3A_258 = vector.broadcast %ne3A_257 : i32 to vector<16xi32>
      %ne3A_259 = arith.cmpi ne, %rem3A_256, %ne3A_258 : vector<16xi32>
      %lt3A_260 = arith.constant 0 : i32
      %lt3A_261 = vector.broadcast %lt3A_260 : i32 to vector<16xi32>
      %lt3A_262 = arith.cmpi slt, %rem3A_256, %lt3A_261 : vector<16xi32>
      %lt3A_263 = arith.constant 0 : i32
      %lt3A_264 = arith.cmpi slt, %select_n3A_254, %lt3A_263 : i32
      %ne3A_265 = vector.broadcast %lt3A_264 : i1 to vector<16xi1>
      %ne3A_266 = vector.broadcast %ne3A_265 : vector<16xi1> to vector<16xi1>
      %ne3A_267 = arith.xori %lt3A_262, %ne3A_266 : vector<16xi1>
      %and3A_268 = arith.andi %ne3A_267, %ne3A_259 : vector<16xi1>
      %add3A_269 = vector.broadcast %select_n3A_254 : i32 to vector<16xi32>
      %add3A_270 = arith.addi %rem3A_256, %add3A_269 : vector<16xi32>
      %select_n3A_271 = arith.select %and3A_268, %add3A_270, %rem3A_256 : vector<16xi1>, vector<16xi32>
      %mul3A_272 = arith.constant 32768 : i32
      %mul3A_273 = arith.muli %add3A, %mul3A_272 : i32
      %add3A_274 = arith.constant 0 : i32
      %add3A_275 = arith.addi %mul3A_273, %add3A_274 : i32
      %add3A_276 = vector.broadcast %add3A_275 : i32 to vector<16xi32>
      %add3A_277 = arith.addi %add3A_276, %select_n3A_271 : vector<16xi32>
      %swap3A_278 = arith.constant 80 : index
      %swap3A_279 = tpu.vector_load %arg19[%swap3A_278] {strides = array<i32>} : memref<128xi32, #tpu.memory_space<vmem>>, vector<16xi32>,
      tpu.vector_store %arg19[%swap3A_278], %add3A_277 {strides = array<i32>} : memref<128xi32, #tpu.memory_space<vmem>>, vector<16xi32>,
      %get3A_280 = arith.constant 96 : index
      %get3A_281 = tpu.vector_load %arg18[%get3A_280] {strides = array<i32>} : memref<128xi32, #tpu.memory_space<vmem>>, vector<16xi32>,
      %jit3A_282 = arith.constant 16384 : i32
      %eq3A_283 = arith.constant 0 : i32
      %eq3A_284 = arith.cmpi eq, %jit3A_282, %eq3A_283 : i32
      %jit3A_285 = arith.constant 1 : i32
      %select_n3A_286 = arith.select %eq3A_284, %jit3A_285, %jit3A_282 : i32
      %rem3A_287 = vector.broadcast %select_n3A_286 : i32 to vector<16xi32>
      %rem3A_288 = arith.remsi %get3A_281, %rem3A_287 : vector<16xi32>
      %ne3A_289 = arith.constant 0 : i32
      %ne3A_290 = vector.broadcast %ne3A_289 : i32 to vector<16xi32>
      %ne3A_291 = arith.cmpi ne, %rem3A_288, %ne3A_290 : vector<16xi32>
      %lt3A_292 = arith.constant 0 : i32
      %lt3A_293 = vector.broadcast %lt3A_292 : i32 to vector<16xi32>
      %lt3A_294 = arith.cmpi slt, %rem3A_288, %lt3A_293 : vector<16xi32>
      %lt3A_295 = arith.constant 0 : i32
      %lt3A_296 = arith.cmpi slt, %select_n3A_286, %lt3A_295 : i32
      %ne3A_297 = vector.broadcast %lt3A_296 : i1 to vector<16xi1>
      %ne3A_298 = vector.broadcast %ne3A_297 : vector<16xi1> to vector<16xi1>
      %ne3A_299 = arith.xori %lt3A_294, %ne3A_298 : vector<16xi1>
      %and3A_300 = arith.andi %ne3A_299, %ne3A_291 : vector<16xi1>
      %add3A_301 = vector.broadcast %select_n3A_286 : i32 to vector<16xi32>
      %add3A_302 = arith.addi %rem3A_288, %add3A_301 : vector<16xi32>
      %select_n3A_303 = arith.select %and3A_300, %add3A_302, %rem3A_288 : vector<16xi1>, vector<16xi32>
      %mul3A_304 = arith.constant 32768 : i32
      %mul3A_305 = arith.muli %add3A, %mul3A_304 : i32
      %add3A_306 = arith.constant 0 : i32
      %add3A_307 = arith.addi %mul3A_305, %add3A_306 : i32
      %add3A_308 = vector.broadcast %add3A_307 : i32 to vector<16xi32>
      %add3A_309 = arith.addi %add3A_308, %select_n3A_303 : vector<16xi32>
      %swap3A_310 = arith.constant 96 : index
      %swap3A_311 = tpu.vector_load %arg19[%swap3A_310] {strides = array<i32>} : memref<128xi32, #tpu.memory_space<vmem>>, vector<16xi32>,
      tpu.vector_store %arg19[%swap3A_310], %add3A_309 {strides = array<i32>} : memref<128xi32, #tpu.memory_space<vmem>>, vector<16xi32>,
      %get3A_312 = arith.constant 112 : index
      %get3A_313 = tpu.vector_load %arg18[%get3A_312] {strides = array<i32>} : memref<128xi32, #tpu.memory_space<vmem>>, vector<16xi32>,
      %jit3A_314 = arith.constant 16384 : i32
      %eq3A_315 = arith.constant 0 : i32
      %eq3A_316 = arith.cmpi eq, %jit3A_314, %eq3A_315 : i32
      %jit3A_317 = arith.constant 1 : i32
      %select_n3A_318 = arith.select %eq3A_316, %jit3A_317, %jit3A_314 : i32
      %rem3A_319 = vector.broadcast %select_n3A_318 : i32 to vector<16xi32>
      %rem3A_320 = arith.remsi %get3A_313, %rem3A_319 : vector<16xi32>
      %ne3A_321 = arith.constant 0 : i32
      %ne3A_322 = vector.broadcast %ne3A_321 : i32 to vector<16xi32>
      %ne3A_323 = arith.cmpi ne, %rem3A_320, %ne3A_322 : vector<16xi32>
      %lt3A_324 = arith.constant 0 : i32
      %lt3A_325 = vector.broadcast %lt3A_324 : i32 to vector<16xi32>
      %lt3A_326 = arith.cmpi slt, %rem3A_320, %lt3A_325 : vector<16xi32>
      %lt3A_327 = arith.constant 0 : i32
      %lt3A_328 = arith.cmpi slt, %select_n3A_318, %lt3A_327 : i32
      %ne3A_329 = vector.broadcast %lt3A_328 : i1 to vector<16xi1>
      %ne3A_330 = vector.broadcast %ne3A_329 : vector<16xi1> to vector<16xi1>
      %ne3A_331 = arith.xori %lt3A_326, %ne3A_330 : vector<16xi1>
      %and3A_332 = arith.andi %ne3A_331, %ne3A_323 : vector<16xi1>
      %add3A_333 = vector.broadcast %select_n3A_318 : i32 to vector<16xi32>
      %add3A_334 = arith.addi %rem3A_320, %add3A_333 : vector<16xi32>
      %select_n3A_335 = arith.select %and3A_332, %add3A_334, %rem3A_320 : vector<16xi1>, vector<16xi32>
      %mul3A_336 = arith.constant 32768 : i32
      %mul3A_337 = arith.muli %add3A, %mul3A_336 : i32
      %add3A_338 = arith.constant 0 : i32
      %add3A_339 = arith.addi %mul3A_337, %add3A_338 : i32
      %add3A_340 = vector.broadcast %add3A_339 : i32 to vector<16xi32>
      %add3A_341 = arith.addi %add3A_340, %select_n3A_335 : vector<16xi32>
      %swap3A_342 = arith.constant 112 : index
      %swap3A_343 = tpu.vector_load %arg19[%swap3A_342] {strides = array<i32>} : memref<128xi32, #tpu.memory_space<vmem>>, vector<16xi32>,
      tpu.vector_store %arg19[%swap3A_342], %add3A_341 {strides = array<i32>} : memref<128xi32, #tpu.memory_space<vmem>>, vector<16xi32>,
      %dma_start3A = arith.constant 0 : i32
      %dma_start3A_344 = tpu.memref_slice %arg5[%dma_start3A] : memref<524288xf32, #tpu.memory_space<hbm>> -> memref<524288xf32, #tpu.memory_space<hbm>>
      tpu.enqueue_indirect_dma source(%dma_start3A_344 : memref<524288xf32, #tpu.memory_space<hbm>>) target(%arg20 : memref<128xf32, #tpu.memory_space<vmem>>) offsets(%arg19 : memref<128xi32, #tpu.memory_space<vmem>>) semaphore(%arg25 : memref<!tpu.dma_semaphore, #tpu.memory_space<semaphore_mem>>)
      %dma_wait3A_345 = arith.constant 0 : i32
      %dma_wait3A_346 = tpu.memref_slice %arg5[%dma_wait3A_345] : memref<524288xf32, #tpu.memory_space<hbm>> -> memref<524288xf32, #tpu.memory_space<hbm>>
      tpu.wait_indirect_dma semaphore(%arg25 : memref<!tpu.dma_semaphore, #tpu.memory_space<semaphore_mem>>) src(%dma_wait3A_346 : memref<524288xf32, #tpu.memory_space<hbm>>) dst(%arg20 : memref<128xf32, #tpu.memory_space<vmem>>)
      %get3A_347 = arith.constant 0 : index
      %get3A_348 = tpu.vector_load %arg18[%get3A_347] {strides = array<i32>} : memref<128xi32, #tpu.memory_space<vmem>>, vector<16xi32>,
      %jit3A_349 = arith.constant 16384 : i32
      %eq3A_350 = arith.constant 0 : i32
      %eq3A_351 = arith.cmpi eq, %jit3A_349, %eq3A_350 : i32
      %jit3A_352 = arith.constant 1 : i32
      %select_n3A_353 = arith.select %eq3A_351, %jit3A_352, %jit3A_349 : i32
      %rem3A_354 = vector.broadcast %select_n3A_353 : i32 to vector<16xi32>
      %rem3A_355 = arith.remsi %get3A_348, %rem3A_354 : vector<16xi32>
      %ne3A_356 = arith.constant 0 : i32
      %ne3A_357 = vector.broadcast %ne3A_356 : i32 to vector<16xi32>
      %ne3A_358 = arith.cmpi ne, %rem3A_355, %ne3A_357 : vector<16xi32>
      %lt3A_359 = arith.constant 0 : i32
      %lt3A_360 = vector.broadcast %lt3A_359 : i32 to vector<16xi32>
      %lt3A_361 = arith.cmpi slt, %rem3A_355, %lt3A_360 : vector<16xi32>
      %lt3A_362 = arith.constant 0 : i32
      %lt3A_363 = arith.cmpi slt, %select_n3A_353, %lt3A_362 : i32
      %ne3A_364 = vector.broadcast %lt3A_363 : i1 to vector<16xi1>
      %ne3A_365 = vector.broadcast %ne3A_364 : vector<16xi1> to vector<16xi1>
      %ne3A_366 = arith.xori %lt3A_361, %ne3A_365 : vector<16xi1>
      %and3A_367 = arith.andi %ne3A_366, %ne3A_358 : vector<16xi1>
      %add3A_368 = vector.broadcast %select_n3A_353 : i32 to vector<16xi32>
      %add3A_369 = arith.addi %rem3A_355, %add3A_368 : vector<16xi32>
      %select_n3A_370 = arith.select %and3A_367, %add3A_369, %rem3A_355 : vector<16xi1>, vector<16xi32>
      %mul3A_371 = arith.constant 32768 : i32
      %mul3A_372 = arith.muli %add3A, %mul3A_371 : i32
      %add3A_373 = arith.constant 16384 : i32
      %add3A_374 = arith.addi %mul3A_372, %add3A_373 : i32
      %add3A_375 = vector.broadcast %add3A_374 : i32 to vector<16xi32>
      %add3A_376 = arith.addi %add3A_375, %select_n3A_370 : vector<16xi32>
      %swap3A_377 = arith.constant 0 : index
      %swap3A_378 = tpu.vector_load %arg19[%swap3A_377] {strides = array<i32>} : memref<128xi32, #tpu.memory_space<vmem>>, vector<16xi32>,
      tpu.vector_store %arg19[%swap3A_377], %add3A_376 {strides = array<i32>} : memref<128xi32, #tpu.memory_space<vmem>>, vector<16xi32>,
      %get3A_379 = arith.constant 16 : index
      %get3A_380 = tpu.vector_load %arg18[%get3A_379] {strides = array<i32>} : memref<128xi32, #tpu.memory_space<vmem>>, vector<16xi32>,
      %jit3A_381 = arith.constant 16384 : i32
      %eq3A_382 = arith.constant 0 : i32
      %eq3A_383 = arith.cmpi eq, %jit3A_381, %eq3A_382 : i32
      %jit3A_384 = arith.constant 1 : i32
      %select_n3A_385 = arith.select %eq3A_383, %jit3A_384, %jit3A_381 : i32
      %rem3A_386 = vector.broadcast %select_n3A_385 : i32 to vector<16xi32>
      %rem3A_387 = arith.remsi %get3A_380, %rem3A_386 : vector<16xi32>
      %ne3A_388 = arith.constant 0 : i32
      %ne3A_389 = vector.broadcast %ne3A_388 : i32 to vector<16xi32>
      %ne3A_390 = arith.cmpi ne, %rem3A_387, %ne3A_389 : vector<16xi32>
      %lt3A_391 = arith.constant 0 : i32
      %lt3A_392 = vector.broadcast %lt3A_391 : i32 to vector<16xi32>
      %lt3A_393 = arith.cmpi slt, %rem3A_387, %lt3A_392 : vector<16xi32>
      %lt3A_394 = arith.constant 0 : i32
      %lt3A_395 = arith.cmpi slt, %select_n3A_385, %lt3A_394 : i32
      %ne3A_396 = vector.broadcast %lt3A_395 : i1 to vector<16xi1>
      %ne3A_397 = vector.broadcast %ne3A_396 : vector<16xi1> to vector<16xi1>
      %ne3A_398 = arith.xori %lt3A_393, %ne3A_397 : vector<16xi1>
      %and3A_399 = arith.andi %ne3A_398, %ne3A_390 : vector<16xi1>
      %add3A_400 = vector.broadcast %select_n3A_385 : i32 to vector<16xi32>
      %add3A_401 = arith.addi %rem3A_387, %add3A_400 : vector<16xi32>
      %select_n3A_402 = arith.select %and3A_399, %add3A_401, %rem3A_387 : vector<16xi1>, vector<16xi32>
      %mul3A_403 = arith.constant 32768 : i32
      %mul3A_404 = arith.muli %add3A, %mul3A_403 : i32
      %add3A_405 = arith.constant 16384 : i32
      %add3A_406 = arith.addi %mul3A_404, %add3A_405 : i32
      %add3A_407 = vector.broadcast %add3A_406 : i32 to vector<16xi32>
      %add3A_408 = arith.addi %add3A_407, %select_n3A_402 : vector<16xi32>
      %swap3A_409 = arith.constant 16 : index
      %swap3A_410 = tpu.vector_load %arg19[%swap3A_409] {strides = array<i32>} : memref<128xi32, #tpu.memory_space<vmem>>, vector<16xi32>,
      tpu.vector_store %arg19[%swap3A_409], %add3A_408 {strides = array<i32>} : memref<128xi32, #tpu.memory_space<vmem>>, vector<16xi32>,
      %get3A_411 = arith.constant 32 : index
      %get3A_412 = tpu.vector_load %arg18[%get3A_411] {strides = array<i32>} : memref<128xi32, #tpu.memory_space<vmem>>, vector<16xi32>,
      %jit3A_413 = arith.constant 16384 : i32
      %eq3A_414 = arith.constant 0 : i32
      %eq3A_415 = arith.cmpi eq, %jit3A_413, %eq3A_414 : i32
      %jit3A_416 = arith.constant 1 : i32
      %select_n3A_417 = arith.select %eq3A_415, %jit3A_416, %jit3A_413 : i32
      %rem3A_418 = vector.broadcast %select_n3A_417 : i32 to vector<16xi32>
      %rem3A_419 = arith.remsi %get3A_412, %rem3A_418 : vector<16xi32>
      %ne3A_420 = arith.constant 0 : i32
      %ne3A_421 = vector.broadcast %ne3A_420 : i32 to vector<16xi32>
      %ne3A_422 = arith.cmpi ne, %rem3A_419, %ne3A_421 : vector<16xi32>
      %lt3A_423 = arith.constant 0 : i32
      %lt3A_424 = vector.broadcast %lt3A_423 : i32 to vector<16xi32>
      %lt3A_425 = arith.cmpi slt, %rem3A_419, %lt3A_424 : vector<16xi32>
      %lt3A_426 = arith.constant 0 : i32
      %lt3A_427 = arith.cmpi slt, %select_n3A_417, %lt3A_426 : i32
      %ne3A_428 = vector.broadcast %lt3A_427 : i1 to vector<16xi1>
      %ne3A_429 = vector.broadcast %ne3A_428 : vector<16xi1> to vector<16xi1>
      %ne3A_430 = arith.xori %lt3A_425, %ne3A_429 : vector<16xi1>
      %and3A_431 = arith.andi %ne3A_430, %ne3A_422 : vector<16xi1>
      %add3A_432 = vector.broadcast %select_n3A_417 : i32 to vector<16xi32>
      %add3A_433 = arith.addi %rem3A_419, %add3A_432 : vector<16xi32>
      %select_n3A_434 = arith.select %and3A_431, %add3A_433, %rem3A_419 : vector<16xi1>, vector<16xi32>
      %mul3A_435 = arith.constant 32768 : i32
      %mul3A_436 = arith.muli %add3A, %mul3A_435 : i32
      %add3A_437 = arith.constant 16384 : i32
      %add3A_438 = arith.addi %mul3A_436, %add3A_437 : i32
      %add3A_439 = vector.broadcast %add3A_438 : i32 to vector<16xi32>
      %add3A_440 = arith.addi %add3A_439, %select_n3A_434 : vector<16xi32>
      %swap3A_441 = arith.constant 32 : index
      %swap3A_442 = tpu.vector_load %arg19[%swap3A_441] {strides = array<i32>} : memref<128xi32, #tpu.memory_space<vmem>>, vector<16xi32>,
      tpu.vector_store %arg19[%swap3A_441], %add3A_440 {strides = array<i32>} : memref<128xi32, #tpu.memory_space<vmem>>, vector<16xi32>,
      %get3A_443 = arith.constant 48 : index
      %get3A_444 = tpu.vector_load %arg18[%get3A_443] {strides = array<i32>} : memref<128xi32, #tpu.memory_space<vmem>>, vector<16xi32>,
      %jit3A_445 = arith.constant 16384 : i32
      %eq3A_446 = arith.constant 0 : i32
      %eq3A_447 = arith.cmpi eq, %jit3A_445, %eq3A_446 : i32
      %jit3A_448 = arith.constant 1 : i32
      %select_n3A_449 = arith.select %eq3A_447, %jit3A_448, %jit3A_445 : i32
      %rem3A_450 = vector.broadcast %select_n3A_449 : i32 to vector<16xi32>
      %rem3A_451 = arith.remsi %get3A_444, %rem3A_450 : vector<16xi32>
      %ne3A_452 = arith.constant 0 : i32
      %ne3A_453 = vector.broadcast %ne3A_452 : i32 to vector<16xi32>
      %ne3A_454 = arith.cmpi ne, %rem3A_451, %ne3A_453 : vector<16xi32>
      %lt3A_455 = arith.constant 0 : i32
      %lt3A_456 = vector.broadcast %lt3A_455 : i32 to vector<16xi32>
      %lt3A_457 = arith.cmpi slt, %rem3A_451, %lt3A_456 : vector<16xi32>
      %lt3A_458 = arith.constant 0 : i32
      %lt3A_459 = arith.cmpi slt, %select_n3A_449, %lt3A_458 : i32
      %ne3A_460 = vector.broadcast %lt3A_459 : i1 to vector<16xi1>
      %ne3A_461 = vector.broadcast %ne3A_460 : vector<16xi1> to vector<16xi1>
      %ne3A_462 = arith.xori %lt3A_457, %ne3A_461 : vector<16xi1>
      %and3A_463 = arith.andi %ne3A_462, %ne3A_454 : vector<16xi1>
      %add3A_464 = vector.broadcast %select_n3A_449 : i32 to vector<16xi32>
      %add3A_465 = arith.addi %rem3A_451, %add3A_464 : vector<16xi32>
      %select_n3A_466 = arith.select %and3A_463, %add3A_465, %rem3A_451 : vector<16xi1>, vector<16xi32>
      %mul3A_467 = arith.constant 32768 : i32
      %mul3A_468 = arith.muli %add3A, %mul3A_467 : i32
      %add3A_469 = arith.constant 16384 : i32
      %add3A_470 = arith.addi %mul3A_468, %add3A_469 : i32
      %add3A_471 = vector.broadcast %add3A_470 : i32 to vector<16xi32>
      %add3A_472 = arith.addi %add3A_471, %select_n3A_466 : vector<16xi32>
      %swap3A_473 = arith.constant 48 : index
      %swap3A_474 = tpu.vector_load %arg19[%swap3A_473] {strides = array<i32>} : memref<128xi32, #tpu.memory_space<vmem>>, vector<16xi32>,
      tpu.vector_store %arg19[%swap3A_473], %add3A_472 {strides = array<i32>} : memref<128xi32, #tpu.memory_space<vmem>>, vector<16xi32>,
      %get3A_475 = arith.constant 64 : index
      %get3A_476 = tpu.vector_load %arg18[%get3A_475] {strides = array<i32>} : memref<128xi32, #tpu.memory_space<vmem>>, vector<16xi32>,
      %jit3A_477 = arith.constant 16384 : i32
      %eq3A_478 = arith.constant 0 : i32
      %eq3A_479 = arith.cmpi eq, %jit3A_477, %eq3A_478 : i32
      %jit3A_480 = arith.constant 1 : i32
      %select_n3A_481 = arith.select %eq3A_479, %jit3A_480, %jit3A_477 : i32
      %rem3A_482 = vector.broadcast %select_n3A_481 : i32 to vector<16xi32>
      %rem3A_483 = arith.remsi %get3A_476, %rem3A_482 : vector<16xi32>
      %ne3A_484 = arith.constant 0 : i32
      %ne3A_485 = vector.broadcast %ne3A_484 : i32 to vector<16xi32>
      %ne3A_486 = arith.cmpi ne, %rem3A_483, %ne3A_485 : vector<16xi32>
      %lt3A_487 = arith.constant 0 : i32
      %lt3A_488 = vector.broadcast %lt3A_487 : i32 to vector<16xi32>
      %lt3A_489 = arith.cmpi slt, %rem3A_483, %lt3A_488 : vector<16xi32>
      %lt3A_490 = arith.constant 0 : i32
      %lt3A_491 = arith.cmpi slt, %select_n3A_481, %lt3A_490 : i32
      %ne3A_492 = vector.broadcast %lt3A_491 : i1 to vector<16xi1>
      %ne3A_493 = vector.broadcast %ne3A_492 : vector<16xi1> to vector<16xi1>
      %ne3A_494 = arith.xori %lt3A_489, %ne3A_493 : vector<16xi1>
      %and3A_495 = arith.andi %ne3A_494, %ne3A_486 : vector<16xi1>
      %add3A_496 = vector.broadcast %select_n3A_481 : i32 to vector<16xi32>
      %add3A_497 = arith.addi %rem3A_483, %add3A_496 : vector<16xi32>
      %select_n3A_498 = arith.select %and3A_495, %add3A_497, %rem3A_483 : vector<16xi1>, vector<16xi32>
      %mul3A_499 = arith.constant 32768 : i32
      %mul3A_500 = arith.muli %add3A, %mul3A_499 : i32
      %add3A_501 = arith.constant 16384 : i32
      %add3A_502 = arith.addi %mul3A_500, %add3A_501 : i32
      %add3A_503 = vector.broadcast %add3A_502 : i32 to vector<16xi32>
      %add3A_504 = arith.addi %add3A_503, %select_n3A_498 : vector<16xi32>
      %swap3A_505 = arith.constant 64 : index
      %swap3A_506 = tpu.vector_load %arg19[%swap3A_505] {strides = array<i32>} : memref<128xi32, #tpu.memory_space<vmem>>, vector<16xi32>,
      tpu.vector_store %arg19[%swap3A_505], %add3A_504 {strides = array<i32>} : memref<128xi32, #tpu.memory_space<vmem>>, vector<16xi32>,
      %get3A_507 = arith.constant 80 : index
      %get3A_508 = tpu.vector_load %arg18[%get3A_507] {strides = array<i32>} : memref<128xi32, #tpu.memory_space<vmem>>, vector<16xi32>,
      %jit3A_509 = arith.constant 16384 : i32
      %eq3A_510 = arith.constant 0 : i32
      %eq3A_511 = arith.cmpi eq, %jit3A_509, %eq3A_510 : i32
      %jit3A_512 = arith.constant 1 : i32
      %select_n3A_513 = arith.select %eq3A_511, %jit3A_512, %jit3A_509 : i32
      %rem3A_514 = vector.broadcast %select_n3A_513 : i32 to vector<16xi32>
      %rem3A_515 = arith.remsi %get3A_508, %rem3A_514 : vector<16xi32>
      %ne3A_516 = arith.constant 0 : i32
      %ne3A_517 = vector.broadcast %ne3A_516 : i32 to vector<16xi32>
      %ne3A_518 = arith.cmpi ne, %rem3A_515, %ne3A_517 : vector<16xi32>
      %lt3A_519 = arith.constant 0 : i32
      %lt3A_520 = vector.broadcast %lt3A_519 : i32 to vector<16xi32>
      %lt3A_521 = arith.cmpi slt, %rem3A_515, %lt3A_520 : vector<16xi32>
      %lt3A_522 = arith.constant 0 : i32
      %lt3A_523 = arith.cmpi slt, %select_n3A_513, %lt3A_522 : i32
      %ne3A_524 = vector.broadcast %lt3A_523 : i1 to vector<16xi1>
      %ne3A_525 = vector.broadcast %ne3A_524 : vector<16xi1> to vector<16xi1>
      %ne3A_526 = arith.xori %lt3A_521, %ne3A_525 : vector<16xi1>
      %and3A_527 = arith.andi %ne3A_526, %ne3A_518 : vector<16xi1>
      %add3A_528 = vector.broadcast %select_n3A_513 : i32 to vector<16xi32>
      %add3A_529 = arith.addi %rem3A_515, %add3A_528 : vector<16xi32>
      %select_n3A_530 = arith.select %and3A_527, %add3A_529, %rem3A_515 : vector<16xi1>, vector<16xi32>
      %mul3A_531 = arith.constant 32768 : i32
      %mul3A_532 = arith.muli %add3A, %mul3A_531 : i32
      %add3A_533 = arith.constant 16384 : i32
      %add3A_534 = arith.addi %mul3A_532, %add3A_533 : i32
      %add3A_535 = vector.broadcast %add3A_534 : i32 to vector<16xi32>
      %add3A_536 = arith.addi %add3A_535, %select_n3A_530 : vector<16xi32>
      %swap3A_537 = arith.constant 80 : index
      %swap3A_538 = tpu.vector_load %arg19[%swap3A_537] {strides = array<i32>} : memref<128xi32, #tpu.memory_space<vmem>>, vector<16xi32>,
      tpu.vector_store %arg19[%swap3A_537], %add3A_536 {strides = array<i32>} : memref<128xi32, #tpu.memory_space<vmem>>, vector<16xi32>,
      %get3A_539 = arith.constant 96 : index
      %get3A_540 = tpu.vector_load %arg18[%get3A_539] {strides = array<i32>} : memref<128xi32, #tpu.memory_space<vmem>>, vector<16xi32>,
      %jit3A_541 = arith.constant 16384 : i32
      %eq3A_542 = arith.constant 0 : i32
      %eq3A_543 = arith.cmpi eq, %jit3A_541, %eq3A_542 : i32
      %jit3A_544 = arith.constant 1 : i32
      %select_n3A_545 = arith.select %eq3A_543, %jit3A_544, %jit3A_541 : i32
      %rem3A_546 = vector.broadcast %select_n3A_545 : i32 to vector<16xi32>
      %rem3A_547 = arith.remsi %get3A_540, %rem3A_546 : vector<16xi32>
      %ne3A_548 = arith.constant 0 : i32
      %ne3A_549 = vector.broadcast %ne3A_548 : i32 to vector<16xi32>
      %ne3A_550 = arith.cmpi ne, %rem3A_547, %ne3A_549 : vector<16xi32>
      %lt3A_551 = arith.constant 0 : i32
      %lt3A_552 = vector.broadcast %lt3A_551 : i32 to vector<16xi32>
      %lt3A_553 = arith.cmpi slt, %rem3A_547, %lt3A_552 : vector<16xi32>
      %lt3A_554 = arith.constant 0 : i32
      %lt3A_555 = arith.cmpi slt, %select_n3A_545, %lt3A_554 : i32
      %ne3A_556 = vector.broadcast %lt3A_555 : i1 to vector<16xi1>
      %ne3A_557 = vector.broadcast %ne3A_556 : vector<16xi1> to vector<16xi1>
      %ne3A_558 = arith.xori %lt3A_553, %ne3A_557 : vector<16xi1>
      %and3A_559 = arith.andi %ne3A_558, %ne3A_550 : vector<16xi1>
      %add3A_560 = vector.broadcast %select_n3A_545 : i32 to vector<16xi32>
      %add3A_561 = arith.addi %rem3A_547, %add3A_560 : vector<16xi32>
      %select_n3A_562 = arith.select %and3A_559, %add3A_561, %rem3A_547 : vector<16xi1>, vector<16xi32>
      %mul3A_563 = arith.constant 32768 : i32
      %mul3A_564 = arith.muli %add3A, %mul3A_563 : i32
      %add3A_565 = arith.constant 16384 : i32
      %add3A_566 = arith.addi %mul3A_564, %add3A_565 : i32
      %add3A_567 = vector.broadcast %add3A_566 : i32 to vector<16xi32>
      %add3A_568 = arith.addi %add3A_567, %select_n3A_562 : vector<16xi32>
      %swap3A_569 = arith.constant 96 : index
      %swap3A_570 = tpu.vector_load %arg19[%swap3A_569] {strides = array<i32>} : memref<128xi32, #tpu.memory_space<vmem>>, vector<16xi32>,
      tpu.vector_store %arg19[%swap3A_569], %add3A_568 {strides = array<i32>} : memref<128xi32, #tpu.memory_space<vmem>>, vector<16xi32>,
      %get3A_571 = arith.constant 112 : index
      %get3A_572 = tpu.vector_load %arg18[%get3A_571] {strides = array<i32>} : memref<128xi32, #tpu.memory_space<vmem>>, vector<16xi32>,
      %jit3A_573 = arith.constant 16384 : i32
      %eq3A_574 = arith.constant 0 : i32
      %eq3A_575 = arith.cmpi eq, %jit3A_573, %eq3A_574 : i32
      %jit3A_576 = arith.constant 1 : i32
      %select_n3A_577 = arith.select %eq3A_575, %jit3A_576, %jit3A_573 : i32
      %rem3A_578 = vector.broadcast %select_n3A_577 : i32 to vector<16xi32>
      %rem3A_579 = arith.remsi %get3A_572, %rem3A_578 : vector<16xi32>
      %ne3A_580 = arith.constant 0 : i32
      %ne3A_581 = vector.broadcast %ne3A_580 : i32 to vector<16xi32>
      %ne3A_582 = arith.cmpi ne, %rem3A_579, %ne3A_581 : vector<16xi32>
      %lt3A_583 = arith.constant 0 : i32
      %lt3A_584 = vector.broadcast %lt3A_583 : i32 to vector<16xi32>
      %lt3A_585 = arith.cmpi slt, %rem3A_579, %lt3A_584 : vector<16xi32>
      %lt3A_586 = arith.constant 0 : i32
      %lt3A_587 = arith.cmpi slt, %select_n3A_577, %lt3A_586 : i32
      %ne3A_588 = vector.broadcast %lt3A_587 : i1 to vector<16xi1>
      %ne3A_589 = vector.broadcast %ne3A_588 : vector<16xi1> to vector<16xi1>
      %ne3A_590 = arith.xori %lt3A_585, %ne3A_589 : vector<16xi1>
      %and3A_591 = arith.andi %ne3A_590, %ne3A_582 : vector<16xi1>
      %add3A_592 = vector.broadcast %select_n3A_577 : i32 to vector<16xi32>
      %add3A_593 = arith.addi %rem3A_579, %add3A_592 : vector<16xi32>
      %select_n3A_594 = arith.select %and3A_591, %add3A_593, %rem3A_579 : vector<16xi1>, vector<16xi32>
      %mul3A_595 = arith.constant 32768 : i32
      %mul3A_596 = arith.muli %add3A, %mul3A_595 : i32
      %add3A_597 = arith.constant 16384 : i32
      %add3A_598 = arith.addi %mul3A_596, %add3A_597 : i32
      %add3A_599 = vector.broadcast %add3A_598 : i32 to vector<16xi32>
      %add3A_600 = arith.addi %add3A_599, %select_n3A_594 : vector<16xi32>
      %swap3A_601 = arith.constant 112 : index
      %swap3A_602 = tpu.vector_load %arg19[%swap3A_601] {strides = array<i32>} : memref<128xi32, #tpu.memory_space<vmem>>, vector<16xi32>,
      tpu.vector_store %arg19[%swap3A_601], %add3A_600 {strides = array<i32>} : memref<128xi32, #tpu.memory_space<vmem>>, vector<16xi32>,
      %dma_start3A_603 = arith.constant 0 : i32
      %dma_start3A_604 = tpu.memref_slice %arg5[%dma_start3A_603] : memref<524288xf32, #tpu.memory_space<hbm>> -> memref<524288xf32, #tpu.memory_space<hbm>>
      tpu.enqueue_indirect_dma source(%dma_start3A_604 : memref<524288xf32, #tpu.memory_space<hbm>>) target(%arg21 : memref<128xf32, #tpu.memory_space<vmem>>) offsets(%arg19 : memref<128xi32, #tpu.memory_space<vmem>>) semaphore(%arg25 : memref<!tpu.dma_semaphore, #tpu.memory_space<semaphore_mem>>)
      %dma_wait3A_605 = arith.constant 0 : i32
      %dma_wait3A_606 = tpu.memref_slice %arg5[%dma_wait3A_605] : memref<524288xf32, #tpu.memory_space<hbm>> -> memref<524288xf32, #tpu.memory_space<hbm>>
      tpu.wait_indirect_dma semaphore(%arg25 : memref<!tpu.dma_semaphore, #tpu.memory_space<semaphore_mem>>) src(%dma_wait3A_606 : memref<524288xf32, #tpu.memory_space<hbm>>) dst(%arg21 : memref<128xf32, #tpu.memory_space<vmem>>)
      %get3A_607 = arith.constant 0 : index
      %get3A_608 = tpu.vector_load %arg18[%get3A_607] {strides = array<i32>} : memref<128xi32, #tpu.memory_space<vmem>>, vector<16xi32>,
      %jit3A_609 = arith.constant 16384 : i32
      %eq3A_610 = arith.constant 0 : i32
      %eq3A_611 = arith.cmpi eq, %jit3A_609, %eq3A_610 : i32
      %jit3A_612 = arith.constant 1 : i32
      %select_n3A_613 = arith.select %eq3A_611, %jit3A_612, %jit3A_609 : i32
      %rem3A_614 = vector.broadcast %select_n3A_613 : i32 to vector<16xi32>
      %rem3A_615 = arith.remsi %get3A_608, %rem3A_614 : vector<16xi32>
      %ne3A_616 = arith.constant 0 : i32
      %ne3A_617 = vector.broadcast %ne3A_616 : i32 to vector<16xi32>
      %ne3A_618 = arith.cmpi ne, %rem3A_615, %ne3A_617 : vector<16xi32>
      %lt3A_619 = arith.constant 0 : i32
      %lt3A_620 = vector.broadcast %lt3A_619 : i32 to vector<16xi32>
      %lt3A_621 = arith.cmpi slt, %rem3A_615, %lt3A_620 : vector<16xi32>
      %lt3A_622 = arith.constant 0 : i32
      %lt3A_623 = arith.cmpi slt, %select_n3A_613, %lt3A_622 : i32
      %ne3A_624 = vector.broadcast %lt3A_623 : i1 to vector<16xi1>
      %ne3A_625 = vector.broadcast %ne3A_624 : vector<16xi1> to vector<16xi1>
      %ne3A_626 = arith.xori %lt3A_621, %ne3A_625 : vector<16xi1>
      %and3A_627 = arith.andi %ne3A_626, %ne3A_618 : vector<16xi1>
      %add3A_628 = vector.broadcast %select_n3A_613 : i32 to vector<16xi32>
      %add3A_629 = arith.addi %rem3A_615, %add3A_628 : vector<16xi32>
      %select_n3A_630 = arith.select %and3A_627, %add3A_629, %rem3A_615 : vector<16xi1>, vector<16xi32>
      %mul3A_631 = arith.constant 32768 : i32
      %mul3A_632 = arith.muli %add3A, %mul3A_631 : i32
      %add3A_633 = arith.constant 0 : i32
      %add3A_634 = arith.addi %mul3A_632, %add3A_633 : i32
      %add3A_635 = vector.broadcast %add3A_634 : i32 to vector<16xi32>
      %add3A_636 = arith.addi %add3A_635, %select_n3A_630 : vector<16xi32>
      %swap3A_637 = arith.constant 0 : index
      %swap3A_638 = tpu.vector_load %arg19[%swap3A_637] {strides = array<i32>} : memref<128xi32, #tpu.memory_space<vmem>>, vector<16xi32>,
      tpu.vector_store %arg19[%swap3A_637], %add3A_636 {strides = array<i32>} : memref<128xi32, #tpu.memory_space<vmem>>, vector<16xi32>,
      %get3A_639 = arith.constant 16 : index
      %get3A_640 = tpu.vector_load %arg18[%get3A_639] {strides = array<i32>} : memref<128xi32, #tpu.memory_space<vmem>>, vector<16xi32>,
      %jit3A_641 = arith.constant 16384 : i32
      %eq3A_642 = arith.constant 0 : i32
      %eq3A_643 = arith.cmpi eq, %jit3A_641, %eq3A_642 : i32
      %jit3A_644 = arith.constant 1 : i32
      %select_n3A_645 = arith.select %eq3A_643, %jit3A_644, %jit3A_641 : i32
      %rem3A_646 = vector.broadcast %select_n3A_645 : i32 to vector<16xi32>
      %rem3A_647 = arith.remsi %get3A_640, %rem3A_646 : vector<16xi32>
      %ne3A_648 = arith.constant 0 : i32
      %ne3A_649 = vector.broadcast %ne3A_648 : i32 to vector<16xi32>
      %ne3A_650 = arith.cmpi ne, %rem3A_647, %ne3A_649 : vector<16xi32>
      %lt3A_651 = arith.constant 0 : i32
      %lt3A_652 = vector.broadcast %lt3A_651 : i32 to vector<16xi32>
      %lt3A_653 = arith.cmpi slt, %rem3A_647, %lt3A_652 : vector<16xi32>
      %lt3A_654 = arith.constant 0 : i32
      %lt3A_655 = arith.cmpi slt, %select_n3A_645, %lt3A_654 : i32
      %ne3A_656 = vector.broadcast %lt3A_655 : i1 to vector<16xi1>
      %ne3A_657 = vector.broadcast %ne3A_656 : vector<16xi1> to vector<16xi1>
      %ne3A_658 = arith.xori %lt3A_653, %ne3A_657 : vector<16xi1>
      %and3A_659 = arith.andi %ne3A_658, %ne3A_650 : vector<16xi1>
      %add3A_660 = vector.broadcast %select_n3A_645 : i32 to vector<16xi32>
      %add3A_661 = arith.addi %rem3A_647, %add3A_660 : vector<16xi32>
      %select_n3A_662 = arith.select %and3A_659, %add3A_661, %rem3A_647 : vector<16xi1>, vector<16xi32>
      %mul3A_663 = arith.constant 32768 : i32
      %mul3A_664 = arith.muli %add3A, %mul3A_663 : i32
      %add3A_665 = arith.constant 0 : i32
      %add3A_666 = arith.addi %mul3A_664, %add3A_665 : i32
      %add3A_667 = vector.broadcast %add3A_666 : i32 to vector<16xi32>
      %add3A_668 = arith.addi %add3A_667, %select_n3A_662 : vector<16xi32>
      %swap3A_669 = arith.constant 16 : index
      %swap3A_670 = tpu.vector_load %arg19[%swap3A_669] {strides = array<i32>} : memref<128xi32, #tpu.memory_space<vmem>>, vector<16xi32>,
      tpu.vector_store %arg19[%swap3A_669], %add3A_668 {strides = array<i32>} : memref<128xi32, #tpu.memory_space<vmem>>, vector<16xi32>,
      %get3A_671 = arith.constant 32 : index
      %get3A_672 = tpu.vector_load %arg18[%get3A_671] {strides = array<i32>} : memref<128xi32, #tpu.memory_space<vmem>>, vector<16xi32>,
      %jit3A_673 = arith.constant 16384 : i32
      %eq3A_674 = arith.constant 0 : i32
      %eq3A_675 = arith.cmpi eq, %jit3A_673, %eq3A_674 : i32
      %jit3A_676 = arith.constant 1 : i32
      %select_n3A_677 = arith.select %eq3A_675, %jit3A_676, %jit3A_673 : i32
      %rem3A_678 = vector.broadcast %select_n3A_677 : i32 to vector<16xi32>
      %rem3A_679 = arith.remsi %get3A_672, %rem3A_678 : vector<16xi32>
      %ne3A_680 = arith.constant 0 : i32
      %ne3A_681 = vector.broadcast %ne3A_680 : i32 to vector<16xi32>
      %ne3A_682 = arith.cmpi ne, %rem3A_679, %ne3A_681 : vector<16xi32>
      %lt3A_683 = arith.constant 0 : i32
      %lt3A_684 = vector.broadcast %lt3A_683 : i32 to vector<16xi32>
      %lt3A_685 = arith.cmpi slt, %rem3A_679, %lt3A_684 : vector<16xi32>
      %lt3A_686 = arith.constant 0 : i32
      %lt3A_687 = arith.cmpi slt, %select_n3A_677, %lt3A_686 : i32
      %ne3A_688 = vector.broadcast %lt3A_687 : i1 to vector<16xi1>
      %ne3A_689 = vector.broadcast %ne3A_688 : vector<16xi1> to vector<16xi1>
      %ne3A_690 = arith.xori %lt3A_685, %ne3A_689 : vector<16xi1>
      %and3A_691 = arith.andi %ne3A_690, %ne3A_682 : vector<16xi1>
      %add3A_692 = vector.broadcast %select_n3A_677 : i32 to vector<16xi32>
      %add3A_693 = arith.addi %rem3A_679, %add3A_692 : vector<16xi32>
      %select_n3A_694 = arith.select %and3A_691, %add3A_693, %rem3A_679 : vector<16xi1>, vector<16xi32>
      %mul3A_695 = arith.constant 32768 : i32
      %mul3A_696 = arith.muli %add3A, %mul3A_695 : i32
      %add3A_697 = arith.constant 0 : i32
      %add3A_698 = arith.addi %mul3A_696, %add3A_697 : i32
      %add3A_699 = vector.broadcast %add3A_698 : i32 to vector<16xi32>
      %add3A_700 = arith.addi %add3A_699, %select_n3A_694 : vector<16xi32>
      %swap3A_701 = arith.constant 32 : index
      %swap3A_702 = tpu.vector_load %arg19[%swap3A_701] {strides = array<i32>} : memref<128xi32, #tpu.memory_space<vmem>>, vector<16xi32>,
      tpu.vector_store %arg19[%swap3A_701], %add3A_700 {strides = array<i32>} : memref<128xi32, #tpu.memory_space<vmem>>, vector<16xi32>,
      %get3A_703 = arith.constant 48 : index
      %get3A_704 = tpu.vector_load %arg18[%get3A_703] {strides = array<i32>} : memref<128xi32, #tpu.memory_space<vmem>>, vector<16xi32>,
      %jit3A_705 = arith.constant 16384 : i32
      %eq3A_706 = arith.constant 0 : i32
      %eq3A_707 = arith.cmpi eq, %jit3A_705, %eq3A_706 : i32
      %jit3A_708 = arith.constant 1 : i32
      %select_n3A_709 = arith.select %eq3A_707, %jit3A_708, %jit3A_705 : i32
      %rem3A_710 = vector.broadcast %select_n3A_709 : i32 to vector<16xi32>
      %rem3A_711 = arith.remsi %get3A_704, %rem3A_710 : vector<16xi32>
      %ne3A_712 = arith.constant 0 : i32
      %ne3A_713 = vector.broadcast %ne3A_712 : i32 to vector<16xi32>
      %ne3A_714 = arith.cmpi ne, %rem3A_711, %ne3A_713 : vector<16xi32>
      %lt3A_715 = arith.constant 0 : i32
      %lt3A_716 = vector.broadcast %lt3A_715 : i32 to vector<16xi32>
      %lt3A_717 = arith.cmpi slt, %rem3A_711, %lt3A_716 : vector<16xi32>
      %lt3A_718 = arith.constant 0 : i32
      %lt3A_719 = arith.cmpi slt, %select_n3A_709, %lt3A_718 : i32
      %ne3A_720 = vector.broadcast %lt3A_719 : i1 to vector<16xi1>
      %ne3A_721 = vector.broadcast %ne3A_720 : vector<16xi1> to vector<16xi1>
      %ne3A_722 = arith.xori %lt3A_717, %ne3A_721 : vector<16xi1>
      %and3A_723 = arith.andi %ne3A_722, %ne3A_714 : vector<16xi1>
      %add3A_724 = vector.broadcast %select_n3A_709 : i32 to vector<16xi32>
      %add3A_725 = arith.addi %rem3A_711, %add3A_724 : vector<16xi32>
      %select_n3A_726 = arith.select %and3A_723, %add3A_725, %rem3A_711 : vector<16xi1>, vector<16xi32>
      %mul3A_727 = arith.constant 32768 : i32
      %mul3A_728 = arith.muli %add3A, %mul3A_727 : i32
      %add3A_729 = arith.constant 0 : i32
      %add3A_730 = arith.addi %mul3A_728, %add3A_729 : i32
      %add3A_731 = vector.broadcast %add3A_730 : i32 to vector<16xi32>
      %add3A_732 = arith.addi %add3A_731, %select_n3A_726 : vector<16xi32>
      %swap3A_733 = arith.constant 48 : index
      %swap3A_734 = tpu.vector_load %arg19[%swap3A_733] {strides = array<i32>} : memref<128xi32, #tpu.memory_space<vmem>>, vector<16xi32>,
      tpu.vector_store %arg19[%swap3A_733], %add3A_732 {strides = array<i32>} : memref<128xi32, #tpu.memory_space<vmem>>, vector<16xi32>,
      %get3A_735 = arith.constant 64 : index
      %get3A_736 = tpu.vector_load %arg18[%get3A_735] {strides = array<i32>} : memref<128xi32, #tpu.memory_space<vmem>>, vector<16xi32>,
      %jit3A_737 = arith.constant 16384 : i32
      %eq3A_738 = arith.constant 0 : i32
      %eq3A_739 = arith.cmpi eq, %jit3A_737, %eq3A_738 : i32
      %jit3A_740 = arith.constant 1 : i32
      %select_n3A_741 = arith.select %eq3A_739, %jit3A_740, %jit3A_737 : i32
      %rem3A_742 = vector.broadcast %select_n3A_741 : i32 to vector<16xi32>
      %rem3A_743 = arith.remsi %get3A_736, %rem3A_742 : vector<16xi32>
      %ne3A_744 = arith.constant 0 : i32
      %ne3A_745 = vector.broadcast %ne3A_744 : i32 to vector<16xi32>
      %ne3A_746 = arith.cmpi ne, %rem3A_743, %ne3A_745 : vector<16xi32>
      %lt3A_747 = arith.constant 0 : i32
      %lt3A_748 = vector.broadcast %lt3A_747 : i32 to vector<16xi32>
      %lt3A_749 = arith.cmpi slt, %rem3A_743, %lt3A_748 : vector<16xi32>
      %lt3A_750 = arith.constant 0 : i32
      %lt3A_751 = arith.cmpi slt, %select_n3A_741, %lt3A_750 : i32
      %ne3A_752 = vector.broadcast %lt3A_751 : i1 to vector<16xi1>
      %ne3A_753 = vector.broadcast %ne3A_752 : vector<16xi1> to vector<16xi1>
      %ne3A_754 = arith.xori %lt3A_749, %ne3A_753 : vector<16xi1>
      %and3A_755 = arith.andi %ne3A_754, %ne3A_746 : vector<16xi1>
      %add3A_756 = vector.broadcast %select_n3A_741 : i32 to vector<16xi32>
      %add3A_757 = arith.addi %rem3A_743, %add3A_756 : vector<16xi32>
      %select_n3A_758 = arith.select %and3A_755, %add3A_757, %rem3A_743 : vector<16xi1>, vector<16xi32>
      %mul3A_759 = arith.constant 32768 : i32
      %mul3A_760 = arith.muli %add3A, %mul3A_759 : i32
      %add3A_761 = arith.constant 0 : i32
      %add3A_762 = arith.addi %mul3A_760, %add3A_761 : i32
      %add3A_763 = vector.broadcast %add3A_762 : i32 to vector<16xi32>
      %add3A_764 = arith.addi %add3A_763, %select_n3A_758 : vector<16xi32>
      %swap3A_765 = arith.constant 64 : index
      %swap3A_766 = tpu.vector_load %arg19[%swap3A_765] {strides = array<i32>} : memref<128xi32, #tpu.memory_space<vmem>>, vector<16xi32>,
      tpu.vector_store %arg19[%swap3A_765], %add3A_764 {strides = array<i32>} : memref<128xi32, #tpu.memory_space<vmem>>, vector<16xi32>,
      %get3A_767 = arith.constant 80 : index
      %get3A_768 = tpu.vector_load %arg18[%get3A_767] {strides = array<i32>} : memref<128xi32, #tpu.memory_space<vmem>>, vector<16xi32>,
      %jit3A_769 = arith.constant 16384 : i32
      %eq3A_770 = arith.constant 0 : i32
      %eq3A_771 = arith.cmpi eq, %jit3A_769, %eq3A_770 : i32
      %jit3A_772 = arith.constant 1 : i32
      %select_n3A_773 = arith.select %eq3A_771, %jit3A_772, %jit3A_769 : i32
      %rem3A_774 = vector.broadcast %select_n3A_773 : i32 to vector<16xi32>
      %rem3A_775 = arith.remsi %get3A_768, %rem3A_774 : vector<16xi32>
      %ne3A_776 = arith.constant 0 : i32
      %ne3A_777 = vector.broadcast %ne3A_776 : i32 to vector<16xi32>
      %ne3A_778 = arith.cmpi ne, %rem3A_775, %ne3A_777 : vector<16xi32>
      %lt3A_779 = arith.constant 0 : i32
      %lt3A_780 = vector.broadcast %lt3A_779 : i32 to vector<16xi32>
      %lt3A_781 = arith.cmpi slt, %rem3A_775, %lt3A_780 : vector<16xi32>
      %lt3A_782 = arith.constant 0 : i32
      %lt3A_783 = arith.cmpi slt, %select_n3A_773, %lt3A_782 : i32
      %ne3A_784 = vector.broadcast %lt3A_783 : i1 to vector<16xi1>
      %ne3A_785 = vector.broadcast %ne3A_784 : vector<16xi1> to vector<16xi1>
      %ne3A_786 = arith.xori %lt3A_781, %ne3A_785 : vector<16xi1>
      %and3A_787 = arith.andi %ne3A_786, %ne3A_778 : vector<16xi1>
      %add3A_788 = vector.broadcast %select_n3A_773 : i32 to vector<16xi32>
      %add3A_789 = arith.addi %rem3A_775, %add3A_788 : vector<16xi32>
      %select_n3A_790 = arith.select %and3A_787, %add3A_789, %rem3A_775 : vector<16xi1>, vector<16xi32>
      %mul3A_791 = arith.constant 32768 : i32
      %mul3A_792 = arith.muli %add3A, %mul3A_791 : i32
      %add3A_793 = arith.constant 0 : i32
      %add3A_794 = arith.addi %mul3A_792, %add3A_793 : i32
      %add3A_795 = vector.broadcast %add3A_794 : i32 to vector<16xi32>
      %add3A_796 = arith.addi %add3A_795, %select_n3A_790 : vector<16xi32>
      %swap3A_797 = arith.constant 80 : index
      %swap3A_798 = tpu.vector_load %arg19[%swap3A_797] {strides = array<i32>} : memref<128xi32, #tpu.memory_space<vmem>>, vector<16xi32>,
      tpu.vector_store %arg19[%swap3A_797], %add3A_796 {strides = array<i32>} : memref<128xi32, #tpu.memory_space<vmem>>, vector<16xi32>,
      %get3A_799 = arith.constant 96 : index
      %get3A_800 = tpu.vector_load %arg18[%get3A_799] {strides = array<i32>} : memref<128xi32, #tpu.memory_space<vmem>>, vector<16xi32>,
      %jit3A_801 = arith.constant 16384 : i32
      %eq3A_802 = arith.constant 0 : i32
      %eq3A_803 = arith.cmpi eq, %jit3A_801, %eq3A_802 : i32
      %jit3A_804 = arith.constant 1 : i32
      %select_n3A_805 = arith.select %eq3A_803, %jit3A_804, %jit3A_801 : i32
      %rem3A_806 = vector.broadcast %select_n3A_805 : i32 to vector<16xi32>
      %rem3A_807 = arith.remsi %get3A_800, %rem3A_806 : vector<16xi32>
      %ne3A_808 = arith.constant 0 : i32
      %ne3A_809 = vector.broadcast %ne3A_808 : i32 to vector<16xi32>
      %ne3A_810 = arith.cmpi ne, %rem3A_807, %ne3A_809 : vector<16xi32>
      %lt3A_811 = arith.constant 0 : i32
      %lt3A_812 = vector.broadcast %lt3A_811 : i32 to vector<16xi32>
      %lt3A_813 = arith.cmpi slt, %rem3A_807, %lt3A_812 : vector<16xi32>
      %lt3A_814 = arith.constant 0 : i32
      %lt3A_815 = arith.cmpi slt, %select_n3A_805, %lt3A_814 : i32
      %ne3A_816 = vector.broadcast %lt3A_815 : i1 to vector<16xi1>
      %ne3A_817 = vector.broadcast %ne3A_816 : vector<16xi1> to vector<16xi1>
      %ne3A_818 = arith.xori %lt3A_813, %ne3A_817 : vector<16xi1>
      %and3A_819 = arith.andi %ne3A_818, %ne3A_810 : vector<16xi1>
      %add3A_820 = vector.broadcast %select_n3A_805 : i32 to vector<16xi32>
      %add3A_821 = arith.addi %rem3A_807, %add3A_820 : vector<16xi32>
      %select_n3A_822 = arith.select %and3A_819, %add3A_821, %rem3A_807 : vector<16xi1>, vector<16xi32>
      %mul3A_823 = arith.constant 32768 : i32
      %mul3A_824 = arith.muli %add3A, %mul3A_823 : i32
      %add3A_825 = arith.constant 0 : i32
      %add3A_826 = arith.addi %mul3A_824, %add3A_825 : i32
      %add3A_827 = vector.broadcast %add3A_826 : i32 to vector<16xi32>
      %add3A_828 = arith.addi %add3A_827, %select_n3A_822 : vector<16xi32>
      %swap3A_829 = arith.constant 96 : index
      %swap3A_830 = tpu.vector_load %arg19[%swap3A_829] {strides = array<i32>} : memref<128xi32, #tpu.memory_space<vmem>>, vector<16xi32>,
      tpu.vector_store %arg19[%swap3A_829], %add3A_828 {strides = array<i32>} : memref<128xi32, #tpu.memory_space<vmem>>, vector<16xi32>,
      %get3A_831 = arith.constant 112 : index
      %get3A_832 = tpu.vector_load %arg18[%get3A_831] {strides = array<i32>} : memref<128xi32, #tpu.memory_space<vmem>>, vector<16xi32>,
      %jit3A_833 = arith.constant 16384 : i32
      %eq3A_834 = arith.constant 0 : i32
      %eq3A_835 = arith.cmpi eq, %jit3A_833, %eq3A_834 : i32
      %jit3A_836 = arith.constant 1 : i32
      %select_n3A_837 = arith.select %eq3A_835, %jit3A_836, %jit3A_833 : i32
      %rem3A_838 = vector.broadcast %select_n3A_837 : i32 to vector<16xi32>
      %rem3A_839 = arith.remsi %get3A_832, %rem3A_838 : vector<16xi32>
      %ne3A_840 = arith.constant 0 : i32
      %ne3A_841 = vector.broadcast %ne3A_840 : i32 to vector<16xi32>
      %ne3A_842 = arith.cmpi ne, %rem3A_839, %ne3A_841 : vector<16xi32>
      %lt3A_843 = arith.constant 0 : i32
      %lt3A_844 = vector.broadcast %lt3A_843 : i32 to vector<16xi32>
      %lt3A_845 = arith.cmpi slt, %rem3A_839, %lt3A_844 : vector<16xi32>
      %lt3A_846 = arith.constant 0 : i32
      %lt3A_847 = arith.cmpi slt, %select_n3A_837, %lt3A_846 : i32
      %ne3A_848 = vector.broadcast %lt3A_847 : i1 to vector<16xi1>
      %ne3A_849 = vector.broadcast %ne3A_848 : vector<16xi1> to vector<16xi1>
      %ne3A_850 = arith.xori %lt3A_845, %ne3A_849 : vector<16xi1>
      %and3A_851 = arith.andi %ne3A_850, %ne3A_842 : vector<16xi1>
      %add3A_852 = vector.broadcast %select_n3A_837 : i32 to vector<16xi32>
      %add3A_853 = arith.addi %rem3A_839, %add3A_852 : vector<16xi32>
      %select_n3A_854 = arith.select %and3A_851, %add3A_853, %rem3A_839 : vector<16xi1>, vector<16xi32>
      %mul3A_855 = arith.constant 32768 : i32
      %mul3A_856 = arith.muli %add3A, %mul3A_855 : i32
      %add3A_857 = arith.constant 0 : i32
      %add3A_858 = arith.addi %mul3A_856, %add3A_857 : i32
      %add3A_859 = vector.broadcast %add3A_858 : i32 to vector<16xi32>
      %add3A_860 = arith.addi %add3A_859, %select_n3A_854 : vector<16xi32>
      %swap3A_861 = arith.constant 112 : index
      %swap3A_862 = tpu.vector_load %arg19[%swap3A_861] {strides = array<i32>} : memref<128xi32, #tpu.memory_space<vmem>>, vector<16xi32>,
      tpu.vector_store %arg19[%swap3A_861], %add3A_860 {strides = array<i32>} : memref<128xi32, #tpu.memory_space<vmem>>, vector<16xi32>,
      %dma_start3A_863 = arith.constant 0 : i32
      %dma_start3A_864 = tpu.memref_slice %arg6[%dma_start3A_863] : memref<524288xf32, #tpu.memory_space<hbm>> -> memref<524288xf32, #tpu.memory_space<hbm>>
      tpu.enqueue_indirect_dma source(%dma_start3A_864 : memref<524288xf32, #tpu.memory_space<hbm>>) target(%arg22 : memref<128xf32, #tpu.memory_space<vmem>>) offsets(%arg19 : memref<128xi32, #tpu.memory_space<vmem>>) semaphore(%arg25 : memref<!tpu.dma_semaphore, #tpu.memory_space<semaphore_mem>>)
      %dma_wait3A_865 = arith.constant 0 : i32
      %dma_wait3A_866 = tpu.memref_slice %arg6[%dma_wait3A_865] : memref<524288xf32, #tpu.memory_space<hbm>> -> memref<524288xf32, #tpu.memory_space<hbm>>
      tpu.wait_indirect_dma semaphore(%arg25 : memref<!tpu.dma_semaphore, #tpu.memory_space<semaphore_mem>>) src(%dma_wait3A_866 : memref<524288xf32, #tpu.memory_space<hbm>>) dst(%arg22 : memref<128xf32, #tpu.memory_space<vmem>>)
      %get3A_867 = arith.constant 0 : index
      %get3A_868 = tpu.vector_load %arg18[%get3A_867] {strides = array<i32>} : memref<128xi32, #tpu.memory_space<vmem>>, vector<16xi32>,
      %jit3A_869 = arith.constant 16384 : i32
      %eq3A_870 = arith.constant 0 : i32
      %eq3A_871 = arith.cmpi eq, %jit3A_869, %eq3A_870 : i32
      %jit3A_872 = arith.constant 1 : i32
      %select_n3A_873 = arith.select %eq3A_871, %jit3A_872, %jit3A_869 : i32
      %rem3A_874 = vector.broadcast %select_n3A_873 : i32 to vector<16xi32>
      %rem3A_875 = arith.remsi %get3A_868, %rem3A_874 : vector<16xi32>
      %ne3A_876 = arith.constant 0 : i32
      %ne3A_877 = vector.broadcast %ne3A_876 : i32 to vector<16xi32>
      %ne3A_878 = arith.cmpi ne, %rem3A_875, %ne3A_877 : vector<16xi32>
      %lt3A_879 = arith.constant 0 : i32
      %lt3A_880 = vector.broadcast %lt3A_879 : i32 to vector<16xi32>
      %lt3A_881 = arith.cmpi slt, %rem3A_875, %lt3A_880 : vector<16xi32>
      %lt3A_882 = arith.constant 0 : i32
      %lt3A_883 = arith.cmpi slt, %select_n3A_873, %lt3A_882 : i32
      %ne3A_884 = vector.broadcast %lt3A_883 : i1 to vector<16xi1>
      %ne3A_885 = vector.broadcast %ne3A_884 : vector<16xi1> to vector<16xi1>
      %ne3A_886 = arith.xori %lt3A_881, %ne3A_885 : vector<16xi1>
      %and3A_887 = arith.andi %ne3A_886, %ne3A_878 : vector<16xi1>
      %add3A_888 = vector.broadcast %select_n3A_873 : i32 to vector<16xi32>
      %add3A_889 = arith.addi %rem3A_875, %add3A_888 : vector<16xi32>
      %select_n3A_890 = arith.select %and3A_887, %add3A_889, %rem3A_875 : vector<16xi1>, vector<16xi32>
      %mul3A_891 = arith.constant 32768 : i32
      %mul3A_892 = arith.muli %add3A, %mul3A_891 : i32
      %add3A_893 = arith.constant 16384 : i32
      %add3A_894 = arith.addi %mul3A_892, %add3A_893 : i32
      %add3A_895 = vector.broadcast %add3A_894 : i32 to vector<16xi32>
      %add3A_896 = arith.addi %add3A_895, %select_n3A_890 : vector<16xi32>
      %swap3A_897 = arith.constant 0 : index
      %swap3A_898 = tpu.vector_load %arg19[%swap3A_897] {strides = array<i32>} : memref<128xi32, #tpu.memory_space<vmem>>, vector<16xi32>,
      tpu.vector_store %arg19[%swap3A_897], %add3A_896 {strides = array<i32>} : memref<128xi32, #tpu.memory_space<vmem>>, vector<16xi32>,
      %get3A_899 = arith.constant 16 : index
      %get3A_900 = tpu.vector_load %arg18[%get3A_899] {strides = array<i32>} : memref<128xi32, #tpu.memory_space<vmem>>, vector<16xi32>,
      %jit3A_901 = arith.constant 16384 : i32
      %eq3A_902 = arith.constant 0 : i32
      %eq3A_903 = arith.cmpi eq, %jit3A_901, %eq3A_902 : i32
      %jit3A_904 = arith.constant 1 : i32
      %select_n3A_905 = arith.select %eq3A_903, %jit3A_904, %jit3A_901 : i32
      %rem3A_906 = vector.broadcast %select_n3A_905 : i32 to vector<16xi32>
      %rem3A_907 = arith.remsi %get3A_900, %rem3A_906 : vector<16xi32>
      %ne3A_908 = arith.constant 0 : i32
      %ne3A_909 = vector.broadcast %ne3A_908 : i32 to vector<16xi32>
      %ne3A_910 = arith.cmpi ne, %rem3A_907, %ne3A_909 : vector<16xi32>
      %lt3A_911 = arith.constant 0 : i32
      %lt3A_912 = vector.broadcast %lt3A_911 : i32 to vector<16xi32>
      %lt3A_913 = arith.cmpi slt, %rem3A_907, %lt3A_912 : vector<16xi32>
      %lt3A_914 = arith.constant 0 : i32
      %lt3A_915 = arith.cmpi slt, %select_n3A_905, %lt3A_914 : i32
      %ne3A_916 = vector.broadcast %lt3A_915 : i1 to vector<16xi1>
      %ne3A_917 = vector.broadcast %ne3A_916 : vector<16xi1> to vector<16xi1>
      %ne3A_918 = arith.xori %lt3A_913, %ne3A_917 : vector<16xi1>
      %and3A_919 = arith.andi %ne3A_918, %ne3A_910 : vector<16xi1>
      %add3A_920 = vector.broadcast %select_n3A_905 : i32 to vector<16xi32>
      %add3A_921 = arith.addi %rem3A_907, %add3A_920 : vector<16xi32>
      %select_n3A_922 = arith.select %and3A_919, %add3A_921, %rem3A_907 : vector<16xi1>, vector<16xi32>
      %mul3A_923 = arith.constant 32768 : i32
      %mul3A_924 = arith.muli %add3A, %mul3A_923 : i32
      %add3A_925 = arith.constant 16384 : i32
      %add3A_926 = arith.addi %mul3A_924, %add3A_925 : i32
      %add3A_927 = vector.broadcast %add3A_926 : i32 to vector<16xi32>
      %add3A_928 = arith.addi %add3A_927, %select_n3A_922 : vector<16xi32>
      %swap3A_929 = arith.constant 16 : index
      %swap3A_930 = tpu.vector_load %arg19[%swap3A_929] {strides = array<i32>} : memref<128xi32, #tpu.memory_space<vmem>>, vector<16xi32>,
      tpu.vector_store %arg19[%swap3A_929], %add3A_928 {strides = array<i32>} : memref<128xi32, #tpu.memory_space<vmem>>, vector<16xi32>,
      %get3A_931 = arith.constant 32 : index
      %get3A_932 = tpu.vector_load %arg18[%get3A_931] {strides = array<i32>} : memref<128xi32, #tpu.memory_space<vmem>>, vector<16xi32>,
      %jit3A_933 = arith.constant 16384 : i32
      %eq3A_934 = arith.constant 0 : i32
      %eq3A_935 = arith.cmpi eq, %jit3A_933, %eq3A_934 : i32
      %jit3A_936 = arith.constant 1 : i32
      %select_n3A_937 = arith.select %eq3A_935, %jit3A_936, %jit3A_933 : i32
      %rem3A_938 = vector.broadcast %select_n3A_937 : i32 to vector<16xi32>
      %rem3A_939 = arith.remsi %get3A_932, %rem3A_938 : vector<16xi32>
      %ne3A_940 = arith.constant 0 : i32
      %ne3A_941 = vector.broadcast %ne3A_940 : i32 to vector<16xi32>
      %ne3A_942 = arith.cmpi ne, %rem3A_939, %ne3A_941 : vector<16xi32>
      %lt3A_943 = arith.constant 0 : i32
      %lt3A_944 = vector.broadcast %lt3A_943 : i32 to vector<16xi32>
      %lt3A_945 = arith.cmpi slt, %rem3A_939, %lt3A_944 : vector<16xi32>
      %lt3A_946 = arith.constant 0 : i32
      %lt3A_947 = arith.cmpi slt, %select_n3A_937, %lt3A_946 : i32
      %ne3A_948 = vector.broadcast %lt3A_947 : i1 to vector<16xi1>
      %ne3A_949 = vector.broadcast %ne3A_948 : vector<16xi1> to vector<16xi1>
      %ne3A_950 = arith.xori %lt3A_945, %ne3A_949 : vector<16xi1>
      %and3A_951 = arith.andi %ne3A_950, %ne3A_942 : vector<16xi1>
      %add3A_952 = vector.broadcast %select_n3A_937 : i32 to vector<16xi32>
      %add3A_953 = arith.addi %rem3A_939, %add3A_952 : vector<16xi32>
      %select_n3A_954 = arith.select %and3A_951, %add3A_953, %rem3A_939 : vector<16xi1>, vector<16xi32>
      %mul3A_955 = arith.constant 32768 : i32
      %mul3A_956 = arith.muli %add3A, %mul3A_955 : i32
      %add3A_957 = arith.constant 16384 : i32
      %add3A_958 = arith.addi %mul3A_956, %add3A_957 : i32
      %add3A_959 = vector.broadcast %add3A_958 : i32 to vector<16xi32>
      %add3A_960 = arith.addi %add3A_959, %select_n3A_954 : vector<16xi32>
      %swap3A_961 = arith.constant 32 : index
      %swap3A_962 = tpu.vector_load %arg19[%swap3A_961] {strides = array<i32>} : memref<128xi32, #tpu.memory_space<vmem>>, vector<16xi32>,
      tpu.vector_store %arg19[%swap3A_961], %add3A_960 {strides = array<i32>} : memref<128xi32, #tpu.memory_space<vmem>>, vector<16xi32>,
      %get3A_963 = arith.constant 48 : index
      %get3A_964 = tpu.vector_load %arg18[%get3A_963] {strides = array<i32>} : memref<128xi32, #tpu.memory_space<vmem>>, vector<16xi32>,
      %jit3A_965 = arith.constant 16384 : i32
      %eq3A_966 = arith.constant 0 : i32
      %eq3A_967 = arith.cmpi eq, %jit3A_965, %eq3A_966 : i32
      %jit3A_968 = arith.constant 1 : i32
      %select_n3A_969 = arith.select %eq3A_967, %jit3A_968, %jit3A_965 : i32
      %rem3A_970 = vector.broadcast %select_n3A_969 : i32 to vector<16xi32>
      %rem3A_971 = arith.remsi %get3A_964, %rem3A_970 : vector<16xi32>
      %ne3A_972 = arith.constant 0 : i32
      %ne3A_973 = vector.broadcast %ne3A_972 : i32 to vector<16xi32>
      %ne3A_974 = arith.cmpi ne, %rem3A_971, %ne3A_973 : vector<16xi32>
      %lt3A_975 = arith.constant 0 : i32
      %lt3A_976 = vector.broadcast %lt3A_975 : i32 to vector<16xi32>
      %lt3A_977 = arith.cmpi slt, %rem3A_971, %lt3A_976 : vector<16xi32>
      %lt3A_978 = arith.constant 0 : i32
      %lt3A_979 = arith.cmpi slt, %select_n3A_969, %lt3A_978 : i32
      %ne3A_980 = vector.broadcast %lt3A_979 : i1 to vector<16xi1>
      %ne3A_981 = vector.broadcast %ne3A_980 : vector<16xi1> to vector<16xi1>
      %ne3A_982 = arith.xori %lt3A_977, %ne3A_981 : vector<16xi1>
      %and3A_983 = arith.andi %ne3A_982, %ne3A_974 : vector<16xi1>
      %add3A_984 = vector.broadcast %select_n3A_969 : i32 to vector<16xi32>
      %add3A_985 = arith.addi %rem3A_971, %add3A_984 : vector<16xi32>
      %select_n3A_986 = arith.select %and3A_983, %add3A_985, %rem3A_971 : vector<16xi1>, vector<16xi32>
      %mul3A_987 = arith.constant 32768 : i32
      %mul3A_988 = arith.muli %add3A, %mul3A_987 : i32
      %add3A_989 = arith.constant 16384 : i32
      %add3A_990 = arith.addi %mul3A_988, %add3A_989 : i32
      %add3A_991 = vector.broadcast %add3A_990 : i32 to vector<16xi32>
      %add3A_992 = arith.addi %add3A_991, %select_n3A_986 : vector<16xi32>
      %swap3A_993 = arith.constant 48 : index
      %swap3A_994 = tpu.vector_load %arg19[%swap3A_993] {strides = array<i32>} : memref<128xi32, #tpu.memory_space<vmem>>, vector<16xi32>,
      tpu.vector_store %arg19[%swap3A_993], %add3A_992 {strides = array<i32>} : memref<128xi32, #tpu.memory_space<vmem>>, vector<16xi32>,
      %get3A_995 = arith.constant 64 : index
      %get3A_996 = tpu.vector_load %arg18[%get3A_995] {strides = array<i32>} : memref<128xi32, #tpu.memory_space<vmem>>, vector<16xi32>,
      %jit3A_997 = arith.constant 16384 : i32
      %eq3A_998 = arith.constant 0 : i32
      %eq3A_999 = arith.cmpi eq, %jit3A_997, %eq3A_998 : i32
      %jit3A_1000 = arith.constant 1 : i32
      %select_n3A_1001 = arith.select %eq3A_999, %jit3A_1000, %jit3A_997 : i32
      %rem3A_1002 = vector.broadcast %select_n3A_1001 : i32 to vector<16xi32>
      %rem3A_1003 = arith.remsi %get3A_996, %rem3A_1002 : vector<16xi32>
      %ne3A_1004 = arith.constant 0 : i32
      %ne3A_1005 = vector.broadcast %ne3A_1004 : i32 to vector<16xi32>
      %ne3A_1006 = arith.cmpi ne, %rem3A_1003, %ne3A_1005 : vector<16xi32>
      %lt3A_1007 = arith.constant 0 : i32
      %lt3A_1008 = vector.broadcast %lt3A_1007 : i32 to vector<16xi32>
      %lt3A_1009 = arith.cmpi slt, %rem3A_1003, %lt3A_1008 : vector<16xi32>
      %lt3A_1010 = arith.constant 0 : i32
      %lt3A_1011 = arith.cmpi slt, %select_n3A_1001, %lt3A_1010 : i32
      %ne3A_1012 = vector.broadcast %lt3A_1011 : i1 to vector<16xi1>
      %ne3A_1013 = vector.broadcast %ne3A_1012 : vector<16xi1> to vector<16xi1>
      %ne3A_1014 = arith.xori %lt3A_1009, %ne3A_1013 : vector<16xi1>
      %and3A_1015 = arith.andi %ne3A_1014, %ne3A_1006 : vector<16xi1>
      %add3A_1016 = vector.broadcast %select_n3A_1001 : i32 to vector<16xi32>
      %add3A_1017 = arith.addi %rem3A_1003, %add3A_1016 : vector<16xi32>
      %select_n3A_1018 = arith.select %and3A_1015, %add3A_1017, %rem3A_1003 : vector<16xi1>, vector<16xi32>
      %mul3A_1019 = arith.constant 32768 : i32
      %mul3A_1020 = arith.muli %add3A, %mul3A_1019 : i32
      %add3A_1021 = arith.constant 16384 : i32
      %add3A_1022 = arith.addi %mul3A_1020, %add3A_1021 : i32
      %add3A_1023 = vector.broadcast %add3A_1022 : i32 to vector<16xi32>
      %add3A_1024 = arith.addi %add3A_1023, %select_n3A_1018 : vector<16xi32>
      %swap3A_1025 = arith.constant 64 : index
      %swap3A_1026 = tpu.vector_load %arg19[%swap3A_1025] {strides = array<i32>} : memref<128xi32, #tpu.memory_space<vmem>>, vector<16xi32>,
      tpu.vector_store %arg19[%swap3A_1025], %add3A_1024 {strides = array<i32>} : memref<128xi32, #tpu.memory_space<vmem>>, vector<16xi32>,
      %get3A_1027 = arith.constant 80 : index
      %get3A_1028 = tpu.vector_load %arg18[%get3A_1027] {strides = array<i32>} : memref<128xi32, #tpu.memory_space<vmem>>, vector<16xi32>,
      %jit3A_1029 = arith.constant 16384 : i32
      %eq3A_1030 = arith.constant 0 : i32
      %eq3A_1031 = arith.cmpi eq, %jit3A_1029, %eq3A_1030 : i32
      %jit3A_1032 = arith.constant 1 : i32
      %select_n3A_1033 = arith.select %eq3A_1031, %jit3A_1032, %jit3A_1029 : i32
      %rem3A_1034 = vector.broadcast %select_n3A_1033 : i32 to vector<16xi32>
      %rem3A_1035 = arith.remsi %get3A_1028, %rem3A_1034 : vector<16xi32>
      %ne3A_1036 = arith.constant 0 : i32
      %ne3A_1037 = vector.broadcast %ne3A_1036 : i32 to vector<16xi32>
      %ne3A_1038 = arith.cmpi ne, %rem3A_1035, %ne3A_1037 : vector<16xi32>
      %lt3A_1039 = arith.constant 0 : i32
      %lt3A_1040 = vector.broadcast %lt3A_1039 : i32 to vector<16xi32>
      %lt3A_1041 = arith.cmpi slt, %rem3A_1035, %lt3A_1040 : vector<16xi32>
      %lt3A_1042 = arith.constant 0 : i32
      %lt3A_1043 = arith.cmpi slt, %select_n3A_1033, %lt3A_1042 : i32
      %ne3A_1044 = vector.broadcast %lt3A_1043 : i1 to vector<16xi1>
      %ne3A_1045 = vector.broadcast %ne3A_1044 : vector<16xi1> to vector<16xi1>
      %ne3A_1046 = arith.xori %lt3A_1041, %ne3A_1045 : vector<16xi1>
      %and3A_1047 = arith.andi %ne3A_1046, %ne3A_1038 : vector<16xi1>
      %add3A_1048 = vector.broadcast %select_n3A_1033 : i32 to vector<16xi32>
      %add3A_1049 = arith.addi %rem3A_1035, %add3A_1048 : vector<16xi32>
      %select_n3A_1050 = arith.select %and3A_1047, %add3A_1049, %rem3A_1035 : vector<16xi1>, vector<16xi32>
      %mul3A_1051 = arith.constant 32768 : i32
      %mul3A_1052 = arith.muli %add3A, %mul3A_1051 : i32
      %add3A_1053 = arith.constant 16384 : i32
      %add3A_1054 = arith.addi %mul3A_1052, %add3A_1053 : i32
      %add3A_1055 = vector.broadcast %add3A_1054 : i32 to vector<16xi32>
      %add3A_1056 = arith.addi %add3A_1055, %select_n3A_1050 : vector<16xi32>
      %swap3A_1057 = arith.constant 80 : index
      %swap3A_1058 = tpu.vector_load %arg19[%swap3A_1057] {strides = array<i32>} : memref<128xi32, #tpu.memory_space<vmem>>, vector<16xi32>,
      tpu.vector_store %arg19[%swap3A_1057], %add3A_1056 {strides = array<i32>} : memref<128xi32, #tpu.memory_space<vmem>>, vector<16xi32>,
      %get3A_1059 = arith.constant 96 : index
      %get3A_1060 = tpu.vector_load %arg18[%get3A_1059] {strides = array<i32>} : memref<128xi32, #tpu.memory_space<vmem>>, vector<16xi32>,
      %jit3A_1061 = arith.constant 16384 : i32
      %eq3A_1062 = arith.constant 0 : i32
      %eq3A_1063 = arith.cmpi eq, %jit3A_1061, %eq3A_1062 : i32
      %jit3A_1064 = arith.constant 1 : i32
      %select_n3A_1065 = arith.select %eq3A_1063, %jit3A_1064, %jit3A_1061 : i32
      %rem3A_1066 = vector.broadcast %select_n3A_1065 : i32 to vector<16xi32>
      %rem3A_1067 = arith.remsi %get3A_1060, %rem3A_1066 : vector<16xi32>
      %ne3A_1068 = arith.constant 0 : i32
      %ne3A_1069 = vector.broadcast %ne3A_1068 : i32 to vector<16xi32>
      %ne3A_1070 = arith.cmpi ne, %rem3A_1067, %ne3A_1069 : vector<16xi32>
      %lt3A_1071 = arith.constant 0 : i32
      %lt3A_1072 = vector.broadcast %lt3A_1071 : i32 to vector<16xi32>
      %lt3A_1073 = arith.cmpi slt, %rem3A_1067, %lt3A_1072 : vector<16xi32>
      %lt3A_1074 = arith.constant 0 : i32
      %lt3A_1075 = arith.cmpi slt, %select_n3A_1065, %lt3A_1074 : i32
      %ne3A_1076 = vector.broadcast %lt3A_1075 : i1 to vector<16xi1>
      %ne3A_1077 = vector.broadcast %ne3A_1076 : vector<16xi1> to vector<16xi1>
      %ne3A_1078 = arith.xori %lt3A_1073, %ne3A_1077 : vector<16xi1>
      %and3A_1079 = arith.andi %ne3A_1078, %ne3A_1070 : vector<16xi1>
      %add3A_1080 = vector.broadcast %select_n3A_1065 : i32 to vector<16xi32>
      %add3A_1081 = arith.addi %rem3A_1067, %add3A_1080 : vector<16xi32>
      %select_n3A_1082 = arith.select %and3A_1079, %add3A_1081, %rem3A_1067 : vector<16xi1>, vector<16xi32>
      %mul3A_1083 = arith.constant 32768 : i32
      %mul3A_1084 = arith.muli %add3A, %mul3A_1083 : i32
      %add3A_1085 = arith.constant 16384 : i32
      %add3A_1086 = arith.addi %mul3A_1084, %add3A_1085 : i32
      %add3A_1087 = vector.broadcast %add3A_1086 : i32 to vector<16xi32>
      %add3A_1088 = arith.addi %add3A_1087, %select_n3A_1082 : vector<16xi32>
      %swap3A_1089 = arith.constant 96 : index
      %swap3A_1090 = tpu.vector_load %arg19[%swap3A_1089] {strides = array<i32>} : memref<128xi32, #tpu.memory_space<vmem>>, vector<16xi32>,
      tpu.vector_store %arg19[%swap3A_1089], %add3A_1088 {strides = array<i32>} : memref<128xi32, #tpu.memory_space<vmem>>, vector<16xi32>,
      %get3A_1091 = arith.constant 112 : index
      %get3A_1092 = tpu.vector_load %arg18[%get3A_1091] {strides = array<i32>} : memref<128xi32, #tpu.memory_space<vmem>>, vector<16xi32>,
      %jit3A_1093 = arith.constant 16384 : i32
      %eq3A_1094 = arith.constant 0 : i32
      %eq3A_1095 = arith.cmpi eq, %jit3A_1093, %eq3A_1094 : i32
      %jit3A_1096 = arith.constant 1 : i32
      %select_n3A_1097 = arith.select %eq3A_1095, %jit3A_1096, %jit3A_1093 : i32
      %rem3A_1098 = vector.broadcast %select_n3A_1097 : i32 to vector<16xi32>
      %rem3A_1099 = arith.remsi %get3A_1092, %rem3A_1098 : vector<16xi32>
      %ne3A_1100 = arith.constant 0 : i32
      %ne3A_1101 = vector.broadcast %ne3A_1100 : i32 to vector<16xi32>
      %ne3A_1102 = arith.cmpi ne, %rem3A_1099, %ne3A_1101 : vector<16xi32>
      %lt3A_1103 = arith.constant 0 : i32
      %lt3A_1104 = vector.broadcast %lt3A_1103 : i32 to vector<16xi32>
      %lt3A_1105 = arith.cmpi slt, %rem3A_1099, %lt3A_1104 : vector<16xi32>
      %lt3A_1106 = arith.constant 0 : i32
      %lt3A_1107 = arith.cmpi slt, %select_n3A_1097, %lt3A_1106 : i32
      %ne3A_1108 = vector.broadcast %lt3A_1107 : i1 to vector<16xi1>
      %ne3A_1109 = vector.broadcast %ne3A_1108 : vector<16xi1> to vector<16xi1>
      %ne3A_1110 = arith.xori %lt3A_1105, %ne3A_1109 : vector<16xi1>
      %and3A_1111 = arith.andi %ne3A_1110, %ne3A_1102 : vector<16xi1>
      %add3A_1112 = vector.broadcast %select_n3A_1097 : i32 to vector<16xi32>
      %add3A_1113 = arith.addi %rem3A_1099, %add3A_1112 : vector<16xi32>
      %select_n3A_1114 = arith.select %and3A_1111, %add3A_1113, %rem3A_1099 : vector<16xi1>, vector<16xi32>
      %mul3A_1115 = arith.constant 32768 : i32
      %mul3A_1116 = arith.muli %add3A, %mul3A_1115 : i32
      %add3A_1117 = arith.constant 16384 : i32
      %add3A_1118 = arith.addi %mul3A_1116, %add3A_1117 : i32
      %add3A_1119 = vector.broadcast %add3A_1118 : i32 to vector<16xi32>
      %add3A_1120 = arith.addi %add3A_1119, %select_n3A_1114 : vector<16xi32>
      %swap3A_1121 = arith.constant 112 : index
      %swap3A_1122 = tpu.vector_load %arg19[%swap3A_1121] {strides = array<i32>} : memref<128xi32, #tpu.memory_space<vmem>>, vector<16xi32>,
      tpu.vector_store %arg19[%swap3A_1121], %add3A_1120 {strides = array<i32>} : memref<128xi32, #tpu.memory_space<vmem>>, vector<16xi32>,
      %dma_start3A_1123 = arith.constant 0 : i32
      %dma_start3A_1124 = tpu.memref_slice %arg6[%dma_start3A_1123] : memref<524288xf32, #tpu.memory_space<hbm>> -> memref<524288xf32, #tpu.memory_space<hbm>>
      tpu.enqueue_indirect_dma source(%dma_start3A_1124 : memref<524288xf32, #tpu.memory_space<hbm>>) target(%arg23 : memref<128xf32, #tpu.memory_space<vmem>>) offsets(%arg19 : memref<128xi32, #tpu.memory_space<vmem>>) semaphore(%arg25 : memref<!tpu.dma_semaphore, #tpu.memory_space<semaphore_mem>>)
      %dma_wait3A_1125 = arith.constant 0 : i32
      %dma_wait3A_1126 = tpu.memref_slice %arg6[%dma_wait3A_1125] : memref<524288xf32, #tpu.memory_space<hbm>> -> memref<524288xf32, #tpu.memory_space<hbm>>
      tpu.wait_indirect_dma semaphore(%arg25 : memref<!tpu.dma_semaphore, #tpu.memory_space<semaphore_mem>>) src(%dma_wait3A_1126 : memref<524288xf32, #tpu.memory_space<hbm>>) dst(%arg23 : memref<128xf32, #tpu.memory_space<vmem>>)
      %get3A_1127 = arith.constant 0 : index
      %get3A_1128 = tpu.vector_load %arg18[%get3A_1127] {strides = array<i32>} : memref<128xi32, #tpu.memory_space<vmem>>, vector<16xi32>,
      %jit3A_1129 = arith.constant 16384 : i32
      %eq3A_1130 = arith.constant 0 : i32
      %eq3A_1131 = arith.cmpi eq, %jit3A_1129, %eq3A_1130 : i32
      %jit3A_1132 = arith.constant 1 : i32
      %select_n3A_1133 = arith.select %eq3A_1131, %jit3A_1132, %jit3A_1129 : i32
      %rem3A_1134 = vector.broadcast %select_n3A_1133 : i32 to vector<16xi32>
      %rem3A_1135 = arith.remsi %get3A_1128, %rem3A_1134 : vector<16xi32>
      %ne3A_1136 = arith.constant 0 : i32
      %ne3A_1137 = vector.broadcast %ne3A_1136 : i32 to vector<16xi32>
      %ne3A_1138 = arith.cmpi ne, %rem3A_1135, %ne3A_1137 : vector<16xi32>
      %lt3A_1139 = arith.constant 0 : i32
      %lt3A_1140 = vector.broadcast %lt3A_1139 : i32 to vector<16xi32>
      %lt3A_1141 = arith.cmpi slt, %rem3A_1135, %lt3A_1140 : vector<16xi32>
      %lt3A_1142 = arith.constant 0 : i32
      %lt3A_1143 = arith.cmpi slt, %select_n3A_1133, %lt3A_1142 : i32
      %ne3A_1144 = vector.broadcast %lt3A_1143 : i1 to vector<16xi1>
      %ne3A_1145 = vector.broadcast %ne3A_1144 : vector<16xi1> to vector<16xi1>
      %ne3A_1146 = arith.xori %lt3A_1141, %ne3A_1145 : vector<16xi1>
      %and3A_1147 = arith.andi %ne3A_1146, %ne3A_1138 : vector<16xi1>
      %add3A_1148 = vector.broadcast %select_n3A_1133 : i32 to vector<16xi32>
      %add3A_1149 = arith.addi %rem3A_1135, %add3A_1148 : vector<16xi32>
      %select_n3A_1150 = arith.select %and3A_1147, %add3A_1149, %rem3A_1135 : vector<16xi1>, vector<16xi32>
      %jit3A_1151 = arith.constant 128 : i32
      %eq3A_1152 = arith.constant 0 : i32
      %eq3A_1153 = arith.cmpi eq, %jit3A_1151, %eq3A_1152 : i32
      %jit3A_1154 = arith.constant 1 : i32
      %select_n3A_1155 = arith.select %eq3A_1153, %jit3A_1154, %jit3A_1151 : i32
      %rem3A_1156 = vector.broadcast %select_n3A_1155 : i32 to vector<16xi32>
      %rem3A_1157 = arith.remsi %select_n3A_1150, %rem3A_1156 : vector<16xi32>
      %ne3A_1158 = arith.constant 0 : i32
      %ne3A_1159 = vector.broadcast %ne3A_1158 : i32 to vector<16xi32>
      %ne3A_1160 = arith.cmpi ne, %rem3A_1157, %ne3A_1159 : vector<16xi32>
      %lt3A_1161 = arith.constant 0 : i32
      %lt3A_1162 = vector.broadcast %lt3A_1161 : i32 to vector<16xi32>
      %lt3A_1163 = arith.cmpi slt, %rem3A_1157, %lt3A_1162 : vector<16xi32>
      %lt3A_1164 = arith.constant 0 : i32
      %lt3A_1165 = arith.cmpi slt, %select_n3A_1155, %lt3A_1164 : i32
      %ne3A_1166 = vector.broadcast %lt3A_1165 : i1 to vector<16xi1>
      %ne3A_1167 = vector.broadcast %ne3A_1166 : vector<16xi1> to vector<16xi1>
      %ne3A_1168 = arith.xori %lt3A_1163, %ne3A_1167 : vector<16xi1>
      %and3A_1169 = arith.andi %ne3A_1168, %ne3A_1160 : vector<16xi1>
      %add3A_1170 = vector.broadcast %select_n3A_1155 : i32 to vector<16xi32>
      %add3A_1171 = arith.addi %rem3A_1157, %add3A_1170 : vector<16xi32>
      %select_n3A_1172 = arith.select %and3A_1169, %add3A_1171, %rem3A_1157 : vector<16xi1>, vector<16xi32>
      %convert_element_type3A_1173 = arith.sitofp %select_n3A_1172 : vector<16xi32> to vector<16xf32>
      %get3A_1174 = arith.constant 0 : index
      %get3A_1175 = tpu.vector_load %arg20[%get3A_1174] {strides = array<i32>} : memref<128xf32, #tpu.memory_space<vmem>>, vector<16xf32>,
      %add3A_1176 = arith.addf %convert_element_type3A_1173, %get3A_1175 : vector<16xf32>
      %jit3A_1177 = arith.constant 128 : i32
      %div3A = vector.broadcast %jit3A_1177 : i32 to vector<16xi32>
      %div3A_1178 = arith.divsi %select_n3A_1150, %div3A : vector<16xi32>
      %sign3A = arith.constant 0 : i32
      %sign3A_1179 = vector.broadcast %sign3A : i32 to vector<16xi32>
      %sign3A_1180 = arith.cmpi sgt, %select_n3A_1150, %sign3A_1179 : vector<16xi32>
      %sign3A_1181 = arith.extui %sign3A_1180 : vector<16xi1> to vector<16xi32>
      %sign3A_1182 = arith.constant 0 : i32
      %sign3A_1183 = vector.broadcast %sign3A_1182 : i32 to vector<16xi32>
      %sign3A_1184 = arith.cmpi slt, %select_n3A_1150, %sign3A_1183 : vector<16xi32>
      %sign3A_1185 = arith.extui %sign3A_1184 : vector<16xi1> to vector<16xi32>
      %sign3A_1186 = arith.subi %sign3A_1181, %sign3A_1185 : vector<16xi32>
      %sign3A_1187 = arith.constant 0 : i32
      %sign3A_1188 = arith.cmpi sgt, %jit3A_1177, %sign3A_1187 : i32
      %sign3A_1189 = arith.extui %sign3A_1188 : i1 to i32
      %sign3A_1190 = arith.constant 0 : i32
      %sign3A_1191 = arith.cmpi slt, %jit3A_1177, %sign3A_1190 : i32
      %sign3A_1192 = arith.extui %sign3A_1191 : i1 to i32
      %sign3A_1193 = arith.subi %sign3A_1189, %sign3A_1192 : i32
      %ne3A_1194 = vector.broadcast %sign3A_1193 : i32 to vector<16xi32>
      %ne3A_1195 = arith.cmpi ne, %sign3A_1186, %ne3A_1194 : vector<16xi32>
      %rem3A_1196 = vector.broadcast %jit3A_1177 : i32 to vector<16xi32>
      %rem3A_1197 = arith.remsi %select_n3A_1150, %rem3A_1196 : vector<16xi32>
      %ne3A_1198 = arith.constant 0 : i32
      %ne3A_1199 = vector.broadcast %ne3A_1198 : i32 to vector<16xi32>
      %ne3A_1200 = arith.cmpi ne, %rem3A_1197, %ne3A_1199 : vector<16xi32>
      %and3A_1201 = arith.andi %ne3A_1195, %ne3A_1200 : vector<16xi1>
      %sub3A = arith.constant 1 : i32
      %sub3A_1202 = vector.broadcast %sub3A : i32 to vector<16xi32>
      %sub3A_1203 = arith.subi %div3A_1178, %sub3A_1202 : vector<16xi32>
      %select_n3A_1204 = arith.select %and3A_1201, %sub3A_1203, %div3A_1178 : vector<16xi1>, vector<16xi32>
      %convert_element_type3A_1205 = arith.sitofp %select_n3A_1204 : vector<16xi32> to vector<16xf32>
      %get3A_1206 = arith.constant 0 : index
      %get3A_1207 = tpu.vector_load %arg21[%get3A_1206] {strides = array<i32>} : memref<128xf32, #tpu.memory_space<vmem>>, vector<16xf32>,
      %add3A_1208 = arith.addf %convert_element_type3A_1205, %get3A_1207 : vector<16xf32>
      %get3A_1209 = arith.constant 0 : index
      %get3A_1210 = tpu.vector_load %arg22[%get3A_1209] {strides = array<i32>} : memref<128xf32, #tpu.memory_space<vmem>>, vector<16xf32>,
      %div3A_1211 = arith.constant 2.000000e+00 : f32
      %div3A_1212 = vector.broadcast %div3A_1211 : f32 to vector<16xf32>
      %div3A_1213 = arith.divf %get3A_1210, %div3A_1212 : vector<16xf32>
      %get3A_1214 = arith.constant 0 : index
      %get3A_1215 = tpu.vector_load %arg23[%get3A_1214] {strides = array<i32>} : memref<128xf32, #tpu.memory_space<vmem>>, vector<16xf32>,
      %div3A_1216 = arith.constant 2.000000e+00 : f32
      %div3A_1217 = vector.broadcast %div3A_1216 : f32 to vector<16xf32>
      %div3A_1218 = arith.divf %get3A_1215, %div3A_1217 : vector<16xf32>
      %sub3A_1219 = arith.subf %add3A_1176, %div3A_1213 : vector<16xf32>
      %swap3A_1220 = arith.constant 0 : i32
      %swap3A_1221 = arith.index_cast %swap3A_1220 : i32 to index
      %swap3A_1222 = arith.constant 0 : index
      %swap3A_1223 = tpu.vector_load %arg24[%swap3A_1221, %swap3A_1222] {strides = array<i32>} : memref<4x128xf32, #tpu.memory_space<vmem>>, vector<16xf32>,
      tpu.vector_store %arg24[%swap3A_1221, %swap3A_1222], %sub3A_1219 {strides = array<i32>} : memref<4x128xf32, #tpu.memory_space<vmem>>, vector<16xf32>,
      %sub3A_1224 = arith.subf %add3A_1208, %div3A_1218 : vector<16xf32>
      %swap3A_1225 = arith.constant 1 : i32
      %swap3A_1226 = arith.index_cast %swap3A_1225 : i32 to index
      %swap3A_1227 = arith.constant 0 : index
      %swap3A_1228 = tpu.vector_load %arg24[%swap3A_1226, %swap3A_1227] {strides = array<i32>} : memref<4x128xf32, #tpu.memory_space<vmem>>, vector<16xf32>,
      tpu.vector_store %arg24[%swap3A_1226, %swap3A_1227], %sub3A_1224 {strides = array<i32>} : memref<4x128xf32, #tpu.memory_space<vmem>>, vector<16xf32>,
      %add3A_1229 = arith.addf %add3A_1176, %div3A_1213 : vector<16xf32>
      %swap3A_1230 = arith.constant 2 : i32
      %swap3A_1231 = arith.index_cast %swap3A_1230 : i32 to index
      %swap3A_1232 = arith.constant 0 : index
      %swap3A_1233 = tpu.vector_load %arg24[%swap3A_1231, %swap3A_1232] {strides = array<i32>} : memref<4x128xf32, #tpu.memory_space<vmem>>, vector<16xf32>,
      tpu.vector_store %arg24[%swap3A_1231, %swap3A_1232], %add3A_1229 {strides = array<i32>} : memref<4x128xf32, #tpu.memory_space<vmem>>, vector<16xf32>,
      %add3A_1234 = arith.addf %add3A_1208, %div3A_1218 : vector<16xf32>
      %swap3A_1235 = arith.constant 3 : i32
      %swap3A_1236 = arith.index_cast %swap3A_1235 : i32 to index
      %swap3A_1237 = arith.constant 0 : index
      %swap3A_1238 = tpu.vector_load %arg24[%swap3A_1236, %swap3A_1237] {strides = array<i32>} : memref<4x128xf32, #tpu.memory_space<vmem>>, vector<16xf32>,
      tpu.vector_store %arg24[%swap3A_1236, %swap3A_1237], %add3A_1234 {strides = array<i32>} : memref<4x128xf32, #tpu.memory_space<vmem>>, vector<16xf32>,
      %get3A_1239 = arith.constant 16 : index
      %get3A_1240 = tpu.vector_load %arg18[%get3A_1239] {strides = array<i32>} : memref<128xi32, #tpu.memory_space<vmem>>, vector<16xi32>,
      %jit3A_1241 = arith.constant 16384 : i32
      %eq3A_1242 = arith.constant 0 : i32
      %eq3A_1243 = arith.cmpi eq, %jit3A_1241, %eq3A_1242 : i32
      %jit3A_1244 = arith.constant 1 : i32
      %select_n3A_1245 = arith.select %eq3A_1243, %jit3A_1244, %jit3A_1241 : i32
      %rem3A_1246 = vector.broadcast %select_n3A_1245 : i32 to vector<16xi32>
      %rem3A_1247 = arith.remsi %get3A_1240, %rem3A_1246 : vector<16xi32>
      %ne3A_1248 = arith.constant 0 : i32
      %ne3A_1249 = vector.broadcast %ne3A_1248 : i32 to vector<16xi32>
      %ne3A_1250 = arith.cmpi ne, %rem3A_1247, %ne3A_1249 : vector<16xi32>
      %lt3A_1251 = arith.constant 0 : i32
      %lt3A_1252 = vector.broadcast %lt3A_1251 : i32 to vector<16xi32>
      %lt3A_1253 = arith.cmpi slt, %rem3A_1247, %lt3A_1252 : vector<16xi32>
      %lt3A_1254 = arith.constant 0 : i32
      %lt3A_1255 = arith.cmpi slt, %select_n3A_1245, %lt3A_1254 : i32
      %ne3A_1256 = vector.broadcast %lt3A_1255 : i1 to vector<16xi1>
      %ne3A_1257 = vector.broadcast %ne3A_1256 : vector<16xi1> to vector<16xi1>
      %ne3A_1258 = arith.xori %lt3A_1253, %ne3A_1257 : vector<16xi1>
      %and3A_1259 = arith.andi %ne3A_1258, %ne3A_1250 : vector<16xi1>
      %add3A_1260 = vector.broadcast %select_n3A_1245 : i32 to vector<16xi32>
      %add3A_1261 = arith.addi %rem3A_1247, %add3A_1260 : vector<16xi32>
      %select_n3A_1262 = arith.select %and3A_1259, %add3A_1261, %rem3A_1247 : vector<16xi1>, vector<16xi32>
      %jit3A_1263 = arith.constant 128 : i32
      %eq3A_1264 = arith.constant 0 : i32
      %eq3A_1265 = arith.cmpi eq, %jit3A_1263, %eq3A_1264 : i32
      %jit3A_1266 = arith.constant 1 : i32
      %select_n3A_1267 = arith.select %eq3A_1265, %jit3A_1266, %jit3A_1263 : i32
      %rem3A_1268 = vector.broadcast %select_n3A_1267 : i32 to vector<16xi32>
      %rem3A_1269 = arith.remsi %select_n3A_1262, %rem3A_1268 : vector<16xi32>
      %ne3A_1270 = arith.constant 0 : i32
      %ne3A_1271 = vector.broadcast %ne3A_1270 : i32 to vector<16xi32>
      %ne3A_1272 = arith.cmpi ne, %rem3A_1269, %ne3A_1271 : vector<16xi32>
      %lt3A_1273 = arith.constant 0 : i32
      %lt3A_1274 = vector.broadcast %lt3A_1273 : i32 to vector<16xi32>
      %lt3A_1275 = arith.cmpi slt, %rem3A_1269, %lt3A_1274 : vector<16xi32>
      %lt3A_1276 = arith.constant 0 : i32
      %lt3A_1277 = arith.cmpi slt, %select_n3A_1267, %lt3A_1276 : i32
      %ne3A_1278 = vector.broadcast %lt3A_1277 : i1 to vector<16xi1>
      %ne3A_1279 = vector.broadcast %ne3A_1278 : vector<16xi1> to vector<16xi1>
      %ne3A_1280 = arith.xori %lt3A_1275, %ne3A_1279 : vector<16xi1>
      %and3A_1281 = arith.andi %ne3A_1280, %ne3A_1272 : vector<16xi1>
      %add3A_1282 = vector.broadcast %select_n3A_1267 : i32 to vector<16xi32>
      %add3A_1283 = arith.addi %rem3A_1269, %add3A_1282 : vector<16xi32>
      %select_n3A_1284 = arith.select %and3A_1281, %add3A_1283, %rem3A_1269 : vector<16xi1>, vector<16xi32>
      %convert_element_type3A_1285 = arith.sitofp %select_n3A_1284 : vector<16xi32> to vector<16xf32>
      %get3A_1286 = arith.constant 16 : index
      %get3A_1287 = tpu.vector_load %arg20[%get3A_1286] {strides = array<i32>} : memref<128xf32, #tpu.memory_space<vmem>>, vector<16xf32>,
      %add3A_1288 = arith.addf %convert_element_type3A_1285, %get3A_1287 : vector<16xf32>
      %jit3A_1289 = arith.constant 128 : i32
      %div3A_1290 = vector.broadcast %jit3A_1289 : i32 to vector<16xi32>
      %div3A_1291 = arith.divsi %select_n3A_1262, %div3A_1290 : vector<16xi32>
      %sign3A_1292 = arith.constant 0 : i32
      %sign3A_1293 = vector.broadcast %sign3A_1292 : i32 to vector<16xi32>
      %sign3A_1294 = arith.cmpi sgt, %select_n3A_1262, %sign3A_1293 : vector<16xi32>
      %sign3A_1295 = arith.extui %sign3A_1294 : vector<16xi1> to vector<16xi32>
      %sign3A_1296 = arith.constant 0 : i32
      %sign3A_1297 = vector.broadcast %sign3A_1296 : i32 to vector<16xi32>
      %sign3A_1298 = arith.cmpi slt, %select_n3A_1262, %sign3A_1297 : vector<16xi32>
      %sign3A_1299 = arith.extui %sign3A_1298 : vector<16xi1> to vector<16xi32>
      %sign3A_1300 = arith.subi %sign3A_1295, %sign3A_1299 : vector<16xi32>
      %sign3A_1301 = arith.constant 0 : i32
      %sign3A_1302 = arith.cmpi sgt, %jit3A_1289, %sign3A_1301 : i32
      %sign3A_1303 = arith.extui %sign3A_1302 : i1 to i32
      %sign3A_1304 = arith.constant 0 : i32
      %sign3A_1305 = arith.cmpi slt, %jit3A_1289, %sign3A_1304 : i32
      %sign3A_1306 = arith.extui %sign3A_1305 : i1 to i32
      %sign3A_1307 = arith.subi %sign3A_1303, %sign3A_1306 : i32
      %ne3A_1308 = vector.broadcast %sign3A_1307 : i32 to vector<16xi32>
      %ne3A_1309 = arith.cmpi ne, %sign3A_1300, %ne3A_1308 : vector<16xi32>
      %rem3A_1310 = vector.broadcast %jit3A_1289 : i32 to vector<16xi32>
      %rem3A_1311 = arith.remsi %select_n3A_1262, %rem3A_1310 : vector<16xi32>
      %ne3A_1312 = arith.constant 0 : i32
      %ne3A_1313 = vector.broadcast %ne3A_1312 : i32 to vector<16xi32>
      %ne3A_1314 = arith.cmpi ne, %rem3A_1311, %ne3A_1313 : vector<16xi32>
      %and3A_1315 = arith.andi %ne3A_1309, %ne3A_1314 : vector<16xi1>
      %sub3A_1316 = arith.constant 1 : i32
      %sub3A_1317 = vector.broadcast %sub3A_1316 : i32 to vector<16xi32>
      %sub3A_1318 = arith.subi %div3A_1291, %sub3A_1317 : vector<16xi32>
      %select_n3A_1319 = arith.select %and3A_1315, %sub3A_1318, %div3A_1291 : vector<16xi1>, vector<16xi32>
      %convert_element_type3A_1320 = arith.sitofp %select_n3A_1319 : vector<16xi32> to vector<16xf32>
      %get3A_1321 = arith.constant 16 : index
      %get3A_1322 = tpu.vector_load %arg21[%get3A_1321] {strides = array<i32>} : memref<128xf32, #tpu.memory_space<vmem>>, vector<16xf32>,
      %add3A_1323 = arith.addf %convert_element_type3A_1320, %get3A_1322 : vector<16xf32>
      %get3A_1324 = arith.constant 16 : index
      %get3A_1325 = tpu.vector_load %arg22[%get3A_1324] {strides = array<i32>} : memref<128xf32, #tpu.memory_space<vmem>>, vector<16xf32>,
      %div3A_1326 = arith.constant 2.000000e+00 : f32
      %div3A_1327 = vector.broadcast %div3A_1326 : f32 to vector<16xf32>
      %div3A_1328 = arith.divf %get3A_1325, %div3A_1327 : vector<16xf32>
      %get3A_1329 = arith.constant 16 : index
      %get3A_1330 = tpu.vector_load %arg23[%get3A_1329] {strides = array<i32>} : memref<128xf32, #tpu.memory_space<vmem>>, vector<16xf32>,
      %div3A_1331 = arith.constant 2.000000e+00 : f32
      %div3A_1332 = vector.broadcast %div3A_1331 : f32 to vector<16xf32>
      %div3A_1333 = arith.divf %get3A_1330, %div3A_1332 : vector<16xf32>
      %sub3A_1334 = arith.subf %add3A_1288, %div3A_1328 : vector<16xf32>
      %swap3A_1335 = arith.constant 0 : i32
      %swap3A_1336 = arith.index_cast %swap3A_1335 : i32 to index
      %swap3A_1337 = arith.constant 16 : index
      %swap3A_1338 = tpu.vector_load %arg24[%swap3A_1336, %swap3A_1337] {strides = array<i32>} : memref<4x128xf32, #tpu.memory_space<vmem>>, vector<16xf32>,
      tpu.vector_store %arg24[%swap3A_1336, %swap3A_1337], %sub3A_1334 {strides = array<i32>} : memref<4x128xf32, #tpu.memory_space<vmem>>, vector<16xf32>,
      %sub3A_1339 = arith.subf %add3A_1323, %div3A_1333 : vector<16xf32>
      %swap3A_1340 = arith.constant 1 : i32
      %swap3A_1341 = arith.index_cast %swap3A_1340 : i32 to index
      %swap3A_1342 = arith.constant 16 : index
      %swap3A_1343 = tpu.vector_load %arg24[%swap3A_1341, %swap3A_1342] {strides = array<i32>} : memref<4x128xf32, #tpu.memory_space<vmem>>, vector<16xf32>,
      tpu.vector_store %arg24[%swap3A_1341, %swap3A_1342], %sub3A_1339 {strides = array<i32>} : memref<4x128xf32, #tpu.memory_space<vmem>>, vector<16xf32>,
      %add3A_1344 = arith.addf %add3A_1288, %div3A_1328 : vector<16xf32>
      %swap3A_1345 = arith.constant 2 : i32
      %swap3A_1346 = arith.index_cast %swap3A_1345 : i32 to index
      %swap3A_1347 = arith.constant 16 : index
      %swap3A_1348 = tpu.vector_load %arg24[%swap3A_1346, %swap3A_1347] {strides = array<i32>} : memref<4x128xf32, #tpu.memory_space<vmem>>, vector<16xf32>,
      tpu.vector_store %arg24[%swap3A_1346, %swap3A_1347], %add3A_1344 {strides = array<i32>} : memref<4x128xf32, #tpu.memory_space<vmem>>, vector<16xf32>,
      %add3A_1349 = arith.addf %add3A_1323, %div3A_1333 : vector<16xf32>
      %swap3A_1350 = arith.constant 3 : i32
      %swap3A_1351 = arith.index_cast %swap3A_1350 : i32 to index
      %swap3A_1352 = arith.constant 16 : index
      %swap3A_1353 = tpu.vector_load %arg24[%swap3A_1351, %swap3A_1352] {strides = array<i32>} : memref<4x128xf32, #tpu.memory_space<vmem>>, vector<16xf32>,
      tpu.vector_store %arg24[%swap3A_1351, %swap3A_1352], %add3A_1349 {strides = array<i32>} : memref<4x128xf32, #tpu.memory_space<vmem>>, vector<16xf32>,
      %get3A_1354 = arith.constant 32 : index
      %get3A_1355 = tpu.vector_load %arg18[%get3A_1354] {strides = array<i32>} : memref<128xi32, #tpu.memory_space<vmem>>, vector<16xi32>,
      %jit3A_1356 = arith.constant 16384 : i32
      %eq3A_1357 = arith.constant 0 : i32
      %eq3A_1358 = arith.cmpi eq, %jit3A_1356, %eq3A_1357 : i32
      %jit3A_1359 = arith.constant 1 : i32
      %select_n3A_1360 = arith.select %eq3A_1358, %jit3A_1359, %jit3A_1356 : i32
      %rem3A_1361 = vector.broadcast %select_n3A_1360 : i32 to vector<16xi32>
      %rem3A_1362 = arith.remsi %get3A_1355, %rem3A_1361 : vector<16xi32>
      %ne3A_1363 = arith.constant 0 : i32
      %ne3A_1364 = vector.broadcast %ne3A_1363 : i32 to vector<16xi32>
      %ne3A_1365 = arith.cmpi ne, %rem3A_1362, %ne3A_1364 : vector<16xi32>
      %lt3A_1366 = arith.constant 0 : i32
      %lt3A_1367 = vector.broadcast %lt3A_1366 : i32 to vector<16xi32>
      %lt3A_1368 = arith.cmpi slt, %rem3A_1362, %lt3A_1367 : vector<16xi32>
      %lt3A_1369 = arith.constant 0 : i32
      %lt3A_1370 = arith.cmpi slt, %select_n3A_1360, %lt3A_1369 : i32
      %ne3A_1371 = vector.broadcast %lt3A_1370 : i1 to vector<16xi1>
      %ne3A_1372 = vector.broadcast %ne3A_1371 : vector<16xi1> to vector<16xi1>
      %ne3A_1373 = arith.xori %lt3A_1368, %ne3A_1372 : vector<16xi1>
      %and3A_1374 = arith.andi %ne3A_1373, %ne3A_1365 : vector<16xi1>
      %add3A_1375 = vector.broadcast %select_n3A_1360 : i32 to vector<16xi32>
      %add3A_1376 = arith.addi %rem3A_1362, %add3A_1375 : vector<16xi32>
      %select_n3A_1377 = arith.select %and3A_1374, %add3A_1376, %rem3A_1362 : vector<16xi1>, vector<16xi32>
      %jit3A_1378 = arith.constant 128 : i32
      %eq3A_1379 = arith.constant 0 : i32
      %eq3A_1380 = arith.cmpi eq, %jit3A_1378, %eq3A_1379 : i32
      %jit3A_1381 = arith.constant 1 : i32
      %select_n3A_1382 = arith.select %eq3A_1380, %jit3A_1381, %jit3A_1378 : i32
      %rem3A_1383 = vector.broadcast %select_n3A_1382 : i32 to vector<16xi32>
      %rem3A_1384 = arith.remsi %select_n3A_1377, %rem3A_1383 : vector<16xi32>
      %ne3A_1385 = arith.constant 0 : i32
      %ne3A_1386 = vector.broadcast %ne3A_1385 : i32 to vector<16xi32>
      %ne3A_1387 = arith.cmpi ne, %rem3A_1384, %ne3A_1386 : vector<16xi32>
      %lt3A_1388 = arith.constant 0 : i32
      %lt3A_1389 = vector.broadcast %lt3A_1388 : i32 to vector<16xi32>
      %lt3A_1390 = arith.cmpi slt, %rem3A_1384, %lt3A_1389 : vector<16xi32>
      %lt3A_1391 = arith.constant 0 : i32
      %lt3A_1392 = arith.cmpi slt, %select_n3A_1382, %lt3A_1391 : i32
      %ne3A_1393 = vector.broadcast %lt3A_1392 : i1 to vector<16xi1>
      %ne3A_1394 = vector.broadcast %ne3A_1393 : vector<16xi1> to vector<16xi1>
      %ne3A_1395 = arith.xori %lt3A_1390, %ne3A_1394 : vector<16xi1>
      %and3A_1396 = arith.andi %ne3A_1395, %ne3A_1387 : vector<16xi1>
      %add3A_1397 = vector.broadcast %select_n3A_1382 : i32 to vector<16xi32>
      %add3A_1398 = arith.addi %rem3A_1384, %add3A_1397 : vector<16xi32>
      %select_n3A_1399 = arith.select %and3A_1396, %add3A_1398, %rem3A_1384 : vector<16xi1>, vector<16xi32>
      %convert_element_type3A_1400 = arith.sitofp %select_n3A_1399 : vector<16xi32> to vector<16xf32>
      %get3A_1401 = arith.constant 32 : index
      %get3A_1402 = tpu.vector_load %arg20[%get3A_1401] {strides = array<i32>} : memref<128xf32, #tpu.memory_space<vmem>>, vector<16xf32>,
      %add3A_1403 = arith.addf %convert_element_type3A_1400, %get3A_1402 : vector<16xf32>
      %jit3A_1404 = arith.constant 128 : i32
      %div3A_1405 = vector.broadcast %jit3A_1404 : i32 to vector<16xi32>
      %div3A_1406 = arith.divsi %select_n3A_1377, %div3A_1405 : vector<16xi32>
      %sign3A_1407 = arith.constant 0 : i32
      %sign3A_1408 = vector.broadcast %sign3A_1407 : i32 to vector<16xi32>
      %sign3A_1409 = arith.cmpi sgt, %select_n3A_1377, %sign3A_1408 : vector<16xi32>
      %sign3A_1410 = arith.extui %sign3A_1409 : vector<16xi1> to vector<16xi32>
      %sign3A_1411 = arith.constant 0 : i32
      %sign3A_1412 = vector.broadcast %sign3A_1411 : i32 to vector<16xi32>
      %sign3A_1413 = arith.cmpi slt, %select_n3A_1377, %sign3A_1412 : vector<16xi32>
      %sign3A_1414 = arith.extui %sign3A_1413 : vector<16xi1> to vector<16xi32>
      %sign3A_1415 = arith.subi %sign3A_1410, %sign3A_1414 : vector<16xi32>
      %sign3A_1416 = arith.constant 0 : i32
      %sign3A_1417 = arith.cmpi sgt, %jit3A_1404, %sign3A_1416 : i32
      %sign3A_1418 = arith.extui %sign3A_1417 : i1 to i32
      %sign3A_1419 = arith.constant 0 : i32
      %sign3A_1420 = arith.cmpi slt, %jit3A_1404, %sign3A_1419 : i32
      %sign3A_1421 = arith.extui %sign3A_1420 : i1 to i32
      %sign3A_1422 = arith.subi %sign3A_1418, %sign3A_1421 : i32
      %ne3A_1423 = vector.broadcast %sign3A_1422 : i32 to vector<16xi32>
      %ne3A_1424 = arith.cmpi ne, %sign3A_1415, %ne3A_1423 : vector<16xi32>
      %rem3A_1425 = vector.broadcast %jit3A_1404 : i32 to vector<16xi32>
      %rem3A_1426 = arith.remsi %select_n3A_1377, %rem3A_1425 : vector<16xi32>
      %ne3A_1427 = arith.constant 0 : i32
      %ne3A_1428 = vector.broadcast %ne3A_1427 : i32 to vector<16xi32>
      %ne3A_1429 = arith.cmpi ne, %rem3A_1426, %ne3A_1428 : vector<16xi32>
      %and3A_1430 = arith.andi %ne3A_1424, %ne3A_1429 : vector<16xi1>
      %sub3A_1431 = arith.constant 1 : i32
      %sub3A_1432 = vector.broadcast %sub3A_1431 : i32 to vector<16xi32>
      %sub3A_1433 = arith.subi %div3A_1406, %sub3A_1432 : vector<16xi32>
      %select_n3A_1434 = arith.select %and3A_1430, %sub3A_1433, %div3A_1406 : vector<16xi1>, vector<16xi32>
      %convert_element_type3A_1435 = arith.sitofp %select_n3A_1434 : vector<16xi32> to vector<16xf32>
      %get3A_1436 = arith.constant 32 : index
      %get3A_1437 = tpu.vector_load %arg21[%get3A_1436] {strides = array<i32>} : memref<128xf32, #tpu.memory_space<vmem>>, vector<16xf32>,
      %add3A_1438 = arith.addf %convert_element_type3A_1435, %get3A_1437 : vector<16xf32>
      %get3A_1439 = arith.constant 32 : index
      %get3A_1440 = tpu.vector_load %arg22[%get3A_1439] {strides = array<i32>} : memref<128xf32, #tpu.memory_space<vmem>>, vector<16xf32>,
      %div3A_1441 = arith.constant 2.000000e+00 : f32
      %div3A_1442 = vector.broadcast %div3A_1441 : f32 to vector<16xf32>
      %div3A_1443 = arith.divf %get3A_1440, %div3A_1442 : vector<16xf32>
      %get3A_1444 = arith.constant 32 : index
      %get3A_1445 = tpu.vector_load %arg23[%get3A_1444] {strides = array<i32>} : memref<128xf32, #tpu.memory_space<vmem>>, vector<16xf32>,
      %div3A_1446 = arith.constant 2.000000e+00 : f32
      %div3A_1447 = vector.broadcast %div3A_1446 : f32 to vector<16xf32>
      %div3A_1448 = arith.divf %get3A_1445, %div3A_1447 : vector<16xf32>
      %sub3A_1449 = arith.subf %add3A_1403, %div3A_1443 : vector<16xf32>
      %swap3A_1450 = arith.constant 0 : i32
      %swap3A_1451 = arith.index_cast %swap3A_1450 : i32 to index
      %swap3A_1452 = arith.constant 32 : index
      %swap3A_1453 = tpu.vector_load %arg24[%swap3A_1451, %swap3A_1452] {strides = array<i32>} : memref<4x128xf32, #tpu.memory_space<vmem>>, vector<16xf32>,
      tpu.vector_store %arg24[%swap3A_1451, %swap3A_1452], %sub3A_1449 {strides = array<i32>} : memref<4x128xf32, #tpu.memory_space<vmem>>, vector<16xf32>,
      %sub3A_1454 = arith.subf %add3A_1438, %div3A_1448 : vector<16xf32>
      %swap3A_1455 = arith.constant 1 : i32
      %swap3A_1456 = arith.index_cast %swap3A_1455 : i32 to index
      %swap3A_1457 = arith.constant 32 : index
      %swap3A_1458 = tpu.vector_load %arg24[%swap3A_1456, %swap3A_1457] {strides = array<i32>} : memref<4x128xf32, #tpu.memory_space<vmem>>, vector<16xf32>,
      tpu.vector_store %arg24[%swap3A_1456, %swap3A_1457], %sub3A_1454 {strides = array<i32>} : memref<4x128xf32, #tpu.memory_space<vmem>>, vector<16xf32>,
      %add3A_1459 = arith.addf %add3A_1403, %div3A_1443 : vector<16xf32>
      %swap3A_1460 = arith.constant 2 : i32
      %swap3A_1461 = arith.index_cast %swap3A_1460 : i32 to index
      %swap3A_1462 = arith.constant 32 : index
      %swap3A_1463 = tpu.vector_load %arg24[%swap3A_1461, %swap3A_1462] {strides = array<i32>} : memref<4x128xf32, #tpu.memory_space<vmem>>, vector<16xf32>,
      tpu.vector_store %arg24[%swap3A_1461, %swap3A_1462], %add3A_1459 {strides = array<i32>} : memref<4x128xf32, #tpu.memory_space<vmem>>, vector<16xf32>,
      %add3A_1464 = arith.addf %add3A_1438, %div3A_1448 : vector<16xf32>
      %swap3A_1465 = arith.constant 3 : i32
      %swap3A_1466 = arith.index_cast %swap3A_1465 : i32 to index
      %swap3A_1467 = arith.constant 32 : index
      %swap3A_1468 = tpu.vector_load %arg24[%swap3A_1466, %swap3A_1467] {strides = array<i32>} : memref<4x128xf32, #tpu.memory_space<vmem>>, vector<16xf32>,
      tpu.vector_store %arg24[%swap3A_1466, %swap3A_1467], %add3A_1464 {strides = array<i32>} : memref<4x128xf32, #tpu.memory_space<vmem>>, vector<16xf32>,
      %get3A_1469 = arith.constant 48 : index
      %get3A_1470 = tpu.vector_load %arg18[%get3A_1469] {strides = array<i32>} : memref<128xi32, #tpu.memory_space<vmem>>, vector<16xi32>,
      %jit3A_1471 = arith.constant 16384 : i32
      %eq3A_1472 = arith.constant 0 : i32
      %eq3A_1473 = arith.cmpi eq, %jit3A_1471, %eq3A_1472 : i32
      %jit3A_1474 = arith.constant 1 : i32
      %select_n3A_1475 = arith.select %eq3A_1473, %jit3A_1474, %jit3A_1471 : i32
      %rem3A_1476 = vector.broadcast %select_n3A_1475 : i32 to vector<16xi32>
      %rem3A_1477 = arith.remsi %get3A_1470, %rem3A_1476 : vector<16xi32>
      %ne3A_1478 = arith.constant 0 : i32
      %ne3A_1479 = vector.broadcast %ne3A_1478 : i32 to vector<16xi32>
      %ne3A_1480 = arith.cmpi ne, %rem3A_1477, %ne3A_1479 : vector<16xi32>
      %lt3A_1481 = arith.constant 0 : i32
      %lt3A_1482 = vector.broadcast %lt3A_1481 : i32 to vector<16xi32>
      %lt3A_1483 = arith.cmpi slt, %rem3A_1477, %lt3A_1482 : vector<16xi32>
      %lt3A_1484 = arith.constant 0 : i32
      %lt3A_1485 = arith.cmpi slt, %select_n3A_1475, %lt3A_1484 : i32
      %ne3A_1486 = vector.broadcast %lt3A_1485 : i1 to vector<16xi1>
      %ne3A_1487 = vector.broadcast %ne3A_1486 : vector<16xi1> to vector<16xi1>
      %ne3A_1488 = arith.xori %lt3A_1483, %ne3A_1487 : vector<16xi1>
      %and3A_1489 = arith.andi %ne3A_1488, %ne3A_1480 : vector<16xi1>
      %add3A_1490 = vector.broadcast %select_n3A_1475 : i32 to vector<16xi32>
      %add3A_1491 = arith.addi %rem3A_1477, %add3A_1490 : vector<16xi32>
      %select_n3A_1492 = arith.select %and3A_1489, %add3A_1491, %rem3A_1477 : vector<16xi1>, vector<16xi32>
      %jit3A_1493 = arith.constant 128 : i32
      %eq3A_1494 = arith.constant 0 : i32
      %eq3A_1495 = arith.cmpi eq, %jit3A_1493, %eq3A_1494 : i32
      %jit3A_1496 = arith.constant 1 : i32
      %select_n3A_1497 = arith.select %eq3A_1495, %jit3A_1496, %jit3A_1493 : i32
      %rem3A_1498 = vector.broadcast %select_n3A_1497 : i32 to vector<16xi32>
      %rem3A_1499 = arith.remsi %select_n3A_1492, %rem3A_1498 : vector<16xi32>
      %ne3A_1500 = arith.constant 0 : i32
      %ne3A_1501 = vector.broadcast %ne3A_1500 : i32 to vector<16xi32>
      %ne3A_1502 = arith.cmpi ne, %rem3A_1499, %ne3A_1501 : vector<16xi32>
      %lt3A_1503 = arith.constant 0 : i32
      %lt3A_1504 = vector.broadcast %lt3A_1503 : i32 to vector<16xi32>
      %lt3A_1505 = arith.cmpi slt, %rem3A_1499, %lt3A_1504 : vector<16xi32>
      %lt3A_1506 = arith.constant 0 : i32
      %lt3A_1507 = arith.cmpi slt, %select_n3A_1497, %lt3A_1506 : i32
      %ne3A_1508 = vector.broadcast %lt3A_1507 : i1 to vector<16xi1>
      %ne3A_1509 = vector.broadcast %ne3A_1508 : vector<16xi1> to vector<16xi1>
      %ne3A_1510 = arith.xori %lt3A_1505, %ne3A_1509 : vector<16xi1>
      %and3A_1511 = arith.andi %ne3A_1510, %ne3A_1502 : vector<16xi1>
      %add3A_1512 = vector.broadcast %select_n3A_1497 : i32 to vector<16xi32>
      %add3A_1513 = arith.addi %rem3A_1499, %add3A_1512 : vector<16xi32>
      %select_n3A_1514 = arith.select %and3A_1511, %add3A_1513, %rem3A_1499 : vector<16xi1>, vector<16xi32>
      %convert_element_type3A_1515 = arith.sitofp %select_n3A_1514 : vector<16xi32> to vector<16xf32>
      %get3A_1516 = arith.constant 48 : index
      %get3A_1517 = tpu.vector_load %arg20[%get3A_1516] {strides = array<i32>} : memref<128xf32, #tpu.memory_space<vmem>>, vector<16xf32>,
      %add3A_1518 = arith.addf %convert_element_type3A_1515, %get3A_1517 : vector<16xf32>
      %jit3A_1519 = arith.constant 128 : i32
      %div3A_1520 = vector.broadcast %jit3A_1519 : i32 to vector<16xi32>
      %div3A_1521 = arith.divsi %select_n3A_1492, %div3A_1520 : vector<16xi32>
      %sign3A_1522 = arith.constant 0 : i32
      %sign3A_1523 = vector.broadcast %sign3A_1522 : i32 to vector<16xi32>
      %sign3A_1524 = arith.cmpi sgt, %select_n3A_1492, %sign3A_1523 : vector<16xi32>
      %sign3A_1525 = arith.extui %sign3A_1524 : vector<16xi1> to vector<16xi32>
      %sign3A_1526 = arith.constant 0 : i32
      %sign3A_1527 = vector.broadcast %sign3A_1526 : i32 to vector<16xi32>
      %sign3A_1528 = arith.cmpi slt, %select_n3A_1492, %sign3A_1527 : vector<16xi32>
      %sign3A_1529 = arith.extui %sign3A_1528 : vector<16xi1> to vector<16xi32>
      %sign3A_1530 = arith.subi %sign3A_1525, %sign3A_1529 : vector<16xi32>
      %sign3A_1531 = arith.constant 0 : i32
      %sign3A_1532 = arith.cmpi sgt, %jit3A_1519, %sign3A_1531 : i32
      %sign3A_1533 = arith.extui %sign3A_1532 : i1 to i32
      %sign3A_1534 = arith.constant 0 : i32
      %sign3A_1535 = arith.cmpi slt, %jit3A_1519, %sign3A_1534 : i32
      %sign3A_1536 = arith.extui %sign3A_1535 : i1 to i32
      %sign3A_1537 = arith.subi %sign3A_1533, %sign3A_1536 : i32
      %ne3A_1538 = vector.broadcast %sign3A_1537 : i32 to vector<16xi32>
      %ne3A_1539 = arith.cmpi ne, %sign3A_1530, %ne3A_1538 : vector<16xi32>
      %rem3A_1540 = vector.broadcast %jit3A_1519 : i32 to vector<16xi32>
      %rem3A_1541 = arith.remsi %select_n3A_1492, %rem3A_1540 : vector<16xi32>
      %ne3A_1542 = arith.constant 0 : i32
      %ne3A_1543 = vector.broadcast %ne3A_1542 : i32 to vector<16xi32>
      %ne3A_1544 = arith.cmpi ne, %rem3A_1541, %ne3A_1543 : vector<16xi32>
      %and3A_1545 = arith.andi %ne3A_1539, %ne3A_1544 : vector<16xi1>
      %sub3A_1546 = arith.constant 1 : i32
      %sub3A_1547 = vector.broadcast %sub3A_1546 : i32 to vector<16xi32>
      %sub3A_1548 = arith.subi %div3A_1521, %sub3A_1547 : vector<16xi32>
      %select_n3A_1549 = arith.select %and3A_1545, %sub3A_1548, %div3A_1521 : vector<16xi1>, vector<16xi32>
      %convert_element_type3A_1550 = arith.sitofp %select_n3A_1549 : vector<16xi32> to vector<16xf32>
      %get3A_1551 = arith.constant 48 : index
      %get3A_1552 = tpu.vector_load %arg21[%get3A_1551] {strides = array<i32>} : memref<128xf32, #tpu.memory_space<vmem>>, vector<16xf32>,
      %add3A_1553 = arith.addf %convert_element_type3A_1550, %get3A_1552 : vector<16xf32>
      %get3A_1554 = arith.constant 48 : index
      %get3A_1555 = tpu.vector_load %arg22[%get3A_1554] {strides = array<i32>} : memref<128xf32, #tpu.memory_space<vmem>>, vector<16xf32>,
      %div3A_1556 = arith.constant 2.000000e+00 : f32
      %div3A_1557 = vector.broadcast %div3A_1556 : f32 to vector<16xf32>
      %div3A_1558 = arith.divf %get3A_1555, %div3A_1557 : vector<16xf32>
      %get3A_1559 = arith.constant 48 : index
      %get3A_1560 = tpu.vector_load %arg23[%get3A_1559] {strides = array<i32>} : memref<128xf32, #tpu.memory_space<vmem>>, vector<16xf32>,
      %div3A_1561 = arith.constant 2.000000e+00 : f32
      %div3A_1562 = vector.broadcast %div3A_1561 : f32 to vector<16xf32>
      %div3A_1563 = arith.divf %get3A_1560, %div3A_1562 : vector<16xf32>
      %sub3A_1564 = arith.subf %add3A_1518, %div3A_1558 : vector<16xf32>
      %swap3A_1565 = arith.constant 0 : i32
      %swap3A_1566 = arith.index_cast %swap3A_1565 : i32 to index
      %swap3A_1567 = arith.constant 48 : index
      %swap3A_1568 = tpu.vector_load %arg24[%swap3A_1566, %swap3A_1567] {strides = array<i32>} : memref<4x128xf32, #tpu.memory_space<vmem>>, vector<16xf32>,
      tpu.vector_store %arg24[%swap3A_1566, %swap3A_1567], %sub3A_1564 {strides = array<i32>} : memref<4x128xf32, #tpu.memory_space<vmem>>, vector<16xf32>,
      %sub3A_1569 = arith.subf %add3A_1553, %div3A_1563 : vector<16xf32>
      %swap3A_1570 = arith.constant 1 : i32
      %swap3A_1571 = arith.index_cast %swap3A_1570 : i32 to index
      %swap3A_1572 = arith.constant 48 : index
      %swap3A_1573 = tpu.vector_load %arg24[%swap3A_1571, %swap3A_1572] {strides = array<i32>} : memref<4x128xf32, #tpu.memory_space<vmem>>, vector<16xf32>,
      tpu.vector_store %arg24[%swap3A_1571, %swap3A_1572], %sub3A_1569 {strides = array<i32>} : memref<4x128xf32, #tpu.memory_space<vmem>>, vector<16xf32>,
      %add3A_1574 = arith.addf %add3A_1518, %div3A_1558 : vector<16xf32>
      %swap3A_1575 = arith.constant 2 : i32
      %swap3A_1576 = arith.index_cast %swap3A_1575 : i32 to index
      %swap3A_1577 = arith.constant 48 : index
      %swap3A_1578 = tpu.vector_load %arg24[%swap3A_1576, %swap3A_1577] {strides = array<i32>} : memref<4x128xf32, #tpu.memory_space<vmem>>, vector<16xf32>,
      tpu.vector_store %arg24[%swap3A_1576, %swap3A_1577], %add3A_1574 {strides = array<i32>} : memref<4x128xf32, #tpu.memory_space<vmem>>, vector<16xf32>,
      %add3A_1579 = arith.addf %add3A_1553, %div3A_1563 : vector<16xf32>
      %swap3A_1580 = arith.constant 3 : i32
      %swap3A_1581 = arith.index_cast %swap3A_1580 : i32 to index
      %swap3A_1582 = arith.constant 48 : index
      %swap3A_1583 = tpu.vector_load %arg24[%swap3A_1581, %swap3A_1582] {strides = array<i32>} : memref<4x128xf32, #tpu.memory_space<vmem>>, vector<16xf32>,
      tpu.vector_store %arg24[%swap3A_1581, %swap3A_1582], %add3A_1579 {strides = array<i32>} : memref<4x128xf32, #tpu.memory_space<vmem>>, vector<16xf32>,
      %get3A_1584 = arith.constant 64 : index
      %get3A_1585 = tpu.vector_load %arg18[%get3A_1584] {strides = array<i32>} : memref<128xi32, #tpu.memory_space<vmem>>, vector<16xi32>,
      %jit3A_1586 = arith.constant 16384 : i32
      %eq3A_1587 = arith.constant 0 : i32
      %eq3A_1588 = arith.cmpi eq, %jit3A_1586, %eq3A_1587 : i32
      %jit3A_1589 = arith.constant 1 : i32
      %select_n3A_1590 = arith.select %eq3A_1588, %jit3A_1589, %jit3A_1586 : i32
      %rem3A_1591 = vector.broadcast %select_n3A_1590 : i32 to vector<16xi32>
      %rem3A_1592 = arith.remsi %get3A_1585, %rem3A_1591 : vector<16xi32>
      %ne3A_1593 = arith.constant 0 : i32
      %ne3A_1594 = vector.broadcast %ne3A_1593 : i32 to vector<16xi32>
      %ne3A_1595 = arith.cmpi ne, %rem3A_1592, %ne3A_1594 : vector<16xi32>
      %lt3A_1596 = arith.constant 0 : i32
      %lt3A_1597 = vector.broadcast %lt3A_1596 : i32 to vector<16xi32>
      %lt3A_1598 = arith.cmpi slt, %rem3A_1592, %lt3A_1597 : vector<16xi32>
      %lt3A_1599 = arith.constant 0 : i32
      %lt3A_1600 = arith.cmpi slt, %select_n3A_1590, %lt3A_1599 : i32
      %ne3A_1601 = vector.broadcast %lt3A_1600 : i1 to vector<16xi1>
      %ne3A_1602 = vector.broadcast %ne3A_1601 : vector<16xi1> to vector<16xi1>
      %ne3A_1603 = arith.xori %lt3A_1598, %ne3A_1602 : vector<16xi1>
      %and3A_1604 = arith.andi %ne3A_1603, %ne3A_1595 : vector<16xi1>
      %add3A_1605 = vector.broadcast %select_n3A_1590 : i32 to vector<16xi32>
      %add3A_1606 = arith.addi %rem3A_1592, %add3A_1605 : vector<16xi32>
      %select_n3A_1607 = arith.select %and3A_1604, %add3A_1606, %rem3A_1592 : vector<16xi1>, vector<16xi32>
      %jit3A_1608 = arith.constant 128 : i32
      %eq3A_1609 = arith.constant 0 : i32
      %eq3A_1610 = arith.cmpi eq, %jit3A_1608, %eq3A_1609 : i32
      %jit3A_1611 = arith.constant 1 : i32
      %select_n3A_1612 = arith.select %eq3A_1610, %jit3A_1611, %jit3A_1608 : i32
      %rem3A_1613 = vector.broadcast %select_n3A_1612 : i32 to vector<16xi32>
      %rem3A_1614 = arith.remsi %select_n3A_1607, %rem3A_1613 : vector<16xi32>
      %ne3A_1615 = arith.constant 0 : i32
      %ne3A_1616 = vector.broadcast %ne3A_1615 : i32 to vector<16xi32>
      %ne3A_1617 = arith.cmpi ne, %rem3A_1614, %ne3A_1616 : vector<16xi32>
      %lt3A_1618 = arith.constant 0 : i32
      %lt3A_1619 = vector.broadcast %lt3A_1618 : i32 to vector<16xi32>
      %lt3A_1620 = arith.cmpi slt, %rem3A_1614, %lt3A_1619 : vector<16xi32>
      %lt3A_1621 = arith.constant 0 : i32
      %lt3A_1622 = arith.cmpi slt, %select_n3A_1612, %lt3A_1621 : i32
      %ne3A_1623 = vector.broadcast %lt3A_1622 : i1 to vector<16xi1>
      %ne3A_1624 = vector.broadcast %ne3A_1623 : vector<16xi1> to vector<16xi1>
      %ne3A_1625 = arith.xori %lt3A_1620, %ne3A_1624 : vector<16xi1>
      %and3A_1626 = arith.andi %ne3A_1625, %ne3A_1617 : vector<16xi1>
      %add3A_1627 = vector.broadcast %select_n3A_1612 : i32 to vector<16xi32>
      %add3A_1628 = arith.addi %rem3A_1614, %add3A_1627 : vector<16xi32>
      %select_n3A_1629 = arith.select %and3A_1626, %add3A_1628, %rem3A_1614 : vector<16xi1>, vector<16xi32>
      %convert_element_type3A_1630 = arith.sitofp %select_n3A_1629 : vector<16xi32> to vector<16xf32>
      %get3A_1631 = arith.constant 64 : index
      %get3A_1632 = tpu.vector_load %arg20[%get3A_1631] {strides = array<i32>} : memref<128xf32, #tpu.memory_space<vmem>>, vector<16xf32>,
      %add3A_1633 = arith.addf %convert_element_type3A_1630, %get3A_1632 : vector<16xf32>
      %jit3A_1634 = arith.constant 128 : i32
      %div3A_1635 = vector.broadcast %jit3A_1634 : i32 to vector<16xi32>
      %div3A_1636 = arith.divsi %select_n3A_1607, %div3A_1635 : vector<16xi32>
      %sign3A_1637 = arith.constant 0 : i32
      %sign3A_1638 = vector.broadcast %sign3A_1637 : i32 to vector<16xi32>
      %sign3A_1639 = arith.cmpi sgt, %select_n3A_1607, %sign3A_1638 : vector<16xi32>
      %sign3A_1640 = arith.extui %sign3A_1639 : vector<16xi1> to vector<16xi32>
      %sign3A_1641 = arith.constant 0 : i32
      %sign3A_1642 = vector.broadcast %sign3A_1641 : i32 to vector<16xi32>
      %sign3A_1643 = arith.cmpi slt, %select_n3A_1607, %sign3A_1642 : vector<16xi32>
      %sign3A_1644 = arith.extui %sign3A_1643 : vector<16xi1> to vector<16xi32>
      %sign3A_1645 = arith.subi %sign3A_1640, %sign3A_1644 : vector<16xi32>
      %sign3A_1646 = arith.constant 0 : i32
      %sign3A_1647 = arith.cmpi sgt, %jit3A_1634, %sign3A_1646 : i32
      %sign3A_1648 = arith.extui %sign3A_1647 : i1 to i32
      %sign3A_1649 = arith.constant 0 : i32
      %sign3A_1650 = arith.cmpi slt, %jit3A_1634, %sign3A_1649 : i32
      %sign3A_1651 = arith.extui %sign3A_1650 : i1 to i32
      %sign3A_1652 = arith.subi %sign3A_1648, %sign3A_1651 : i32
      %ne3A_1653 = vector.broadcast %sign3A_1652 : i32 to vector<16xi32>
      %ne3A_1654 = arith.cmpi ne, %sign3A_1645, %ne3A_1653 : vector<16xi32>
      %rem3A_1655 = vector.broadcast %jit3A_1634 : i32 to vector<16xi32>
      %rem3A_1656 = arith.remsi %select_n3A_1607, %rem3A_1655 : vector<16xi32>
      %ne3A_1657 = arith.constant 0 : i32
      %ne3A_1658 = vector.broadcast %ne3A_1657 : i32 to vector<16xi32>
      %ne3A_1659 = arith.cmpi ne, %rem3A_1656, %ne3A_1658 : vector<16xi32>
      %and3A_1660 = arith.andi %ne3A_1654, %ne3A_1659 : vector<16xi1>
      %sub3A_1661 = arith.constant 1 : i32
      %sub3A_1662 = vector.broadcast %sub3A_1661 : i32 to vector<16xi32>
      %sub3A_1663 = arith.subi %div3A_1636, %sub3A_1662 : vector<16xi32>
      %select_n3A_1664 = arith.select %and3A_1660, %sub3A_1663, %div3A_1636 : vector<16xi1>, vector<16xi32>
      %convert_element_type3A_1665 = arith.sitofp %select_n3A_1664 : vector<16xi32> to vector<16xf32>
      %get3A_1666 = arith.constant 64 : index
      %get3A_1667 = tpu.vector_load %arg21[%get3A_1666] {strides = array<i32>} : memref<128xf32, #tpu.memory_space<vmem>>, vector<16xf32>,
      %add3A_1668 = arith.addf %convert_element_type3A_1665, %get3A_1667 : vector<16xf32>
      %get3A_1669 = arith.constant 64 : index
      %get3A_1670 = tpu.vector_load %arg22[%get3A_1669] {strides = array<i32>} : memref<128xf32, #tpu.memory_space<vmem>>, vector<16xf32>,
      %div3A_1671 = arith.constant 2.000000e+00 : f32
      %div3A_1672 = vector.broadcast %div3A_1671 : f32 to vector<16xf32>
      %div3A_1673 = arith.divf %get3A_1670, %div3A_1672 : vector<16xf32>
      %get3A_1674 = arith.constant 64 : index
      %get3A_1675 = tpu.vector_load %arg23[%get3A_1674] {strides = array<i32>} : memref<128xf32, #tpu.memory_space<vmem>>, vector<16xf32>,
      %div3A_1676 = arith.constant 2.000000e+00 : f32
      %div3A_1677 = vector.broadcast %div3A_1676 : f32 to vector<16xf32>
      %div3A_1678 = arith.divf %get3A_1675, %div3A_1677 : vector<16xf32>
      %sub3A_1679 = arith.subf %add3A_1633, %div3A_1673 : vector<16xf32>
      %swap3A_1680 = arith.constant 0 : i32
      %swap3A_1681 = arith.index_cast %swap3A_1680 : i32 to index
      %swap3A_1682 = arith.constant 64 : index
      %swap3A_1683 = tpu.vector_load %arg24[%swap3A_1681, %swap3A_1682] {strides = array<i32>} : memref<4x128xf32, #tpu.memory_space<vmem>>, vector<16xf32>,
      tpu.vector_store %arg24[%swap3A_1681, %swap3A_1682], %sub3A_1679 {strides = array<i32>} : memref<4x128xf32, #tpu.memory_space<vmem>>, vector<16xf32>,
      %sub3A_1684 = arith.subf %add3A_1668, %div3A_1678 : vector<16xf32>
      %swap3A_1685 = arith.constant 1 : i32
      %swap3A_1686 = arith.index_cast %swap3A_1685 : i32 to index
      %swap3A_1687 = arith.constant 64 : index
      %swap3A_1688 = tpu.vector_load %arg24[%swap3A_1686, %swap3A_1687] {strides = array<i32>} : memref<4x128xf32, #tpu.memory_space<vmem>>, vector<16xf32>,
      tpu.vector_store %arg24[%swap3A_1686, %swap3A_1687], %sub3A_1684 {strides = array<i32>} : memref<4x128xf32, #tpu.memory_space<vmem>>, vector<16xf32>,
      %add3A_1689 = arith.addf %add3A_1633, %div3A_1673 : vector<16xf32>
      %swap3A_1690 = arith.constant 2 : i32
      %swap3A_1691 = arith.index_cast %swap3A_1690 : i32 to index
      %swap3A_1692 = arith.constant 64 : index
      %swap3A_1693 = tpu.vector_load %arg24[%swap3A_1691, %swap3A_1692] {strides = array<i32>} : memref<4x128xf32, #tpu.memory_space<vmem>>, vector<16xf32>,
      tpu.vector_store %arg24[%swap3A_1691, %swap3A_1692], %add3A_1689 {strides = array<i32>} : memref<4x128xf32, #tpu.memory_space<vmem>>, vector<16xf32>,
      %add3A_1694 = arith.addf %add3A_1668, %div3A_1678 : vector<16xf32>
      %swap3A_1695 = arith.constant 3 : i32
      %swap3A_1696 = arith.index_cast %swap3A_1695 : i32 to index
      %swap3A_1697 = arith.constant 64 : index
      %swap3A_1698 = tpu.vector_load %arg24[%swap3A_1696, %swap3A_1697] {strides = array<i32>} : memref<4x128xf32, #tpu.memory_space<vmem>>, vector<16xf32>,
      tpu.vector_store %arg24[%swap3A_1696, %swap3A_1697], %add3A_1694 {strides = array<i32>} : memref<4x128xf32, #tpu.memory_space<vmem>>, vector<16xf32>,
      %get3A_1699 = arith.constant 80 : index
      %get3A_1700 = tpu.vector_load %arg18[%get3A_1699] {strides = array<i32>} : memref<128xi32, #tpu.memory_space<vmem>>, vector<16xi32>,
      %jit3A_1701 = arith.constant 16384 : i32
      %eq3A_1702 = arith.constant 0 : i32
      %eq3A_1703 = arith.cmpi eq, %jit3A_1701, %eq3A_1702 : i32
      %jit3A_1704 = arith.constant 1 : i32
      %select_n3A_1705 = arith.select %eq3A_1703, %jit3A_1704, %jit3A_1701 : i32
      %rem3A_1706 = vector.broadcast %select_n3A_1705 : i32 to vector<16xi32>
      %rem3A_1707 = arith.remsi %get3A_1700, %rem3A_1706 : vector<16xi32>
      %ne3A_1708 = arith.constant 0 : i32
      %ne3A_1709 = vector.broadcast %ne3A_1708 : i32 to vector<16xi32>
      %ne3A_1710 = arith.cmpi ne, %rem3A_1707, %ne3A_1709 : vector<16xi32>
      %lt3A_1711 = arith.constant 0 : i32
      %lt3A_1712 = vector.broadcast %lt3A_1711 : i32 to vector<16xi32>
      %lt3A_1713 = arith.cmpi slt, %rem3A_1707, %lt3A_1712 : vector<16xi32>
      %lt3A_1714 = arith.constant 0 : i32
      %lt3A_1715 = arith.cmpi slt, %select_n3A_1705, %lt3A_1714 : i32
      %ne3A_1716 = vector.broadcast %lt3A_1715 : i1 to vector<16xi1>
      %ne3A_1717 = vector.broadcast %ne3A_1716 : vector<16xi1> to vector<16xi1>
      %ne3A_1718 = arith.xori %lt3A_1713, %ne3A_1717 : vector<16xi1>
      %and3A_1719 = arith.andi %ne3A_1718, %ne3A_1710 : vector<16xi1>
      %add3A_1720 = vector.broadcast %select_n3A_1705 : i32 to vector<16xi32>
      %add3A_1721 = arith.addi %rem3A_1707, %add3A_1720 : vector<16xi32>
      %select_n3A_1722 = arith.select %and3A_1719, %add3A_1721, %rem3A_1707 : vector<16xi1>, vector<16xi32>
      %jit3A_1723 = arith.constant 128 : i32
      %eq3A_1724 = arith.constant 0 : i32
      %eq3A_1725 = arith.cmpi eq, %jit3A_1723, %eq3A_1724 : i32
      %jit3A_1726 = arith.constant 1 : i32
      %select_n3A_1727 = arith.select %eq3A_1725, %jit3A_1726, %jit3A_1723 : i32
      %rem3A_1728 = vector.broadcast %select_n3A_1727 : i32 to vector<16xi32>
      %rem3A_1729 = arith.remsi %select_n3A_1722, %rem3A_1728 : vector<16xi32>
      %ne3A_1730 = arith.constant 0 : i32
      %ne3A_1731 = vector.broadcast %ne3A_1730 : i32 to vector<16xi32>
      %ne3A_1732 = arith.cmpi ne, %rem3A_1729, %ne3A_1731 : vector<16xi32>
      %lt3A_1733 = arith.constant 0 : i32
      %lt3A_1734 = vector.broadcast %lt3A_1733 : i32 to vector<16xi32>
      %lt3A_1735 = arith.cmpi slt, %rem3A_1729, %lt3A_1734 : vector<16xi32>
      %lt3A_1736 = arith.constant 0 : i32
      %lt3A_1737 = arith.cmpi slt, %select_n3A_1727, %lt3A_1736 : i32
      %ne3A_1738 = vector.broadcast %lt3A_1737 : i1 to vector<16xi1>
      %ne3A_1739 = vector.broadcast %ne3A_1738 : vector<16xi1> to vector<16xi1>
      %ne3A_1740 = arith.xori %lt3A_1735, %ne3A_1739 : vector<16xi1>
      %and3A_1741 = arith.andi %ne3A_1740, %ne3A_1732 : vector<16xi1>
      %add3A_1742 = vector.broadcast %select_n3A_1727 : i32 to vector<16xi32>
      %add3A_1743 = arith.addi %rem3A_1729, %add3A_1742 : vector<16xi32>
      %select_n3A_1744 = arith.select %and3A_1741, %add3A_1743, %rem3A_1729 : vector<16xi1>, vector<16xi32>
      %convert_element_type3A_1745 = arith.sitofp %select_n3A_1744 : vector<16xi32> to vector<16xf32>
      %get3A_1746 = arith.constant 80 : index
      %get3A_1747 = tpu.vector_load %arg20[%get3A_1746] {strides = array<i32>} : memref<128xf32, #tpu.memory_space<vmem>>, vector<16xf32>,
      %add3A_1748 = arith.addf %convert_element_type3A_1745, %get3A_1747 : vector<16xf32>
      %jit3A_1749 = arith.constant 128 : i32
      %div3A_1750 = vector.broadcast %jit3A_1749 : i32 to vector<16xi32>
      %div3A_1751 = arith.divsi %select_n3A_1722, %div3A_1750 : vector<16xi32>
      %sign3A_1752 = arith.constant 0 : i32
      %sign3A_1753 = vector.broadcast %sign3A_1752 : i32 to vector<16xi32>
      %sign3A_1754 = arith.cmpi sgt, %select_n3A_1722, %sign3A_1753 : vector<16xi32>
      %sign3A_1755 = arith.extui %sign3A_1754 : vector<16xi1> to vector<16xi32>
      %sign3A_1756 = arith.constant 0 : i32
      %sign3A_1757 = vector.broadcast %sign3A_1756 : i32 to vector<16xi32>
      %sign3A_1758 = arith.cmpi slt, %select_n3A_1722, %sign3A_1757 : vector<16xi32>
      %sign3A_1759 = arith.extui %sign3A_1758 : vector<16xi1> to vector<16xi32>
      %sign3A_1760 = arith.subi %sign3A_1755, %sign3A_1759 : vector<16xi32>
      %sign3A_1761 = arith.constant 0 : i32
      %sign3A_1762 = arith.cmpi sgt, %jit3A_1749, %sign3A_1761 : i32
      %sign3A_1763 = arith.extui %sign3A_1762 : i1 to i32
      %sign3A_1764 = arith.constant 0 : i32
      %sign3A_1765 = arith.cmpi slt, %jit3A_1749, %sign3A_1764 : i32
      %sign3A_1766 = arith.extui %sign3A_1765 : i1 to i32
      %sign3A_1767 = arith.subi %sign3A_1763, %sign3A_1766 : i32
      %ne3A_1768 = vector.broadcast %sign3A_1767 : i32 to vector<16xi32>
      %ne3A_1769 = arith.cmpi ne, %sign3A_1760, %ne3A_1768 : vector<16xi32>
      %rem3A_1770 = vector.broadcast %jit3A_1749 : i32 to vector<16xi32>
      %rem3A_1771 = arith.remsi %select_n3A_1722, %rem3A_1770 : vector<16xi32>
      %ne3A_1772 = arith.constant 0 : i32
      %ne3A_1773 = vector.broadcast %ne3A_1772 : i32 to vector<16xi32>
      %ne3A_1774 = arith.cmpi ne, %rem3A_1771, %ne3A_1773 : vector<16xi32>
      %and3A_1775 = arith.andi %ne3A_1769, %ne3A_1774 : vector<16xi1>
      %sub3A_1776 = arith.constant 1 : i32
      %sub3A_1777 = vector.broadcast %sub3A_1776 : i32 to vector<16xi32>
      %sub3A_1778 = arith.subi %div3A_1751, %sub3A_1777 : vector<16xi32>
      %select_n3A_1779 = arith.select %and3A_1775, %sub3A_1778, %div3A_1751 : vector<16xi1>, vector<16xi32>
      %convert_element_type3A_1780 = arith.sitofp %select_n3A_1779 : vector<16xi32> to vector<16xf32>
      %get3A_1781 = arith.constant 80 : index
      %get3A_1782 = tpu.vector_load %arg21[%get3A_1781] {strides = array<i32>} : memref<128xf32, #tpu.memory_space<vmem>>, vector<16xf32>,
      %add3A_1783 = arith.addf %convert_element_type3A_1780, %get3A_1782 : vector<16xf32>
      %get3A_1784 = arith.constant 80 : index
      %get3A_1785 = tpu.vector_load %arg22[%get3A_1784] {strides = array<i32>} : memref<128xf32, #tpu.memory_space<vmem>>, vector<16xf32>,
      %div3A_1786 = arith.constant 2.000000e+00 : f32
      %div3A_1787 = vector.broadcast %div3A_1786 : f32 to vector<16xf32>
      %div3A_1788 = arith.divf %get3A_1785, %div3A_1787 : vector<16xf32>
      %get3A_1789 = arith.constant 80 : index
      %get3A_1790 = tpu.vector_load %arg23[%get3A_1789] {strides = array<i32>} : memref<128xf32, #tpu.memory_space<vmem>>, vector<16xf32>,
      %div3A_1791 = arith.constant 2.000000e+00 : f32
      %div3A_1792 = vector.broadcast %div3A_1791 : f32 to vector<16xf32>
      %div3A_1793 = arith.divf %get3A_1790, %div3A_1792 : vector<16xf32>
      %sub3A_1794 = arith.subf %add3A_1748, %div3A_1788 : vector<16xf32>
      %swap3A_1795 = arith.constant 0 : i32
      %swap3A_1796 = arith.index_cast %swap3A_1795 : i32 to index
      %swap3A_1797 = arith.constant 80 : index
      %swap3A_1798 = tpu.vector_load %arg24[%swap3A_1796, %swap3A_1797] {strides = array<i32>} : memref<4x128xf32, #tpu.memory_space<vmem>>, vector<16xf32>,
      tpu.vector_store %arg24[%swap3A_1796, %swap3A_1797], %sub3A_1794 {strides = array<i32>} : memref<4x128xf32, #tpu.memory_space<vmem>>, vector<16xf32>,
      %sub3A_1799 = arith.subf %add3A_1783, %div3A_1793 : vector<16xf32>
      %swap3A_1800 = arith.constant 1 : i32
      %swap3A_1801 = arith.index_cast %swap3A_1800 : i32 to index
      %swap3A_1802 = arith.constant 80 : index
      %swap3A_1803 = tpu.vector_load %arg24[%swap3A_1801, %swap3A_1802] {strides = array<i32>} : memref<4x128xf32, #tpu.memory_space<vmem>>, vector<16xf32>,
      tpu.vector_store %arg24[%swap3A_1801, %swap3A_1802], %sub3A_1799 {strides = array<i32>} : memref<4x128xf32, #tpu.memory_space<vmem>>, vector<16xf32>,
      %add3A_1804 = arith.addf %add3A_1748, %div3A_1788 : vector<16xf32>
      %swap3A_1805 = arith.constant 2 : i32
      %swap3A_1806 = arith.index_cast %swap3A_1805 : i32 to index
      %swap3A_1807 = arith.constant 80 : index
      %swap3A_1808 = tpu.vector_load %arg24[%swap3A_1806, %swap3A_1807] {strides = array<i32>} : memref<4x128xf32, #tpu.memory_space<vmem>>, vector<16xf32>,
      tpu.vector_store %arg24[%swap3A_1806, %swap3A_1807], %add3A_1804 {strides = array<i32>} : memref<4x128xf32, #tpu.memory_space<vmem>>, vector<16xf32>,
      %add3A_1809 = arith.addf %add3A_1783, %div3A_1793 : vector<16xf32>
      %swap3A_1810 = arith.constant 3 : i32
      %swap3A_1811 = arith.index_cast %swap3A_1810 : i32 to index
      %swap3A_1812 = arith.constant 80 : index
      %swap3A_1813 = tpu.vector_load %arg24[%swap3A_1811, %swap3A_1812] {strides = array<i32>} : memref<4x128xf32, #tpu.memory_space<vmem>>, vector<16xf32>,
      tpu.vector_store %arg24[%swap3A_1811, %swap3A_1812], %add3A_1809 {strides = array<i32>} : memref<4x128xf32, #tpu.memory_space<vmem>>, vector<16xf32>,
      %get3A_1814 = arith.constant 96 : index
      %get3A_1815 = tpu.vector_load %arg18[%get3A_1814] {strides = array<i32>} : memref<128xi32, #tpu.memory_space<vmem>>, vector<16xi32>,
      %jit3A_1816 = arith.constant 16384 : i32
      %eq3A_1817 = arith.constant 0 : i32
      %eq3A_1818 = arith.cmpi eq, %jit3A_1816, %eq3A_1817 : i32
      %jit3A_1819 = arith.constant 1 : i32
      %select_n3A_1820 = arith.select %eq3A_1818, %jit3A_1819, %jit3A_1816 : i32
      %rem3A_1821 = vector.broadcast %select_n3A_1820 : i32 to vector<16xi32>
      %rem3A_1822 = arith.remsi %get3A_1815, %rem3A_1821 : vector<16xi32>
      %ne3A_1823 = arith.constant 0 : i32
      %ne3A_1824 = vector.broadcast %ne3A_1823 : i32 to vector<16xi32>
      %ne3A_1825 = arith.cmpi ne, %rem3A_1822, %ne3A_1824 : vector<16xi32>
      %lt3A_1826 = arith.constant 0 : i32
      %lt3A_1827 = vector.broadcast %lt3A_1826 : i32 to vector<16xi32>
      %lt3A_1828 = arith.cmpi slt, %rem3A_1822, %lt3A_1827 : vector<16xi32>
      %lt3A_1829 = arith.constant 0 : i32
      %lt3A_1830 = arith.cmpi slt, %select_n3A_1820, %lt3A_1829 : i32
      %ne3A_1831 = vector.broadcast %lt3A_1830 : i1 to vector<16xi1>
      %ne3A_1832 = vector.broadcast %ne3A_1831 : vector<16xi1> to vector<16xi1>
      %ne3A_1833 = arith.xori %lt3A_1828, %ne3A_1832 : vector<16xi1>
      %and3A_1834 = arith.andi %ne3A_1833, %ne3A_1825 : vector<16xi1>
      %add3A_1835 = vector.broadcast %select_n3A_1820 : i32 to vector<16xi32>
      %add3A_1836 = arith.addi %rem3A_1822, %add3A_1835 : vector<16xi32>
      %select_n3A_1837 = arith.select %and3A_1834, %add3A_1836, %rem3A_1822 : vector<16xi1>, vector<16xi32>
      %jit3A_1838 = arith.constant 128 : i32
      %eq3A_1839 = arith.constant 0 : i32
      %eq3A_1840 = arith.cmpi eq, %jit3A_1838, %eq3A_1839 : i32
      %jit3A_1841 = arith.constant 1 : i32
      %select_n3A_1842 = arith.select %eq3A_1840, %jit3A_1841, %jit3A_1838 : i32
      %rem3A_1843 = vector.broadcast %select_n3A_1842 : i32 to vector<16xi32>
      %rem3A_1844 = arith.remsi %select_n3A_1837, %rem3A_1843 : vector<16xi32>
      %ne3A_1845 = arith.constant 0 : i32
      %ne3A_1846 = vector.broadcast %ne3A_1845 : i32 to vector<16xi32>
      %ne3A_1847 = arith.cmpi ne, %rem3A_1844, %ne3A_1846 : vector<16xi32>
      %lt3A_1848 = arith.constant 0 : i32
      %lt3A_1849 = vector.broadcast %lt3A_1848 : i32 to vector<16xi32>
      %lt3A_1850 = arith.cmpi slt, %rem3A_1844, %lt3A_1849 : vector<16xi32>
      %lt3A_1851 = arith.constant 0 : i32
      %lt3A_1852 = arith.cmpi slt, %select_n3A_1842, %lt3A_1851 : i32
      %ne3A_1853 = vector.broadcast %lt3A_1852 : i1 to vector<16xi1>
      %ne3A_1854 = vector.broadcast %ne3A_1853 : vector<16xi1> to vector<16xi1>
      %ne3A_1855 = arith.xori %lt3A_1850, %ne3A_1854 : vector<16xi1>
      %and3A_1856 = arith.andi %ne3A_1855, %ne3A_1847 : vector<16xi1>
      %add3A_1857 = vector.broadcast %select_n3A_1842 : i32 to vector<16xi32>
      %add3A_1858 = arith.addi %rem3A_1844, %add3A_1857 : vector<16xi32>
      %select_n3A_1859 = arith.select %and3A_1856, %add3A_1858, %rem3A_1844 : vector<16xi1>, vector<16xi32>
      %convert_element_type3A_1860 = arith.sitofp %select_n3A_1859 : vector<16xi32> to vector<16xf32>
      %get3A_1861 = arith.constant 96 : index
      %get3A_1862 = tpu.vector_load %arg20[%get3A_1861] {strides = array<i32>} : memref<128xf32, #tpu.memory_space<vmem>>, vector<16xf32>,
      %add3A_1863 = arith.addf %convert_element_type3A_1860, %get3A_1862 : vector<16xf32>
      %jit3A_1864 = arith.constant 128 : i32
      %div3A_1865 = vector.broadcast %jit3A_1864 : i32 to vector<16xi32>
      %div3A_1866 = arith.divsi %select_n3A_1837, %div3A_1865 : vector<16xi32>
      %sign3A_1867 = arith.constant 0 : i32
      %sign3A_1868 = vector.broadcast %sign3A_1867 : i32 to vector<16xi32>
      %sign3A_1869 = arith.cmpi sgt, %select_n3A_1837, %sign3A_1868 : vector<16xi32>
      %sign3A_1870 = arith.extui %sign3A_1869 : vector<16xi1> to vector<16xi32>
      %sign3A_1871 = arith.constant 0 : i32
      %sign3A_1872 = vector.broadcast %sign3A_1871 : i32 to vector<16xi32>
      %sign3A_1873 = arith.cmpi slt, %select_n3A_1837, %sign3A_1872 : vector<16xi32>
      %sign3A_1874 = arith.extui %sign3A_1873 : vector<16xi1> to vector<16xi32>
      %sign3A_1875 = arith.subi %sign3A_1870, %sign3A_1874 : vector<16xi32>
      %sign3A_1876 = arith.constant 0 : i32
      %sign3A_1877 = arith.cmpi sgt, %jit3A_1864, %sign3A_1876 : i32
      %sign3A_1878 = arith.extui %sign3A_1877 : i1 to i32
      %sign3A_1879 = arith.constant 0 : i32
      %sign3A_1880 = arith.cmpi slt, %jit3A_1864, %sign3A_1879 : i32
      %sign3A_1881 = arith.extui %sign3A_1880 : i1 to i32
      %sign3A_1882 = arith.subi %sign3A_1878, %sign3A_1881 : i32
      %ne3A_1883 = vector.broadcast %sign3A_1882 : i32 to vector<16xi32>
      %ne3A_1884 = arith.cmpi ne, %sign3A_1875, %ne3A_1883 : vector<16xi32>
      %rem3A_1885 = vector.broadcast %jit3A_1864 : i32 to vector<16xi32>
      %rem3A_1886 = arith.remsi %select_n3A_1837, %rem3A_1885 : vector<16xi32>
      %ne3A_1887 = arith.constant 0 : i32
      %ne3A_1888 = vector.broadcast %ne3A_1887 : i32 to vector<16xi32>
      %ne3A_1889 = arith.cmpi ne, %rem3A_1886, %ne3A_1888 : vector<16xi32>
      %and3A_1890 = arith.andi %ne3A_1884, %ne3A_1889 : vector<16xi1>
      %sub3A_1891 = arith.constant 1 : i32
      %sub3A_1892 = vector.broadcast %sub3A_1891 : i32 to vector<16xi32>
      %sub3A_1893 = arith.subi %div3A_1866, %sub3A_1892 : vector<16xi32>
      %select_n3A_1894 = arith.select %and3A_1890, %sub3A_1893, %div3A_1866 : vector<16xi1>, vector<16xi32>
      %convert_element_type3A_1895 = arith.sitofp %select_n3A_1894 : vector<16xi32> to vector<16xf32>
      %get3A_1896 = arith.constant 96 : index
      %get3A_1897 = tpu.vector_load %arg21[%get3A_1896] {strides = array<i32>} : memref<128xf32, #tpu.memory_space<vmem>>, vector<16xf32>,
      %add3A_1898 = arith.addf %convert_element_type3A_1895, %get3A_1897 : vector<16xf32>
      %get3A_1899 = arith.constant 96 : index
      %get3A_1900 = tpu.vector_load %arg22[%get3A_1899] {strides = array<i32>} : memref<128xf32, #tpu.memory_space<vmem>>, vector<16xf32>,
      %div3A_1901 = arith.constant 2.000000e+00 : f32
      %div3A_1902 = vector.broadcast %div3A_1901 : f32 to vector<16xf32>
      %div3A_1903 = arith.divf %get3A_1900, %div3A_1902 : vector<16xf32>
      %get3A_1904 = arith.constant 96 : index
      %get3A_1905 = tpu.vector_load %arg23[%get3A_1904] {strides = array<i32>} : memref<128xf32, #tpu.memory_space<vmem>>, vector<16xf32>,
      %div3A_1906 = arith.constant 2.000000e+00 : f32
      %div3A_1907 = vector.broadcast %div3A_1906 : f32 to vector<16xf32>
      %div3A_1908 = arith.divf %get3A_1905, %div3A_1907 : vector<16xf32>
      %sub3A_1909 = arith.subf %add3A_1863, %div3A_1903 : vector<16xf32>
      %swap3A_1910 = arith.constant 0 : i32
      %swap3A_1911 = arith.index_cast %swap3A_1910 : i32 to index
      %swap3A_1912 = arith.constant 96 : index
      %swap3A_1913 = tpu.vector_load %arg24[%swap3A_1911, %swap3A_1912] {strides = array<i32>} : memref<4x128xf32, #tpu.memory_space<vmem>>, vector<16xf32>,
      tpu.vector_store %arg24[%swap3A_1911, %swap3A_1912], %sub3A_1909 {strides = array<i32>} : memref<4x128xf32, #tpu.memory_space<vmem>>, vector<16xf32>,
      %sub3A_1914 = arith.subf %add3A_1898, %div3A_1908 : vector<16xf32>
      %swap3A_1915 = arith.constant 1 : i32
      %swap3A_1916 = arith.index_cast %swap3A_1915 : i32 to index
      %swap3A_1917 = arith.constant 96 : index
      %swap3A_1918 = tpu.vector_load %arg24[%swap3A_1916, %swap3A_1917] {strides = array<i32>} : memref<4x128xf32, #tpu.memory_space<vmem>>, vector<16xf32>,
      tpu.vector_store %arg24[%swap3A_1916, %swap3A_1917], %sub3A_1914 {strides = array<i32>} : memref<4x128xf32, #tpu.memory_space<vmem>>, vector<16xf32>,
      %add3A_1919 = arith.addf %add3A_1863, %div3A_1903 : vector<16xf32>
      %swap3A_1920 = arith.constant 2 : i32
      %swap3A_1921 = arith.index_cast %swap3A_1920 : i32 to index
      %swap3A_1922 = arith.constant 96 : index
      %swap3A_1923 = tpu.vector_load %arg24[%swap3A_1921, %swap3A_1922] {strides = array<i32>} : memref<4x128xf32, #tpu.memory_space<vmem>>, vector<16xf32>,
      tpu.vector_store %arg24[%swap3A_1921, %swap3A_1922], %add3A_1919 {strides = array<i32>} : memref<4x128xf32, #tpu.memory_space<vmem>>, vector<16xf32>,
      %add3A_1924 = arith.addf %add3A_1898, %div3A_1908 : vector<16xf32>
      %swap3A_1925 = arith.constant 3 : i32
      %swap3A_1926 = arith.index_cast %swap3A_1925 : i32 to index
      %swap3A_1927 = arith.constant 96 : index
      %swap3A_1928 = tpu.vector_load %arg24[%swap3A_1926, %swap3A_1927] {strides = array<i32>} : memref<4x128xf32, #tpu.memory_space<vmem>>, vector<16xf32>,
      tpu.vector_store %arg24[%swap3A_1926, %swap3A_1927], %add3A_1924 {strides = array<i32>} : memref<4x128xf32, #tpu.memory_space<vmem>>, vector<16xf32>,
      %get3A_1929 = arith.constant 112 : index
      %get3A_1930 = tpu.vector_load %arg18[%get3A_1929] {strides = array<i32>} : memref<128xi32, #tpu.memory_space<vmem>>, vector<16xi32>,
      %jit3A_1931 = arith.constant 16384 : i32
      %eq3A_1932 = arith.constant 0 : i32
      %eq3A_1933 = arith.cmpi eq, %jit3A_1931, %eq3A_1932 : i32
      %jit3A_1934 = arith.constant 1 : i32
      %select_n3A_1935 = arith.select %eq3A_1933, %jit3A_1934, %jit3A_1931 : i32
      %rem3A_1936 = vector.broadcast %select_n3A_1935 : i32 to vector<16xi32>
      %rem3A_1937 = arith.remsi %get3A_1930, %rem3A_1936 : vector<16xi32>
      %ne3A_1938 = arith.constant 0 : i32
      %ne3A_1939 = vector.broadcast %ne3A_1938 : i32 to vector<16xi32>
      %ne3A_1940 = arith.cmpi ne, %rem3A_1937, %ne3A_1939 : vector<16xi32>
      %lt3A_1941 = arith.constant 0 : i32
      %lt3A_1942 = vector.broadcast %lt3A_1941 : i32 to vector<16xi32>
      %lt3A_1943 = arith.cmpi slt, %rem3A_1937, %lt3A_1942 : vector<16xi32>
      %lt3A_1944 = arith.constant 0 : i32
      %lt3A_1945 = arith.cmpi slt, %select_n3A_1935, %lt3A_1944 : i32
      %ne3A_1946 = vector.broadcast %lt3A_1945 : i1 to vector<16xi1>
      %ne3A_1947 = vector.broadcast %ne3A_1946 : vector<16xi1> to vector<16xi1>
      %ne3A_1948 = arith.xori %lt3A_1943, %ne3A_1947 : vector<16xi1>
      %and3A_1949 = arith.andi %ne3A_1948, %ne3A_1940 : vector<16xi1>
      %add3A_1950 = vector.broadcast %select_n3A_1935 : i32 to vector<16xi32>
      %add3A_1951 = arith.addi %rem3A_1937, %add3A_1950 : vector<16xi32>
      %select_n3A_1952 = arith.select %and3A_1949, %add3A_1951, %rem3A_1937 : vector<16xi1>, vector<16xi32>
      %jit3A_1953 = arith.constant 128 : i32
      %eq3A_1954 = arith.constant 0 : i32
      %eq3A_1955 = arith.cmpi eq, %jit3A_1953, %eq3A_1954 : i32
      %jit3A_1956 = arith.constant 1 : i32
      %select_n3A_1957 = arith.select %eq3A_1955, %jit3A_1956, %jit3A_1953 : i32
      %rem3A_1958 = vector.broadcast %select_n3A_1957 : i32 to vector<16xi32>
      %rem3A_1959 = arith.remsi %select_n3A_1952, %rem3A_1958 : vector<16xi32>
      %ne3A_1960 = arith.constant 0 : i32
      %ne3A_1961 = vector.broadcast %ne3A_1960 : i32 to vector<16xi32>
      %ne3A_1962 = arith.cmpi ne, %rem3A_1959, %ne3A_1961 : vector<16xi32>
      %lt3A_1963 = arith.constant 0 : i32
      %lt3A_1964 = vector.broadcast %lt3A_1963 : i32 to vector<16xi32>
      %lt3A_1965 = arith.cmpi slt, %rem3A_1959, %lt3A_1964 : vector<16xi32>
      %lt3A_1966 = arith.constant 0 : i32
      %lt3A_1967 = arith.cmpi slt, %select_n3A_1957, %lt3A_1966 : i32
      %ne3A_1968 = vector.broadcast %lt3A_1967 : i1 to vector<16xi1>
      %ne3A_1969 = vector.broadcast %ne3A_1968 : vector<16xi1> to vector<16xi1>
      %ne3A_1970 = arith.xori %lt3A_1965, %ne3A_1969 : vector<16xi1>
      %and3A_1971 = arith.andi %ne3A_1970, %ne3A_1962 : vector<16xi1>
      %add3A_1972 = vector.broadcast %select_n3A_1957 : i32 to vector<16xi32>
      %add3A_1973 = arith.addi %rem3A_1959, %add3A_1972 : vector<16xi32>
      %select_n3A_1974 = arith.select %and3A_1971, %add3A_1973, %rem3A_1959 : vector<16xi1>, vector<16xi32>
      %convert_element_type3A_1975 = arith.sitofp %select_n3A_1974 : vector<16xi32> to vector<16xf32>
      %get3A_1976 = arith.constant 112 : index
      %get3A_1977 = tpu.vector_load %arg20[%get3A_1976] {strides = array<i32>} : memref<128xf32, #tpu.memory_space<vmem>>, vector<16xf32>,
      %add3A_1978 = arith.addf %convert_element_type3A_1975, %get3A_1977 : vector<16xf32>
      %jit3A_1979 = arith.constant 128 : i32
      %div3A_1980 = vector.broadcast %jit3A_1979 : i32 to vector<16xi32>
      %div3A_1981 = arith.divsi %select_n3A_1952, %div3A_1980 : vector<16xi32>
      %sign3A_1982 = arith.constant 0 : i32
      %sign3A_1983 = vector.broadcast %sign3A_1982 : i32 to vector<16xi32>
      %sign3A_1984 = arith.cmpi sgt, %select_n3A_1952, %sign3A_1983 : vector<16xi32>
      %sign3A_1985 = arith.extui %sign3A_1984 : vector<16xi1> to vector<16xi32>
      %sign3A_1986 = arith.constant 0 : i32
      %sign3A_1987 = vector.broadcast %sign3A_1986 : i32 to vector<16xi32>
      %sign3A_1988 = arith.cmpi slt, %select_n3A_1952, %sign3A_1987 : vector<16xi32>
      %sign3A_1989 = arith.extui %sign3A_1988 : vector<16xi1> to vector<16xi32>
      %sign3A_1990 = arith.subi %sign3A_1985, %sign3A_1989 : vector<16xi32>
      %sign3A_1991 = arith.constant 0 : i32
      %sign3A_1992 = arith.cmpi sgt, %jit3A_1979, %sign3A_1991 : i32
      %sign3A_1993 = arith.extui %sign3A_1992 : i1 to i32
      %sign3A_1994 = arith.constant 0 : i32
      %sign3A_1995 = arith.cmpi slt, %jit3A_1979, %sign3A_1994 : i32
      %sign3A_1996 = arith.extui %sign3A_1995 : i1 to i32
      %sign3A_1997 = arith.subi %sign3A_1993, %sign3A_1996 : i32
      %ne3A_1998 = vector.broadcast %sign3A_1997 : i32 to vector<16xi32>
      %ne3A_1999 = arith.cmpi ne, %sign3A_1990, %ne3A_1998 : vector<16xi32>
      %rem3A_2000 = vector.broadcast %jit3A_1979 : i32 to vector<16xi32>
      %rem3A_2001 = arith.remsi %select_n3A_1952, %rem3A_2000 : vector<16xi32>
      %ne3A_2002 = arith.constant 0 : i32
      %ne3A_2003 = vector.broadcast %ne3A_2002 : i32 to vector<16xi32>
      %ne3A_2004 = arith.cmpi ne, %rem3A_2001, %ne3A_2003 : vector<16xi32>
      %and3A_2005 = arith.andi %ne3A_1999, %ne3A_2004 : vector<16xi1>
      %sub3A_2006 = arith.constant 1 : i32
      %sub3A_2007 = vector.broadcast %sub3A_2006 : i32 to vector<16xi32>
      %sub3A_2008 = arith.subi %div3A_1981, %sub3A_2007 : vector<16xi32>
      %select_n3A_2009 = arith.select %and3A_2005, %sub3A_2008, %div3A_1981 : vector<16xi1>, vector<16xi32>
      %convert_element_type3A_2010 = arith.sitofp %select_n3A_2009 : vector<16xi32> to vector<16xf32>
      %get3A_2011 = arith.constant 112 : index
      %get3A_2012 = tpu.vector_load %arg21[%get3A_2011] {strides = array<i32>} : memref<128xf32, #tpu.memory_space<vmem>>, vector<16xf32>,
      %add3A_2013 = arith.addf %convert_element_type3A_2010, %get3A_2012 : vector<16xf32>
      %get3A_2014 = arith.constant 112 : index
      %get3A_2015 = tpu.vector_load %arg22[%get3A_2014] {strides = array<i32>} : memref<128xf32, #tpu.memory_space<vmem>>, vector<16xf32>,
      %div3A_2016 = arith.constant 2.000000e+00 : f32
      %div3A_2017 = vector.broadcast %div3A_2016 : f32 to vector<16xf32>
      %div3A_2018 = arith.divf %get3A_2015, %div3A_2017 : vector<16xf32>
      %get3A_2019 = arith.constant 112 : index
      %get3A_2020 = tpu.vector_load %arg23[%get3A_2019] {strides = array<i32>} : memref<128xf32, #tpu.memory_space<vmem>>, vector<16xf32>,
      %div3A_2021 = arith.constant 2.000000e+00 : f32
      %div3A_2022 = vector.broadcast %div3A_2021 : f32 to vector<16xf32>
      %div3A_2023 = arith.divf %get3A_2020, %div3A_2022 : vector<16xf32>
      %sub3A_2024 = arith.subf %add3A_1978, %div3A_2018 : vector<16xf32>
      %swap3A_2025 = arith.constant 0 : i32
      %swap3A_2026 = arith.index_cast %swap3A_2025 : i32 to index
      %swap3A_2027 = arith.constant 112 : index
      %swap3A_2028 = tpu.vector_load %arg24[%swap3A_2026, %swap3A_2027] {strides = array<i32>} : memref<4x128xf32, #tpu.memory_space<vmem>>, vector<16xf32>,
      tpu.vector_store %arg24[%swap3A_2026, %swap3A_2027], %sub3A_2024 {strides = array<i32>} : memref<4x128xf32, #tpu.memory_space<vmem>>, vector<16xf32>,
      %sub3A_2029 = arith.subf %add3A_2013, %div3A_2023 : vector<16xf32>
      %swap3A_2030 = arith.constant 1 : i32
      %swap3A_2031 = arith.index_cast %swap3A_2030 : i32 to index
      %swap3A_2032 = arith.constant 112 : index
      %swap3A_2033 = tpu.vector_load %arg24[%swap3A_2031, %swap3A_2032] {strides = array<i32>} : memref<4x128xf32, #tpu.memory_space<vmem>>, vector<16xf32>,
      tpu.vector_store %arg24[%swap3A_2031, %swap3A_2032], %sub3A_2029 {strides = array<i32>} : memref<4x128xf32, #tpu.memory_space<vmem>>, vector<16xf32>,
      %add3A_2034 = arith.addf %add3A_1978, %div3A_2018 : vector<16xf32>
      %swap3A_2035 = arith.constant 2 : i32
      %swap3A_2036 = arith.index_cast %swap3A_2035 : i32 to index
      %swap3A_2037 = arith.constant 112 : index
      %swap3A_2038 = tpu.vector_load %arg24[%swap3A_2036, %swap3A_2037] {strides = array<i32>} : memref<4x128xf32, #tpu.memory_space<vmem>>, vector<16xf32>,
      tpu.vector_store %arg24[%swap3A_2036, %swap3A_2037], %add3A_2034 {strides = array<i32>} : memref<4x128xf32, #tpu.memory_space<vmem>>, vector<16xf32>,
      %add3A_2039 = arith.addf %add3A_2013, %div3A_2023 : vector<16xf32>
      %swap3A_2040 = arith.constant 3 : i32
      %swap3A_2041 = arith.index_cast %swap3A_2040 : i32 to index
      %swap3A_2042 = arith.constant 112 : index
      %swap3A_2043 = tpu.vector_load %arg24[%swap3A_2041, %swap3A_2042] {strides = array<i32>} : memref<4x128xf32, #tpu.memory_space<vmem>>, vector<16xf32>,
      tpu.vector_store %arg24[%swap3A_2041, %swap3A_2042], %add3A_2039 {strides = array<i32>} : memref<4x128xf32, #tpu.memory_space<vmem>>, vector<16xf32>,
      %run_scoped3A = arith.constant 0 : i32
      "tpu.region"() ({
        %run_scoped3A_2327 = tpu.sem_alloc : memref<!tpu.dma_semaphore, #tpu.memory_space<semaphore_mem>>
        %dma_start3A_2328 = arith.constant 0 : i32
        %dma_start3A_2329 = tpu.memref_slice %arg24[%run_scoped3A, %dma_start3A_2328] : memref<4x128xf32, #tpu.memory_space<vmem>> -> memref<1x128xf32, #tpu.memory_space<vmem>>
        %dma_start3A_2330 = tpu.memref_squeeze %dma_start3A_2329 : memref<1x128xf32, #tpu.memory_space<vmem>> -> memref<128xf32, #tpu.memory_space<vmem>>
        %dma_start3A_2331 = arith.constant 0 : i32
        %dma_start3A_2332 = tpu.memref_slice %arg7[%add3A, %dma_start3A_2331] : memref<16x128xf32, #tpu.memory_space<hbm>> -> memref<1x128xf32, #tpu.memory_space<hbm>>
        %dma_start3A_2333 = tpu.memref_squeeze %dma_start3A_2332 : memref<1x128xf32, #tpu.memory_space<hbm>> -> memref<128xf32, #tpu.memory_space<hbm>>
        %dma_start3A_2334 = arith.constant 0 : i32
        %dma_start3A_2335 = tpu.memref_slice %arg7[%add3A, %dma_start3A_2334] : memref<16x128xf32, #tpu.memory_space<hbm>> -> memref<1x128xf32, #tpu.memory_space<hbm>>
        %dma_start3A_2336 = tpu.memref_squeeze %dma_start3A_2335 : memref<1x128xf32, #tpu.memory_space<hbm>> -> memref<128xf32, #tpu.memory_space<hbm>>
        %dma_start3A_2337 = arith.constant 0 : i32
        %dma_start3A_2338 = tpu.memref_slice %arg24[%run_scoped3A, %dma_start3A_2337] : memref<4x128xf32, #tpu.memory_space<vmem>> -> memref<1x128xf32, #tpu.memory_space<vmem>>
        %dma_start3A_2339 = tpu.memref_squeeze %dma_start3A_2338 : memref<1x128xf32, #tpu.memory_space<vmem>> -> memref<128xf32, #tpu.memory_space<vmem>>
        tpu.enqueue_dma source(%dma_start3A_2339 : memref<128xf32, #tpu.memory_space<vmem>>) target(%dma_start3A_2336 : memref<128xf32, #tpu.memory_space<hbm>>) target_semaphore(%run_scoped3A_2327 : memref<!tpu.dma_semaphore, #tpu.memory_space<semaphore_mem>>)
        %dma_wait3A_2340 = arith.constant 0 : i32
        %dma_wait3A_2341 = tpu.memref_slice %arg24[%run_scoped3A, %dma_wait3A_2340] : memref<4x128xf32, #tpu.memory_space<vmem>> -> memref<1x128xf32, #tpu.memory_space<vmem>>
        %dma_wait3A_2342 = tpu.memref_squeeze %dma_wait3A_2341 : memref<1x128xf32, #tpu.memory_space<vmem>> -> memref<128xf32, #tpu.memory_space<vmem>>
        %dma_wait3A_2343 = arith.constant 0 : i32
        %dma_wait3A_2344 = tpu.memref_slice %arg7[%add3A, %dma_wait3A_2343] : memref<16x128xf32, #tpu.memory_space<hbm>> -> memref<1x128xf32, #tpu.memory_space<hbm>>
        %dma_wait3A_2345 = tpu.memref_squeeze %dma_wait3A_2344 : memref<1x128xf32, #tpu.memory_space<hbm>> -> memref<128xf32, #tpu.memory_space<hbm>>
        %dma_wait3A_2346 = arith.constant 0 : i32
        %dma_wait3A_2347 = tpu.memref_slice %arg7[%add3A, %dma_wait3A_2346] : memref<16x128xf32, #tpu.memory_space<hbm>> -> memref<1x128xf32, #tpu.memory_space<hbm>>
        %dma_wait3A_2348 = tpu.memref_squeeze %dma_wait3A_2347 : memref<1x128xf32, #tpu.memory_space<hbm>> -> memref<128xf32, #tpu.memory_space<hbm>>
        %dma_wait3A_2349 = arith.constant 0 : i32
        %dma_wait3A_2350 = tpu.memref_slice %arg24[%run_scoped3A, %dma_wait3A_2349] : memref<4x128xf32, #tpu.memory_space<vmem>> -> memref<1x128xf32, #tpu.memory_space<vmem>>
        %dma_wait3A_2351 = tpu.memref_squeeze %dma_wait3A_2350 : memref<1x128xf32, #tpu.memory_space<vmem>> -> memref<128xf32, #tpu.memory_space<vmem>>
        tpu.wait_dma2 semaphore(%run_scoped3A_2327 : memref<!tpu.dma_semaphore, #tpu.memory_space<semaphore_mem>>) src(%dma_wait3A_2351 : memref<128xf32, #tpu.memory_space<vmem>>) dst(%dma_wait3A_2348 : memref<128xf32, #tpu.memory_space<hbm>>)
        tpu.yield
      }) : () -> ()
      %run_scoped3A_2044 = arith.constant 1 : i32
      "tpu.region"() ({
        %run_scoped3A_2327 = tpu.sem_alloc : memref<!tpu.dma_semaphore, #tpu.memory_space<semaphore_mem>>
        %dma_start3A_2328 = arith.constant 0 : i32
        %dma_start3A_2329 = tpu.memref_slice %arg24[%run_scoped3A_2044, %dma_start3A_2328] : memref<4x128xf32, #tpu.memory_space<vmem>> -> memref<1x128xf32, #tpu.memory_space<vmem>>
        %dma_start3A_2330 = tpu.memref_squeeze %dma_start3A_2329 : memref<1x128xf32, #tpu.memory_space<vmem>> -> memref<128xf32, #tpu.memory_space<vmem>>
        %dma_start3A_2331 = arith.constant 0 : i32
        %dma_start3A_2332 = tpu.memref_slice %arg8[%add3A, %dma_start3A_2331] : memref<16x128xf32, #tpu.memory_space<hbm>> -> memref<1x128xf32, #tpu.memory_space<hbm>>
        %dma_start3A_2333 = tpu.memref_squeeze %dma_start3A_2332 : memref<1x128xf32, #tpu.memory_space<hbm>> -> memref<128xf32, #tpu.memory_space<hbm>>
        %dma_start3A_2334 = arith.constant 0 : i32
        %dma_start3A_2335 = tpu.memref_slice %arg8[%add3A, %dma_start3A_2334] : memref<16x128xf32, #tpu.memory_space<hbm>> -> memref<1x128xf32, #tpu.memory_space<hbm>>
        %dma_start3A_2336 = tpu.memref_squeeze %dma_start3A_2335 : memref<1x128xf32, #tpu.memory_space<hbm>> -> memref<128xf32, #tpu.memory_space<hbm>>
        %dma_start3A_2337 = arith.constant 0 : i32
        %dma_start3A_2338 = tpu.memref_slice %arg24[%run_scoped3A_2044, %dma_start3A_2337] : memref<4x128xf32, #tpu.memory_space<vmem>> -> memref<1x128xf32, #tpu.memory_space<vmem>>
        %dma_start3A_2339 = tpu.memref_squeeze %dma_start3A_2338 : memref<1x128xf32, #tpu.memory_space<vmem>> -> memref<128xf32, #tpu.memory_space<vmem>>
        tpu.enqueue_dma source(%dma_start3A_2339 : memref<128xf32, #tpu.memory_space<vmem>>) target(%dma_start3A_2336 : memref<128xf32, #tpu.memory_space<hbm>>) target_semaphore(%run_scoped3A_2327 : memref<!tpu.dma_semaphore, #tpu.memory_space<semaphore_mem>>)
        %dma_wait3A_2340 = arith.constant 0 : i32
        %dma_wait3A_2341 = tpu.memref_slice %arg24[%run_scoped3A_2044, %dma_wait3A_2340] : memref<4x128xf32, #tpu.memory_space<vmem>> -> memref<1x128xf32, #tpu.memory_space<vmem>>
        %dma_wait3A_2342 = tpu.memref_squeeze %dma_wait3A_2341 : memref<1x128xf32, #tpu.memory_space<vmem>> -> memref<128xf32, #tpu.memory_space<vmem>>
        %dma_wait3A_2343 = arith.constant 0 : i32
        %dma_wait3A_2344 = tpu.memref_slice %arg8[%add3A, %dma_wait3A_2343] : memref<16x128xf32, #tpu.memory_space<hbm>> -> memref<1x128xf32, #tpu.memory_space<hbm>>
        %dma_wait3A_2345 = tpu.memref_squeeze %dma_wait3A_2344 : memref<1x128xf32, #tpu.memory_space<hbm>> -> memref<128xf32, #tpu.memory_space<hbm>>
        %dma_wait3A_2346 = arith.constant 0 : i32
        %dma_wait3A_2347 = tpu.memref_slice %arg8[%add3A, %dma_wait3A_2346] : memref<16x128xf32, #tpu.memory_space<hbm>> -> memref<1x128xf32, #tpu.memory_space<hbm>>
        %dma_wait3A_2348 = tpu.memref_squeeze %dma_wait3A_2347 : memref<1x128xf32, #tpu.memory_space<hbm>> -> memref<128xf32, #tpu.memory_space<hbm>>
        %dma_wait3A_2349 = arith.constant 0 : i32
        %dma_wait3A_2350 = tpu.memref_slice %arg24[%run_scoped3A_2044, %dma_wait3A_2349] : memref<4x128xf32, #tpu.memory_space<vmem>> -> memref<1x128xf32, #tpu.memory_space<vmem>>
        %dma_wait3A_2351 = tpu.memref_squeeze %dma_wait3A_2350 : memref<1x128xf32, #tpu.memory_space<vmem>> -> memref<128xf32, #tpu.memory_space<vmem>>
        tpu.wait_dma2 semaphore(%run_scoped3A_2327 : memref<!tpu.dma_semaphore, #tpu.memory_space<semaphore_mem>>) src(%dma_wait3A_2351 : memref<128xf32, #tpu.memory_space<vmem>>) dst(%dma_wait3A_2348 : memref<128xf32, #tpu.memory_space<hbm>>)
        tpu.yield
      }) : () -> ()
      %run_scoped3A_2045 = arith.constant 2 : i32
      "tpu.region"() ({
        %run_scoped3A_2327 = tpu.sem_alloc : memref<!tpu.dma_semaphore, #tpu.memory_space<semaphore_mem>>
        %dma_start3A_2328 = arith.constant 0 : i32
        %dma_start3A_2329 = tpu.memref_slice %arg24[%run_scoped3A_2045, %dma_start3A_2328] : memref<4x128xf32, #tpu.memory_space<vmem>> -> memref<1x128xf32, #tpu.memory_space<vmem>>
        %dma_start3A_2330 = tpu.memref_squeeze %dma_start3A_2329 : memref<1x128xf32, #tpu.memory_space<vmem>> -> memref<128xf32, #tpu.memory_space<vmem>>
        %dma_start3A_2331 = arith.constant 0 : i32
        %dma_start3A_2332 = tpu.memref_slice %arg9[%add3A, %dma_start3A_2331] : memref<16x128xf32, #tpu.memory_space<hbm>> -> memref<1x128xf32, #tpu.memory_space<hbm>>
        %dma_start3A_2333 = tpu.memref_squeeze %dma_start3A_2332 : memref<1x128xf32, #tpu.memory_space<hbm>> -> memref<128xf32, #tpu.memory_space<hbm>>
        %dma_start3A_2334 = arith.constant 0 : i32
        %dma_start3A_2335 = tpu.memref_slice %arg9[%add3A, %dma_start3A_2334] : memref<16x128xf32, #tpu.memory_space<hbm>> -> memref<1x128xf32, #tpu.memory_space<hbm>>
        %dma_start3A_2336 = tpu.memref_squeeze %dma_start3A_2335 : memref<1x128xf32, #tpu.memory_space<hbm>> -> memref<128xf32, #tpu.memory_space<hbm>>
        %dma_start3A_2337 = arith.constant 0 : i32
        %dma_start3A_2338 = tpu.memref_slice %arg24[%run_scoped3A_2045, %dma_start3A_2337] : memref<4x128xf32, #tpu.memory_space<vmem>> -> memref<1x128xf32, #tpu.memory_space<vmem>>
        %dma_start3A_2339 = tpu.memref_squeeze %dma_start3A_2338 : memref<1x128xf32, #tpu.memory_space<vmem>> -> memref<128xf32, #tpu.memory_space<vmem>>
        tpu.enqueue_dma source(%dma_start3A_2339 : memref<128xf32, #tpu.memory_space<vmem>>) target(%dma_start3A_2336 : memref<128xf32, #tpu.memory_space<hbm>>) target_semaphore(%run_scoped3A_2327 : memref<!tpu.dma_semaphore, #tpu.memory_space<semaphore_mem>>)
        %dma_wait3A_2340 = arith.constant 0 : i32
        %dma_wait3A_2341 = tpu.memref_slice %arg24[%run_scoped3A_2045, %dma_wait3A_2340] : memref<4x128xf32, #tpu.memory_space<vmem>> -> memref<1x128xf32, #tpu.memory_space<vmem>>
        %dma_wait3A_2342 = tpu.memref_squeeze %dma_wait3A_2341 : memref<1x128xf32, #tpu.memory_space<vmem>> -> memref<128xf32, #tpu.memory_space<vmem>>
        %dma_wait3A_2343 = arith.constant 0 : i32
        %dma_wait3A_2344 = tpu.memref_slice %arg9[%add3A, %dma_wait3A_2343] : memref<16x128xf32, #tpu.memory_space<hbm>> -> memref<1x128xf32, #tpu.memory_space<hbm>>
        %dma_wait3A_2345 = tpu.memref_squeeze %dma_wait3A_2344 : memref<1x128xf32, #tpu.memory_space<hbm>> -> memref<128xf32, #tpu.memory_space<hbm>>
        %dma_wait3A_2346 = arith.constant 0 : i32
        %dma_wait3A_2347 = tpu.memref_slice %arg9[%add3A, %dma_wait3A_2346] : memref<16x128xf32, #tpu.memory_space<hbm>> -> memref<1x128xf32, #tpu.memory_space<hbm>>
        %dma_wait3A_2348 = tpu.memref_squeeze %dma_wait3A_2347 : memref<1x128xf32, #tpu.memory_space<hbm>> -> memref<128xf32, #tpu.memory_space<hbm>>
        %dma_wait3A_2349 = arith.constant 0 : i32
        %dma_wait3A_2350 = tpu.memref_slice %arg24[%run_scoped3A_2045, %dma_wait3A_2349] : memref<4x128xf32, #tpu.memory_space<vmem>> -> memref<1x128xf32, #tpu.memory_space<vmem>>
        %dma_wait3A_2351 = tpu.memref_squeeze %dma_wait3A_2350 : memref<1x128xf32, #tpu.memory_space<vmem>> -> memref<128xf32, #tpu.memory_space<vmem>>
        tpu.wait_dma2 semaphore(%run_scoped3A_2327 : memref<!tpu.dma_semaphore, #tpu.memory_space<semaphore_mem>>) src(%dma_wait3A_2351 : memref<128xf32, #tpu.memory_space<vmem>>) dst(%dma_wait3A_2348 : memref<128xf32, #tpu.memory_space<hbm>>)
        tpu.yield
      }) : () -> ()
      %run_scoped3A_2046 = arith.constant 3 : i32
      "tpu.region"() ({
        %run_scoped3A_2327 = tpu.sem_alloc : memref<!tpu.dma_semaphore, #tpu.memory_space<semaphore_mem>>
        %dma_start3A_2328 = arith.constant 0 : i32
        %dma_start3A_2329 = tpu.memref_slice %arg24[%run_scoped3A_2046, %dma_start3A_2328] : memref<4x128xf32, #tpu.memory_space<vmem>> -> memref<1x128xf32, #tpu.memory_space<vmem>>
        %dma_start3A_2330 = tpu.memref_squeeze %dma_start3A_2329 : memref<1x128xf32, #tpu.memory_space<vmem>> -> memref<128xf32, #tpu.memory_space<vmem>>
        %dma_start3A_2331 = arith.constant 0 : i32
        %dma_start3A_2332 = tpu.memref_slice %arg10[%add3A, %dma_start3A_2331] : memref<16x128xf32, #tpu.memory_space<hbm>> -> memref<1x128xf32, #tpu.memory_space<hbm>>
        %dma_start3A_2333 = tpu.memref_squeeze %dma_start3A_2332 : memref<1x128xf32, #tpu.memory_space<hbm>> -> memref<128xf32, #tpu.memory_space<hbm>>
        %dma_start3A_2334 = arith.constant 0 : i32
        %dma_start3A_2335 = tpu.memref_slice %arg10[%add3A, %dma_start3A_2334] : memref<16x128xf32, #tpu.memory_space<hbm>> -> memref<1x128xf32, #tpu.memory_space<hbm>>
        %dma_start3A_2336 = tpu.memref_squeeze %dma_start3A_2335 : memref<1x128xf32, #tpu.memory_space<hbm>> -> memref<128xf32, #tpu.memory_space<hbm>>
        %dma_start3A_2337 = arith.constant 0 : i32
        %dma_start3A_2338 = tpu.memref_slice %arg24[%run_scoped3A_2046, %dma_start3A_2337] : memref<4x128xf32, #tpu.memory_space<vmem>> -> memref<1x128xf32, #tpu.memory_space<vmem>>
        %dma_start3A_2339 = tpu.memref_squeeze %dma_start3A_2338 : memref<1x128xf32, #tpu.memory_space<vmem>> -> memref<128xf32, #tpu.memory_space<vmem>>
        tpu.enqueue_dma source(%dma_start3A_2339 : memref<128xf32, #tpu.memory_space<vmem>>) target(%dma_start3A_2336 : memref<128xf32, #tpu.memory_space<hbm>>) target_semaphore(%run_scoped3A_2327 : memref<!tpu.dma_semaphore, #tpu.memory_space<semaphore_mem>>)
        %dma_wait3A_2340 = arith.constant 0 : i32
        %dma_wait3A_2341 = tpu.memref_slice %arg24[%run_scoped3A_2046, %dma_wait3A_2340] : memref<4x128xf32, #tpu.memory_space<vmem>> -> memref<1x128xf32, #tpu.memory_space<vmem>>
        %dma_wait3A_2342 = tpu.memref_squeeze %dma_wait3A_2341 : memref<1x128xf32, #tpu.memory_space<vmem>> -> memref<128xf32, #tpu.memory_space<vmem>>
        %dma_wait3A_2343 = arith.constant 0 : i32
        %dma_wait3A_2344 = tpu.memref_slice %arg10[%add3A, %dma_wait3A_2343] : memref<16x128xf32, #tpu.memory_space<hbm>> -> memref<1x128xf32, #tpu.memory_space<hbm>>
        %dma_wait3A_2345 = tpu.memref_squeeze %dma_wait3A_2344 : memref<1x128xf32, #tpu.memory_space<hbm>> -> memref<128xf32, #tpu.memory_space<hbm>>
        %dma_wait3A_2346 = arith.constant 0 : i32
        %dma_wait3A_2347 = tpu.memref_slice %arg10[%add3A, %dma_wait3A_2346] : memref<16x128xf32, #tpu.memory_space<hbm>> -> memref<1x128xf32, #tpu.memory_space<hbm>>
        %dma_wait3A_2348 = tpu.memref_squeeze %dma_wait3A_2347 : memref<1x128xf32, #tpu.memory_space<hbm>> -> memref<128xf32, #tpu.memory_space<hbm>>
        %dma_wait3A_2349 = arith.constant 0 : i32
        %dma_wait3A_2350 = tpu.memref_slice %arg24[%run_scoped3A_2046, %dma_wait3A_2349] : memref<4x128xf32, #tpu.memory_space<vmem>> -> memref<1x128xf32, #tpu.memory_space<vmem>>
        %dma_wait3A_2351 = tpu.memref_squeeze %dma_wait3A_2350 : memref<1x128xf32, #tpu.memory_space<vmem>> -> memref<128xf32, #tpu.memory_space<vmem>>
        tpu.wait_dma2 semaphore(%run_scoped3A_2327 : memref<!tpu.dma_semaphore, #tpu.memory_space<semaphore_mem>>) src(%dma_wait3A_2351 : memref<128xf32, #tpu.memory_space<vmem>>) dst(%dma_wait3A_2348 : memref<128xf32, #tpu.memory_space<hbm>>)
        tpu.yield
      }) : () -> ()
      "tpu.region"() ({
        %run_scoped3A_2327 = tpu.sem_alloc : memref<!tpu.dma_semaphore, #tpu.memory_space<semaphore_mem>>
        %dma_start3A_2328 = arith.constant 0 : i32
        %dma_start3A_2329 = tpu.memref_slice %arg11[%add3A, %dma_start3A_2328] : memref<16x128xf32, #tpu.memory_space<hbm>> -> memref<1x128xf32, #tpu.memory_space<hbm>>
        %dma_start3A_2330 = tpu.memref_squeeze %dma_start3A_2329 : memref<1x128xf32, #tpu.memory_space<hbm>> -> memref<128xf32, #tpu.memory_space<hbm>>
        %dma_start3A_2331 = arith.constant 0 : i32
        %dma_start3A_2332 = tpu.memref_slice %arg11[%add3A, %dma_start3A_2331] : memref<16x128xf32, #tpu.memory_space<hbm>> -> memref<1x128xf32, #tpu.memory_space<hbm>>
        %dma_start3A_2333 = tpu.memref_squeeze %dma_start3A_2332 : memref<1x128xf32, #tpu.memory_space<hbm>> -> memref<128xf32, #tpu.memory_space<hbm>>
        tpu.enqueue_dma source(%arg17 : memref<128xf32, #tpu.memory_space<vmem>>) target(%dma_start3A_2333 : memref<128xf32, #tpu.memory_space<hbm>>) target_semaphore(%run_scoped3A_2327 : memref<!tpu.dma_semaphore, #tpu.memory_space<semaphore_mem>>)
        %dma_wait3A_2334 = arith.constant 0 : i32
        %dma_wait3A_2335 = tpu.memref_slice %arg11[%add3A, %dma_wait3A_2334] : memref<16x128xf32, #tpu.memory_space<hbm>> -> memref<1x128xf32, #tpu.memory_space<hbm>>
        %dma_wait3A_2336 = tpu.memref_squeeze %dma_wait3A_2335 : memref<1x128xf32, #tpu.memory_space<hbm>> -> memref<128xf32, #tpu.memory_space<hbm>>
        %dma_wait3A_2337 = arith.constant 0 : i32
        %dma_wait3A_2338 = tpu.memref_slice %arg11[%add3A, %dma_wait3A_2337] : memref<16x128xf32, #tpu.memory_space<hbm>> -> memref<1x128xf32, #tpu.memory_space<hbm>>
        %dma_wait3A_2339 = tpu.memref_squeeze %dma_wait3A_2338 : memref<1x128xf32, #tpu.memory_space<hbm>> -> memref<128xf32, #tpu.memory_space<hbm>>
        tpu.wait_dma2 semaphore(%run_scoped3A_2327 : memref<!tpu.dma_semaphore, #tpu.memory_space<semaphore_mem>>) src(%arg17 : memref<128xf32, #tpu.memory_space<vmem>>) dst(%dma_wait3A_2339 : memref<128xf32, #tpu.memory_space<hbm>>)
        tpu.yield
      }) : () -> ()
      %get3A_2047 = arith.constant 0 : index
      %get3A_2048 = tpu.vector_load %arg18[%get3A_2047] {strides = array<i32>} : memref<128xi32, #tpu.memory_space<vmem>>, vector<16xi32>,
      %jit3A_2049 = arith.constant 16384 : i32
      %div3A_2050 = vector.broadcast %jit3A_2049 : i32 to vector<16xi32>
      %div3A_2051 = arith.divsi %get3A_2048, %div3A_2050 : vector<16xi32>
      %sign3A_2052 = arith.constant 0 : i32
      %sign3A_2053 = vector.broadcast %sign3A_2052 : i32 to vector<16xi32>
      %sign3A_2054 = arith.cmpi sgt, %get3A_2048, %sign3A_2053 : vector<16xi32>
      %sign3A_2055 = arith.extui %sign3A_2054 : vector<16xi1> to vector<16xi32>
      %sign3A_2056 = arith.constant 0 : i32
      %sign3A_2057 = vector.broadcast %sign3A_2056 : i32 to vector<16xi32>
      %sign3A_2058 = arith.cmpi slt, %get3A_2048, %sign3A_2057 : vector<16xi32>
      %sign3A_2059 = arith.extui %sign3A_2058 : vector<16xi1> to vector<16xi32>
      %sign3A_2060 = arith.subi %sign3A_2055, %sign3A_2059 : vector<16xi32>
      %sign3A_2061 = arith.constant 0 : i32
      %sign3A_2062 = arith.cmpi sgt, %jit3A_2049, %sign3A_2061 : i32
      %sign3A_2063 = arith.extui %sign3A_2062 : i1 to i32
      %sign3A_2064 = arith.constant 0 : i32
      %sign3A_2065 = arith.cmpi slt, %jit3A_2049, %sign3A_2064 : i32
      %sign3A_2066 = arith.extui %sign3A_2065 : i1 to i32
      %sign3A_2067 = arith.subi %sign3A_2063, %sign3A_2066 : i32
      %ne3A_2068 = vector.broadcast %sign3A_2067 : i32 to vector<16xi32>
      %ne3A_2069 = arith.cmpi ne, %sign3A_2060, %ne3A_2068 : vector<16xi32>
      %rem3A_2070 = vector.broadcast %jit3A_2049 : i32 to vector<16xi32>
      %rem3A_2071 = arith.remsi %get3A_2048, %rem3A_2070 : vector<16xi32>
      %ne3A_2072 = arith.constant 0 : i32
      %ne3A_2073 = vector.broadcast %ne3A_2072 : i32 to vector<16xi32>
      %ne3A_2074 = arith.cmpi ne, %rem3A_2071, %ne3A_2073 : vector<16xi32>
      %and3A_2075 = arith.andi %ne3A_2069, %ne3A_2074 : vector<16xi1>
      %sub3A_2076 = arith.constant 1 : i32
      %sub3A_2077 = vector.broadcast %sub3A_2076 : i32 to vector<16xi32>
      %sub3A_2078 = arith.subi %div3A_2051, %sub3A_2077 : vector<16xi32>
      %select_n3A_2079 = arith.select %and3A_2075, %sub3A_2078, %div3A_2051 : vector<16xi1>, vector<16xi32>
      %swap3A_2080 = arith.constant 0 : index
      %swap3A_2081 = tpu.vector_load %arg18[%swap3A_2080] {strides = array<i32>} : memref<128xi32, #tpu.memory_space<vmem>>, vector<16xi32>,
      tpu.vector_store %arg18[%swap3A_2080], %select_n3A_2079 {strides = array<i32>} : memref<128xi32, #tpu.memory_space<vmem>>, vector<16xi32>,
      %get3A_2082 = arith.constant 16 : index
      %get3A_2083 = tpu.vector_load %arg18[%get3A_2082] {strides = array<i32>} : memref<128xi32, #tpu.memory_space<vmem>>, vector<16xi32>,
      %jit3A_2084 = arith.constant 16384 : i32
      %div3A_2085 = vector.broadcast %jit3A_2084 : i32 to vector<16xi32>
      %div3A_2086 = arith.divsi %get3A_2083, %div3A_2085 : vector<16xi32>
      %sign3A_2087 = arith.constant 0 : i32
      %sign3A_2088 = vector.broadcast %sign3A_2087 : i32 to vector<16xi32>
      %sign3A_2089 = arith.cmpi sgt, %get3A_2083, %sign3A_2088 : vector<16xi32>
      %sign3A_2090 = arith.extui %sign3A_2089 : vector<16xi1> to vector<16xi32>
      %sign3A_2091 = arith.constant 0 : i32
      %sign3A_2092 = vector.broadcast %sign3A_2091 : i32 to vector<16xi32>
      %sign3A_2093 = arith.cmpi slt, %get3A_2083, %sign3A_2092 : vector<16xi32>
      %sign3A_2094 = arith.extui %sign3A_2093 : vector<16xi1> to vector<16xi32>
      %sign3A_2095 = arith.subi %sign3A_2090, %sign3A_2094 : vector<16xi32>
      %sign3A_2096 = arith.constant 0 : i32
      %sign3A_2097 = arith.cmpi sgt, %jit3A_2084, %sign3A_2096 : i32
      %sign3A_2098 = arith.extui %sign3A_2097 : i1 to i32
      %sign3A_2099 = arith.constant 0 : i32
      %sign3A_2100 = arith.cmpi slt, %jit3A_2084, %sign3A_2099 : i32
      %sign3A_2101 = arith.extui %sign3A_2100 : i1 to i32
      %sign3A_2102 = arith.subi %sign3A_2098, %sign3A_2101 : i32
      %ne3A_2103 = vector.broadcast %sign3A_2102 : i32 to vector<16xi32>
      %ne3A_2104 = arith.cmpi ne, %sign3A_2095, %ne3A_2103 : vector<16xi32>
      %rem3A_2105 = vector.broadcast %jit3A_2084 : i32 to vector<16xi32>
      %rem3A_2106 = arith.remsi %get3A_2083, %rem3A_2105 : vector<16xi32>
      %ne3A_2107 = arith.constant 0 : i32
      %ne3A_2108 = vector.broadcast %ne3A_2107 : i32 to vector<16xi32>
      %ne3A_2109 = arith.cmpi ne, %rem3A_2106, %ne3A_2108 : vector<16xi32>
      %and3A_2110 = arith.andi %ne3A_2104, %ne3A_2109 : vector<16xi1>
      %sub3A_2111 = arith.constant 1 : i32
      %sub3A_2112 = vector.broadcast %sub3A_2111 : i32 to vector<16xi32>
      %sub3A_2113 = arith.subi %div3A_2086, %sub3A_2112 : vector<16xi32>
      %select_n3A_2114 = arith.select %and3A_2110, %sub3A_2113, %div3A_2086 : vector<16xi1>, vector<16xi32>
      %swap3A_2115 = arith.constant 16 : index
      %swap3A_2116 = tpu.vector_load %arg18[%swap3A_2115] {strides = array<i32>} : memref<128xi32, #tpu.memory_space<vmem>>, vector<16xi32>,
      tpu.vector_store %arg18[%swap3A_2115], %select_n3A_2114 {strides = array<i32>} : memref<128xi32, #tpu.memory_space<vmem>>, vector<16xi32>,
      %get3A_2117 = arith.constant 32 : index
      %get3A_2118 = tpu.vector_load %arg18[%get3A_2117] {strides = array<i32>} : memref<128xi32, #tpu.memory_space<vmem>>, vector<16xi32>,
      %jit3A_2119 = arith.constant 16384 : i32
      %div3A_2120 = vector.broadcast %jit3A_2119 : i32 to vector<16xi32>
      %div3A_2121 = arith.divsi %get3A_2118, %div3A_2120 : vector<16xi32>
      %sign3A_2122 = arith.constant 0 : i32
      %sign3A_2123 = vector.broadcast %sign3A_2122 : i32 to vector<16xi32>
      %sign3A_2124 = arith.cmpi sgt, %get3A_2118, %sign3A_2123 : vector<16xi32>
      %sign3A_2125 = arith.extui %sign3A_2124 : vector<16xi1> to vector<16xi32>
      %sign3A_2126 = arith.constant 0 : i32
      %sign3A_2127 = vector.broadcast %sign3A_2126 : i32 to vector<16xi32>
      %sign3A_2128 = arith.cmpi slt, %get3A_2118, %sign3A_2127 : vector<16xi32>
      %sign3A_2129 = arith.extui %sign3A_2128 : vector<16xi1> to vector<16xi32>
      %sign3A_2130 = arith.subi %sign3A_2125, %sign3A_2129 : vector<16xi32>
      %sign3A_2131 = arith.constant 0 : i32
      %sign3A_2132 = arith.cmpi sgt, %jit3A_2119, %sign3A_2131 : i32
      %sign3A_2133 = arith.extui %sign3A_2132 : i1 to i32
      %sign3A_2134 = arith.constant 0 : i32
      %sign3A_2135 = arith.cmpi slt, %jit3A_2119, %sign3A_2134 : i32
      %sign3A_2136 = arith.extui %sign3A_2135 : i1 to i32
      %sign3A_2137 = arith.subi %sign3A_2133, %sign3A_2136 : i32
      %ne3A_2138 = vector.broadcast %sign3A_2137 : i32 to vector<16xi32>
      %ne3A_2139 = arith.cmpi ne, %sign3A_2130, %ne3A_2138 : vector<16xi32>
      %rem3A_2140 = vector.broadcast %jit3A_2119 : i32 to vector<16xi32>
      %rem3A_2141 = arith.remsi %get3A_2118, %rem3A_2140 : vector<16xi32>
      %ne3A_2142 = arith.constant 0 : i32
      %ne3A_2143 = vector.broadcast %ne3A_2142 : i32 to vector<16xi32>
      %ne3A_2144 = arith.cmpi ne, %rem3A_2141, %ne3A_2143 : vector<16xi32>
      %and3A_2145 = arith.andi %ne3A_2139, %ne3A_2144 : vector<16xi1>
      %sub3A_2146 = arith.constant 1 : i32
      %sub3A_2147 = vector.broadcast %sub3A_2146 : i32 to vector<16xi32>
      %sub3A_2148 = arith.subi %div3A_2121, %sub3A_2147 : vector<16xi32>
      %select_n3A_2149 = arith.select %and3A_2145, %sub3A_2148, %div3A_2121 : vector<16xi1>, vector<16xi32>
      %swap3A_2150 = arith.constant 32 : index
      %swap3A_2151 = tpu.vector_load %arg18[%swap3A_2150] {strides = array<i32>} : memref<128xi32, #tpu.memory_space<vmem>>, vector<16xi32>,
      tpu.vector_store %arg18[%swap3A_2150], %select_n3A_2149 {strides = array<i32>} : memref<128xi32, #tpu.memory_space<vmem>>, vector<16xi32>,
      %get3A_2152 = arith.constant 48 : index
      %get3A_2153 = tpu.vector_load %arg18[%get3A_2152] {strides = array<i32>} : memref<128xi32, #tpu.memory_space<vmem>>, vector<16xi32>,
      %jit3A_2154 = arith.constant 16384 : i32
      %div3A_2155 = vector.broadcast %jit3A_2154 : i32 to vector<16xi32>
      %div3A_2156 = arith.divsi %get3A_2153, %div3A_2155 : vector<16xi32>
      %sign3A_2157 = arith.constant 0 : i32
      %sign3A_2158 = vector.broadcast %sign3A_2157 : i32 to vector<16xi32>
      %sign3A_2159 = arith.cmpi sgt, %get3A_2153, %sign3A_2158 : vector<16xi32>
      %sign3A_2160 = arith.extui %sign3A_2159 : vector<16xi1> to vector<16xi32>
      %sign3A_2161 = arith.constant 0 : i32
      %sign3A_2162 = vector.broadcast %sign3A_2161 : i32 to vector<16xi32>
      %sign3A_2163 = arith.cmpi slt, %get3A_2153, %sign3A_2162 : vector<16xi32>
      %sign3A_2164 = arith.extui %sign3A_2163 : vector<16xi1> to vector<16xi32>
      %sign3A_2165 = arith.subi %sign3A_2160, %sign3A_2164 : vector<16xi32>
      %sign3A_2166 = arith.constant 0 : i32
      %sign3A_2167 = arith.cmpi sgt, %jit3A_2154, %sign3A_2166 : i32
      %sign3A_2168 = arith.extui %sign3A_2167 : i1 to i32
      %sign3A_2169 = arith.constant 0 : i32
      %sign3A_2170 = arith.cmpi slt, %jit3A_2154, %sign3A_2169 : i32
      %sign3A_2171 = arith.extui %sign3A_2170 : i1 to i32
      %sign3A_2172 = arith.subi %sign3A_2168, %sign3A_2171 : i32
      %ne3A_2173 = vector.broadcast %sign3A_2172 : i32 to vector<16xi32>
      %ne3A_2174 = arith.cmpi ne, %sign3A_2165, %ne3A_2173 : vector<16xi32>
      %rem3A_2175 = vector.broadcast %jit3A_2154 : i32 to vector<16xi32>
      %rem3A_2176 = arith.remsi %get3A_2153, %rem3A_2175 : vector<16xi32>
      %ne3A_2177 = arith.constant 0 : i32
      %ne3A_2178 = vector.broadcast %ne3A_2177 : i32 to vector<16xi32>
      %ne3A_2179 = arith.cmpi ne, %rem3A_2176, %ne3A_2178 : vector<16xi32>
      %and3A_2180 = arith.andi %ne3A_2174, %ne3A_2179 : vector<16xi1>
      %sub3A_2181 = arith.constant 1 : i32
      %sub3A_2182 = vector.broadcast %sub3A_2181 : i32 to vector<16xi32>
      %sub3A_2183 = arith.subi %div3A_2156, %sub3A_2182 : vector<16xi32>
      %select_n3A_2184 = arith.select %and3A_2180, %sub3A_2183, %div3A_2156 : vector<16xi1>, vector<16xi32>
      %swap3A_2185 = arith.constant 48 : index
      %swap3A_2186 = tpu.vector_load %arg18[%swap3A_2185] {strides = array<i32>} : memref<128xi32, #tpu.memory_space<vmem>>, vector<16xi32>,
      tpu.vector_store %arg18[%swap3A_2185], %select_n3A_2184 {strides = array<i32>} : memref<128xi32, #tpu.memory_space<vmem>>, vector<16xi32>,
      %get3A_2187 = arith.constant 64 : index
      %get3A_2188 = tpu.vector_load %arg18[%get3A_2187] {strides = array<i32>} : memref<128xi32, #tpu.memory_space<vmem>>, vector<16xi32>,
      %jit3A_2189 = arith.constant 16384 : i32
      %div3A_2190 = vector.broadcast %jit3A_2189 : i32 to vector<16xi32>
      %div3A_2191 = arith.divsi %get3A_2188, %div3A_2190 : vector<16xi32>
      %sign3A_2192 = arith.constant 0 : i32
      %sign3A_2193 = vector.broadcast %sign3A_2192 : i32 to vector<16xi32>
      %sign3A_2194 = arith.cmpi sgt, %get3A_2188, %sign3A_2193 : vector<16xi32>
      %sign3A_2195 = arith.extui %sign3A_2194 : vector<16xi1> to vector<16xi32>
      %sign3A_2196 = arith.constant 0 : i32
      %sign3A_2197 = vector.broadcast %sign3A_2196 : i32 to vector<16xi32>
      %sign3A_2198 = arith.cmpi slt, %get3A_2188, %sign3A_2197 : vector<16xi32>
      %sign3A_2199 = arith.extui %sign3A_2198 : vector<16xi1> to vector<16xi32>
      %sign3A_2200 = arith.subi %sign3A_2195, %sign3A_2199 : vector<16xi32>
      %sign3A_2201 = arith.constant 0 : i32
      %sign3A_2202 = arith.cmpi sgt, %jit3A_2189, %sign3A_2201 : i32
      %sign3A_2203 = arith.extui %sign3A_2202 : i1 to i32
      %sign3A_2204 = arith.constant 0 : i32
      %sign3A_2205 = arith.cmpi slt, %jit3A_2189, %sign3A_2204 : i32
      %sign3A_2206 = arith.extui %sign3A_2205 : i1 to i32
      %sign3A_2207 = arith.subi %sign3A_2203, %sign3A_2206 : i32
      %ne3A_2208 = vector.broadcast %sign3A_2207 : i32 to vector<16xi32>
      %ne3A_2209 = arith.cmpi ne, %sign3A_2200, %ne3A_2208 : vector<16xi32>
      %rem3A_2210 = vector.broadcast %jit3A_2189 : i32 to vector<16xi32>
      %rem3A_2211 = arith.remsi %get3A_2188, %rem3A_2210 : vector<16xi32>
      %ne3A_2212 = arith.constant 0 : i32
      %ne3A_2213 = vector.broadcast %ne3A_2212 : i32 to vector<16xi32>
      %ne3A_2214 = arith.cmpi ne, %rem3A_2211, %ne3A_2213 : vector<16xi32>
      %and3A_2215 = arith.andi %ne3A_2209, %ne3A_2214 : vector<16xi1>
      %sub3A_2216 = arith.constant 1 : i32
      %sub3A_2217 = vector.broadcast %sub3A_2216 : i32 to vector<16xi32>
      %sub3A_2218 = arith.subi %div3A_2191, %sub3A_2217 : vector<16xi32>
      %select_n3A_2219 = arith.select %and3A_2215, %sub3A_2218, %div3A_2191 : vector<16xi1>, vector<16xi32>
      %swap3A_2220 = arith.constant 64 : index
      %swap3A_2221 = tpu.vector_load %arg18[%swap3A_2220] {strides = array<i32>} : memref<128xi32, #tpu.memory_space<vmem>>, vector<16xi32>,
      tpu.vector_store %arg18[%swap3A_2220], %select_n3A_2219 {strides = array<i32>} : memref<128xi32, #tpu.memory_space<vmem>>, vector<16xi32>,
      %get3A_2222 = arith.constant 80 : index
      %get3A_2223 = tpu.vector_load %arg18[%get3A_2222] {strides = array<i32>} : memref<128xi32, #tpu.memory_space<vmem>>, vector<16xi32>,
      %jit3A_2224 = arith.constant 16384 : i32
      %div3A_2225 = vector.broadcast %jit3A_2224 : i32 to vector<16xi32>
      %div3A_2226 = arith.divsi %get3A_2223, %div3A_2225 : vector<16xi32>
      %sign3A_2227 = arith.constant 0 : i32
      %sign3A_2228 = vector.broadcast %sign3A_2227 : i32 to vector<16xi32>
      %sign3A_2229 = arith.cmpi sgt, %get3A_2223, %sign3A_2228 : vector<16xi32>
      %sign3A_2230 = arith.extui %sign3A_2229 : vector<16xi1> to vector<16xi32>
      %sign3A_2231 = arith.constant 0 : i32
      %sign3A_2232 = vector.broadcast %sign3A_2231 : i32 to vector<16xi32>
      %sign3A_2233 = arith.cmpi slt, %get3A_2223, %sign3A_2232 : vector<16xi32>
      %sign3A_2234 = arith.extui %sign3A_2233 : vector<16xi1> to vector<16xi32>
      %sign3A_2235 = arith.subi %sign3A_2230, %sign3A_2234 : vector<16xi32>
      %sign3A_2236 = arith.constant 0 : i32
      %sign3A_2237 = arith.cmpi sgt, %jit3A_2224, %sign3A_2236 : i32
      %sign3A_2238 = arith.extui %sign3A_2237 : i1 to i32
      %sign3A_2239 = arith.constant 0 : i32
      %sign3A_2240 = arith.cmpi slt, %jit3A_2224, %sign3A_2239 : i32
      %sign3A_2241 = arith.extui %sign3A_2240 : i1 to i32
      %sign3A_2242 = arith.subi %sign3A_2238, %sign3A_2241 : i32
      %ne3A_2243 = vector.broadcast %sign3A_2242 : i32 to vector<16xi32>
      %ne3A_2244 = arith.cmpi ne, %sign3A_2235, %ne3A_2243 : vector<16xi32>
      %rem3A_2245 = vector.broadcast %jit3A_2224 : i32 to vector<16xi32>
      %rem3A_2246 = arith.remsi %get3A_2223, %rem3A_2245 : vector<16xi32>
      %ne3A_2247 = arith.constant 0 : i32
      %ne3A_2248 = vector.broadcast %ne3A_2247 : i32 to vector<16xi32>
      %ne3A_2249 = arith.cmpi ne, %rem3A_2246, %ne3A_2248 : vector<16xi32>
      %and3A_2250 = arith.andi %ne3A_2244, %ne3A_2249 : vector<16xi1>
      %sub3A_2251 = arith.constant 1 : i32
      %sub3A_2252 = vector.broadcast %sub3A_2251 : i32 to vector<16xi32>
      %sub3A_2253 = arith.subi %div3A_2226, %sub3A_2252 : vector<16xi32>
      %select_n3A_2254 = arith.select %and3A_2250, %sub3A_2253, %div3A_2226 : vector<16xi1>, vector<16xi32>
      %swap3A_2255 = arith.constant 80 : index
      %swap3A_2256 = tpu.vector_load %arg18[%swap3A_2255] {strides = array<i32>} : memref<128xi32, #tpu.memory_space<vmem>>, vector<16xi32>,
      tpu.vector_store %arg18[%swap3A_2255], %select_n3A_2254 {strides = array<i32>} : memref<128xi32, #tpu.memory_space<vmem>>, vector<16xi32>,
      %get3A_2257 = arith.constant 96 : index
      %get3A_2258 = tpu.vector_load %arg18[%get3A_2257] {strides = array<i32>} : memref<128xi32, #tpu.memory_space<vmem>>, vector<16xi32>,
      %jit3A_2259 = arith.constant 16384 : i32
      %div3A_2260 = vector.broadcast %jit3A_2259 : i32 to vector<16xi32>
      %div3A_2261 = arith.divsi %get3A_2258, %div3A_2260 : vector<16xi32>
      %sign3A_2262 = arith.constant 0 : i32
      %sign3A_2263 = vector.broadcast %sign3A_2262 : i32 to vector<16xi32>
      %sign3A_2264 = arith.cmpi sgt, %get3A_2258, %sign3A_2263 : vector<16xi32>
      %sign3A_2265 = arith.extui %sign3A_2264 : vector<16xi1> to vector<16xi32>
      %sign3A_2266 = arith.constant 0 : i32
      %sign3A_2267 = vector.broadcast %sign3A_2266 : i32 to vector<16xi32>
      %sign3A_2268 = arith.cmpi slt, %get3A_2258, %sign3A_2267 : vector<16xi32>
      %sign3A_2269 = arith.extui %sign3A_2268 : vector<16xi1> to vector<16xi32>
      %sign3A_2270 = arith.subi %sign3A_2265, %sign3A_2269 : vector<16xi32>
      %sign3A_2271 = arith.constant 0 : i32
      %sign3A_2272 = arith.cmpi sgt, %jit3A_2259, %sign3A_2271 : i32
      %sign3A_2273 = arith.extui %sign3A_2272 : i1 to i32
      %sign3A_2274 = arith.constant 0 : i32
      %sign3A_2275 = arith.cmpi slt, %jit3A_2259, %sign3A_2274 : i32
      %sign3A_2276 = arith.extui %sign3A_2275 : i1 to i32
      %sign3A_2277 = arith.subi %sign3A_2273, %sign3A_2276 : i32
      %ne3A_2278 = vector.broadcast %sign3A_2277 : i32 to vector<16xi32>
      %ne3A_2279 = arith.cmpi ne, %sign3A_2270, %ne3A_2278 : vector<16xi32>
      %rem3A_2280 = vector.broadcast %jit3A_2259 : i32 to vector<16xi32>
      %rem3A_2281 = arith.remsi %get3A_2258, %rem3A_2280 : vector<16xi32>
      %ne3A_2282 = arith.constant 0 : i32
      %ne3A_2283 = vector.broadcast %ne3A_2282 : i32 to vector<16xi32>
      %ne3A_2284 = arith.cmpi ne, %rem3A_2281, %ne3A_2283 : vector<16xi32>
      %and3A_2285 = arith.andi %ne3A_2279, %ne3A_2284 : vector<16xi1>
      %sub3A_2286 = arith.constant 1 : i32
      %sub3A_2287 = vector.broadcast %sub3A_2286 : i32 to vector<16xi32>
      %sub3A_2288 = arith.subi %div3A_2261, %sub3A_2287 : vector<16xi32>
      %select_n3A_2289 = arith.select %and3A_2285, %sub3A_2288, %div3A_2261 : vector<16xi1>, vector<16xi32>
      %swap3A_2290 = arith.constant 96 : index
      %swap3A_2291 = tpu.vector_load %arg18[%swap3A_2290] {strides = array<i32>} : memref<128xi32, #tpu.memory_space<vmem>>, vector<16xi32>,
      tpu.vector_store %arg18[%swap3A_2290], %select_n3A_2289 {strides = array<i32>} : memref<128xi32, #tpu.memory_space<vmem>>, vector<16xi32>,
      %get3A_2292 = arith.constant 112 : index
      %get3A_2293 = tpu.vector_load %arg18[%get3A_2292] {strides = array<i32>} : memref<128xi32, #tpu.memory_space<vmem>>, vector<16xi32>,
      %jit3A_2294 = arith.constant 16384 : i32
      %div3A_2295 = vector.broadcast %jit3A_2294 : i32 to vector<16xi32>
      %div3A_2296 = arith.divsi %get3A_2293, %div3A_2295 : vector<16xi32>
      %sign3A_2297 = arith.constant 0 : i32
      %sign3A_2298 = vector.broadcast %sign3A_2297 : i32 to vector<16xi32>
      %sign3A_2299 = arith.cmpi sgt, %get3A_2293, %sign3A_2298 : vector<16xi32>
      %sign3A_2300 = arith.extui %sign3A_2299 : vector<16xi1> to vector<16xi32>
      %sign3A_2301 = arith.constant 0 : i32
      %sign3A_2302 = vector.broadcast %sign3A_2301 : i32 to vector<16xi32>
      %sign3A_2303 = arith.cmpi slt, %get3A_2293, %sign3A_2302 : vector<16xi32>
      %sign3A_2304 = arith.extui %sign3A_2303 : vector<16xi1> to vector<16xi32>
      %sign3A_2305 = arith.subi %sign3A_2300, %sign3A_2304 : vector<16xi32>
      %sign3A_2306 = arith.constant 0 : i32
      %sign3A_2307 = arith.cmpi sgt, %jit3A_2294, %sign3A_2306 : i32
      %sign3A_2308 = arith.extui %sign3A_2307 : i1 to i32
      %sign3A_2309 = arith.constant 0 : i32
      %sign3A_2310 = arith.cmpi slt, %jit3A_2294, %sign3A_2309 : i32
      %sign3A_2311 = arith.extui %sign3A_2310 : i1 to i32
      %sign3A_2312 = arith.subi %sign3A_2308, %sign3A_2311 : i32
      %ne3A_2313 = vector.broadcast %sign3A_2312 : i32 to vector<16xi32>
      %ne3A_2314 = arith.cmpi ne, %sign3A_2305, %ne3A_2313 : vector<16xi32>
      %rem3A_2315 = vector.broadcast %jit3A_2294 : i32 to vector<16xi32>
      %rem3A_2316 = arith.remsi %get3A_2293, %rem3A_2315 : vector<16xi32>
      %ne3A_2317 = arith.constant 0 : i32
      %ne3A_2318 = vector.broadcast %ne3A_2317 : i32 to vector<16xi32>
      %ne3A_2319 = arith.cmpi ne, %rem3A_2316, %ne3A_2318 : vector<16xi32>
      %and3A_2320 = arith.andi %ne3A_2314, %ne3A_2319 : vector<16xi1>
      %sub3A_2321 = arith.constant 1 : i32
      %sub3A_2322 = vector.broadcast %sub3A_2321 : i32 to vector<16xi32>
      %sub3A_2323 = arith.subi %div3A_2296, %sub3A_2322 : vector<16xi32>
      %select_n3A_2324 = arith.select %and3A_2320, %sub3A_2323, %div3A_2296 : vector<16xi1>, vector<16xi32>
      %swap3A_2325 = arith.constant 112 : index
      %swap3A_2326 = tpu.vector_load %arg18[%swap3A_2325] {strides = array<i32>} : memref<128xi32, #tpu.memory_space<vmem>>, vector<16xi32>,
      tpu.vector_store %arg18[%swap3A_2325], %select_n3A_2324 {strides = array<i32>} : memref<128xi32, #tpu.memory_space<vmem>>, vector<16xi32>,
      "tpu.region"() ({
        %run_scoped3A_2327 = tpu.sem_alloc : memref<!tpu.dma_semaphore, #tpu.memory_space<semaphore_mem>>
        %dma_start3A_2328 = arith.constant 0 : i32
        %dma_start3A_2329 = tpu.memref_slice %arg12[%add3A, %dma_start3A_2328] : memref<16x128xi32, #tpu.memory_space<hbm>> -> memref<1x128xi32, #tpu.memory_space<hbm>>
        %dma_start3A_2330 = tpu.memref_squeeze %dma_start3A_2329 : memref<1x128xi32, #tpu.memory_space<hbm>> -> memref<128xi32, #tpu.memory_space<hbm>>
        %dma_start3A_2331 = arith.constant 0 : i32
        %dma_start3A_2332 = tpu.memref_slice %arg12[%add3A, %dma_start3A_2331] : memref<16x128xi32, #tpu.memory_space<hbm>> -> memref<1x128xi32, #tpu.memory_space<hbm>>
        %dma_start3A_2333 = tpu.memref_squeeze %dma_start3A_2332 : memref<1x128xi32, #tpu.memory_space<hbm>> -> memref<128xi32, #tpu.memory_space<hbm>>
        tpu.enqueue_dma source(%arg18 : memref<128xi32, #tpu.memory_space<vmem>>) target(%dma_start3A_2333 : memref<128xi32, #tpu.memory_space<hbm>>) target_semaphore(%run_scoped3A_2327 : memref<!tpu.dma_semaphore, #tpu.memory_space<semaphore_mem>>)
        %dma_wait3A_2334 = arith.constant 0 : i32
        %dma_wait3A_2335 = tpu.memref_slice %arg12[%add3A, %dma_wait3A_2334] : memref<16x128xi32, #tpu.memory_space<hbm>> -> memref<1x128xi32, #tpu.memory_space<hbm>>
        %dma_wait3A_2336 = tpu.memref_squeeze %dma_wait3A_2335 : memref<1x128xi32, #tpu.memory_space<hbm>> -> memref<128xi32, #tpu.memory_space<hbm>>
        %dma_wait3A_2337 = arith.constant 0 : i32
        %dma_wait3A_2338 = tpu.memref_slice %arg12[%add3A, %dma_wait3A_2337] : memref<16x128xi32, #tpu.memory_space<hbm>> -> memref<1x128xi32, #tpu.memory_space<hbm>>
        %dma_wait3A_2339 = tpu.memref_squeeze %dma_wait3A_2338 : memref<1x128xi32, #tpu.memory_space<hbm>> -> memref<128xi32, #tpu.memory_space<hbm>>
        tpu.wait_dma2 semaphore(%run_scoped3A_2327 : memref<!tpu.dma_semaphore, #tpu.memory_space<semaphore_mem>>) src(%arg18 : memref<128xi32, #tpu.memory_space<vmem>>) dst(%dma_wait3A_2339 : memref<128xi32, #tpu.memory_space<hbm>>)
        tpu.yield
      }) : () -> ()
    } else {
    }
    return
  }
}

module attributes {stable_mosaic.version = 14 : i64} {
  func.func @_dense_kernel(%arg0: i32, %arg1: memref<1x80x128x128xf32, #tpu.memory_space<vmem>>, %arg2: memref<1x10240x128xf32, #tpu.memory_space<vmem>>, %arg3: memref<1x80x128xf32, #tpu.memory_space<vmem>>, %arg4: memref<1x1x80xf32, #tpu.memory_space<vmem>>) attributes {dimension_semantics = [#tpu.dimension_semantics<arbitrary>], iteration_bounds = array<i64: 16>, scalar_prefetch = 0 : i64, scratch_operands = 0 : i64, tpu.core_type = #tpu.core_type<tc>, window_params = [{transform_indices = @transform_0, window_bounds = array<i64: 1, 80, 128, 128>}, {transform_indices = @transform_1, window_bounds = array<i64: 1, 10240, 128>}, {transform_indices = @transform_2, window_bounds = array<i64: 1, 80, 128>}, {transform_indices = @transform_3, window_bounds = array<i64: 1, 1, 80>}]} {
    %get3A = arith.constant 0 : index
    %get3A_0 = arith.constant 0 : index
    %get3A_1 = arith.constant 0 : index
    %get3A_2 = arith.constant 0 : index
    %get3A_3 = vector.load %arg1[%get3A, %get3A_0, %get3A_1, %get3A_2] : memref<1x80x128x128xf32, #tpu.memory_space<vmem>>, vector<1x80x128x128xf32>
    %get3A_4 = vector.shape_cast %get3A_3 : vector<1x80x128x128xf32> to vector<80x128x128xf32>
    %neg3A = arith.constant 0.000000e+00 : f32
    %neg3A_5 = vector.broadcast %neg3A : f32 to vector<80x128x128xf32>
    %neg3A_6 = arith.subf %neg3A_5, %get3A_4 : vector<80x128x128xf32>
    %exp3A = math.exp %neg3A_6 : vector<80x128x128xf32>
    %add3A = arith.constant 1.000000e+00 : f32
    %add3A_7 = vector.broadcast %add3A : f32 to vector<80x128x128xf32>
    %add3A_8 = arith.addf %add3A_7, %exp3A : vector<80x128x128xf32>
    %div3A = arith.constant 1.000000e+00 : f32
    %div3A_9 = vector.broadcast %div3A : f32 to vector<80x128x128xf32>
    %div3A_10 = arith.divf %div3A_9, %add3A_8 : vector<80x128x128xf32>
    %broadcast_in_dim3A = arith.constant 0xFF800000 : f32
    %broadcast_in_dim3A_11 = vector.broadcast %broadcast_in_dim3A : f32 to vector<80x128x1xf32>
    %slice3A = vector.extract_strided_slice %div3A_10 {offsets = [0, 0, 1], sizes = [80, 128, 127], strides = [1, 1, 1]} : vector<80x128x128xf32> to vector<80x128x127xf32>
    %concatenate3A = tpu.concatenate %slice3A, %broadcast_in_dim3A_11 in 2 : vector<80x128x127xf32>, vector<80x128x1xf32> -> vector<80x128x128xf32>
    %slice3A_12 = vector.extract_strided_slice %div3A_10 {offsets = [0, 0, 0], sizes = [80, 128, 127], strides = [1, 1, 1]} : vector<80x128x128xf32> to vector<80x128x127xf32>
    %concatenate3A_13 = tpu.concatenate %broadcast_in_dim3A_11, %slice3A_12 in 2 : vector<80x128x1xf32>, vector<80x128x127xf32> -> vector<80x128x128xf32>
    %max3A = arith.maximumf %concatenate3A, %concatenate3A_13 : vector<80x128x128xf32>
    %max3A_14 = arith.maximumf %max3A, %div3A_10 : vector<80x128x128xf32>
    %broadcast_in_dim3A_15 = arith.constant 0xFF800000 : f32
    %broadcast_in_dim3A_16 = vector.broadcast %broadcast_in_dim3A_15 : f32 to vector<80x1x128xf32>
    %slice3A_17 = vector.extract_strided_slice %max3A_14 {offsets = [0, 1, 0], sizes = [80, 127, 128], strides = [1, 1, 1]} : vector<80x128x128xf32> to vector<80x127x128xf32>
    %concatenate3A_18 = tpu.concatenate %slice3A_17, %broadcast_in_dim3A_16 in 1 : vector<80x127x128xf32>, vector<80x1x128xf32> -> vector<80x128x128xf32>
    %slice3A_19 = vector.extract_strided_slice %max3A_14 {offsets = [0, 0, 0], sizes = [80, 127, 128], strides = [1, 1, 1]} : vector<80x128x128xf32> to vector<80x127x128xf32>
    %concatenate3A_20 = tpu.concatenate %broadcast_in_dim3A_16, %slice3A_19 in 1 : vector<80x1x128xf32>, vector<80x127x128xf32> -> vector<80x128x128xf32>
    %max3A_21 = arith.maximumf %concatenate3A_18, %concatenate3A_20 : vector<80x128x128xf32>
    %max3A_22 = arith.maximumf %max3A_21, %max3A_14 : vector<80x128x128xf32>
    %eq3A = arith.cmpf oeq, %max3A_22, %div3A_10 : vector<80x128x128xf32>
    %jit3A = arith.constant 0.000000e+00 : f32
    %broadcast_in_dim3A_23 = vector.broadcast %jit3A : f32 to vector<80x128x128xf32>
    %select_n3A = arith.select %eq3A, %div3A_10, %broadcast_in_dim3A_23 : vector<80x128x128xi1>, vector<80x128x128xf32>
    %reshape3A = vector.shape_cast %select_n3A : vector<80x128x128xf32> to vector<10240x128xf32>
    %swap3A = arith.constant 0 : index
    %swap3A_24 = arith.constant 0 : index
    %swap3A_25 = arith.constant 0 : index
    %swap3A_26 = vector.load %arg2[%swap3A, %swap3A_24, %swap3A_25] : memref<1x10240x128xf32, #tpu.memory_space<vmem>>, vector<1x10240x128xf32>
    %swap3A_27 = vector.shape_cast %swap3A_26 : vector<1x10240x128xf32> to vector<10240x128xf32>
    %swap3A_28 = vector.shape_cast %reshape3A : vector<10240x128xf32> to vector<1x10240x128xf32>
    tpu.vector_store %arg2[%swap3A, %swap3A_24, %swap3A_25], %swap3A_28 {strides = array<i32>} : memref<1x10240x128xf32, #tpu.memory_space<vmem>>, vector<1x10240x128xf32>,
    %reduce_max3A = arith.constant dense<0xFF800000> : vector<80x128xf32>
    %reduce_max3A_29 = vector.multi_reduction <maximumf>, %select_n3A, %reduce_max3A [2] : vector<80x128x128xf32> to vector<80x128xf32>
    %swap3A_30 = arith.constant 0 : index
    %swap3A_31 = arith.constant 0 : index
    %swap3A_32 = arith.constant 0 : index
    %swap3A_33 = vector.load %arg3[%swap3A_30, %swap3A_31, %swap3A_32] : memref<1x80x128xf32, #tpu.memory_space<vmem>>, vector<1x80x128xf32>
    %swap3A_34 = vector.shape_cast %swap3A_33 : vector<1x80x128xf32> to vector<80x128xf32>
    %swap3A_35 = vector.shape_cast %reduce_max3A_29 : vector<80x128xf32> to vector<1x80x128xf32>
    tpu.vector_store %arg3[%swap3A_30, %swap3A_31, %swap3A_32], %swap3A_35 {strides = array<i32>} : memref<1x80x128xf32, #tpu.memory_space<vmem>>, vector<1x80x128xf32>,
    %reduce_max3A_36 = arith.constant dense<0xFF800000> : vector<80xf32>
    %reduce_max3A_37 = vector.multi_reduction <maximumf>, %reduce_max3A_29, %reduce_max3A_36 [1] : vector<80x128xf32> to vector<80xf32>
    %reshape3A_38 = vector.shape_cast %reduce_max3A_37 : vector<80xf32> to vector<1x80xf32>
    %swap3A_39 = arith.constant 0 : index
    %swap3A_40 = arith.constant 0 : index
    %swap3A_41 = arith.constant 0 : index
    %swap3A_42 = vector.load %arg4[%swap3A_39, %swap3A_40, %swap3A_41] : memref<1x1x80xf32, #tpu.memory_space<vmem>>, vector<1x1x80xf32>
    %swap3A_43 = vector.shape_cast %swap3A_42 : vector<1x1x80xf32> to vector<1x80xf32>
    %swap3A_44 = vector.shape_cast %reshape3A_38 : vector<1x80xf32> to vector<1x1x80xf32>
    tpu.vector_store %arg4[%swap3A_39, %swap3A_40, %swap3A_41], %swap3A_44 {strides = array<i32>} : memref<1x1x80xf32, #tpu.memory_space<vmem>>, vector<1x1x80xf32>,
    return
  }
  func.func @transform_0(%arg0: i32) -> (i32, i32, i32, i32) {
    %c0_i32 = arith.constant 0 : i32
    %c0_i32_0 = arith.constant 0 : i32
    %c0_i32_1 = arith.constant 0 : i32
    %c0_i32_2 = arith.constant 0 : i32
    return %arg0, %c0_i32, %c0_i32_0, %c0_i32_1 : i32, i32, i32, i32
  }
  func.func @transform_1(%arg0: i32) -> (i32, i32, i32) {
    %c0_i32 = arith.constant 0 : i32
    %c0_i32_0 = arith.constant 0 : i32
    %c0_i32_1 = arith.constant 0 : i32
    return %arg0, %c0_i32, %c0_i32_0 : i32, i32, i32
  }
  func.func @transform_2(%arg0: i32) -> (i32, i32, i32) {
    %c0_i32 = arith.constant 0 : i32
    %c0_i32_0 = arith.constant 0 : i32
    %c0_i32_1 = arith.constant 0 : i32
    return %arg0, %c0_i32, %c0_i32_0 : i32, i32, i32
  }
  func.func @transform_3(%arg0: i32) -> (i32, i32, i32) {
    %c0_i32 = arith.constant 0 : i32
    %c0_i32_0 = arith.constant 0 : i32
    %c0_i32_1 = arith.constant 0 : i32
    return %arg0, %c0_i32, %c0_i32_0 : i32, i32, i32
  }
}

</mosaic_0001>

<sc_bundles>
// kernel: kernel.4.cloned.1.call-start
scs
__scs_entry_jumppad:
0x0: {  	(pc) =	sbr.rel $0x88, $3  }
0x1: {  	(tag) =	ssettag $0x0;
	lr =	simm.s32 $0x1  }
0x2: {  	[smem:$0x3F9E] =	sst lr;
	_ =	strace $0xD0000000  }
0x3: {  	_ = 	snop  }
0x4: {  	_ = 	snop  }
0x5: {  	_ = 	snop  }
0x6: {  	_ = 	snop  }
0x7: {  	_ = 	snop  }
__scs_overlays_trampoline_lowered:
0x8: {  	[smem:$0x3FAD] =	sst s0  }
0x9: {  	[smem:$0x3FAE] =	sst s1  }
0xa: {  	[smem:$0x3FAF] =	sst s2  }
0xb: {  	[smem:$0x3FB0] =	sst s3  }
0xc: {  	[smem:$0x3FB1] =	sst s4  }
0xd: {  	[smem:$0x3FB2] =	sst s5  }
0xe: {  	[smem:$0x3FB3] =	sst s6  }
0xf: {  	[smem:$0x3FB4] =	sst s7  }
0x10: {  	[smem:$0x3FB5] =	sst s8  }
0x11: {  	[smem:$0x3FB6] =	sst s9;
	s0 =	simm.s32 @!p0 $0x0  }
0x12: {  	s1 =	sld [smem:$0x3F9C];
	s0 =	simm.s32 @p0 $0x1  }
0x13: {  	[smem:$0x3FB7] =	sst s0;
	s0 =	simm.s32 @!p1 $0x0  }
0x14: {  	s2 =	sld [smem:$0x3F9B];
	s0 =	simm.s32 @p1 $0x1  }
0x15: {  	[smem:$0x3FB8] =	sst s0;
	s0 =	simm.s32 @!p2 $0x0  }
0x16: {  	s3 =	sld [smem:$0x3FDB];
	s0 =	simm.s32 @p2 $0x1  }
0x17: {  	s4 =	simm.s32 $0x1BF5;
	[smem:$0x3FBA] =	sst s0  }
0x18: {  	s0 =	sld [smem:$0x3F9D];
	_ =	swait.ge [sflag:s4], $0x0  }
0x19: {  	s7 =	sld [smem:$0x3F9E]  }
0x1a: {  	s8 =	sadd.s32 $0xFFFFE003, lr  }
0x1b: {  	s9 =	sadd.s32 $0xFFFFFEF7, lr;
	s5 =	simm.s32 $0xFFFFFFFF;
	p2 =	slt.u32 s8, $0xFFFFF086  }
0x1c: {  	p1 =	slt.u32 s9, $0xF7A;
	s5 =	simm.s32 @!p2 $0x0  }
0x1d: {  	s5 =	simm.s32 @p1 $0x1;
	p0 =	seq.s32 s7, s2  }
0x1e: {  	s7 =	smul.u32 @!p0 $0xF7A, s2;
	p2 =	seq.s32 @!p0 s5, $0x0  }
0x1f: {  	s9 =	smul.u32 $0xF7A, s1;
	s8 =	simm.s32 @!p0 $0x1BF5;
	p2 =	por !p2, p0  }
0x20: {  	[sflag:s8] =	ssyncset.s32 @!p0 $0xFFFFF086;
	s6 =	sadd.s32 @!p0 s3, s7;
	s7 =	simm.s32 @!p0 $0x108  }
0x21: {  	s3 =	sadd.s32 s3, s9;
	s6 =	sadd.s32 @!p0 $0x88, s6;
	s7 =	simm.s32 @p2 $0x1082  }
0x22: {  	[simem:s7], [sflag:s8] =	dma.local @!p0 [hbm:s6], $0xF7A  }
0x23: {  	s9 =	sor.u32 $0xD0000000, s2;
	s6 =	simm.s32 $0x108;
	_ =	swait.ge @!p0 [sflag:s8], $0x0  }
0x24: {  	s3 =	sadd.s32 $0x88, s3;
	s6 =	simm.s32 @!p1 $0x1082;
	[sflag:s4] =	ssyncset.s32 $0xFFFFF086  }
0x25: {  	[simem:s6], [sflag:s4] =	dma.local [hbm:s3], $0xF7A  }
0x26: {  	[smem:$0x3F9E] =	sst s1;
	(tag) =	ssettag s2;
	_ =	strace s9  }
0x27: {  	s1 =	sld [smem:$0x3FAE]  }
0x28: {  	s2 =	sld [smem:$0x3FAF]  }
0x29: {  	s4 =	sld [smem:$0x3FB1]  }
0x2a: {  	p0 =	seq.s32 s5, $0x0;
	s5 =	sld [smem:$0x3FB2]  }
0x2b: {  	s6 =	sld [smem:$0x3FB3]  }
0x2c: {  	s7 =	sld [smem:$0x3FB4]  }
0x2d: {  	s3 =	simm.s32 $0x108;
	s8 =	sld [smem:$0x3FB5]  }
0x2e: {  	s3 =	simm.s32 @!p0 $0x1082;
	s9 =	sld [smem:$0x3FB6]  }
0x2f: {  	lr =	sadd.s32 s0, s3;
	s0 =	sld [smem:$0x3FAD]  }
0x30: {  	s3 =	sld [smem:$0x3FB0]  }
0x31: {  	[smem:$0x3FB9] =	sst s10  }
0x32: {  	s10 =	sld [smem:$0x3FB7];
	_ =	sdelay $0x3  }
0x33: {  	p0 =	seq.s32 s10, $0x1;
	s10 =	sld [smem:$0x3FB9];
	_ =	sdelay $0x3  }
0x34: {  	[smem:$0x3FB9] =	sst s10  }
0x35: {  	s10 =	sld [smem:$0x3FB8];
	_ =	sdelay $0x3  }
0x36: {  	p1 =	seq.s32 s10, $0x1;
	s10 =	sld [smem:$0x3FB9];
	_ =	sdelay $0x3  }
0x37: {  	[smem:$0x3FB9] =	sst s10  }
0x38: {  	s10 =	sld [smem:$0x3FBA]  }
0x39: {  	_ = 	snop;
	(pc) =	sbr.ind lr, $3  }
0x3a: {  	_ = 	snop  }
0x3b: {  	_ = 	snop  }
0x3c: {  	p2 =	seq.s32 s10, $0x1;
	s10 =	sld [smem:$0x3FB9]  }
0x3d: {  	_ =	shalt  }
0x3e: {  	_ =	shalt  }
0x3f: {  	_ =	shalt  }
0x40: {  	_ =	shalt  }
0x41: {  	_ =	shalt  }
0x42: {  	_ =	shalt  }
0x43: {  	_ =	shalt  }
0x44: {  	_ =	shalt  }
0x45: {  	_ =	shalt  }
0x46: {  	_ =	shalt  }
0x47: {  	_ =	shalt  }
0x48: {  	_ =	shalt  }
0x49: {  	_ =	shalt  }
0x4a: {  	_ =	shalt  }
0x4b: {  	_ =	shalt  }
0x4c: {  	_ =	shalt  }
0x4d: {  	_ =	shalt  }
0x4e: {  	_ =	shalt  }
0x4f: {  	_ =	shalt  }
0x50: {  	_ =	shalt  }
0x51: {  	_ =	shalt  }
0x52: {  	_ =	shalt  }
0x53: {  	_ =	shalt  }
0x54: {  	_ =	shalt  }
0x55: {  	_ =	shalt  }
0x56: {  	_ =	shalt  }
0x57: {  	_ =	shalt  }
0x58: {  	_ =	shalt  }
0x59: {  	_ =	shalt  }
0x5a: {  	_ =	shalt  }
0x5b: {  	_ =	shalt  }
0x5c: {  	_ =	shalt  }
0x5d: {  	_ =	shalt  }
0x5e: {  	_ =	shalt  }
0x5f: {  	_ =	shalt  }
0x60: {  	_ =	shalt  }
0x61: {  	_ =	shalt  }
0x62: {  	_ =	shalt  }
0x63: {  	_ =	shalt  }
0x64: {  	_ =	shalt  }
0x65: {  	_ =	shalt  }
0x66: {  	_ =	shalt  }
0x67: {  	_ =	shalt  }
0x68: {  	_ =	shalt  }
0x69: {  	_ =	shalt  }
0x6a: {  	_ =	shalt  }
0x6b: {  	_ =	shalt  }
0x6c: {  	_ =	shalt  }
0x6d: {  	_ =	shalt  }
0x6e: {  	_ =	shalt  }
0x6f: {  	_ =	shalt  }
0x70: {  	_ =	shalt  }
0x71: {  	_ =	shalt  }
0x72: {  	_ =	shalt  }
0x73: {  	_ =	shalt  }
0x74: {  	_ =	shalt  }
0x75: {  	_ =	shalt  }
0x76: {  	_ =	shalt  }
0x77: {  	_ =	shalt  }
0x78: {  	_ =	shalt  }
0x79: {  	_ =	shalt  }
0x7a: {  	_ =	shalt  }
0x7b: {  	_ =	shalt  }
0x7c: {  	_ =	shalt  }
0x7d: {  	_ =	shalt  }
0x7e: {  	_ =	shalt  }
0x7f: {  	_ =	shalt  }
0x80: {  	_ =	shalt  }
0x81: {  	_ =	shalt  }
0x82: {  	_ =	shalt  }
0x83: {  	_ =	shalt  }
0x84: {  	_ =	shalt  }
0x85: {  	_ =	shalt  }
0x86: {  	_ =	shalt  }
0x87: {  	_ =	shalt  }
.Lfunc_end0:
.L_simem_size_0:
called_computation_lowered:
.L_overlay_start_0:
0x88: {  	s2 =	sld [smem:$0x3FD9]  }
0x89: {  	s3 =	sld [smem:$0x3FFE];
	_ =	sdelay $0x1  }
0x8a: {  	s1 =	srdreg.scid  }
0x8b: {  	s0 =	sand.u32 $0x1, s1  }
0x8c: {  	s14 =	sshll.u32 s0, $0xA;
	s2 =	sadd.s32 s3, s2  }
0x8d: {  	s2 =	sadd.s32 s2, s14  }
0x8e: {  	[smem:$0x3FC5] =	sst s2  }
0x8f: {  	_ = 	snop  }
0x90: {  	s2 =	sld [smem:$0x3FD0];
	_ =	sdelay $0x1  }
0x91: {  	s15 =	sld [smem:$0x3FC8]  }
0x92: {  	s5 =	simm.s32 $0xA;
	s6 =	simm.s32 $0x10;
	s4 =	sld [smem:$0x3FC7]  }
0x93: {  	[smem:s6], [sflag:s5] =	dma.local [hbm:s2], $0x1  }
0x94: {  	_ =	swait.eq [sflag:s5], $0x1  }
0x95: {  	[sflag:s5] =	ssyncset.done $0x0  }
0x96: {  	s16 =	sld [smem:$0x10];
	[sflag:s5] =	ssyncadd.s32 $0xFFFFFFFF  }
0x97: {  	s17 =	sld [smem:$0x12];
	(tm) =	ssettm $0x1  }
0x98: {  	s18 =	sld [smem:$0x3FFB];
	_ =	sdelay $0x3  }
0x99: {  	_ =	strace s18  }
0x9a: {  	s6 =	sld [smem:$0x3FFC];
	_ =	sdelay $0x3  }
0x9b: {  	_ =	strace s6  }
0x9c: {  	s6 =	sld [smem:$0x3FFD];
	_ =	sdelay $0x3  }
0x9d: {  	_ =	strace s6  }
0x9e: {  	_ =	strace $0x8FFFFFFF  }
0x9f: {  	s19 =	sld [smem:$0x3FDB];
	_ =	sdelay $0x1  }
0xa0: {  	s7 =	simm.s32 $_scs_section_size  }
0xa1: {  	s8 =	simm.s32 $_size__tile_overlayer_lowered;
	s9 =	simm.s32 $_tile_overlayer_lowered  }
0xa2: {  	s22 =	simm.s32 $0x1BFF;
	s21 =	sshll.u32 s9, $0x1;
	s6 =	sadd.s32 s7, s19  }
0xa3: {  	s10 =	simm.s32 $0x0;
	s20 =	sshll.u32 s8, $0x1;
	s8 =	sadd.s32 s21, s6  }
0xa4: {  	[timem:s10], [sflag:s22] =	dma.local [hbm:s8], s20  }
0xa5: {  	_ =	swait.ge [sflag:s22], s20  }
0xa6: {  	s7 =	ssub.s32 $0x0, s20;
	[sflag:s22] =	ssyncset.done $0x0  }
0xa7: {  	[sflag:s22] =	ssyncadd.s32 s7;
	_ =	sdelay $0x1  }
0xa8: {  	s23 =	simm.s32 $0x1B8B  }
0xa9: {  	_ =	swait.ge [sflag:s23], $0x1  }
0xaa: {  	[sflag:s23] =	ssyncset.done $0x0  }
0xab: {  	s25 =	simm.s32 $0x1B8E;
	s24 =	sld [smem:$0x3FFE];
	[sflag:s23] =	ssyncadd.s32 $0xFFFFFFFF  }
0xac: {  	s26 =	simm.s32 $execute0_lowered;
	[smem:$0x3FD2] =	sst s25  }
0xad: {  	s8 =	sshll.u32 s26, $0x1;
	_ =	strace $0x80000046;
	[dreg:$0x1] =	wrdreg $0xFFFFFFFF  }
0xae: {  	s28 =	simm.s32 $_size_execute0_lowered;
	s6 =	sadd.s32 s6, s8;
	[dreg:$0x0] =	wrdreg $0x0  }
0xaf: {  	s8 =	sshll.u32 s28, $0x1;
	[dreg:$0x2] =	wrdreg s6  }
0xb0: {  	[dreg:$0x3] =	wrdreg s8  }
0xb1: {  	[dreg:$0x4] =	wrdreg $0xC0  }
0xb2: {  	_ =	task [dreg:s10], $0x5FFFF  }
0xb3: {  	[dreg:$0x1] =	wrdreg $0xFFFFFFFF  }
0xb4: {  	[dreg:$0x0] =	wrdreg $0x60  }
0xb5: {  	[dreg:$0x2] =	wrdreg s24  }
0xb6: {  	[dreg:$0x3] =	wrdreg s17  }
0xb7: {  	[dreg:$0x4] =	wrdreg s15  }
0xb8: {  	[dreg:$0x5] =	wrdreg s4  }
0xb9: {  	[dreg:$0x6] =	wrdreg s16  }
0xba: {  	[dreg:$0x7] =	wrdreg $0x9  }
0xbb: {  	_ =	task.clear_ibuf [dreg:s10], $0x8FFFF;
	_ =	strace $0x90000046  }
0xbc: {  	s29 =	simm.s32 $0x9;
	_ =	strace $0x80000048  }
0xbd: {  	_ =	swait.ge [sflag:s29], $0x1  }
0xbe: {  	[sflag:s29] =	ssyncadd.s32 $0xFFFFFFFF  }
0xbf: {  	_ =	strace $0x90000048  }
0xc0: {  	_ =	sfence  }
0xc1: {  	s30 =	sld [smem:$0x0];
	_ =	sdelay $0x2  }
0xc2: {  	s31 =	sshll.u32 s1, $0xD;
	s1 =	sshrl.u32 s1, $0x2  }
0xc3: {  	s3 =	sand.u32 $0x4000, s31;
	s1 =	sadd.s32 s1, s30  }
0xc4: {  	s0 =	sor.u32 s3, s0;
	s1 =	sshll.u32 s1, $0x11  }
0xc5: {  	s0 =	sor.u32 s1, s0  }
0xc6: {  	s0 =	sadd.s32 $0x8F2B, s0  }
0xc7: {  	[sflag:s0] =	ssyncadd.remote.s32 $0x1  }
0xc8: {  	_ =	sfence.sel $0xFFFF  }
0xc9: {  	[dreg:$0x0] =	wrdreg $0xFFFFFFFF;
	(pc) =	sbr.abs _section_cstart, $3  }
0xca: {  	[dreg:$0x1] =	wrdreg $0xFFFFFFFF  }
0xcb: {  	_ =	task.clear_ibuf [dreg:s10], $0x2FFFF;
	_ =	strace $0x9FFFFFFF  }
0xcc: {  	(tm) =	ssettm $0x7FFFFFFF  }
0xcd: {  	_ =	shalt  }
tec
execute0_lowered:
.L_overlay_start_1:
0x0: {  	(tag) =	ssettag $0x1  }
0x1: {  	s6 =	rddreg [dreg:$0x0]  }
0x2: {  	s0 =	rddreg [dreg:$0x1];
	s3 =	simm.s32 $0x0  }
0x3: {  	[smem:$0x7FF] =	sst s3  }
0x4: {  	s4 =	rddreg [dreg:$0x4];
	v0 =	vimm.f32 $2.000000000e+00;
	_ =	strace $0x80000047  }
0x5: {  	(erf) = vrcp.f32 v0;
	_ =	sdelay $0x2  }
0x6: {  	s1 =	stileid.u32  }
0x7: {  	p0 =	sgt.u32 s1, $0x7  }
.Ltmp0:
0x8: {  	_ = 	snop;
	(pc) =	sbr.rel @p0 .LBB2_9-.Ltmp0, $2  }
0x9: {  	_ =	sdelay $0x2  }
0xa: {  	v0 =	vpop (erf)  }
0xb: {  	s5 =	srdreg.scid  }
0xc: {  	s1 =	stileid.u32;
	s14 =	sadd.s32 $0x281000, s6;
	s20 =	simm.s32 $0x1  }
0xd: {  	s12 =	sand.u32 $0x1, s5;
	s26 =	sshll.u32 s1, $0x1;
	s8 =	sshrl.u32 s1, $0x2  }
0xe: {  	s21 =	simm.s32 $0xD600;
	s7 =	sor.u32 s12, s26;
	s28 =	sshll.u32 s8, $0xA  }
0xf: {  	s16 =	smul.u32 $0x14000, s8;
	s30 =	ssub.s32 $0x2, s12;
	s5 =	sshll.u32 s7, $0x7  }
0x10: {  	s17 =	sshll.u32 s7, $0xF;
	s31 =	sshrl.u32 s30, $0x1;
	s13 =	sand.u32 $0x380, s5  }
0x11: {  	s5 =	sadd.s32 $0x1000, s6;
	s29 =	sor.u32 $0x4000, s17;
	s9 =	sor.u32 s28, s13  }
0x12: {  	s13 =	sor.u32 s16, s13;
	s16 =	simm.s32 $0x80;
	s9 =	sshrl.u32 s9, $0x3  }
0x13: {  	s18 =	sshrl.u32 s13, $0x3;
	s15 =	sadd.s32 s9, s6;
	s6 =	smul.u32 $0x140000, s7  }
0x14: {  	s7 =	sadd.s32 s0, s9;
	s8 =	sadd.s32 s4, s9;
	s4 =	ssub.s32 s30, s31  }
0x15: {  	v3 =	vimm.s32 $0xFFFFFFFF;
	v5 =	vlaneseq.u32;
	s14 =	sadd.s32 s14, s18;
	s9 =	sadd.s32 $0x286400, s15;
	s10 =	sadd.s32 $0x286600, s15  }
0x16: {  	v4 =	vimm.f32 $0.0e+00;
	v6 =	vimm.s32 $0x0;
	v7 =	vor.u32 $0x80000040, v5;
	s18 =	simm.s32 $0x2;
	s11 =	sadd.s32 $0x286800, s15;
	s12 =	sadd.s32 $0x286000, s15  }
0x17: {  	v8 =	vor.u32 $0x80000030, v5;
	v1 =	vmov s17;
	v2 =	vmov s29;
	s13 =	sadd.s32 $0x286200, s15;
	s15 =	smax.u32 s4, $0x1;
	s4 =	simm.s32 $0x0  }
.LBB2_2:
0x18: {  	s17 =	simm.s32 $0x0;
	s0 =	simm.s32 $0x400  }
0x19: {  	[tilespmem:s17], [sflag:$0x2] =	stream.strided.gather [hbm4b:s14+s16], $0x2800, s0, s16, $0x38;
	[tilespmem:$0xDA80] =	vst v63  }
0x1a: {  	_ =	swait.ge [sflag:s18], $0x2800  }
0x1b: {  	[sflag:s18] =	ssyncset.done $0x0  }
0x1c: {  	s31 =	simm.s32 $0x2800;
	[sflag:s18] =	ssyncadd.s32 $0xFFFFD800  }
0x1d: {  	[tilespmem:s31], [sflag:$0x2] =	stream.linear.gather [hbm4b:s7+s17], $0x80, $0x38;
	[tilespmem:$0xDA80] =	vst v63  }
0x1e: {  	_ =	swait.ge [sflag:s18], $0x80  }
0x1f: {  	[sflag:s18] =	ssyncset.done $0x0  }
0x20: {  	s19 =	simm.s32 $0x0;
	s17 =	simm.s32 $0x40;
	[sflag:s18] =	ssyncadd.s32 $0xFFFFFF80  }
.LBB2_3:
0x21: {  	p0 =	sne.s32 s17, $0x9FC0;
	[tilespmem:s19+$0x2880] =	vst v3;
	s19 =	smov.u32 s17;
	s17 =	sadd.s32 $0x40, s17  }
.Ltmp1:
0x22: {  	(pc) =	sbr.rel @p0 .LBB2_3-.Ltmp1, $2  }
0x23: {  	_ =	sdelay $0x2  }
0x24: {  	s19 =	sshra.s32 s19, $0x2  }
0x25: {  	[tilespmem:s19+$0x2880] =	vst v3  }
0x26: {  	[tilespmem:$0xD500] =	vst v4  }
0x27: {  	[tilespmem:$0xD580] =	vst v6  }
0x28: {  	[tilespmem:$0xD510] =	vst v4  }
0x29: {  	[tilespmem:$0xD590] =	vst v6  }
0x2a: {  	[tilespmem:$0xD520] =	vst v4  }
0x2b: {  	[tilespmem:$0xD5A0] =	vst v6  }
0x2c: {  	[tilespmem:$0xD530] =	vst v4  }
0x2d: {  	[tilespmem:$0xD5B0] =	vst v6  }
0x2e: {  	[tilespmem:$0xD540] =	vst v4  }
0x2f: {  	[tilespmem:$0xD5C0] =	vst v6  }
0x30: {  	[tilespmem:$0xD550] =	vst v4  }
0x31: {  	[tilespmem:$0xD5D0] =	vst v6  }
0x32: {  	[tilespmem:$0xD560] =	vst v4  }
0x33: {  	[tilespmem:$0xD5E0] =	vst v6  }
0x34: {  	[tilespmem:$0xD570] =	vst v4  }
0x35: {  	s0 =	simm.s32 $0x40;
	[tilespmem:$0xD5F0] =	vst v6  }
0x36: {  	v9 =	vld [tilespmem:s0+$0xFFFFFFC0]  }
0x37: {  	v10 =	vld [tilespmem:s0+$0xFFFFFFD0]  }
0x38: {  	v11 =	vld [tilespmem:s0+$0xFFFFFFE0]  }
0x39: {  	v12 =	vld [tilespmem:s0+$0xFFFFFFF0]  }
0x3a: {  	v13 =	vld [tilespmem:s0+$0x0]  }
0x3b: {  	v14 =	vld [tilespmem:s0+$0x10]  }
0x3c: {  	v16 =	vld [tilespmem:s0+$0x20];
	v15 =	vmax.f32 v9, v10  }
0x3d: {  	v17 =	vld [tilespmem:s0+$0x30];
	v15 =	vmax.f32 v15, v11  }
0x3e: {  	v15 =	vmax.f32 v15, v12  }
0x3f: {  	v15 =	vmax.f32 v15, v13  }
0x40: {  	v15 =	vmax.f32 v15, v14  }
0x41: {  	v15 =	vmax.f32 v15, v16  }
0x42: {  	v15 =	vmax.f32 v15, v17  }
0x43: {  	(xrf0) =	vmax.scan.msk.f32 $0xffff, v15;
	_ =	sdelay $0x5  }
0x44: {  	v15, _, _ =	vpop (xrf0)  }
0x45: {  	v15 =	vbroadcast v15, $0xF  }
0x46: {  	s17 =	simm.s32 $0x0  }
0x47: {  	s22 =	simm.s32 $0x10;
	v18 =	vor.u32 s17, v5;
	vm0 =	veq.f32 v9, v15  }
0x48: {  	s1 =	simm.s32 $0x20;
	v9 =	vor.u32 s22, v5;
	v19 =	vnsel vm0, $0x40000000, v18  }
0x49: {  	v20 =	vor.u32 s1, v5;
	vm0 =	vlt.s32 v19, v9  }
0x4a: {  	vm1 =	veq.f32 v10, v15;
	vm2 =	veq.f32 v11, v15;
	v10 =	vsel vm0, v19, v9  }
0x4b: {  	s2 =	simm.s32 $0x30;
	v11 =	vnsel vm2, $0x40000000, v20;
	v10 =	vsel vm1, v10, v19  }
0x4c: {  	v57 =	vor.u32 s2, v5;
	vm7 =	veq.f32 v12, v15;
	vm1 =	vlt.s32 v10, v11  }
0x4d: {  	s22 =	simm.s32 $0x40;
	v10 =	vsel vm1, v10, v11;
	v11 =	vnsel vm7, $0x40000000, v57  }
0x4e: {  	vm8 =	veq.f32 v13, v15;
	v58 =	vor.u32 s22, v5;
	vm1 =	vlt.s32 v10, v11  }
0x4f: {  	s23 =	simm.s32 $0x50;
	v10 =	vsel vm1, v10, v11;
	v11 =	vnsel vm8, $0x40000000, v58  }
0x50: {  	v59 =	vor.u32 s23, v5;
	vm9 =	veq.f32 v14, v15;
	vm1 =	vlt.s32 v10, v11  }
0x51: {  	s24 =	simm.s32 $0x60;
	v10 =	vsel vm1, v10, v11;
	v11 =	vnsel vm9, $0x40000000, v59  }
0x52: {  	v60 =	vor.u32 s24, v5;
	vm10 =	veq.f32 v16, v15;
	vm1 =	vlt.s32 v10, v11  }
0x53: {  	s25 =	simm.s32 $0x70;
	v10 =	vsel vm1, v10, v11;
	v11 =	vnsel vm10, $0x40000000, v60  }
0x54: {  	v61 =	vor.u32 s25, v5;
	vm11 =	veq.f32 v17, v15;
	vm1 =	vlt.s32 v10, v11  }
0x55: {  	v10 =	vsel vm1, v10, v11;
	v11 =	vnsel vm11, $0x40000000, v61  }
0x56: {  	vm0 =	vlt.s32 v10, v11  }
0x57: {  	v10 =	vsel vm0, v10, v11  }
0x58: {  	v10 =	vxor.u32 $0x80000000, v10  }
0x59: {  	(xrf0) =	vmin.scan.msk.u32 $0xffff, v10;
	_ =	sdelay $0x5  }
0x5a: {  	v10, _, _ =	vpop (xrf0)  }
0x5b: {  	(v2sf) =	vpush v10, $0xF;
	_ =	sdelay $0xe  }
0x5c: {  	s26 =	spop (v2sf)  }
0x5d: {  	s29 =	sshll.u32 s26, $0x7;
	s23 =	sxor.u32 $0x80000000, s26  }
0x5e: {  	p0 =	sgt.s32 s26, $0xFFFFFFFF;
	s17 =	sand.u32 $0xF, s26;
	s24 =	sand.u32 $0xFFFFFC00, s29  }
0x5f: {  	p1 =	slt.s32 s23, $0x1;
	p6 =	sne.s32 s17, $0x0;
	s30 =	sand.u32 $0x380, s29  }
0x60: {  	s31 =	sshra.s32 s23, $0x1F;
	s24 =	sadd.s32 s6, s24;
	p0 =	por p0, p1  }
0x61: {  	s22 =	sshrl.u32 s31, $0x1C;
	p0 =	por !p6, !p0;
	s17 =	sor.u32 s30, s24  }
0x62: {  	s22 =	sadd.s32 s22, s23;
	s24 =	simm.s32 $0x1;
	p0 =	por !p0, !p0  }
0x63: {  	s17 =	sshrl.u32 s17, $0x3;
	s22 =	sshrl.u32 s22, $0x4;
	s24 =	simm.s32 @!p0 $0x0  }
0x64: {  	s25 =	simm.s32 $0x5100;
	s17 =	sadd.s32 s5, s17;
	s22 =	ssub.s32 s22, s24  }
0x65: {  	[tilespmem:s25], [sflag:$0x1] =	stream.linear.gather [hbm4b:s17+s3], $0x80, $0x38;
	[tilespmem:$0xDA80] =	vst v63  }
0x66: {  	s22 =	sshll.u32 s22, $0x4  }
0x67: {  	v10 =	vld [tilespmem:s22+$0x2880];
	_ =	sdelay $0x2  }
0x68: {  	v11 =	vor.u32 s22, v5  }
0x69: {  	s17 =	simm.s32 $0x0;
	vm12 =	veq.s32 v11, s23  }
0x6a: {  	v10 =	vsel vm12, s17, v10  }
0x6b: {  	[tilespmem:s22+$0x2880] =	vst v10  }
0x6c: {  	v10 =	vld [tilespmem:s0+$0xFFFFFFD0]  }
0x6d: {  	v11 =	vld [tilespmem:s0+$0xFFFFFFC0]  }
0x6e: {  	v62 =	vld [tilespmem:s0+$0xFFFFFFE0]  }
0x6f: {  	v63 =	vld [tilespmem:s0+$0xFFFFFFF0]  }
0x70: {  	v21 =	vld [tilespmem:s0+$0x0]  }
0x71: {  	vm13 =	veq.s32 v9, s23;
	vm14 =	veq.s32 v18, s23;
	v22 =	vld [tilespmem:s0+$0x10]  }
0x72: {  	vm15 =	veq.s32 v20, s23;
	v23 =	vld [tilespmem:s0+$0x20];
	v10 =	vsel vm13, $0xFF800000, v10;
	v11 =	vsel vm14, $0xFF800000, v11  }
0x73: {  	vm4 =	veq.s32 v57, s23;
	v25 =	vld [tilespmem:s0+$0x30];
	v17 =	vsel vm15, $0xFF800000, v62;
	v24 =	vmax.f32 v11, v10  }
0x74: {  	vm5 =	veq.s32 v58, s23;
	v19 =	vsel vm4, $0xFF800000, v63;
	v24 =	vmax.f32 v24, v17  }
0x75: {  	vm6 =	veq.s32 v59, s23;
	v21 =	vsel vm5, $0xFF800000, v21;
	v24 =	vmax.f32 v24, v19  }
0x76: {  	vm7 =	veq.s32 v60, s23;
	v22 =	vsel vm6, $0xFF800000, v22;
	v24 =	vmax.f32 v24, v21  }
0x77: {  	vm8 =	veq.s32 v61, s23;
	v23 =	vsel vm7, $0xFF800000, v23;
	v24 =	vmax.f32 v24, v22  }
0x78: {  	v25 =	vsel vm8, $0xFF800000, v25;
	v24 =	vmax.f32 v24, v23  }
0x79: {  	v24 =	vmax.f32 v24, v25  }
0x7a: {  	(xrf0) =	vmax.scan.msk.f32 $0xffff, v24;
	_ =	sdelay $0x5  }
0x7b: {  	v24, _, _ =	vpop (xrf0)  }
0x7c: {  	v24 =	vbroadcast v24, $0xF;
	_ =	sdelay $0x1  }
0x7d: {  	vm9 =	veq.f32 v11, v24  }
0x7e: {  	v11 =	vnsel vm9, $0x40000000, v18  }
0x7f: {  	vm0 =	vlt.s32 v11, v9  }
0x80: {  	vm10 =	veq.f32 v10, v24;
	vm2 =	veq.f32 v17, v24;
	v9 =	vsel vm0, v11, v9  }
0x81: {  	v10 =	vnsel vm2, $0x40000000, v20;
	v9 =	vsel vm10, v9, v11  }
0x82: {  	vm11 =	veq.f32 v19, v24;
	vm1 =	vlt.s32 v9, v10  }
0x83: {  	v9 =	vsel vm1, v9, v10;
	v10 =	vnsel vm11, $0x40000000, v57  }
0x84: {  	vm12 =	veq.f32 v21, v24;
	vm1 =	vlt.s32 v9, v10  }
0x85: {  	v9 =	vsel vm1, v9, v10;
	v10 =	vnsel vm12, $0x40000000, v58  }
0x86: {  	vm13 =	veq.f32 v22, v24;
	vm1 =	vlt.s32 v9, v10  }
0x87: {  	v9 =	vsel vm1, v9, v10;
	v10 =	vnsel vm13, $0x40000000, v59  }
0x88: {  	vm14 =	veq.f32 v23, v24;
	vm1 =	vlt.s32 v9, v10  }
0x89: {  	v9 =	vsel vm1, v9, v10;
	v10 =	vnsel vm14, $0x40000000, v60  }
0x8a: {  	vm15 =	veq.f32 v25, v24;
	vm1 =	vlt.s32 v9, v10  }
0x8b: {  	v9 =	vsel vm1, v9, v10;
	v10 =	vnsel vm15, $0x40000000, v61  }
0x8c: {  	vm0 =	vlt.s32 v9, v10  }
0x8d: {  	v9 =	vsel vm0, v9, v10  }
0x8e: {  	v9 =	vxor.u32 $0x80000000, v9  }
0x8f: {  	(xrf0) =	vmin.scan.msk.u32 $0xffff, v9;
	_ =	sdelay $0x5  }
0x90: {  	v9, _, _ =	vpop (xrf0)  }
0x91: {  	(v2sf) =	vpush v9, $0xF;
	_ =	sdelay $0xd  }
0x92: {  	s19 =	simm.s32 $0x7900;
	s24 =	simm.s32 $0x7980;
	s25 =	simm.s32 $0xF0  }
0x93: {  	s23 =	simm.s32 $0xC0;
	s22 =	simm.s32 $0x1;
	s29 =	spop (v2sf)  }
0x94: {  	s28 =	sshll.u32 s29, $0x7;
	s26 =	sxor.u32 $0x80000000, s29;
	s30 =	sand.u32 $0xF, s29  }
0x95: {  	p3 =	sgt.s32 s29, $0xFFFFFFFF;
	p2 =	slt.s32 s26, $0x1;
	p1 =	sne.s32 s30, $0x0  }
.LBB2_5:
0x96: {  	s29 =	sand.u32 $0xFFFFFC00, s28  }
0x97: {  	s30 =	sshra.s32 s26, $0x1F;
	p0 =	por p3, p2;
	s31 =	smov.u32 s22  }
0x98: {  	s28 =	sand.u32 $0x380, s28;
	s30 =	sshrl.u32 s30, $0x1C;
	p0 =	por !p1, !p0  }
0x99: {  	s29 =	sadd.s32 s6, s29;
	s30 =	sadd.s32 s30, s26;
	p0 =	por !p0, !p0  }
0x9a: {  	s28 =	sor.u32 s28, s29;
	s29 =	sshrl.u32 s30, $0x4;
	s30 =	simm.s32 $0x1  }
0x9b: {  	s30 =	simm.s32 @!p0 $0x0  }
0x9c: {  	s28 =	sshrl.u32 s28, $0x3;
	p0 =	sne.s32 s22, $0x4F;
	s29 =	ssub.s32 s29, s30  }
0x9d: {  	s22 =	sadd.s32 $0x1, s22;
	s28 =	sadd.s32 s5, s28;
	s29 =	sshll.u32 s29, $0x4  }
0x9e: {  	[tilespmem:s19], [sflag:$0x1] =	stream.linear.gather [hbm4b:s28+s3], $0x80, $0x38;
	v9 =	vor.u32 s29, v5;
	[tilespmem:$0xDA80] =	vst v63  }
0x9f: {  	s19 =	smov.u32 s24;
	vm0 =	veq.s32 v9, s26;
	v9 =	vld [tilespmem:s29+$0x2880];
	_ =	sdelay $0x3  }
0xa0: {  	s26 =	sadd.s32 $0x50, s17;
	s17 =	smov.u32 s31  }
0xa1: {  	v9 =	vsel vm0, s26, v9  }
0xa2: {  	[tilespmem:s29+$0x2880] =	vst v9  }
0xa3: {  	v12 =	vld [tilespmem:s23+$0xFFFFFFC0]  }
0xa4: {  	v13 =	vld [tilespmem:s23+$0xFFFFFFD0]  }
0xa5: {  	v14 =	vld [tilespmem:s23+$0xFFFFFFE0]  }
0xa6: {  	v15 =	vld [tilespmem:s23+$0xFFFFFFF0]  }
0xa7: {  	v16 =	vld [tilespmem:s23+$0x0]  }
0xa8: {  	v17 =	vld [tilespmem:s23+$0x10]  }
0xa9: {  	v9 =	vmax.f32 v12, v13;
	v18 =	vld [tilespmem:s23+$0x20]  }
0xaa: {  	v9 =	vmax.f32 v9, v14;
	v19 =	vld [tilespmem:s23+$0x30]  }
0xab: {  	v9 =	vmax.f32 v9, v15  }
0xac: {  	v9 =	vmax.f32 v9, v16  }
0xad: {  	v9 =	vmax.f32 v9, v17  }
0xae: {  	v9 =	vmax.f32 v9, v18  }
0xaf: {  	v9 =	vmax.f32 v9, v19  }
0xb0: {  	s26 =	sadd.s32 $0xFFFFFF90, s25;
	(xrf0) =	vmax.scan.msk.f32 $0xffff, v9  }
0xb1: {  	s28 =	sadd.s32 $0xFFFFFFA0, s25  }
0xb2: {  	v11 =	vor.u32 s26, v5;
	v9 =	vor.u32 s28, v5  }
0xb3: {  	s26 =	sadd.s32 $0xFFFFFFB0, s25  }
0xb4: {  	v10 =	vor.u32 s26, v5;
	_ =	sdelay $0x1  }
0xb5: {  	v20, _, _ =	vpop (xrf0)  }
0xb6: {  	v20 =	vbroadcast v20, $0xF;
	_ =	sdelay $0x1  }
0xb7: {  	vm2 =	veq.f32 v13, v20;
	vm0 =	veq.f32 v12, v20;
	vm3 =	veq.f32 v14, v20  }
0xb8: {  	vm4 =	veq.f32 v15, v20;
	vm5 =	veq.f32 v16, v20;
	v12 =	vnsel vm0, $0x40000000, v11  }
0xb9: {  	vm6 =	veq.f32 v17, v20;
	vm1 =	veq.f32 v18, v20;
	vm0 =	vlt.s32 v12, v9  }
0xba: {  	v13 =	vsel vm0, v12, v9;
	vm0 =	veq.f32 v19, v20  }
0xbb: {  	s26 =	sadd.s32 $0xFFFFFFC0, s25;
	v14 =	vnsel vm3, $0x40000000, v10;
	v13 =	vsel vm2, v13, v12  }
0xbc: {  	v12 =	vor.u32 s26, v5;
	vm2 =	vlt.s32 v13, v14  }
0xbd: {  	s26 =	sadd.s32 $0xFFFFFFD0, s25;
	v15 =	vnsel vm4, $0x40000000, v12;
	v14 =	vsel vm2, v13, v14  }
0xbe: {  	v13 =	vor.u32 s26, v5;
	vm2 =	vlt.s32 v14, v15  }
0xbf: {  	s26 =	sadd.s32 $0xFFFFFFE0, s25;
	v16 =	vnsel vm5, $0x40000000, v13;
	v15 =	vsel vm2, v14, v15  }
0xc0: {  	v14 =	vor.u32 s26, v5;
	vm2 =	vlt.s32 v15, v16  }
0xc1: {  	s26 =	sadd.s32 $0xFFFFFFF0, s25;
	v17 =	vnsel vm6, $0x40000000, v14;
	v16 =	vsel vm2, v15, v16  }
0xc2: {  	v15 =	vor.u32 s26, v5;
	vm2 =	vlt.s32 v16, v17  }
0xc3: {  	v18 =	vnsel vm1, $0x40000000, v15;
	v17 =	vsel vm2, v16, v17  }
0xc4: {  	v16 =	vor.u32 s25, v5;
	vm1 =	vlt.s32 v17, v18  }
0xc5: {  	v17 =	vsel vm1, v17, v18;
	v18 =	vnsel vm0, $0x40000000, v16  }
0xc6: {  	vm0 =	vlt.s32 v17, v18  }
0xc7: {  	v17 =	vsel vm0, v17, v18  }
0xc8: {  	v17 =	vxor.u32 $0x80000000, v17  }
0xc9: {  	(xrf0) =	vmin.scan.msk.u32 $0xffff, v17;
	_ =	sdelay $0x5  }
0xca: {  	v17, _, _ =	vpop (xrf0)  }
0xcb: {  	(v2sf) =	vpush v17, $0xF;
	_ =	sdelay $0xe  }
0xcc: {  	s28 =	spop (v2sf)  }
0xcd: {  	s29 =	sshll.u32 s28, $0x7  }
0xce: {  	s26 =	sxor.u32 $0x80000000, s28;
	p1 =	sgt.s32 s28, $0xFFFFFFFF;
	s30 =	sand.u32 $0xFFFFFC00, s29  }
0xcf: {  	s28 =	sand.u32 $0xF, s28;
	p2 =	slt.s32 s26, $0x1;
	vm2 =	veq.s32 v9, s26;
	vm1 =	veq.s32 v11, s26;
	vm0 =	veq.s32 v10, s26;
	s30 =	sadd.s32 s6, s30  }
0xd0: {  	p1 =	por p1, p2;
	p2 =	sne.s32 s28, $0x0;
	s28 =	sand.u32 $0x380, s29  }
0xd1: {  	s29 =	sshra.s32 s26, $0x1F;
	p1 =	por !p2, !p1;
	s28 =	sor.u32 s28, s30  }
0xd2: {  	s29 =	sshrl.u32 s29, $0x1C;
	s30 =	simm.s32 $0x1;
	p1 =	por !p1, !p1  }
0xd3: {  	s28 =	sshrl.u32 s28, $0x3;
	s29 =	sadd.s32 s29, s26;
	s30 =	simm.s32 @!p1 $0x0  }
0xd4: {  	s28 =	sadd.s32 s5, s28;
	s29 =	sshrl.u32 s29, $0x4  }
0xd5: {  	s31 =	sadd.s32 $0xFFFFD800, s24;
	s29 =	ssub.s32 s29, s30  }
0xd6: {  	[tilespmem:s31], [sflag:$0x1] =	stream.linear.gather [hbm4b:s28+s3], $0x80, $0x38;
	[tilespmem:$0xDA80] =	vst v63  }
0xd7: {  	s28 =	sshll.u32 s29, $0x4  }
0xd8: {  	v17 =	vor.u32 s28, v5;
	v18 =	vld [tilespmem:s28+$0x2880]  }
0xd9: {  	vm3 =	veq.s32 v17, s26;
	_ =	sdelay $0x3  }
0xda: {  	v17 =	vsel vm3, s17, v18  }
0xdb: {  	[tilespmem:s28+$0x2880] =	vst v17  }
0xdc: {  	v17 =	vld [tilespmem:s23+$0xFFFFFFD0]  }
0xdd: {  	v18 =	vld [tilespmem:s23+$0xFFFFFFC0]  }
0xde: {  	v19 =	vld [tilespmem:s23+$0xFFFFFFE0]  }
0xdf: {  	v20 =	vld [tilespmem:s23+$0xFFFFFFF0]  }
0xe0: {  	v21 =	vld [tilespmem:s23+$0x0]  }
0xe1: {  	v17 =	vsel vm2, $0xFF800000, v17;
	v22 =	vld [tilespmem:s23+$0x10]  }
0xe2: {  	v18 =	vsel vm1, $0xFF800000, v18;
	v23 =	vld [tilespmem:s23+$0x20]  }
0xe3: {  	v24 =	vmax.f32 v18, v17;
	v19 =	vsel vm0, $0xFF800000, v19;
	vm0 =	veq.s32 v12, s26;
	v25 =	vld [tilespmem:s23+$0x30]  }
0xe4: {  	v24 =	vmax.f32 v24, v19;
	v20 =	vsel vm0, $0xFF800000, v20;
	vm0 =	veq.s32 v13, s26  }
0xe5: {  	v24 =	vmax.f32 v24, v20;
	v21 =	vsel vm0, $0xFF800000, v21;
	vm0 =	veq.s32 v14, s26  }
0xe6: {  	v24 =	vmax.f32 v24, v21;
	v22 =	vsel vm0, $0xFF800000, v22;
	vm0 =	veq.s32 v15, s26  }
0xe7: {  	v24 =	vmax.f32 v24, v22;
	v23 =	vsel vm0, $0xFF800000, v23;
	vm0 =	veq.s32 v16, s26  }
0xe8: {  	v24 =	vmax.f32 v24, v23;
	v25 =	vsel vm0, $0xFF800000, v25  }
0xe9: {  	v24 =	vmax.f32 v24, v25  }
0xea: {  	(xrf0) =	vmax.scan.msk.f32 $0xffff, v24;
	_ =	sdelay $0x5  }
0xeb: {  	v24, _, _ =	vpop (xrf0)  }
0xec: {  	v24 =	vbroadcast v24, $0xF;
	_ =	sdelay $0x1  }
0xed: {  	vm0 =	veq.f32 v17, v24;
	vm1 =	veq.f32 v18, v24;
	vm2 =	veq.f32 v19, v24  }
0xee: {  	vm3 =	veq.f32 v21, v24;
	v11 =	vnsel vm1, $0x40000000, v11;
	vm1 =	veq.f32 v20, v24  }
0xef: {  	vm5 =	veq.f32 v22, v24;
	vm6 =	veq.f32 v23, v24;
	vm4 =	vlt.s32 v11, v9  }
0xf0: {  	v9 =	vsel vm4, v11, v9;
	vm4 =	veq.f32 v25, v24  }
0xf1: {  	v10 =	vnsel vm2, $0x40000000, v10;
	v9 =	vsel vm0, v9, v11  }
0xf2: {  	vm0 =	vlt.s32 v9, v10  }
0xf3: {  	v9 =	vsel vm0, v9, v10;
	v10 =	vnsel vm1, $0x40000000, v12  }
0xf4: {  	vm0 =	vlt.s32 v9, v10  }
0xf5: {  	v9 =	vsel vm0, v9, v10;
	v10 =	vnsel vm3, $0x40000000, v13  }
0xf6: {  	vm0 =	vlt.s32 v9, v10  }
0xf7: {  	v9 =	vsel vm0, v9, v10;
	v10 =	vnsel vm5, $0x40000000, v14  }
0xf8: {  	vm0 =	vlt.s32 v9, v10  }
0xf9: {  	v9 =	vsel vm0, v9, v10;
	v10 =	vnsel vm6, $0x40000000, v15  }
0xfa: {  	vm0 =	vlt.s32 v9, v10  }
0xfb: {  	v9 =	vsel vm0, v9, v10;
	v10 =	vnsel vm4, $0x40000000, v16  }
0xfc: {  	vm0 =	vlt.s32 v9, v10  }
0xfd: {  	v9 =	vsel vm0, v9, v10  }
0xfe: {  	v9 =	vxor.u32 $0x80000000, v9  }
0xff: {  	(xrf0) =	vmin.scan.msk.u32 $0xffff, v9;
	_ =	sdelay $0x5  }
0x100: {  	v9, _, _ =	vpop (xrf0)  }
0x101: {  	(v2sf) =	vpush v9, $0xF;
	_ =	sdelay $0xc  }
.Ltmp2:
0x102: {  	(pc) =	sbr.rel @p0 .LBB2_5-.Ltmp2, $4  }
0x103: {  	s23 =	sadd.s32 $0x80, s23  }
0x104: {  	s24 =	sadd.s32 $0x80, s24;
	s25 =	sadd.s32 $0x80, s25;
	s29 =	spop (v2sf)  }
0x105: {  	s28 =	sshll.u32 s29, $0x7;
	s26 =	sxor.u32 $0x80000000, s29;
	s30 =	sand.u32 $0xF, s29  }
0x106: {  	p3 =	sgt.s32 s29, $0xFFFFFFFF;
	p2 =	slt.s32 s26, $0x1;
	p1 =	sne.s32 s30, $0x0  }
0x107: {  	s22 =	sand.u32 $0xFFFFFC00, s28  }
0x108: {  	s23 =	sshra.s32 s26, $0x1F;
	p0 =	por p3, p2;
	s24 =	sand.u32 $0x380, s28  }
0x109: {  	s25 =	simm.s32 $0x1;
	s23 =	sshrl.u32 s23, $0x1C;
	p0 =	por !p1, !p0  }
0x10a: {  	s22 =	sadd.s32 s6, s22;
	s23 =	sadd.s32 s23, s26;
	p0 =	por !p0, !p0  }
0x10b: {  	s22 =	sor.u32 s24, s22;
	s23 =	sshrl.u32 s23, $0x4;
	s25 =	simm.s32 @!p0 $0x0  }
0x10c: {  	s22 =	sshrl.u32 s22, $0x3;
	s23 =	ssub.s32 s23, s25  }
0x10d: {  	s22 =	sadd.s32 s5, s22;
	s23 =	sshll.u32 s23, $0x4  }
0x10e: {  	[tilespmem:s19], [sflag:$0x1] =	stream.linear.gather [hbm4b:s22+s3], $0x80, $0x38;
	[tilespmem:$0xDA80] =	vst v63  }
0x10f: {  	v9 =	vld [tilespmem:s23+$0x2880];
	_ =	sdelay $0x2  }
0x110: {  	v10 =	vor.u32 s23, v5  }
0x111: {  	s17 =	sadd.s32 $0x50, s17;
	vm0 =	veq.s32 v10, s26  }
0x112: {  	v9 =	vsel vm0, s17, v9  }
0x113: {  	[tilespmem:s23+$0x2880] =	vst v9  }
0x114: {  	_ =	swait.ge [sflag:s20], $0x5000  }
0x115: {  	[sflag:s20] =	ssyncset.done $0x0  }
0x116: {  	[sflag:s20] =	ssyncadd.s32 $0xFFFFB000  }
0x117: {  	v11 =	vld [tilespmem:$0x2800]  }
0x118: {  	v10 =	vld [tilespmem:$0x2810]  }
0x119: {  	v9 =	vld [tilespmem:$0x2820]  }
0x11a: {  	v13 =	vld [tilespmem:$0x2830]  }
0x11b: {  	v14 =	vld [tilespmem:$0x2840];
	_ =	sdelay $0x1  }
0x11c: {  	v12 =	vmax.f32 v11, v10  }
0x11d: {  	v12 =	vmax.f32 v12, v9  }
0x11e: {  	v12 =	vmax.f32 v12, v13  }
0x11f: {  	v12 =	vmax.f32 v12, v14  }
0x120: {  	(xrf0) =	vmax.scan.msk.f32 $0xffff, v12;
	_ =	sdelay $0x5  }
0x121: {  	v12, _, _ =	vpop (xrf0)  }
0x122: {  	v12 =	vbroadcast v12, $0xF;
	_ =	sdelay $0x1  }
0x123: {  	vm0 =	veq.f32 v14, v12  }
0x124: {  	vm1 =	veq.f32 v13, v12;
	v13 =	vnsel vm0, $0xC0000000, v7  }
0x125: {  	vm0 =	veq.f32 v9, v12;
	v9 =	vor.u32 $0x80000020, v5;
	v13 =	vsel vm1, v8, v13  }
0x126: {  	vm1 =	veq.f32 v10, v12;
	v10 =	vor.u32 $0x80000010, v5;
	v13 =	vsel vm0, v9, v13  }
0x127: {  	vm0 =	veq.f32 v11, v12;
	v11 =	vor.u32 $0x80000000, v5;
	v13 =	vsel vm1, v10, v13  }
0x128: {  	v13 =	vsel vm0, v11, v13  }
0x129: {  	(xrf0) =	vmin.scan.msk.u32 $0xffff, v13;
	_ =	sdelay $0x5  }
0x12a: {  	v13, _, _ =	vpop (xrf0)  }
0x12b: {  	(v2sf) =	vpush v13, $0xF;
	_ =	sdelay $0xe  }
0x12c: {  	s19 =	spop (v2sf)  }
0x12d: {  	s24 =	sshll.u32 s19, $0x9  }
0x12e: {  	s22 =	sshra.s32 s24, $0x2  }
0x12f: {  	v13 =	vld [tilespmem:s22+$0x0];
	_ =	sdelay $0x1  }
0x130: {  	s25 =	sshll.u32 s19, $0x7;
	v14 =	vld [tilespmem:s22+$0x20]  }
0x131: {  	v15 =	vor.u32 s25, v5;
	v16 =	vld [tilespmem:s22+$0x10]  }
0x132: {  	vm0 =	vlt.s32 v15, $0x40000000  }
0x133: {  	s26 =	sor.u32 $0x10, s25;
	v15 =	vnsel vm0, $0x40000000, v15;
	vm0 =	veq.f32 v13, v12;
	v13 =	vld [tilespmem:s22+$0x30]  }
0x134: {  	v17 =	vor.u32 s26, v5;
	v15 =	vnsel vm0, $0x40000000, v15  }
0x135: {  	s28 =	sor.u32 $0x20, s25;
	vm1 =	veq.f32 v14, v12;
	v14 =	vld [tilespmem:s22+$0x40];
	vm0 =	vlt.s32 v15, v17  }
0x136: {  	vm2 =	veq.f32 v16, v12;
	v16 =	vsel vm0, v15, v17;
	v17 =	vor.u32 s28, v5  }
0x137: {  	s29 =	sor.u32 $0x30, s25;
	v15 =	vsel vm2, v16, v15;
	v16 =	vnsel vm1, $0x40000000, v17;
	v17 =	vld [tilespmem:s22+$0x50]  }
0x138: {  	vm0 =	vlt.s32 v15, v16;
	vm1 =	veq.f32 v13, v12;
	v13 =	vor.u32 s29, v5  }
0x139: {  	s31 =	sor.u32 $0x40, s25;
	v15 =	vsel vm0, v15, v16;
	v13 =	vnsel vm1, $0x40000000, v13;
	v16 =	vld [tilespmem:s22+$0x60]  }
0x13a: {  	vm1 =	veq.f32 v14, v12;
	v14 =	vor.u32 s31, v5;
	vm0 =	vlt.s32 v15, v13  }
0x13b: {  	s0 =	sor.u32 $0x50, s25;
	v14 =	vnsel vm1, $0x40000000, v14;
	v13 =	vsel vm0, v15, v13;
	v15 =	vld [tilespmem:s22+$0x70]  }
0x13c: {  	vm0 =	vlt.s32 v13, v14;
	vm1 =	veq.f32 v17, v12;
	v17 =	vor.u32 s0, v5  }
0x13d: {  	s1 =	sor.u32 $0x60, s25;
	v13 =	vsel vm0, v13, v14;
	v14 =	vnsel vm1, $0x40000000, v17  }
0x13e: {  	vm0 =	vlt.s32 v13, v14;
	vm1 =	veq.f32 v16, v12;
	v16 =	vor.u32 s1, v5  }
0x13f: {  	s17 =	sor.u32 $0x70, s25;
	v13 =	vsel vm0, v13, v14;
	v14 =	vnsel vm1, $0x40000000, v16  }
0x140: {  	vm0 =	vlt.s32 v13, v14;
	vm1 =	veq.f32 v15, v12;
	v15 =	vor.u32 s17, v5  }
0x141: {  	v13 =	vsel vm0, v13, v14;
	v14 =	vnsel vm1, $0x40000000, v15  }
0x142: {  	vm0 =	vlt.s32 v13, v14  }
0x143: {  	v13 =	vsel vm0, v13, v14  }
0x144: {  	v13 =	vxor.u32 $0x80000000, v13  }
0x145: {  	(xrf0) =	vmin.scan.msk.u32 $0xffff, v13;
	_ =	sdelay $0x5  }
0x146: {  	v13, _, _ =	vpop (xrf0)  }
0x147: {  	(v2sf) =	vpush v13, $0xF;
	_ =	sdelay $0xe  }
0x148: {  	s2 =	spop (v2sf)  }
0x149: {  	s24 =	sxor.u32 $0x80000000, s2  }
0x14a: {  	s26 =	sand.u32 $0xF, s2;
	p2 =	sgt.s32 s2, $0xFFFFFFFF;
	p1 =	slt.s32 s24, $0x1  }
0x14b: {  	s28 =	sshra.s32 s24, $0x1F;
	p3 =	sne.s32 s26, $0x0;
	p0 =	por p2, p1  }
0x14c: {  	s29 =	sshrl.u32 s28, $0x1C;
	p0 =	por !p3, !p0  }
0x14d: {  	s25 =	simm.s32 $0x1;
	s23 =	sadd.s32 s29, s24;
	p0 =	por !p0, !p0  }
0x14e: {  	s23 =	sshrl.u32 s23, $0x4;
	s25 =	simm.s32 @!p0 $0x0  }
0x14f: {  	s23 =	ssub.s32 s23, s25  }
0x150: {  	s25 =	sshll.u32 s23, $0x4  }
0x151: {  	v13 =	vld [tilespmem:s25+$0x2880];
	_ =	sdelay $0x3  }
0x152: {  	v23 =	vor.u32 s25, v5  }
0x153: {  	vm0 =	veq.s32 v23, s24;
	v13 =	vxor.u32 $0x80000000, v13  }
0x154: {  	v13 =	vnsel vm0, $0x40000000, v13  }
0x155: {  	(xrf0) =	vmax.scan.msk.u32 $0xffff, v13;
	_ =	sdelay $0x5  }
0x156: {  	v13, _, _ =	vpop (xrf0)  }
0x157: {  	(v2sf) =	vpush v13, $0xF;
	_ =	sdelay $0xe  }
0x158: {  	s31 =	spop (v2sf)  }
0x159: {  	s23 =	sshll.u32 s2, $0x7;
	p0 =	slt.s32 s31, $0x0  }
0x15a: {  	s17 =	sand.u32 @!p0 $0xFFFFFC00, s23  }
0x15b: {  	s29 =	sand.u32 @!p0 $0x380, s23;
	s28 =	sadd.s32 @!p0 s6, s17  }
0x15c: {  	s30 =	simm.s32 $0xA0;
	p1 =	sgt.s32 s31, $0xFFFFFFFF;
	s29 =	sor.u32 @!p0 s29, s28  }
0x15d: {  	s17 =	simm.s32 $0xA100;
	s28 =	sxor.u32 $0x80000000, s31;
	s26 =	sshrl.u32 @!p0 s29, $0x3  }
0x15e: {  	s31 =	simm.s32 @!p0 $0x2;
	s29 =	simm.s32 @!p0 $0x0;
	s26 =	sadd.s32 @!p0 s5, s26  }
0x15f: {  	[tilespmem:s17], [sflag:$0x2] =	stream.linear.gather @!p0 [hbm4b:s26+s29], $0x80, $0x38;
	[tilespmem:$0xDA80] =	vst v63  }
0x160: {  	s28 =	smov.u32 @p1 s30;
	_ =	swait.ge @!p0 [sflag:s31], $0x80  }
0x161: {  	s0 =	sshll.u32 s28, $0x9;
	[sflag:s31] =	ssyncset.done @!p0 $0x0  }
0x162: {  	s1 =	sshra.s32 s0, $0x2;
	[sflag:s31] =	ssyncadd.s32 @!p0 $0xFFFFFF80  }
0x163: {  	v24 =	vld [tilespmem:s1+$0x5170]  }
0x164: {  	v25 =	vld [tilespmem:s1+$0x5160]  }
0x165: {  	v26 =	vld [tilespmem:s1+$0x5150]  }
0x166: {  	v27 =	vld [tilespmem:s1+$0x5140]  }
0x167: {  	v28 =	vld [tilespmem:s1+$0x5130]  }
0x168: {  	v13 =	vor.u32 $0x80000070, v5;
	v29 =	vld [tilespmem:s1+$0x5120];
	vm0 =	veq.f32 v24, v12  }
0x169: {  	v14 =	vor.u32 $0x80000060, v5;
	v30 =	vld [tilespmem:s1+$0x5110];
	vm1 =	veq.f32 v25, v12;
	v15 =	vnsel vm0, $0xC0000000, v13  }
0x16a: {  	v31 =	vld [tilespmem:s1+$0x5100];
	vm0 =	veq.f32 v26, v12;
	v16 =	vsel vm1, v14, v15;
	v15 =	vor.u32 $0x80000050, v5  }
0x16b: {  	vm1 =	veq.f32 v27, v12;
	v16 =	vsel vm0, v15, v16  }
0x16c: {  	vm0 =	veq.f32 v28, v12;
	v16 =	vsel vm1, v7, v16  }
0x16d: {  	vm1 =	veq.f32 v29, v12;
	v16 =	vsel vm0, v8, v16  }
0x16e: {  	vm0 =	veq.f32 v30, v12;
	v16 =	vsel vm1, v9, v16  }
0x16f: {  	vm1 =	veq.f32 v31, v12;
	v16 =	vsel vm0, v10, v16  }
0x170: {  	v16 =	vsel vm1, v11, v16  }
0x171: {  	(xrf0) =	vmin.scan.msk.u32 $0xffff, v16;
	_ =	sdelay $0x5  }
0x172: {  	v16, _, _ =	vpop (xrf0)  }
0x173: {  	(v2sf) =	vpush v16, $0xF;
	_ =	sdelay $0xe  }
0x174: {  	v18 =	vor.u32 $0x30, v5;
	s2 =	spop (v2sf)  }
0x175: {  	v19 =	vor.u32 $0x40, v5;
	v20 =	vor.u32 $0x50, v5;
	v21 =	vor.u32 $0x10, v5;
	s26 =	sxor.u32 $0x80000000, s2  }
0x176: {  	v22 =	vor.u32 $0x20, v5;
	v17 =	vor.u32 $0x70, v5;
	v32 =	vmov s26  }
0x177: {  	v16 =	vor.u32 $0x60, v5;
	vm0 =	veq.s32 v32, v5;
	vm1 =	veq.s32 v32, v21  }
0x178: {  	vm2 =	veq.s32 v32, v22;
	v31 =	vsel vm0, $0xBF800000, v31;
	v30 =	vsel vm1, $0xBF800000, v30  }
0x179: {  	vm0 =	veq.s32 v32, v18;
	v29 =	vsel vm2, $0xBF800000, v29;
	v33 =	vmax.f32 v31, v30  }
0x17a: {  	vm1 =	veq.s32 v32, v19;
	v28 =	vsel vm0, $0xBF800000, v28;
	v33 =	vmax.f32 v33, v29  }
0x17b: {  	v27 =	vsel vm1, $0xBF800000, v27;
	vm0 =	veq.s32 v32, v20;
	[tilespmem:s1+$0x5110] =	vst v30;
	v33 =	vmax.f32 v33, v28  }
0x17c: {  	vm1 =	veq.s32 v32, v16;
	[tilespmem:s1+$0x5100] =	vst v31;
	v26 =	vsel vm0, $0xBF800000, v26;
	v62 =	vmax.f32 v33, v27  }
0x17d: {  	[tilespmem:s1+$0x5120] =	vst v29;
	v25 =	vsel vm1, $0xBF800000, v25;
	vm0 =	veq.s32 v32, v17;
	v30 =	vmax.f32 v62, v26  }
0x17e: {  	[tilespmem:s1+$0x5140] =	vst v27;
	v24 =	vsel vm0, $0xBF800000, v24;
	v63 =	vmax.f32 v30, v25  }
0x17f: {  	[tilespmem:s1+$0x5130] =	vst v28;
	v27 =	vmax.f32 v63, v24  }
0x180: {  	[tilespmem:s1+$0x5150] =	vst v26;
	(xrf0) =	vmax.scan.msk.f32 $0xffff, v27  }
0x181: {  	[tilespmem:s1+$0x5160] =	vst v25  }
0x182: {  	[tilespmem:s1+$0x5170] =	vst v24  }
0x183: {  	v24 =	vld [tilespmem:s25+$0x2880]  }
0x184: {  	v25 =	vld [tilespmem:s25+$0x0];
	_ =	sdelay $0x1  }
0x185: {  	v27 =	vmov s24;
	v26, _, _ =	vpop (xrf0)  }
0x186: {  	vm0 =	veq.s32 v23, v27;
	v26 =	vbroadcast v26, $0xF  }
0x187: {  	v23 =	vsel vm0, s28, v24  }
0x188: {  	[tilespmem:s25+$0x2880] =	vst v23;
	v23 =	vsel vm0, v26, v25  }
0x189: {  	[tilespmem:s25+$0x0] =	vst v23  }
0x18a: {  	v23 =	vld [tilespmem:s22+$0x0]  }
0x18b: {  	v24 =	vld [tilespmem:s22+$0x10]  }
0x18c: {  	v25 =	vld [tilespmem:s22+$0x20]  }
0x18d: {  	v26 =	vld [tilespmem:s22+$0x30]  }
0x18e: {  	v27 =	vld [tilespmem:s22+$0x40]  }
0x18f: {  	v28 =	vld [tilespmem:s22+$0x50]  }
0x190: {  	v23 =	vmax.f32 v23, v24;
	v24 =	vld [tilespmem:s22+$0x60]  }
0x191: {  	v23 =	vmax.f32 v23, v25;
	v25 =	vld [tilespmem:s22+$0x70]  }
0x192: {  	v23 =	vmax.f32 v23, v26  }
0x193: {  	s25 =	sxor.u32 $0x80000000, s19;
	v23 =	vmax.f32 v23, v27  }
0x194: {  	p5 =	sgt.s32 s19, $0xFFFFFFFF;
	s28 =	sand.u32 $0xF, s19;
	p4 =	slt.s32 s25, $0x1;
	v23 =	vmax.f32 v23, v28  }
0x195: {  	p6 =	sne.s32 s28, $0x0;
	s29 =	sshra.s32 s25, $0x1F;
	p0 =	por p5, p4;
	v23 =	vmax.f32 v23, v24  }
0x196: {  	s19 =	sshrl.u32 s29, $0x1C;
	p0 =	por !p6, !p0;
	v23 =	vmax.f32 v23, v25  }
0x197: {  	s24 =	simm.s32 $0x1;
	s19 =	sadd.s32 s19, s25;
	p0 =	por !p0, !p0;
	(xrf0) =	vmax.scan.msk.f32 $0xffff, v23  }
0x198: {  	s19 =	sshrl.u32 s19, $0x4;
	s24 =	simm.s32 @!p0 $0x0  }
0x199: {  	s19 =	ssub.s32 s19, s24  }
0x19a: {  	s19 =	sshll.u32 s19, $0x4  }
0x19b: {  	v23 =	vld [tilespmem:s19+$0x2800];
	_ =	sdelay $0x1  }
0x19c: {  	v24, _, _ =	vpop (xrf0)  }
0x19d: {  	v25 =	vor.u32 s19, v5;
	v24 =	vbroadcast v24, $0xF  }
0x19e: {  	vm0 =	veq.s32 v25, s25  }
0x19f: {  	s31 =	simm.s32 $0x0;
	v23 =	vsel vm0, v24, v23  }
0x1a0: {  	s24 =	sand.u32 $0x70, s31;
	[tilespmem:s19+$0x2800] =	vst v23  }
0x1a1: {  	v24 =	vor.u32 s24, v5;
	v23 =	vld [tilespmem:s24+$0xD500]  }
0x1a2: {  	s30 =	sadd.s32 s23, s26;
	s19 =	simm.s32 $0x1;
	vm0 =	veq.s32 v24, s31;
	v24 =	vld [tilespmem:s24+$0xD580]  }
.LBB2_7:
0x1a3: {  	_ =	sdelay $0x1  }
0x1a4: {  	s17 =	sadd.s32 $0x80, s17;
	s22 =	smov.u32 s19;
	s19 =	sadd.s32 $0x1, s19  }
0x1a5: {  	p0 =	sne.s32 s19, $0x64;
	v12 =	vsel vm0, v12, v23  }
0x1a6: {  	[tilespmem:s24+$0xD500] =	vst v12;
	v12 =	vsel vm0, s30, v24  }
0x1a7: {  	[tilespmem:s24+$0xD580] =	vst v12  }
0x1a8: {  	v23 =	vld [tilespmem:$0x2800]  }
0x1a9: {  	v24 =	vld [tilespmem:$0x2810]  }
0x1aa: {  	v25 =	vld [tilespmem:$0x2820]  }
0x1ab: {  	v26 =	vld [tilespmem:$0x2830]  }
0x1ac: {  	v27 =	vld [tilespmem:$0x2840];
	_ =	sdelay $0x1  }
0x1ad: {  	v12 =	vmax.f32 v23, v24  }
0x1ae: {  	v12 =	vmax.f32 v12, v25  }
0x1af: {  	v12 =	vmax.f32 v12, v26  }
0x1b0: {  	v12 =	vmax.f32 v12, v27  }
0x1b1: {  	(xrf0) =	vmax.scan.msk.f32 $0xffff, v12;
	_ =	sdelay $0x5  }
0x1b2: {  	v12, _, _ =	vpop (xrf0)  }
0x1b3: {  	v12 =	vbroadcast v12, $0xF;
	_ =	sdelay $0x1  }
0x1b4: {  	vm0 =	veq.f32 v24, v12;
	vm1 =	veq.f32 v25, v12;
	vm2 =	veq.f32 v27, v12  }
0x1b5: {  	vm3 =	veq.f32 v23, v12;
	vm4 =	veq.f32 v26, v12;
	v23 =	vnsel vm2, $0xC0000000, v7  }
0x1b6: {  	v23 =	vsel vm4, v8, v23  }
0x1b7: {  	v23 =	vsel vm1, v9, v23  }
0x1b8: {  	v23 =	vsel vm0, v10, v23  }
0x1b9: {  	v23 =	vsel vm3, v11, v23  }
0x1ba: {  	(xrf0) =	vmin.scan.msk.u32 $0xffff, v23;
	_ =	sdelay $0x5  }
0x1bb: {  	v23, _, _ =	vpop (xrf0)  }
0x1bc: {  	(v2sf) =	vpush v23, $0xF;
	_ =	sdelay $0xe  }
0x1bd: {  	s25 =	spop (v2sf)  }
0x1be: {  	s28 =	sshll.u32 s25, $0x7;
	s24 =	sshll.u32 s25, $0x9;
	s30 =	sand.u32 $0xF, s25  }
0x1bf: {  	s23 =	sxor.u32 $0x80000000, s25;
	s24 =	sshra.s32 s24, $0x2;
	v23 =	vor.u32 s28, v5;
	s31 =	sor.u32 $0x10, s28  }
0x1c0: {  	s0 =	sor.u32 $0x30, s28;
	s1 =	sor.u32 $0x40, s28;
	p1 =	slt.s32 s23, $0x1;
	v24 =	vld [tilespmem:s24+$0x0];
	vm0 =	vlt.s32 v23, $0x40000000  }
0x1c1: {  	p2 =	sgt.s32 s25, $0xFFFFFFFF;
	s29 =	sor.u32 $0x60, s28;
	s26 =	sor.u32 $0x70, s28;
	v23 =	vnsel vm0, $0x40000000, v23  }
0x1c2: {  	s25 =	sshra.s32 s23, $0x1F;
	p1 =	por p2, p1;
	p2 =	sne.s32 s30, $0x0;
	v25 =	vld [tilespmem:s24+$0x20]  }
0x1c3: {  	s25 =	sshrl.u32 s25, $0x1C;
	p1 =	por !p2, !p1;
	v26 =	vld [tilespmem:s24+$0x10]  }
0x1c4: {  	s30 =	simm.s32 $0x1;
	s25 =	sadd.s32 s25, s23;
	p1 =	por !p1, !p1  }
0x1c5: {  	s25 =	sshrl.u32 s25, $0x4;
	s30 =	simm.s32 @!p1 $0x0;
	vm0 =	veq.f32 v24, v12;
	v24 =	vld [tilespmem:s24+$0x30]  }
0x1c6: {  	v27 =	vor.u32 s31, v5;
	s25 =	ssub.s32 s25, s30;
	v23 =	vnsel vm0, $0x40000000, v23  }
0x1c7: {  	s30 =	sor.u32 $0x20, s28;
	vm0 =	vlt.s32 v23, v27;
	vm1 =	veq.f32 v25, v12;
	v25 =	vld [tilespmem:s24+$0x40]  }
0x1c8: {  	vm2 =	veq.f32 v26, v12;
	v26 =	vsel vm0, v23, v27;
	v27 =	vor.u32 s30, v5  }
0x1c9: {  	v23 =	vsel vm2, v26, v23;
	v26 =	vnsel vm1, $0x40000000, v27;
	v27 =	vld [tilespmem:s24+$0x50]  }
0x1ca: {  	vm0 =	vlt.s32 v23, v26;
	vm1 =	veq.f32 v24, v12;
	v24 =	vor.u32 s0, v5  }
0x1cb: {  	v23 =	vsel vm0, v23, v26;
	v24 =	vnsel vm1, $0x40000000, v24;
	v26 =	vld [tilespmem:s24+$0x60]  }
0x1cc: {  	vm0 =	vlt.s32 v23, v24;
	vm1 =	veq.f32 v25, v12;
	v25 =	vor.u32 s1, v5  }
0x1cd: {  	s0 =	sor.u32 $0x50, s28;
	v23 =	vsel vm0, v23, v24;
	v24 =	vnsel vm1, $0x40000000, v25;
	v25 =	vld [tilespmem:s24+$0x70]  }
0x1ce: {  	vm0 =	vlt.s32 v23, v24;
	vm1 =	veq.f32 v27, v12;
	v27 =	vor.u32 s0, v5  }
0x1cf: {  	v23 =	vsel vm0, v23, v24;
	v24 =	vnsel vm1, $0x40000000, v27  }
0x1d0: {  	vm0 =	vlt.s32 v23, v24;
	vm1 =	veq.f32 v26, v12;
	v26 =	vor.u32 s29, v5  }
0x1d1: {  	v23 =	vsel vm0, v23, v24;
	v24 =	vnsel vm1, $0x40000000, v26  }
0x1d2: {  	vm0 =	vlt.s32 v23, v24;
	vm1 =	veq.f32 v25, v12;
	v25 =	vor.u32 s26, v5  }
0x1d3: {  	v23 =	vsel vm0, v23, v24;
	v24 =	vnsel vm1, $0x40000000, v25  }
0x1d4: {  	vm0 =	vlt.s32 v23, v24  }
0x1d5: {  	v23 =	vsel vm0, v23, v24  }
0x1d6: {  	v23 =	vxor.u32 $0x80000000, v23  }
0x1d7: {  	(xrf0) =	vmin.scan.msk.u32 $0xffff, v23;
	_ =	sdelay $0x5  }
0x1d8: {  	v23, _, _ =	vpop (xrf0)  }
0x1d9: {  	(v2sf) =	vpush v23, $0xF;
	_ =	sdelay $0xe  }
0x1da: {  	s29 =	spop (v2sf)  }
0x1db: {  	s26 =	sxor.u32 $0x80000000, s29;
	s0 =	sand.u32 $0xF, s29  }
0x1dc: {  	p2 =	sgt.s32 s29, $0xFFFFFFFF;
	s1 =	sshra.s32 s26, $0x1F;
	p1 =	slt.s32 s26, $0x1  }
0x1dd: {  	s1 =	sshrl.u32 s1, $0x1C;
	p1 =	por p2, p1;
	p2 =	sne.s32 s0, $0x0  }
0x1de: {  	s0 =	sadd.s32 s1, s26;
	p1 =	por !p2, !p1  }
0x1df: {  	s1 =	simm.s32 $0x1;
	p1 =	por !p1, !p1  }
0x1e0: {  	s0 =	sshrl.u32 s0, $0x4;
	s1 =	simm.s32 @!p1 $0x0  }
0x1e1: {  	s0 =	ssub.s32 s0, s1  }
0x1e2: {  	s28 =	sshll.u32 s0, $0x4  }
0x1e3: {  	v23 =	vor.u32 s28, v5;
	v24 =	vld [tilespmem:s28+$0x2880]  }
0x1e4: {  	vm0 =	veq.s32 v23, s26;
	_ =	sdelay $0x3  }
0x1e5: {  	v24 =	vxor.u32 $0x80000000, v24  }
0x1e6: {  	v24 =	vnsel vm0, $0x40000000, v24  }
0x1e7: {  	(xrf0) =	vmax.scan.msk.u32 $0xffff, v24;
	_ =	sdelay $0x5  }
0x1e8: {  	v24, _, _ =	vpop (xrf0)  }
0x1e9: {  	(v2sf) =	vpush v24, $0xF;
	_ =	sdelay $0xe  }
0x1ea: {  	s30 =	sshll.u32 s29, $0x7;
	s0 =	sadd.s32 $0xA0, s22;
	s1 =	spop (v2sf)  }
0x1eb: {  	s29 =	sxor.u32 $0x80000000, s1;
	p1 =	slt.s32 s1, $0x0;
	p2 =	sgt.s32 s1, $0xFFFFFFFF  }
0x1ec: {  	s29 =	smov.u32 @p2 s0;
	s0 =	sand.u32 @!p1 $0xFFFFFC00, s30  }
0x1ed: {  	s1 =	sand.u32 @!p1 $0x380, s30;
	s0 =	sadd.s32 @!p1 s6, s0;
	s31 =	sshll.u32 s29, $0x9  }
0x1ee: {  	s0 =	sor.u32 @!p1 s1, s0  }
0x1ef: {  	s0 =	sshrl.u32 @!p1 s0, $0x3  }
0x1f0: {  	s2 =	simm.s32 @!p1 $0x2;
	s1 =	simm.s32 @!p1 $0x0;
	s0 =	sadd.s32 @!p1 s5, s0  }
0x1f1: {  	[tilespmem:s17], [sflag:$0x2] =	stream.linear.gather @!p1 [hbm4b:s0+s1], $0x80, $0x38;
	[tilespmem:$0xDA80] =	vst v63  }
0x1f2: {  	_ =	swait.ge @!p1 [sflag:s2], $0x80  }
0x1f3: {  	[sflag:s2] =	ssyncset.done @!p1 $0x0  }
0x1f4: {  	s31 =	sshra.s32 s31, $0x2;
	[sflag:s2] =	ssyncadd.s32 @!p1 $0xFFFFFF80  }
0x1f5: {  	v24 =	vld [tilespmem:s31+$0x5170]  }
0x1f6: {  	v25 =	vld [tilespmem:s31+$0x5160]  }
0x1f7: {  	v26 =	vld [tilespmem:s31+$0x5150]  }
0x1f8: {  	v27 =	vld [tilespmem:s31+$0x5140]  }
0x1f9: {  	v28 =	vld [tilespmem:s31+$0x5130]  }
0x1fa: {  	v29 =	vld [tilespmem:s31+$0x5120];
	vm0 =	veq.f32 v24, v12  }
0x1fb: {  	v30 =	vld [tilespmem:s31+$0x5110];
	vm1 =	veq.f32 v25, v12;
	v31 =	vnsel vm0, $0xC0000000, v13  }
0x1fc: {  	v32 =	vld [tilespmem:s31+$0x5100];
	vm0 =	veq.f32 v26, v12;
	v31 =	vsel vm1, v14, v31  }
0x1fd: {  	vm1 =	veq.f32 v27, v12;
	v31 =	vsel vm0, v15, v31  }
0x1fe: {  	vm0 =	veq.f32 v28, v12;
	v31 =	vsel vm1, v7, v31  }
0x1ff: {  	vm1 =	veq.f32 v29, v12;
	v31 =	vsel vm0, v8, v31  }
0x200: {  	vm0 =	veq.f32 v30, v12;
	v31 =	vsel vm1, v9, v31  }
0x201: {  	vm1 =	veq.f32 v32, v12;
	v31 =	vsel vm0, v10, v31  }
0x202: {  	v31 =	vsel vm1, v11, v31  }
0x203: {  	(xrf0) =	vmin.scan.msk.u32 $0xffff, v31;
	_ =	sdelay $0x5  }
0x204: {  	v31, _, _ =	vpop (xrf0)  }
0x205: {  	(v2sf) =	vpush v31, $0xF;
	_ =	sdelay $0xe  }
0x206: {  	s0 =	spop (v2sf)  }
0x207: {  	s0 =	sxor.u32 $0x80000000, s0  }
0x208: {  	v31 =	vmov s0;
	s30 =	sadd.s32 s30, s0  }
0x209: {  	vm0 =	veq.s32 v31, v5;
	vm1 =	veq.s32 v31, v21;
	vm2 =	veq.s32 v31, v22  }
0x20a: {  	v32 =	vsel vm0, $0xBF800000, v32;
	v30 =	vsel vm1, $0xBF800000, v30;
	vm0 =	veq.s32 v31, v18  }
0x20b: {  	v29 =	vsel vm2, $0xBF800000, v29;
	vm1 =	veq.s32 v31, v19;
	v33 =	vmax.f32 v32, v30  }
0x20c: {  	v28 =	vsel vm0, $0xBF800000, v28;
	v27 =	vsel vm1, $0xBF800000, v27;
	v33 =	vmax.f32 v33, v29  }
0x20d: {  	vm0 =	veq.s32 v31, v20;
	vm1 =	veq.s32 v31, v16;
	v33 =	vmax.f32 v33, v28  }
0x20e: {  	v26 =	vsel vm0, $0xBF800000, v26;
	v25 =	vsel vm1, $0xBF800000, v25;
	[tilespmem:s31+$0x5110] =	vst v30;
	v30 =	vmax.f32 v33, v27  }
0x20f: {  	vm0 =	veq.s32 v31, v17;
	[tilespmem:s31+$0x5100] =	vst v32;
	v30 =	vmax.f32 v30, v26  }
0x210: {  	v24 =	vsel vm0, $0xBF800000, v24;
	[tilespmem:s31+$0x5120] =	vst v29;
	v29 =	vmax.f32 v30, v25  }
0x211: {  	[tilespmem:s31+$0x5140] =	vst v27;
	v27 =	vmax.f32 v29, v24  }
0x212: {  	[tilespmem:s31+$0x5130] =	vst v28;
	(xrf0) =	vmax.scan.msk.f32 $0xffff, v27  }
0x213: {  	[tilespmem:s31+$0x5150] =	vst v26  }
0x214: {  	[tilespmem:s31+$0x5170] =	vst v24  }
0x215: {  	[tilespmem:s31+$0x5160] =	vst v25  }
0x216: {  	v24 =	vld [tilespmem:s28+$0x2880]  }
0x217: {  	v25 =	vld [tilespmem:s28+$0x0]  }
0x218: {  	v26, _, _ =	vpop (xrf0)  }
0x219: {  	v27 =	vmov s26;
	v26 =	vbroadcast v26, $0xF  }
0x21a: {  	vm0 =	veq.s32 v23, v27  }
0x21b: {  	v23 =	vsel vm0, s29, v24  }
0x21c: {  	[tilespmem:s28+$0x2880] =	vst v23;
	v23 =	vsel vm0, v26, v25  }
0x21d: {  	[tilespmem:s28+$0x0] =	vst v23  }
0x21e: {  	v23 =	vld [tilespmem:s24+$0x0]  }
0x21f: {  	v24 =	vld [tilespmem:s24+$0x10]  }
0x220: {  	v25 =	vld [tilespmem:s24+$0x20]  }
0x221: {  	v26 =	vld [tilespmem:s24+$0x30]  }
0x222: {  	v27 =	vld [tilespmem:s24+$0x40]  }
0x223: {  	v28 =	vld [tilespmem:s24+$0x50]  }
0x224: {  	v23 =	vmax.f32 v23, v24;
	v24 =	vld [tilespmem:s24+$0x60]  }
0x225: {  	s0 =	sshll.u32 s25, $0x4;
	v23 =	vmax.f32 v23, v25;
	v25 =	vld [tilespmem:s24+$0x70]  }
0x226: {  	v23 =	vmax.f32 v23, v26;
	v26 =	vor.u32 s0, v5;
	v29 =	vld [tilespmem:s0+$0x2800]  }
0x227: {  	v23 =	vmax.f32 v23, v27;
	vm0 =	veq.s32 v26, s23  }
0x228: {  	v23 =	vmax.f32 v23, v28  }
0x229: {  	v23 =	vmax.f32 v23, v24  }
0x22a: {  	v23 =	vmax.f32 v23, v25  }
0x22b: {  	(xrf0) =	vmax.scan.msk.f32 $0xffff, v23;
	_ =	sdelay $0x5  }
0x22c: {  	v23, _, _ =	vpop (xrf0)  }
0x22d: {  	v23 =	vbroadcast v23, $0xF  }
.Ltmp3:
0x22e: {  	(pc) =	sbr.rel @p0 .LBB2_7-.Ltmp3, $4  }
0x22f: {  	v23 =	vsel vm0, v23, v29  }
0x230: {  	s24 =	sand.u32 $0x70, s22;
	[tilespmem:s0+$0x2800] =	vst v23  }
0x231: {  	v24 =	vor.u32 s24, v5;
	v23 =	vld [tilespmem:s24+$0xD500]  }
0x232: {  	vm0 =	veq.s32 v24, s22;
	v24 =	vld [tilespmem:s24+$0xD580]  }
0x233: {  	_ =	sdelay $0x2  }
0x234: {  	v9 =	vsel vm0, v12, v23  }
0x235: {  	v10 =	vsel vm0, s30, v24;
	[tilespmem:s24+$0xD500] =	vst v9  }
0x236: {  	[tilespmem:s24+$0xD580] =	vst v10  }
0x237: {  	v9 =	vld [tilespmem:$0xD580]  }
0x238: {  	v10 =	vld [tilespmem:$0xD590]  }
0x239: {  	v11 =	vld [tilespmem:$0xD5A0]  }
0x23a: {  	v29 =	vld [tilespmem:$0xD5B0]  }
0x23b: {  	v13 =	vld [tilespmem:$0xD5C0]  }
0x23c: {  	v14 =	vld [tilespmem:$0xD5D0];
	v9 =	vand.u32 $0x3FFF, v9  }
0x23d: {  	v15 =	vld [tilespmem:$0xD5E0];
	v10 =	vand.u32 $0x3FFF, v10;
	v9 =	vor.u32 v1, v9  }
0x23e: {  	[tilespmem:$0xD600] =	vst v9;
	v9 =	vor.u32 v1, v10;
	v10 =	vand.u32 $0x3FFF, v11;
	v11 =	vld [tilespmem:$0xD5F0]  }
0x23f: {  	[tilespmem:$0xD610] =	vst v9;
	v9 =	vor.u32 v1, v10;
	v10 =	vand.u32 $0x3FFF, v29  }
0x240: {  	[tilespmem:$0xD620] =	vst v9;
	v9 =	vor.u32 v1, v10;
	v10 =	vand.u32 $0x3FFF, v13  }
0x241: {  	[tilespmem:$0xD630] =	vst v9;
	v9 =	vor.u32 v1, v10;
	v10 =	vand.u32 $0x3FFF, v14  }
0x242: {  	[tilespmem:$0xD640] =	vst v9;
	v9 =	vor.u32 v1, v10;
	v10 =	vand.u32 $0x3FFF, v15  }
0x243: {  	[tilespmem:$0xD650] =	vst v9;
	v9 =	vor.u32 v1, v10;
	v10 =	vand.u32 $0x3FFF, v11  }
0x244: {  	[tilespmem:$0xD660] =	vst v9;
	v9 =	vor.u32 v1, v10  }
0x245: {  	s0 =	rddreg [dreg:$0x2];
	s1 =	simm.s32 $0xD680;
	[tilespmem:$0xD670] =	vst v9  }
0x246: {  	[tilespmem:s1], [sflag:$0x1] =	stream.indirect.gather [hbm4b:s0+s16], $0x1, s21, s16, $0xb8;
	[tilespmem:$0xDA80] =	vst v63  }
0x247: {  	_ =	swait.ge [sflag:s20], $0x80  }
0x248: {  	[sflag:s20] =	ssyncset.done $0x0  }
0x249: {  	[sflag:s20] =	ssyncadd.s32 $0xFFFFFF80  }
0x24a: {  	v9 =	vld [tilespmem:$0xD580]  }
0x24b: {  	v10 =	vld [tilespmem:$0xD590]  }
0x24c: {  	v11 =	vld [tilespmem:$0xD5A0]  }
0x24d: {  	v30 =	vld [tilespmem:$0xD5B0]  }
0x24e: {  	v31 =	vld [tilespmem:$0xD5C0]  }
0x24f: {  	v32 =	vld [tilespmem:$0xD5D0];
	v9 =	vand.u32 $0x3FFF, v9  }
0x250: {  	v33 =	vld [tilespmem:$0xD5E0];
	v10 =	vand.u32 $0x3FFF, v10;
	v9 =	vor.u32 v2, v9  }
0x251: {  	[tilespmem:$0xD600] =	vst v9;
	v9 =	vor.u32 v2, v10;
	v10 =	vand.u32 $0x3FFF, v11;
	v11 =	vld [tilespmem:$0xD5F0]  }
0x252: {  	[tilespmem:$0xD610] =	vst v9;
	v9 =	vor.u32 v2, v10;
	v10 =	vand.u32 $0x3FFF, v30  }
0x253: {  	[tilespmem:$0xD620] =	vst v9;
	v9 =	vor.u32 v2, v10;
	v10 =	vand.u32 $0x3FFF, v31  }
0x254: {  	[tilespmem:$0xD630] =	vst v9;
	v9 =	vor.u32 v2, v10;
	v10 =	vand.u32 $0x3FFF, v32  }
0x255: {  	[tilespmem:$0xD640] =	vst v9;
	v9 =	vor.u32 v2, v10;
	v10 =	vand.u32 $0x3FFF, v33  }
0x256: {  	[tilespmem:$0xD650] =	vst v9;
	v9 =	vor.u32 v2, v10;
	v10 =	vand.u32 $0x3FFF, v11  }
0x257: {  	[tilespmem:$0xD660] =	vst v9;
	v9 =	vor.u32 v2, v10  }
0x258: {  	s19 =	simm.s32 $0xD700;
	[tilespmem:$0xD670] =	vst v9  }
0x259: {  	[tilespmem:s19], [sflag:$0x1] =	stream.indirect.gather [hbm4b:s0+s16], $0x1, s21, s16, $0xb8;
	[tilespmem:$0xDA80] =	vst v63  }
0x25a: {  	_ =	swait.ge [sflag:s20], $0x80  }
0x25b: {  	[sflag:s20] =	ssyncset.done $0x0  }
0x25c: {  	[sflag:s20] =	ssyncadd.s32 $0xFFFFFF80  }
0x25d: {  	v9 =	vld [tilespmem:$0xD580]  }
0x25e: {  	v10 =	vld [tilespmem:$0xD590]  }
0x25f: {  	v11 =	vld [tilespmem:$0xD5A0]  }
0x260: {  	v34 =	vld [tilespmem:$0xD5B0]  }
0x261: {  	v35 =	vld [tilespmem:$0xD5C0]  }
0x262: {  	v36 =	vld [tilespmem:$0xD5D0];
	v9 =	vand.u32 $0x3FFF, v9  }
0x263: {  	v37 =	vld [tilespmem:$0xD5E0];
	v10 =	vand.u32 $0x3FFF, v10;
	v9 =	vor.u32 v1, v9  }
0x264: {  	[tilespmem:$0xD600] =	vst v9;
	v9 =	vor.u32 v1, v10;
	v10 =	vand.u32 $0x3FFF, v11;
	v11 =	vld [tilespmem:$0xD5F0]  }
0x265: {  	[tilespmem:$0xD610] =	vst v9;
	v9 =	vor.u32 v1, v10;
	v10 =	vand.u32 $0x3FFF, v34  }
0x266: {  	[tilespmem:$0xD620] =	vst v9;
	v9 =	vor.u32 v1, v10;
	v10 =	vand.u32 $0x3FFF, v35  }
0x267: {  	[tilespmem:$0xD630] =	vst v9;
	v9 =	vor.u32 v1, v10;
	v10 =	vand.u32 $0x3FFF, v36  }
0x268: {  	[tilespmem:$0xD640] =	vst v9;
	v9 =	vor.u32 v1, v10;
	v10 =	vand.u32 $0x3FFF, v37  }
0x269: {  	[tilespmem:$0xD650] =	vst v9;
	v9 =	vor.u32 v1, v10;
	v10 =	vand.u32 $0x3FFF, v11  }
0x26a: {  	[tilespmem:$0xD660] =	vst v9;
	v9 =	vor.u32 v1, v10  }
0x26b: {  	s23 =	simm.s32 $0xD780;
	s22 =	rddreg [dreg:$0x3];
	[tilespmem:$0xD670] =	vst v9  }
0x26c: {  	[tilespmem:s23], [sflag:$0x1] =	stream.indirect.gather [hbm4b:s22+s16], $0x1, s21, s16, $0xb8;
	[tilespmem:$0xDA80] =	vst v63  }
0x26d: {  	_ =	swait.ge [sflag:s20], $0x80  }
0x26e: {  	[sflag:s20] =	ssyncset.done $0x0  }
0x26f: {  	[sflag:s20] =	ssyncadd.s32 $0xFFFFFF80  }
0x270: {  	v9 =	vld [tilespmem:$0xD580]  }
0x271: {  	v10 =	vld [tilespmem:$0xD590]  }
0x272: {  	v11 =	vld [tilespmem:$0xD5A0]  }
0x273: {  	v38 =	vld [tilespmem:$0xD5B0]  }
0x274: {  	v39 =	vld [tilespmem:$0xD5C0]  }
0x275: {  	v40 =	vld [tilespmem:$0xD5D0];
	v9 =	vand.u32 $0x3FFF, v9  }
0x276: {  	v41 =	vld [tilespmem:$0xD5E0];
	v10 =	vand.u32 $0x3FFF, v10;
	v9 =	vor.u32 v2, v9  }
0x277: {  	[tilespmem:$0xD600] =	vst v9;
	v9 =	vor.u32 v2, v10;
	v10 =	vand.u32 $0x3FFF, v11;
	v11 =	vld [tilespmem:$0xD5F0]  }
0x278: {  	[tilespmem:$0xD610] =	vst v9;
	v9 =	vor.u32 v2, v10;
	v10 =	vand.u32 $0x3FFF, v38  }
0x279: {  	[tilespmem:$0xD620] =	vst v9;
	v9 =	vor.u32 v2, v10;
	v10 =	vand.u32 $0x3FFF, v39  }
0x27a: {  	[tilespmem:$0xD630] =	vst v9;
	v9 =	vor.u32 v2, v10;
	v10 =	vand.u32 $0x3FFF, v40  }
0x27b: {  	[tilespmem:$0xD640] =	vst v9;
	v9 =	vor.u32 v2, v10;
	v10 =	vand.u32 $0x3FFF, v41  }
0x27c: {  	[tilespmem:$0xD650] =	vst v9;
	v9 =	vor.u32 v2, v10;
	v10 =	vand.u32 $0x3FFF, v11  }
0x27d: {  	[tilespmem:$0xD660] =	vst v9;
	v9 =	vor.u32 v2, v10  }
0x27e: {  	s24 =	simm.s32 $0xD800;
	[tilespmem:$0xD670] =	vst v9  }
0x27f: {  	[tilespmem:s24], [sflag:$0x1] =	stream.indirect.gather [hbm4b:s22+s16], $0x1, s21, s16, $0xb8;
	[tilespmem:$0xDA80] =	vst v63  }
0x280: {  	_ =	swait.ge [sflag:s20], $0x80  }
0x281: {  	[sflag:s20] =	ssyncset.done $0x0  }
0x282: {  	[sflag:s20] =	ssyncadd.s32 $0xFFFFFF80  }
0x283: {  	v9 =	vld [tilespmem:$0xD580]  }
0x284: {  	v10 =	vld [tilespmem:$0xD680]  }
0x285: {  	v11 =	vld [tilespmem:$0xD700]  }
0x286: {  	v42 =	vld [tilespmem:$0xD780]  }
0x287: {  	v43 =	vld [tilespmem:$0xD800]  }
0x288: {  	v44 =	vld [tilespmem:$0xD590]  }
0x289: {  	v45 =	vld [tilespmem:$0xD690]  }
0x28a: {  	v18 =	vld [tilespmem:$0xD790]  }
0x28b: {  	v19 =	vld [tilespmem:$0xD810]  }
0x28c: {  	v60 =	vld [tilespmem:$0xD5C0]  }
0x28d: {  	v16 =	vld [tilespmem:$0xD710]  }
0x28e: {  	v20 =	vld [tilespmem:$0xD5A0];
	v17 =	vshrl.u32 v9, $0x7;
	v9 =	vand.u32 $0x7F, v9  }
0x28f: {  	v50 =	vld [tilespmem:$0xD5B0];
	v13 =	vmul.f32 v43, v0;
	v47 =	vand.u32 $0x7F, v44;
	v17 =	vand.u32 $0x7F, v17  }
0x290: {  	v32 =	vld [tilespmem:$0xD840];
	v14 =	vshrl.u32 v44, $0x7;
	v9 =	vcvt.s32.f32 v9;
	v17 =	vcvt.s32.f32 v17  }
0x291: {  	v28 =	vld [tilespmem:$0xD740];
	v52 =	vmul.f32 v18, v0;
	v54 =	vmul.f32 v19, v0;
	v37 =	vshrl.u32 v60, $0x7  }
0x292: {  	v21 =	vld [tilespmem:$0xD6A0];
	v9 =	vadd.f32 v9, v10;
	v10 =	vadd.f32 v17, v11;
	v11 =	vmul.f32 v42, v0  }
0x293: {  	v46 =	vld [tilespmem:$0xD720];
	v55 =	vshrl.u32 v20, $0x7;
	v20 =	vand.u32 $0x7F, v20;
	v19 =	vand.u32 $0x7F, v37  }
0x294: {  	v22 =	vld [tilespmem:$0xD7A0];
	v63 =	vand.u32 $0x7F, v50;
	v41 =	vcvt.s32.f32 v19;
	v48 =	vsub.f32 v9, v11  }
0x295: {  	v49 =	vld [tilespmem:$0xD820];
	v15 =	vmul.f32 v32, v0;
	v17 =	vcvt.s32.f32 v47;
	v25 =	vsub.f32 v10, v13  }
0x296: {  	v27 =	vld [tilespmem:$0xD7B0];
	v14 =	vand.u32 $0x7F, v14;
	v44 =	vadd.f32 v41, v28;
	v9 =	vadd.f32 v11, v9;
	[tilespmem:$0xD880] =	vst v48  }
0x297: {  	v53 =	vld [tilespmem:$0xD6B0];
	v11 =	vcvt.s32.f32 v14;
	v10 =	vadd.f32 v13, v10;
	v51 =	vadd.f32 v17, v45;
	[tilespmem:$0xD900] =	vst v25  }
0x298: {  	v58 =	vld [tilespmem:$0xD830];
	v18 =	vand.u32 $0x7F, v55;
	v14 =	vshrl.u32 v50, $0x7;
	v50 =	vsub.f32 v44, v15;
	[tilespmem:$0xD980] =	vst v9  }
0x299: {  	v35 =	vld [tilespmem:$0xD5D0];
	v57 =	vcvt.s32.f32 v20;
	v11 =	vadd.f32 v11, v16;
	v26 =	vsub.f32 v51, v52;
	[tilespmem:$0xDA00] =	vst v10  }
0x29a: {  	v56 =	vld [tilespmem:$0xD730];
	v61 =	vmul.f32 v22, v0;
	v18 =	vcvt.s32.f32 v18;
	v13 =	vadd.f32 v52, v51;
	[tilespmem:$0xD940] =	vst v50  }
0x29b: {  	v62 =	vld [tilespmem:$0xD6C0];
	v34 =	vmul.f32 v27, v0;
	v9 =	vadd.f32 v57, v21;
	v59 =	vsub.f32 v11, v54;
	[tilespmem:$0xD890] =	vst v26  }
0x29c: {  	v30 =	vld [tilespmem:$0xD7C0];
	v12 =	vadd.f32 v18, v46;
	v10 =	vmul.f32 v49, v0;
	v11 =	vadd.f32 v54, v11;
	[tilespmem:$0xD990] =	vst v13  }
0x29d: {  	v38 =	vld [tilespmem:$0xD6D0];
	v36 =	vmul.f32 v58, v0;
	v21 =	vcvt.s32.f32 v63;
	v29 =	vsub.f32 v9, v61;
	[tilespmem:$0xD910] =	vst v59  }
0x29e: {  	v39 =	vld [tilespmem:$0xD750];
	v47 =	vand.u32 $0x7F, v35;
	v14 =	vand.u32 $0x7F, v14;
	v31 =	vsub.f32 v12, v10;
	[tilespmem:$0xDA10] =	vst v11  }
0x29f: {  	v46 =	vld [tilespmem:$0xD5E0];
	v14 =	vcvt.s32.f32 v14;
	v9 =	vadd.f32 v61, v9;
	v33 =	vadd.f32 v21, v53;
	[tilespmem:$0xD8A0] =	vst v29  }
0x2a0: {  	v42 =	vld [tilespmem:$0xD7D0];
	v17 =	vshrl.u32 v35, $0x7;
	v16 =	vand.u32 $0x7F, v60;
	v10 =	vadd.f32 v10, v12;
	[tilespmem:$0xD920] =	vst v31  }
0x2a1: {  	v43 =	vld [tilespmem:$0xD850];
	v40 =	vcvt.s32.f32 v16;
	v11 =	vadd.f32 v14, v56;
	v21 =	vsub.f32 v33, v34;
	[tilespmem:$0xD9A0] =	vst v9  }
0x2a2: {  	v55 =	vld [tilespmem:$0xD860];
	v45 =	vmul.f32 v30, v0;
	v17 =	vand.u32 $0x7F, v17;
	v12 =	vadd.f32 v34, v33;
	[tilespmem:$0xDA20] =	vst v10  }
0x2a3: {  	v48 =	vld [tilespmem:$0xD6E0];
	v51 =	vcvt.s32.f32 v17;
	v10 =	vadd.f32 v40, v62;
	v9 =	vsub.f32 v11, v36;
	[tilespmem:$0xD8B0] =	vst v21  }
0x2a4: {  	v52 =	vld [tilespmem:$0xD7E0];
	v18 =	vand.u32 $0x7F, v46;
	v11 =	vadd.f32 v36, v11;
	v21 =	vcvt.s32.f32 v47;
	[tilespmem:$0xD9B0] =	vst v12  }
0x2a5: {  	v57 =	vld [tilespmem:$0xD5F0];
	v54 =	vmul.f32 v42, v0;
	v18 =	vcvt.s32.f32 v18;
	[tilespmem:$0xD930] =	vst v9;
	v9 =	vsub.f32 v10, v45  }
0x2a6: {  	v49 =	vld [tilespmem:$0xD760];
	v14 =	vmul.f32 v43, v0;
	v10 =	vadd.f32 v45, v10;
	[tilespmem:$0xDA30] =	vst v11;
	v53 =	vadd.f32 v21, v38  }
0x2a7: {  	v23 =	vld [tilespmem:$0xD870];
	v56 =	vshrl.u32 v46, $0x7;
	v11 =	vadd.f32 v15, v44;
	[tilespmem:$0xD8C0] =	vst v9;
	v9 =	vadd.f32 v51, v39  }
0x2a8: {  	v61 =	vld [tilespmem:$0xD7F0];
	v16 =	vand.u32 $0x7F, v56;
	v62 =	vadd.f32 v18, v48;
	v58 =	vsub.f32 v53, v54;
	[tilespmem:$0xD9C0] =	vst v10  }
0x2a9: {  	v59 =	vld [tilespmem:$0xD6F0];
	v22 =	vmul.f32 v52, v0;
	v16 =	vcvt.s32.f32 v16;
	[tilespmem:$0xDA40] =	vst v11;
	v10 =	vsub.f32 v9, v14  }
0x2aa: {  	v60 =	vld [tilespmem:$0xD770];
	v25 =	vand.u32 $0x7F, v57;
	v26 =	vshrl.u32 v57, $0x7;
	v11 =	vadd.f32 v54, v53;
	[tilespmem:$0xD8D0] =	vst v58  }
0x2ab: {  	v63 =	vadd.f32 v16, v49;
	v9 =	vadd.f32 v14, v9;
	[tilespmem:$0xD950] =	vst v10;
	v10 =	vmul.f32 v55, v0  }
0x2ac: {  	v17 =	vcvt.s32.f32 v25;
	v18 =	vand.u32 $0x7F, v26;
	[tilespmem:$0xD9D0] =	vst v11;
	v11 =	vsub.f32 v62, v22  }
0x2ad: {  	v18 =	vcvt.s32.f32 v18;
	[tilespmem:$0xDA50] =	vst v9;
	v9 =	vsub.f32 v63, v10  }
0x2ae: {  	v13 =	vmul.f32 v61, v0;
	v27 =	vadd.f32 v17, v59;
	[tilespmem:$0xD8E0] =	vst v11;
	v11 =	vadd.f32 v22, v62  }
0x2af: {  	v28 =	vmul.f32 v23, v0;
	[tilespmem:$0xD960] =	vst v9;
	v9 =	vadd.f32 v10, v63;
	v10 =	vadd.f32 v18, v60  }
0x2b0: {  	[tilespmem:$0xD9E0] =	vst v11;
	v11 =	vsub.f32 v27, v13  }
0x2b1: {  	[tilespmem:$0xDA60] =	vst v9;
	v9 =	vsub.f32 v10, v28  }
0x2b2: {  	[tilespmem:$0xD8F0] =	vst v11;
	v11 =	vadd.f32 v13, v27  }
0x2b3: {  	[tilespmem:$0xD970] =	vst v9;
	v9 =	vadd.f32 v28, v10  }
0x2b4: {  	[tilespmem:$0xD9F0] =	vst v11  }
0x2b5: {  	s25 =	simm.s32 $0xD880;
	[tilespmem:$0xDA70] =	vst v9  }
0x2b6: {  	[hbm4b:s8+s3] =	stream.linear.scatter [tilespmem:s25], [sflag:$0x2], $0x80, $0x38;
	[tilespmem:$0xDA80] =	vst v63  }
0x2b7: {  	_ =	swait.ge [sflag:s18], $0x80  }
0x2b8: {  	[sflag:s18] =	ssyncset.done $0x0  }
0x2b9: {  	s26 =	simm.s32 $0xD900;
	[sflag:s18] =	ssyncadd.s32 $0xFFFFFF80  }
0x2ba: {  	[hbm4b:s9+s3] =	stream.linear.scatter [tilespmem:s26], [sflag:$0x2], $0x80, $0x38;
	[tilespmem:$0xDA80] =	vst v63  }
0x2bb: {  	_ =	swait.ge [sflag:s18], $0x80  }
0x2bc: {  	[sflag:s18] =	ssyncset.done $0x0  }
0x2bd: {  	s28 =	simm.s32 $0xD980;
	[sflag:s18] =	ssyncadd.s32 $0xFFFFFF80  }
0x2be: {  	[hbm4b:s10+s3] =	stream.linear.scatter [tilespmem:s28], [sflag:$0x2], $0x80, $0x38;
	[tilespmem:$0xDA80] =	vst v63  }
0x2bf: {  	_ =	swait.ge [sflag:s18], $0x80  }
0x2c0: {  	[sflag:s18] =	ssyncset.done $0x0  }
0x2c1: {  	s29 =	simm.s32 $0xDA00;
	[sflag:s18] =	ssyncadd.s32 $0xFFFFFF80  }
0x2c2: {  	[hbm4b:s11+s3] =	stream.linear.scatter [tilespmem:s29], [sflag:$0x2], $0x80, $0x38;
	[tilespmem:$0xDA80] =	vst v63  }
0x2c3: {  	_ =	swait.ge [sflag:s18], $0x80  }
0x2c4: {  	[sflag:s18] =	ssyncset.done $0x0  }
0x2c5: {  	s30 =	simm.s32 $0xD500;
	[sflag:s18] =	ssyncadd.s32 $0xFFFFFF80  }
0x2c6: {  	[hbm4b:s12+s3] =	stream.linear.scatter [tilespmem:s30], [sflag:$0x2], $0x80, $0x38;
	[tilespmem:$0xDA80] =	vst v63  }
0x2c7: {  	_ =	swait.ge [sflag:s18], $0x80  }
0x2c8: {  	[sflag:s18] =	ssyncset.done $0x0  }
0x2c9: {  	[sflag:s18] =	ssyncadd.s32 $0xFFFFFF80  }
0x2ca: {  	v9 =	vld [tilespmem:$0xD580]  }
0x2cb: {  	v10 =	vld [tilespmem:$0xD590]  }
0x2cc: {  	v11 =	vld [tilespmem:$0xD5A0]  }
0x2cd: {  	v30 =	vld [tilespmem:$0xD5B0]  }
0x2ce: {  	v31 =	vld [tilespmem:$0xD5C0]  }
0x2cf: {  	v35 =	vld [tilespmem:$0xD5D0]  }
0x2d0: {  	v39 =	vld [tilespmem:$0xD5E0]  }
0x2d1: {  	v42 =	vld [tilespmem:$0xD5F0];
	v29 =	vand.u32 $0x3FFF, v9  }
0x2d2: {  	vm12 =	vlt.s32 v9, $0x1;
	vm13 =	vlt.s32 v10, $0x1;
	v32 =	vand.u32 $0x3FFF, v10  }
0x2d3: {  	v33 =	vand.u32 $0x3FFF, v11;
	vm3 =	vlt.s32 v11, $0x1;
	v34 =	vshra.s32 v9, $0x1F  }
0x2d4: {  	vm15 =	vlt.s32 v30, $0x1;
	v40 =	vand.u32 $0x3FFF, v30;
	v41 =	vand.u32 $0x3FFF, v31  }
0x2d5: {  	vm7 =	vlt.s32 v31, $0x1;
	v45 =	vand.u32 $0x3FFF, v35;
	vm10 =	vlt.s32 v35, $0x1  }
0x2d6: {  	v46 =	vand.u32 $0x3FFF, v39;
	v47 =	vand.u32 $0x3FFF, v42;
	v49 =	vshra.s32 v10, $0x1F  }
0x2d7: {  	v51 =	vshra.s32 v11, $0x1F;
	v52 =	vshra.s32 v30, $0x1F;
	v53 =	vshra.s32 v31, $0x1F  }
0x2d8: {  	v55 =	vshra.s32 v35, $0x1F;
	v59 =	vshra.s32 v39, $0x1F;
	v61 =	vshra.s32 v42, $0x1F  }
0x2d9: {  	vm1 =	vne.s32 v29, $0x0;
	vm2 =	vne.s32 v32, $0x0;
	vm4 =	vne.s32 v33, $0x0  }
0x2da: {  	vm6 =	vne.s32 v40, $0x0;
	vm8 =	vne.s32 v41, $0x0;
	v14 =	vshrl.u32 v34, $0x12  }
0x2db: {  	vm11 =	vne.s32 v45, $0x0;
	v50 =	vshrl.u32 v49, $0x12;
	v54 =	vshrl.u32 v53, $0x12  }
0x2dc: {  	v57 =	vshrl.u32 v55, $0x12;
	v60 =	vshrl.u32 v59, $0x12;
	v62 =	vshrl.u32 v61, $0x12  }
0x2dd: {  	vm0 =	vmand vm12, vm1;
	vm1 =	vmand vm13, vm2;
	vm14 =	vmand vm3, vm4  }
0x2de: {  	vm9 =	vmand vm7, vm8;
	vm12 =	vne.s32 v46, $0x0;
	vm13 =	vlt.s32 v39, $0x1  }
0x2df: {  	v9 =	vadd.s32 v14, v9;
	v10 =	vadd.s32 v50, v10;
	v14 =	vshrl.u32 v51, $0x12  }
0x2e0: {  	v13 =	vadd.s32 v54, v31;
	v58 =	vadd.s32 v57, v35;
	v36 =	vsel vm0, $0xFFFFFFFF, v6  }
0x2e1: {  	v37 =	vsel vm1, $0xFFFFFFFF, v6;
	v38 =	vsel vm14, $0xFFFFFFFF, v6;
	vm0 =	vmand vm15, vm6  }
0x2e2: {  	v44 =	vsel vm9, $0xFFFFFFFF, v6;
	vm14 =	vne.s32 v47, $0x0;
	vm1 =	vmand vm13, vm12  }
0x2e3: {  	vm15 =	vlt.s32 v42, $0x1;
	v9 =	vshra.s32 v9, $0xE;
	v10 =	vshra.s32 v10, $0xE  }
0x2e4: {  	v11 =	vadd.s32 v14, v11;
	v14 =	vshrl.u32 v52, $0x12;
	v56 =	vshra.s32 v13, $0xE  }
0x2e5: {  	v43 =	vsel vm0, $0xFFFFFFFF, v6;
	vm0 =	vmand vm10, vm11;
	v9 =	vadd.s32 v36, v9  }
0x2e6: {  	v10 =	vadd.s32 v37, v10;
	v11 =	vshra.s32 v11, $0xE;
	v12 =	vadd.s32 v14, v30;
	[tilespmem:$0xD580] =	vst v9  }
0x2e7: {  	v63 =	vsel vm1, $0xFFFFFFFF, v6;
	v11 =	vadd.s32 v38, v11;
	v12 =	vshra.s32 v12, $0xE;
	[tilespmem:$0xD590] =	vst v10  }
0x2e8: {  	v48 =	vsel vm0, $0xFFFFFFFF, v6;
	v9 =	vadd.s32 v43, v12;
	[tilespmem:$0xD5A0] =	vst v11;
	v11 =	vshra.s32 v58, $0xE  }
0x2e9: {  	v10 =	vadd.s32 v44, v56;
	[tilespmem:$0xD5B0] =	vst v9;
	v9 =	vadd.s32 v48, v11;
	v11 =	vadd.s32 v60, v39  }
0x2ea: {  	vm0 =	vmand vm15, vm14;
	[tilespmem:$0xD5C0] =	vst v10;
	v10 =	vadd.s32 v62, v42;
	v11 =	vshra.s32 v11, $0xE  }
0x2eb: {  	s4 =	sadd.s32 $0x1, s4;
	v10 =	vshra.s32 v10, $0xE;
	[tilespmem:$0xD5D0] =	vst v9;
	v9 =	vadd.s32 v63, v11;
	v11 =	vsel vm0, $0xFFFFFFFF, v6  }
0x2ec: {  	p0 =	sne.s32 s4, s15;
	[tilespmem:$0xD5E0] =	vst v9;
	v9 =	vadd.s32 v11, v10  }
.Ltmp4:
0x2ed: {  	s31 =	simm.s32 $0xD580;
	[tilespmem:$0xD5F0] =	vst v9;
	(pc) =	sbr.rel @p0 .LBB2_2-.Ltmp4, $4  }
0x2ee: {  	[hbm4b:s13+s3] =	stream.linear.scatter [tilespmem:s31], [sflag:$0x2], $0x80, $0x38;
	[tilespmem:$0xDA80] =	vst v63  }
0x2ef: {  	_ =	swait.ge [sflag:s18], $0x80  }
0x2f0: {  	[sflag:s18] =	ssyncset.done $0x0  }
0x2f1: {  	[sflag:s18] =	ssyncadd.s32 $0xFFFFFF80  }
.LBB2_9:
0x2f2: {  	_ =	sfence.sel $0x180000  }
0x2f3: {  	[bflag:$0x0] =	sbarrier.arrive $0xFFFF  }
0x2f4: {  	_ =	strace $0x90000047  }
0x2f5: {  	s0 =	stileid.u32;
	[bflag:$0x2] =	sbarrier.arrive $0xFFFF  }
0x2f6: {  	p0 =	sne.s32 s0, $0x0;
	s0 =	rddreg [dreg:$0x5]  }
0x2f7: {  	s0 =	sadd.s32 @!p0 $0x100000, s0  }
0x2f8: {  	[sflag:s0] =	ssyncadd.tile.s32 @!p0 $0x1;
	_ =	shalt  }
.Lfunc_end2:
_tile_overlayer_lowered:
.L_overlay_start_2:
0x2f9: {  	(tag) =	ssettag $0x2  }
0x2fa: {  	s0 =	rddreg [dreg:$0x0];
	s2 =	stileid.u32  }
0x2fb: {  	s1 =	rddreg [dreg:$0x1];
	p0 =	sne.s32 s2, $0x0  }
0x2fc: {  	s3 =	rddreg [dreg:$0x2];
	[bflag:$0x3] =	sbarrier.arrive $0xFFFF;
	s2 =	simm.s32 @!p0 $0x1C02  }
0x2fd: {  	[timem:s3], [sflag:s2] =	dma.local @!p0 [hbm:s0], s1  }
0x2fe: {  	s0 =	simm.s32 @!p0 $0x2  }
0x2ff: {  	_ =	swait.ge @!p0 [sflag:s0], s1  }
0x300: {  	s1 =	ssub.s32 @!p0 $0x0, s1;
	[sflag:s0] =	ssyncset.done @!p0 $0x0  }
0x301: {  	[sflag:s0] =	ssyncadd.s32 @!p0 s1  }
0x302: {  	[bflag:$0x3] =	sbarrier.arrive $0xFFFF  }
0x303: {  	_ =	shalt  }

</sc_bundles>
